<compile_context>
chip_gen: v7x
topology: tpu7x:2x2x1
jax: 0.10.2.dev20260603
libtpu: 0.0.44.dev20260713+nightly
codegen_flags: <defaults>
</compile_context>

<pallas_src>
import functools

import jax
import jax.numpy as jnp
from jax import lax
from jax.experimental import pallas as pl
from jax.experimental.pallas import tpu as pltpu
from jax.experimental.pallas import tpu_sc as plsc

_N = 320000
_D = 128
_H = 64
_NUM_BAGS = 10000

_BLK = 3200
_NW = 32
_GRP = 128
_G_PER_W = 80
_NPAD = _NW * _G_PER_W * _GRP
_ACC_ROWS = 10240
_ROWS_PER_TILE = _ACC_ROWS // 16


def _alpha_z_body(x_ref, vw_ref, vb_ref, uw_ref, ub_ref, ww16_ref, wbp_ref,
                  p128_ref, e0p_ref, out_ref):
    x = x_ref[...]
    xb = x.astype(jnp.bfloat16)
    q = jnp.tanh(
        lax.dot_general(xb, vw_ref[...], (((1,), (1,)), ((), ())),
                        preferred_element_type=jnp.float32) + vb_ref[...])
    u = lax.dot_general(xb, uw_ref[...], (((1,), (1,)), ((), ())),
                        preferred_element_type=jnp.float32) + ub_ref[...]
    g = 1.0 / (1.0 + jnp.exp(-u))
    s16 = lax.dot_general(q * g, ww16_ref[...], (((1,), (0,)), ((), ())),
                          preferred_element_type=jnp.float32)
    g8 = _BLK // 8
    sp = jnp.concatenate([s16[g8 * a:g8 * (a + 1), :] for a in range(8)],
                         axis=1) + wbp_ref[...]
    zp = e0p_ref[...]
    for a in range(8):
        zp = zp + lax.dot_general(xb[g8 * a:g8 * (a + 1), :], p128_ref[a],
                                  (((1,), (0,)), ((), ())),
                                  preferred_element_type=jnp.float32)
    out_ref[...] = jnp.exp(sp) * zp


def _seg_sum_body(w_hbm, idx_hbm, out_hbm, acc, wbuf, idxbuf, lsem):
    c = lax.axis_index("c")
    s = lax.axis_index("s")
    wid = s * 2 + c
    base_g = wid * _G_PER_W

    zero16 = jnp.zeros((16,), jnp.float32)

    def _z(i, carry):
        wbuf[0, i, :] = zero16
        return carry

    lax.fori_loop(0, _ROWS_PER_TILE, _z, 0)
    pltpu.sync_copy(wbuf.at[0, pl.ds(0, _ROWS_PER_TILE)],
                    acc.at[pl.ds(s * _ROWS_PER_TILE, _ROWS_PER_TILE)])
    plsc.subcore_barrier()

    nci = _G_PER_W // 8
    loads = {}

    def start_load(ci):
        p = ci % 2
        g0 = base_g + ci * 8
        loads[p] = (
            pltpu.async_copy(idx_hbm.at[pl.ds(g0, 8), :], idxbuf.at[p],
                             lsem),
            pltpu.async_copy(w_hbm.at[pl.ds(g0 * _GRP, 8 * _GRP), :],
                             wbuf.at[p], lsem),
        )

    start_load(0)
    for ci in range(nci):
        p = ci % 2
        for dsc in loads[p]:
            dsc.wait()
        if ci + 1 < nci:
            start_load(ci + 1)
        for j in range(8):
            pltpu.sync_copy(wbuf.at[p, pl.ds(j * _GRP, _GRP)],
                            acc.at[idxbuf.at[p, j]], add=True)
    plsc.subcore_barrier()

    pltpu.sync_copy(acc.at[pl.ds(s * _ROWS_PER_TILE, _ROWS_PER_TILE)],
                    out_hbm.at[c, pl.ds(s * _ROWS_PER_TILE, _ROWS_PER_TILE), :])


def _head_body(p_ref, db_ref, out_ref):
    p = p_ref[0] + p_ref[1]
    a = p[:, 0:1]
    safe_a = jnp.where(a > 0, a, 1.0)
    ratio = jnp.where(a > 0, 1.0 / safe_a, 0.0)
    logits = p[:, 1:3] * ratio + db_ref[...]
    m = jnp.max(logits, axis=1, keepdims=True)
    e = jnp.exp(logits - m)
    sm = e / jnp.sum(e, axis=1, keepdims=True)
    out_ref[...] = sm[0:_NUM_BAGS, :]


def _make_seg_kernel():
    mesh = plsc.VectorSubcoreMesh(core_axis_name="c", subcore_axis_name="s")
    return functools.partial(
        pl.kernel,
        out_type=jax.ShapeDtypeStruct((2, _ACC_ROWS, 16), jnp.float32),
        mesh=mesh,
        compiler_params=pltpu.CompilerParams(use_tc_tiling_on_sc=False),
        scratch_types=[
            pltpu.VMEM_SHARED((_ACC_ROWS, 16), jnp.float32),
            pltpu.VMEM((2, 8 * _GRP, 16), jnp.float32),
            pltpu.VMEM((2, 8, _GRP), jnp.int32),
            pltpu.SemaphoreType.DMA,
        ],
    )(_seg_sum_body)


def kernel(bag_encoding, V_w, V_b, U_w, U_b, w_w, w_b, dec_w, dec_b,
           batch_indices):
    n, d = bag_encoding.shape
    h = V_w.shape[0]

    ww16 = jnp.tile(w_w.reshape(h, 1), (1, 16))
    wbp = jnp.broadcast_to(w_b.reshape(1, 1), (1, 128))
    p128 = jnp.zeros((8, d, 128), jnp.float32)
    e0p = jnp.zeros((1, 128), jnp.float32)
    for a in range(8):
        p128 = p128.at[a, :, 16 * a + 1].set(dec_w[0])
        p128 = p128.at[a, :, 16 * a + 2].set(dec_w[1])
        e0p = e0p.at[0, 16 * a].set(1.0)

    grid = n // _BLK
    w_packed = pl.pallas_call(
        _alpha_z_body,
        grid=(grid,),
        in_specs=[
            pl.BlockSpec((_BLK, d), lambda i: (i, 0)),
            pl.BlockSpec((h, d), lambda i: (0, 0)),
            pl.BlockSpec((1, h), lambda i: (0, 0)),
            pl.BlockSpec((h, d), lambda i: (0, 0)),
            pl.BlockSpec((1, h), lambda i: (0, 0)),
            pl.BlockSpec((h, 16), lambda i: (0, 0)),
            pl.BlockSpec((1, 128), lambda i: (0, 0)),
            pl.BlockSpec((8, d, 128), lambda i: (0, 0, 0)),
            pl.BlockSpec((1, 128), lambda i: (0, 0)),
        ],
        out_specs=pl.BlockSpec((_BLK // 8, 128), lambda i: (i, 0)),
        out_shape=jax.ShapeDtypeStruct((_NPAD // 8, 128), jnp.float32),
    )(bag_encoding, V_w.astype(jnp.bfloat16), V_b.reshape(1, h),
      U_w.astype(jnp.bfloat16), U_b.reshape(1, h),
      ww16, wbp, p128.astype(jnp.bfloat16), e0p)
    w_rows = w_packed.reshape(_NPAD, 16)

    idx = batch_indices.astype(jnp.int32)
    idx_rec = idx.reshape(-1, 8, _BLK // 8).swapaxes(1, 2).reshape(n)
    idx_pad = jnp.concatenate(
        [idx_rec, jnp.full((_NPAD - n,), _ACC_ROWS - 1, jnp.int32)])
    idx2 = idx_pad.reshape(_NPAD // _GRP, _GRP)

    partials = _make_seg_kernel()(w_rows, idx2)

    out = pl.pallas_call(
        _head_body,
        in_specs=[
            pl.BlockSpec((2, _ACC_ROWS, 16), lambda: (0, 0, 0)),
            pl.BlockSpec((1, 2), lambda: (0, 0)),
        ],
        out_specs=pl.BlockSpec((_NUM_BAGS, 2), lambda: (0, 0)),
        out_shape=jax.ShapeDtypeStruct((_NUM_BAGS, 2), jnp.float32),
    )(partials, dec_b.reshape(1, 2))
    return out

# --- scband reference (transcript-rebuilt; emitter-appended) ---
"""Pipeline reference for scband-gated-attention-aggregation-13752485282206 (READ-ONLY COPY).

The authoritative reference and input builder live on the scoring server;
editing this copy changes nothing except your own understanding.
"""

import jax, jax.numpy as jnp
import numpy as np

N = 320000
D = 128
H = 64
NUM_BAGS = 10000


def _kaiming_uniform(key, fan_out, fan_in):
    # kaiming_uniform with a=0, mode='fan_in', nonlinearity='relu': gain=sqrt(2)
    bound = np.sqrt(2.0) * np.sqrt(3.0 / fan_in)
    return jax.random.uniform(key, (fan_out, fan_in), dtype=jnp.float32, minval=-bound, maxval=bound)


def setup_inputs(seed: int = 0) -> dict:
    key = jax.random.key(seed)
    ks = jax.random.split(key, 12)
    bag_encoding = jax.random.normal(ks[0], (N, D), dtype=jnp.float32)
    batch_indices = jnp.sort(jax.random.randint(ks[1], (N,), 0, NUM_BAGS, dtype=jnp.int64))
    V_w = _kaiming_uniform(ks[2], H, D)
    V_b = jnp.zeros((H,), dtype=jnp.float32)
    U_w = _kaiming_uniform(ks[3], H, D)
    U_b = jnp.zeros((H,), dtype=jnp.float32)
    w_w = _kaiming_uniform(ks[4], 1, H)
    w_b = jnp.zeros((1,), dtype=jnp.float32)
    dec_w = _kaiming_uniform(ks[5], 2, D)
    dec_b = jnp.zeros((2,), dtype=jnp.float32)
    return {
        'bag_encoding': bag_encoding,
        'V_w': V_w, 'V_b': V_b,
        'U_w': U_w, 'U_b': U_b,
        'w_w': w_w, 'w_b': w_b,
        'dec_w': dec_w, 'dec_b': dec_b,
        'batch_indices': batch_indices,
    }


def reference(bag_encoding, V_w, V_b, U_w, U_b, w_w, w_b, dec_w, dec_b, batch_indices):
    num_bags = NUM_BAGS
    query = jnp.tanh(bag_encoding @ V_w.T + V_b)
    gate = jax.nn.sigmoid(bag_encoding @ U_w.T + U_b)
    alphas = jnp.exp((query * gate) @ w_w.T + w_b)  # [N, 1]
    sum_alphas = jax.ops.segment_sum(alphas, batch_indices, num_segments=num_bags)  # [num_bags, 1]
    alphas = alphas / sum_alphas[batch_indices]
    weighted_bag = alphas * bag_encoding  # [N, D]
    bag_sum = jax.ops.segment_sum(weighted_bag, batch_indices, num_segments=num_bags)  # [num_bags, D]
    logits = bag_sum @ dec_w.T + dec_b
    decision = jax.nn.softmax(logits, axis=1)
    return decision

if __name__ == "__main__":
    import jax
    _d = setup_inputs()
    print(jax.jit(kernel)(*tuple(_d.values())))

</pallas_src>

<mosaic_0001>
#map = affine_map<(d0, d1) -> (0, 0)>
#map1 = affine_map<(d0, d1) -> (0, 0, 0)>
module attributes {stable_mosaic.version = 14 : i64} {
  func.func @_seg_sum_body(%arg0: i32, %arg1: i32, %arg2: memref<327680x16xf32, #tpu.memory_space<hbm>>, %arg3: memref<2560x128xi32, #tpu.memory_space<hbm>>, %arg4: memref<2x10240x16xf32, #tpu.memory_space<hbm>>, %arg5: memref<10240x16xf32, #tpu.memory_space<vmem_shared>>, %arg6: memref<2x1024x16xf32, #tpu.memory_space<vmem>>, %arg7: memref<2x8x128xi32, #tpu.memory_space<vmem>>, %arg8: memref<!tpu.dma_semaphore, #tpu.memory_space<semaphore_mem>>) attributes {dimension_semantics = [#tpu.dimension_semantics<core_parallel>, #tpu.dimension_semantics<subcore_parallel>], iteration_bounds = array<i64: 2, 16>, scalar_prefetch = 0 : i64, scratch_operands = 4 : i64, tpu.core_type = #tpu.core_type<sc_vector_subcore>, window_params = [{transform_indices = #map}, {transform_indices = #map}, {transform_indices = #map1}]} {
    %mul3A = arith.constant 2 : i32
    %mul3A_0 = arith.muli %arg1, %mul3A : i32
    %add3A = arith.addi %mul3A_0, %arg0 : i32
    %mul3A_1 = arith.constant 80 : i32
    %mul3A_2 = arith.muli %add3A, %mul3A_1 : i32
    %broadcast_in_dim3A = arith.constant 0.000000e+00 : f32
    %broadcast_in_dim3A_3 = vector.broadcast %broadcast_in_dim3A : f32 to vector<16xf32>
    %scan3A = arith.constant 0 : i32
    %scan3A_4 = arith.constant 0 : i32
    %scan3A_5 = arith.constant 640 : i32
    %scan3A_6 = arith.addi %scan3A_4, %scan3A_5 : i32
    %scan3A_7 = arith.constant 1 : i32
    scf.for %scan3A_814 = %scan3A_4 to %scan3A_6 step %scan3A_7  : i32 {
      %swap3A = arith.constant 0 : i32
      %swap3A_815 = arith.index_cast %swap3A : i32 to index
      %swap3A_816 = arith.index_cast %scan3A_814 : i32 to index
      %swap3A_817 = arith.constant 0 : index
      %swap3A_818 = tpu.vector_load %arg6[%swap3A_815, %swap3A_816, %swap3A_817] {strides = array<i32>} : memref<2x1024x16xf32, #tpu.memory_space<vmem>>, vector<1x1x16xf32>,
      %swap3A_819 = vector.shape_cast %swap3A_818 : vector<1x1x16xf32> to vector<16xf32>
      %swap3A_820 = vector.shape_cast %broadcast_in_dim3A_3 : vector<16xf32> to vector<1x1x16xf32>
      tpu.vector_store %arg6[%swap3A_815, %swap3A_816, %swap3A_817], %swap3A_820 {strides = array<i32>} : memref<2x1024x16xf32, #tpu.memory_space<vmem>>, vector<1x1x16xf32>,
    }
    %scan3A_8 = arith.constant 640 : i32
    %mul3A_9 = arith.constant 640 : i32
    %mul3A_10 = arith.muli %arg1, %mul3A_9 : i32
    %run_scoped3A = arith.constant 0 : i32
    "tpu.region"() ({
      %run_scoped3A_814 = tpu.sem_alloc : memref<!tpu.dma_semaphore, #tpu.memory_space<semaphore_mem>>
      %dma_start3A_815 = arith.constant 0 : i32
      %dma_start3A_816 = arith.constant 0 : i32
      %dma_start3A_817 = tpu.memref_slice %arg6[%run_scoped3A, %dma_start3A_815, %dma_start3A_816] : memref<2x1024x16xf32, #tpu.memory_space<vmem>> -> memref<1x640x16xf32, #tpu.memory_space<vmem>>
      %dma_start3A_818 = tpu.memref_squeeze %dma_start3A_817 : memref<1x640x16xf32, #tpu.memory_space<vmem>> -> memref<640x16xf32, #tpu.memory_space<vmem>>
      %dma_start3A_819 = arith.constant 0 : i32
      %dma_start3A_820 = tpu.memref_slice %arg5[%mul3A_10, %dma_start3A_819] : memref<10240x16xf32, #tpu.memory_space<vmem_shared>> -> memref<640x16xf32, #tpu.memory_space<vmem_shared>>
      %dma_start3A_821 = arith.constant 0 : i32
      %dma_start3A_822 = tpu.memref_slice %arg5[%mul3A_10, %dma_start3A_821] : memref<10240x16xf32, #tpu.memory_space<vmem_shared>> -> memref<640x16xf32, #tpu.memory_space<vmem_shared>>
      %dma_start3A_823 = arith.constant 0 : i32
      %dma_start3A_824 = arith.constant 0 : i32
      %dma_start3A_825 = tpu.memref_slice %arg6[%run_scoped3A, %dma_start3A_823, %dma_start3A_824] : memref<2x1024x16xf32, #tpu.memory_space<vmem>> -> memref<1x640x16xf32, #tpu.memory_space<vmem>>
      %dma_start3A_826 = tpu.memref_squeeze %dma_start3A_825 : memref<1x640x16xf32, #tpu.memory_space<vmem>> -> memref<640x16xf32, #tpu.memory_space<vmem>>
      tpu.enqueue_dma source(%dma_start3A_826 : memref<640x16xf32, #tpu.memory_space<vmem>>) target(%dma_start3A_822 : memref<640x16xf32, #tpu.memory_space<vmem_shared>>) target_semaphore(%run_scoped3A_814 : memref<!tpu.dma_semaphore, #tpu.memory_space<semaphore_mem>>)
      %dma_wait3A_827 = arith.constant 0 : i32
      %dma_wait3A_828 = arith.constant 0 : i32
      %dma_wait3A_829 = tpu.memref_slice %arg6[%run_scoped3A, %dma_wait3A_827, %dma_wait3A_828] : memref<2x1024x16xf32, #tpu.memory_space<vmem>> -> memref<1x640x16xf32, #tpu.memory_space<vmem>>
      %dma_wait3A_830 = tpu.memref_squeeze %dma_wait3A_829 : memref<1x640x16xf32, #tpu.memory_space<vmem>> -> memref<640x16xf32, #tpu.memory_space<vmem>>
      %dma_wait3A_831 = arith.constant 0 : i32
      %dma_wait3A_832 = tpu.memref_slice %arg5[%mul3A_10, %dma_wait3A_831] : memref<10240x16xf32, #tpu.memory_space<vmem_shared>> -> memref<640x16xf32, #tpu.memory_space<vmem_shared>>
      %dma_wait3A_833 = arith.constant 0 : i32
      %dma_wait3A_834 = tpu.memref_slice %arg5[%mul3A_10, %dma_wait3A_833] : memref<10240x16xf32, #tpu.memory_space<vmem_shared>> -> memref<640x16xf32, #tpu.memory_space<vmem_shared>>
      %dma_wait3A_835 = arith.constant 0 : i32
      %dma_wait3A_836 = arith.constant 0 : i32
      %dma_wait3A_837 = tpu.memref_slice %arg6[%run_scoped3A, %dma_wait3A_835, %dma_wait3A_836] : memref<2x1024x16xf32, #tpu.memory_space<vmem>> -> memref<1x640x16xf32, #tpu.memory_space<vmem>>
      %dma_wait3A_838 = tpu.memref_squeeze %dma_wait3A_837 : memref<1x640x16xf32, #tpu.memory_space<vmem>> -> memref<640x16xf32, #tpu.memory_space<vmem>>
      tpu.wait_dma2 semaphore(%run_scoped3A_814 : memref<!tpu.dma_semaphore, #tpu.memory_space<semaphore_mem>>) src(%dma_wait3A_838 : memref<640x16xf32, #tpu.memory_space<vmem>>) dst(%dma_wait3A_834 : memref<640x16xf32, #tpu.memory_space<vmem_shared>>)
      tpu.yield
    }) : () -> ()
    %barrier3A = arith.constant 0 : index
    tpu.barrier barrier_id(%barrier3A)
    %add3A_11 = arith.constant 0 : i32
    %add3A_12 = arith.addi %mul3A_2, %add3A_11 : i32
    %dma_start3A = arith.constant 0 : i32
    %dma_start3A_13 = arith.constant 0 : i32
    %dma_start3A_14 = arith.constant 0 : i32
    %dma_start3A_15 = tpu.memref_slice %arg7[%dma_start3A, %dma_start3A_13, %dma_start3A_14] : memref<2x8x128xi32, #tpu.memory_space<vmem>> -> memref<1x8x128xi32, #tpu.memory_space<vmem>>
    %dma_start3A_16 = tpu.memref_squeeze %dma_start3A_15 : memref<1x8x128xi32, #tpu.memory_space<vmem>> -> memref<8x128xi32, #tpu.memory_space<vmem>>
    %dma_start3A_17 = arith.constant 0 : i32
    %dma_start3A_18 = tpu.memref_slice %arg3[%add3A_12, %dma_start3A_17] : memref<2560x128xi32, #tpu.memory_space<hbm>> -> memref<8x128xi32, #tpu.memory_space<hbm>>
    %dma_start3A_19 = arith.constant 0 : i32
    %dma_start3A_20 = arith.constant 0 : i32
    %dma_start3A_21 = tpu.memref_slice %arg7[%dma_start3A, %dma_start3A_19, %dma_start3A_20] : memref<2x8x128xi32, #tpu.memory_space<vmem>> -> memref<1x8x128xi32, #tpu.memory_space<vmem>>
    %dma_start3A_22 = tpu.memref_squeeze %dma_start3A_21 : memref<1x8x128xi32, #tpu.memory_space<vmem>> -> memref<8x128xi32, #tpu.memory_space<vmem>>
    %dma_start3A_23 = arith.constant 0 : i32
    %dma_start3A_24 = tpu.memref_slice %arg3[%add3A_12, %dma_start3A_23] : memref<2560x128xi32, #tpu.memory_space<hbm>> -> memref<8x128xi32, #tpu.memory_space<hbm>>
    tpu.enqueue_dma source(%dma_start3A_24 : memref<8x128xi32, #tpu.memory_space<hbm>>) target(%dma_start3A_22 : memref<8x128xi32, #tpu.memory_space<vmem>>) target_semaphore(%arg8 : memref<!tpu.dma_semaphore, #tpu.memory_space<semaphore_mem>>)
    %mul3A_25 = arith.constant 128 : i32
    %mul3A_26 = arith.muli %add3A_12, %mul3A_25 : i32
    %dma_start3A_27 = arith.constant 0 : i32
    %dma_start3A_28 = arith.constant 0 : i32
    %dma_start3A_29 = arith.constant 0 : i32
    %dma_start3A_30 = tpu.memref_slice %arg6[%dma_start3A_27, %dma_start3A_28, %dma_start3A_29] : memref<2x1024x16xf32, #tpu.memory_space<vmem>> -> memref<1x1024x16xf32, #tpu.memory_space<vmem>>
    %dma_start3A_31 = tpu.memref_squeeze %dma_start3A_30 : memref<1x1024x16xf32, #tpu.memory_space<vmem>> -> memref<1024x16xf32, #tpu.memory_space<vmem>>
    %dma_start3A_32 = arith.constant 0 : i32
    %dma_start3A_33 = tpu.memref_slice %arg2[%mul3A_26, %dma_start3A_32] : memref<327680x16xf32, #tpu.memory_space<hbm>> -> memref<1024x16xf32, #tpu.memory_space<hbm>>
    %dma_start3A_34 = arith.constant 0 : i32
    %dma_start3A_35 = arith.constant 0 : i32
    %dma_start3A_36 = tpu.memref_slice %arg6[%dma_start3A_27, %dma_start3A_34, %dma_start3A_35] : memref<2x1024x16xf32, #tpu.memory_space<vmem>> -> memref<1x1024x16xf32, #tpu.memory_space<vmem>>
    %dma_start3A_37 = tpu.memref_squeeze %dma_start3A_36 : memref<1x1024x16xf32, #tpu.memory_space<vmem>> -> memref<1024x16xf32, #tpu.memory_space<vmem>>
    %dma_start3A_38 = arith.constant 0 : i32
    %dma_start3A_39 = tpu.memref_slice %arg2[%mul3A_26, %dma_start3A_38] : memref<327680x16xf32, #tpu.memory_space<hbm>> -> memref<1024x16xf32, #tpu.memory_space<hbm>>
    tpu.enqueue_dma source(%dma_start3A_39 : memref<1024x16xf32, #tpu.memory_space<hbm>>) target(%dma_start3A_37 : memref<1024x16xf32, #tpu.memory_space<vmem>>) target_semaphore(%arg8 : memref<!tpu.dma_semaphore, #tpu.memory_space<semaphore_mem>>)
    %dma_wait3A = arith.constant 0 : i32
    %dma_wait3A_40 = arith.constant 0 : i32
    %dma_wait3A_41 = arith.constant 0 : i32
    %dma_wait3A_42 = tpu.memref_slice %arg7[%dma_wait3A, %dma_wait3A_40, %dma_wait3A_41] : memref<2x8x128xi32, #tpu.memory_space<vmem>> -> memref<1x8x128xi32, #tpu.memory_space<vmem>>
    %dma_wait3A_43 = tpu.memref_squeeze %dma_wait3A_42 : memref<1x8x128xi32, #tpu.memory_space<vmem>> -> memref<8x128xi32, #tpu.memory_space<vmem>>
    %dma_wait3A_44 = arith.constant 0 : i32
    %dma_wait3A_45 = tpu.memref_slice %arg3[%add3A_12, %dma_wait3A_44] : memref<2560x128xi32, #tpu.memory_space<hbm>> -> memref<8x128xi32, #tpu.memory_space<hbm>>
    %dma_wait3A_46 = arith.constant 0 : i32
    %dma_wait3A_47 = arith.constant 0 : i32
    %dma_wait3A_48 = tpu.memref_slice %arg7[%dma_wait3A, %dma_wait3A_46, %dma_wait3A_47] : memref<2x8x128xi32, #tpu.memory_space<vmem>> -> memref<1x8x128xi32, #tpu.memory_space<vmem>>
    %dma_wait3A_49 = tpu.memref_squeeze %dma_wait3A_48 : memref<1x8x128xi32, #tpu.memory_space<vmem>> -> memref<8x128xi32, #tpu.memory_space<vmem>>
    %dma_wait3A_50 = arith.constant 0 : i32
    %dma_wait3A_51 = tpu.memref_slice %arg3[%add3A_12, %dma_wait3A_50] : memref<2560x128xi32, #tpu.memory_space<hbm>> -> memref<8x128xi32, #tpu.memory_space<hbm>>
    tpu.wait_dma2 semaphore(%arg8 : memref<!tpu.dma_semaphore, #tpu.memory_space<semaphore_mem>>) src(%dma_wait3A_51 : memref<8x128xi32, #tpu.memory_space<hbm>>) dst(%dma_wait3A_49 : memref<8x128xi32, #tpu.memory_space<vmem>>)
    %dma_wait3A_52 = arith.constant 0 : i32
    %dma_wait3A_53 = arith.constant 0 : i32
    %dma_wait3A_54 = arith.constant 0 : i32
    %dma_wait3A_55 = tpu.memref_slice %arg6[%dma_wait3A_52, %dma_wait3A_53, %dma_wait3A_54] : memref<2x1024x16xf32, #tpu.memory_space<vmem>> -> memref<1x1024x16xf32, #tpu.memory_space<vmem>>
    %dma_wait3A_56 = tpu.memref_squeeze %dma_wait3A_55 : memref<1x1024x16xf32, #tpu.memory_space<vmem>> -> memref<1024x16xf32, #tpu.memory_space<vmem>>
    %dma_wait3A_57 = arith.constant 0 : i32
    %dma_wait3A_58 = tpu.memref_slice %arg2[%mul3A_26, %dma_wait3A_57] : memref<327680x16xf32, #tpu.memory_space<hbm>> -> memref<1024x16xf32, #tpu.memory_space<hbm>>
    %dma_wait3A_59 = arith.constant 0 : i32
    %dma_wait3A_60 = arith.constant 0 : i32
    %dma_wait3A_61 = tpu.memref_slice %arg6[%dma_wait3A_52, %dma_wait3A_59, %dma_wait3A_60] : memref<2x1024x16xf32, #tpu.memory_space<vmem>> -> memref<1x1024x16xf32, #tpu.memory_space<vmem>>
    %dma_wait3A_62 = tpu.memref_squeeze %dma_wait3A_61 : memref<1x1024x16xf32, #tpu.memory_space<vmem>> -> memref<1024x16xf32, #tpu.memory_space<vmem>>
    %dma_wait3A_63 = arith.constant 0 : i32
    %dma_wait3A_64 = tpu.memref_slice %arg2[%mul3A_26, %dma_wait3A_63] : memref<327680x16xf32, #tpu.memory_space<hbm>> -> memref<1024x16xf32, #tpu.memory_space<hbm>>
    tpu.wait_dma2 semaphore(%arg8 : memref<!tpu.dma_semaphore, #tpu.memory_space<semaphore_mem>>) src(%dma_wait3A_64 : memref<1024x16xf32, #tpu.memory_space<hbm>>) dst(%dma_wait3A_62 : memref<1024x16xf32, #tpu.memory_space<vmem>>)
    %add3A_65 = arith.constant 8 : i32
    %add3A_66 = arith.addi %mul3A_2, %add3A_65 : i32
    %dma_start3A_67 = arith.constant 1 : i32
    %dma_start3A_68 = arith.constant 0 : i32
    %dma_start3A_69 = arith.constant 0 : i32
    %dma_start3A_70 = tpu.memref_slice %arg7[%dma_start3A_67, %dma_start3A_68, %dma_start3A_69] : memref<2x8x128xi32, #tpu.memory_space<vmem>> -> memref<1x8x128xi32, #tpu.memory_space<vmem>>
    %dma_start3A_71 = tpu.memref_squeeze %dma_start3A_70 : memref<1x8x128xi32, #tpu.memory_space<vmem>> -> memref<8x128xi32, #tpu.memory_space<vmem>>
    %dma_start3A_72 = arith.constant 0 : i32
    %dma_start3A_73 = tpu.memref_slice %arg3[%add3A_66, %dma_start3A_72] : memref<2560x128xi32, #tpu.memory_space<hbm>> -> memref<8x128xi32, #tpu.memory_space<hbm>>
    %dma_start3A_74 = arith.constant 0 : i32
    %dma_start3A_75 = arith.constant 0 : i32
    %dma_start3A_76 = tpu.memref_slice %arg7[%dma_start3A_67, %dma_start3A_74, %dma_start3A_75] : memref<2x8x128xi32, #tpu.memory_space<vmem>> -> memref<1x8x128xi32, #tpu.memory_space<vmem>>
    %dma_start3A_77 = tpu.memref_squeeze %dma_start3A_76 : memref<1x8x128xi32, #tpu.memory_space<vmem>> -> memref<8x128xi32, #tpu.memory_space<vmem>>
    %dma_start3A_78 = arith.constant 0 : i32
    %dma_start3A_79 = tpu.memref_slice %arg3[%add3A_66, %dma_start3A_78] : memref<2560x128xi32, #tpu.memory_space<hbm>> -> memref<8x128xi32, #tpu.memory_space<hbm>>
    tpu.enqueue_dma source(%dma_start3A_79 : memref<8x128xi32, #tpu.memory_space<hbm>>) target(%dma_start3A_77 : memref<8x128xi32, #tpu.memory_space<vmem>>) target_semaphore(%arg8 : memref<!tpu.dma_semaphore, #tpu.memory_space<semaphore_mem>>)
    %mul3A_80 = arith.constant 128 : i32
    %mul3A_81 = arith.muli %add3A_66, %mul3A_80 : i32
    %dma_start3A_82 = arith.constant 1 : i32
    %dma_start3A_83 = arith.constant 0 : i32
    %dma_start3A_84 = arith.constant 0 : i32
    %dma_start3A_85 = tpu.memref_slice %arg6[%dma_start3A_82, %dma_start3A_83, %dma_start3A_84] : memref<2x1024x16xf32, #tpu.memory_space<vmem>> -> memref<1x1024x16xf32, #tpu.memory_space<vmem>>
    %dma_start3A_86 = tpu.memref_squeeze %dma_start3A_85 : memref<1x1024x16xf32, #tpu.memory_space<vmem>> -> memref<1024x16xf32, #tpu.memory_space<vmem>>
    %dma_start3A_87 = arith.constant 0 : i32
    %dma_start3A_88 = tpu.memref_slice %arg2[%mul3A_81, %dma_start3A_87] : memref<327680x16xf32, #tpu.memory_space<hbm>> -> memref<1024x16xf32, #tpu.memory_space<hbm>>
    %dma_start3A_89 = arith.constant 0 : i32
    %dma_start3A_90 = arith.constant 0 : i32
    %dma_start3A_91 = tpu.memref_slice %arg6[%dma_start3A_82, %dma_start3A_89, %dma_start3A_90] : memref<2x1024x16xf32, #tpu.memory_space<vmem>> -> memref<1x1024x16xf32, #tpu.memory_space<vmem>>
    %dma_start3A_92 = tpu.memref_squeeze %dma_start3A_91 : memref<1x1024x16xf32, #tpu.memory_space<vmem>> -> memref<1024x16xf32, #tpu.memory_space<vmem>>
    %dma_start3A_93 = arith.constant 0 : i32
    %dma_start3A_94 = tpu.memref_slice %arg2[%mul3A_81, %dma_start3A_93] : memref<327680x16xf32, #tpu.memory_space<hbm>> -> memref<1024x16xf32, #tpu.memory_space<hbm>>
    tpu.enqueue_dma source(%dma_start3A_94 : memref<1024x16xf32, #tpu.memory_space<hbm>>) target(%dma_start3A_92 : memref<1024x16xf32, #tpu.memory_space<vmem>>) target_semaphore(%arg8 : memref<!tpu.dma_semaphore, #tpu.memory_space<semaphore_mem>>)
    %run_scoped3A_95 = arith.constant 0 : i32
    %run_scoped3A_96 = arith.constant 0 : i32
    %run_scoped3A_97 = arith.constant 0 : i32
    "tpu.region"() ({
      %run_scoped3A_814 = tpu.sem_alloc : memref<!tpu.dma_semaphore, #tpu.memory_space<semaphore_mem>>
      %dma_start3A_815 = arith.constant 0 : i32
      %dma_start3A_816 = arith.constant 0 : i32
      %dma_start3A_817 = tpu.memref_slice %arg6[%run_scoped3A_95, %dma_start3A_815, %dma_start3A_816] : memref<2x1024x16xf32, #tpu.memory_space<vmem>> -> memref<1x128x16xf32, #tpu.memory_space<vmem>>
      %dma_start3A_818 = tpu.memref_squeeze %dma_start3A_817 : memref<1x128x16xf32, #tpu.memory_space<vmem>> -> memref<128x16xf32, #tpu.memory_space<vmem>>
      %dma_start3A_819 = arith.constant 0 : i32
      %dma_start3A_820 = tpu.memref_slice %arg7[%run_scoped3A_96, %run_scoped3A_97, %dma_start3A_819] : memref<2x8x128xi32, #tpu.memory_space<vmem>> -> memref<1x1x128xi32, #tpu.memory_space<vmem>>
      %dma_start3A_821 = tpu.memref_squeeze %dma_start3A_820 : memref<1x1x128xi32, #tpu.memory_space<vmem>> -> memref<128xi32, #tpu.memory_space<vmem>>
      %dma_start3A_822 = arith.constant 0 : i32
      %dma_start3A_823 = arith.constant 0 : i32
      %dma_start3A_824 = tpu.memref_slice %arg5[%dma_start3A_822, %dma_start3A_823] : memref<10240x16xf32, #tpu.memory_space<vmem_shared>> -> memref<10240x16xf32, #tpu.memory_space<vmem_shared>>
      tpu.enqueue_indirect_dma source(%dma_start3A_818 : memref<128x16xf32, #tpu.memory_space<vmem>>) target(%dma_start3A_824 : memref<10240x16xf32, #tpu.memory_space<vmem_shared>>) offsets(%dma_start3A_821 : memref<128xi32, #tpu.memory_space<vmem>>) semaphore(%run_scoped3A_814 : memref<!tpu.dma_semaphore, #tpu.memory_space<semaphore_mem>>) {add = true}
      %dma_wait3A_825 = arith.constant 0 : i32
      %dma_wait3A_826 = arith.constant 0 : i32
      %dma_wait3A_827 = tpu.memref_slice %arg6[%run_scoped3A_95, %dma_wait3A_825, %dma_wait3A_826] : memref<2x1024x16xf32, #tpu.memory_space<vmem>> -> memref<1x128x16xf32, #tpu.memory_space<vmem>>
      %dma_wait3A_828 = tpu.memref_squeeze %dma_wait3A_827 : memref<1x128x16xf32, #tpu.memory_space<vmem>> -> memref<128x16xf32, #tpu.memory_space<vmem>>
      %dma_wait3A_829 = arith.constant 0 : i32
      %dma_wait3A_830 = tpu.memref_slice %arg7[%run_scoped3A_96, %run_scoped3A_97, %dma_wait3A_829] : memref<2x8x128xi32, #tpu.memory_space<vmem>> -> memref<1x1x128xi32, #tpu.memory_space<vmem>>
      %dma_wait3A_831 = tpu.memref_squeeze %dma_wait3A_830 : memref<1x1x128xi32, #tpu.memory_space<vmem>> -> memref<128xi32, #tpu.memory_space<vmem>>
      %dma_wait3A_832 = arith.constant 0 : i32
      %dma_wait3A_833 = arith.constant 0 : i32
      %dma_wait3A_834 = tpu.memref_slice %arg5[%dma_wait3A_832, %dma_wait3A_833] : memref<10240x16xf32, #tpu.memory_space<vmem_shared>> -> memref<10240x16xf32, #tpu.memory_space<vmem_shared>>
      tpu.wait_indirect_dma semaphore(%run_scoped3A_814 : memref<!tpu.dma_semaphore, #tpu.memory_space<semaphore_mem>>) src(%dma_wait3A_828 : memref<128x16xf32, #tpu.memory_space<vmem>>) dst(%dma_wait3A_834 : memref<10240x16xf32, #tpu.memory_space<vmem_shared>>)
      tpu.yield
    }) : () -> ()
    %run_scoped3A_98 = arith.constant 0 : i32
    %run_scoped3A_99 = arith.constant 0 : i32
    %run_scoped3A_100 = arith.constant 1 : i32
    "tpu.region"() ({
      %run_scoped3A_814 = tpu.sem_alloc : memref<!tpu.dma_semaphore, #tpu.memory_space<semaphore_mem>>
      %dma_start3A_815 = arith.constant 128 : i32
      %dma_start3A_816 = arith.constant 0 : i32
      %dma_start3A_817 = tpu.memref_slice %arg6[%run_scoped3A_98, %dma_start3A_815, %dma_start3A_816] : memref<2x1024x16xf32, #tpu.memory_space<vmem>> -> memref<1x128x16xf32, #tpu.memory_space<vmem>>
      %dma_start3A_818 = tpu.memref_squeeze %dma_start3A_817 : memref<1x128x16xf32, #tpu.memory_space<vmem>> -> memref<128x16xf32, #tpu.memory_space<vmem>>
      %dma_start3A_819 = arith.constant 0 : i32
      %dma_start3A_820 = tpu.memref_slice %arg7[%run_scoped3A_99, %run_scoped3A_100, %dma_start3A_819] : memref<2x8x128xi32, #tpu.memory_space<vmem>> -> memref<1x1x128xi32, #tpu.memory_space<vmem>>
      %dma_start3A_821 = tpu.memref_squeeze %dma_start3A_820 : memref<1x1x128xi32, #tpu.memory_space<vmem>> -> memref<128xi32, #tpu.memory_space<vmem>>
      %dma_start3A_822 = arith.constant 0 : i32
      %dma_start3A_823 = arith.constant 0 : i32
      %dma_start3A_824 = tpu.memref_slice %arg5[%dma_start3A_822, %dma_start3A_823] : memref<10240x16xf32, #tpu.memory_space<vmem_shared>> -> memref<10240x16xf32, #tpu.memory_space<vmem_shared>>
      tpu.enqueue_indirect_dma source(%dma_start3A_818 : memref<128x16xf32, #tpu.memory_space<vmem>>) target(%dma_start3A_824 : memref<10240x16xf32, #tpu.memory_space<vmem_shared>>) offsets(%dma_start3A_821 : memref<128xi32, #tpu.memory_space<vmem>>) semaphore(%run_scoped3A_814 : memref<!tpu.dma_semaphore, #tpu.memory_space<semaphore_mem>>) {add = true}
      %dma_wait3A_825 = arith.constant 128 : i32
      %dma_wait3A_826 = arith.constant 0 : i32
      %dma_wait3A_827 = tpu.memref_slice %arg6[%run_scoped3A_98, %dma_wait3A_825, %dma_wait3A_826] : memref<2x1024x16xf32, #tpu.memory_space<vmem>> -> memref<1x128x16xf32, #tpu.memory_space<vmem>>
      %dma_wait3A_828 = tpu.memref_squeeze %dma_wait3A_827 : memref<1x128x16xf32, #tpu.memory_space<vmem>> -> memref<128x16xf32, #tpu.memory_space<vmem>>
      %dma_wait3A_829 = arith.constant 0 : i32
      %dma_wait3A_830 = tpu.memref_slice %arg7[%run_scoped3A_99, %run_scoped3A_100, %dma_wait3A_829] : memref<2x8x128xi32, #tpu.memory_space<vmem>> -> memref<1x1x128xi32, #tpu.memory_space<vmem>>
      %dma_wait3A_831 = tpu.memref_squeeze %dma_wait3A_830 : memref<1x1x128xi32, #tpu.memory_space<vmem>> -> memref<128xi32, #tpu.memory_space<vmem>>
      %dma_wait3A_832 = arith.constant 0 : i32
      %dma_wait3A_833 = arith.constant 0 : i32
      %dma_wait3A_834 = tpu.memref_slice %arg5[%dma_wait3A_832, %dma_wait3A_833] : memref<10240x16xf32, #tpu.memory_space<vmem_shared>> -> memref<10240x16xf32, #tpu.memory_space<vmem_shared>>
      tpu.wait_indirect_dma semaphore(%run_scoped3A_814 : memref<!tpu.dma_semaphore, #tpu.memory_space<semaphore_mem>>) src(%dma_wait3A_828 : memref<128x16xf32, #tpu.memory_space<vmem>>) dst(%dma_wait3A_834 : memref<10240x16xf32, #tpu.memory_space<vmem_shared>>)
      tpu.yield
    }) : () -> ()
    %run_scoped3A_101 = arith.constant 0 : i32
    %run_scoped3A_102 = arith.constant 0 : i32
    %run_scoped3A_103 = arith.constant 2 : i32
    "tpu.region"() ({
      %run_scoped3A_814 = tpu.sem_alloc : memref<!tpu.dma_semaphore, #tpu.memory_space<semaphore_mem>>
      %dma_start3A_815 = arith.constant 256 : i32
      %dma_start3A_816 = arith.constant 0 : i32
      %dma_start3A_817 = tpu.memref_slice %arg6[%run_scoped3A_101, %dma_start3A_815, %dma_start3A_816] : memref<2x1024x16xf32, #tpu.memory_space<vmem>> -> memref<1x128x16xf32, #tpu.memory_space<vmem>>
      %dma_start3A_818 = tpu.memref_squeeze %dma_start3A_817 : memref<1x128x16xf32, #tpu.memory_space<vmem>> -> memref<128x16xf32, #tpu.memory_space<vmem>>
      %dma_start3A_819 = arith.constant 0 : i32
      %dma_start3A_820 = tpu.memref_slice %arg7[%run_scoped3A_102, %run_scoped3A_103, %dma_start3A_819] : memref<2x8x128xi32, #tpu.memory_space<vmem>> -> memref<1x1x128xi32, #tpu.memory_space<vmem>>
      %dma_start3A_821 = tpu.memref_squeeze %dma_start3A_820 : memref<1x1x128xi32, #tpu.memory_space<vmem>> -> memref<128xi32, #tpu.memory_space<vmem>>
      %dma_start3A_822 = arith.constant 0 : i32
      %dma_start3A_823 = arith.constant 0 : i32
      %dma_start3A_824 = tpu.memref_slice %arg5[%dma_start3A_822, %dma_start3A_823] : memref<10240x16xf32, #tpu.memory_space<vmem_shared>> -> memref<10240x16xf32, #tpu.memory_space<vmem_shared>>
      tpu.enqueue_indirect_dma source(%dma_start3A_818 : memref<128x16xf32, #tpu.memory_space<vmem>>) target(%dma_start3A_824 : memref<10240x16xf32, #tpu.memory_space<vmem_shared>>) offsets(%dma_start3A_821 : memref<128xi32, #tpu.memory_space<vmem>>) semaphore(%run_scoped3A_814 : memref<!tpu.dma_semaphore, #tpu.memory_space<semaphore_mem>>) {add = true}
      %dma_wait3A_825 = arith.constant 256 : i32
      %dma_wait3A_826 = arith.constant 0 : i32
      %dma_wait3A_827 = tpu.memref_slice %arg6[%run_scoped3A_101, %dma_wait3A_825, %dma_wait3A_826] : memref<2x1024x16xf32, #tpu.memory_space<vmem>> -> memref<1x128x16xf32, #tpu.memory_space<vmem>>
      %dma_wait3A_828 = tpu.memref_squeeze %dma_wait3A_827 : memref<1x128x16xf32, #tpu.memory_space<vmem>> -> memref<128x16xf32, #tpu.memory_space<vmem>>
      %dma_wait3A_829 = arith.constant 0 : i32
      %dma_wait3A_830 = tpu.memref_slice %arg7[%run_scoped3A_102, %run_scoped3A_103, %dma_wait3A_829] : memref<2x8x128xi32, #tpu.memory_space<vmem>> -> memref<1x1x128xi32, #tpu.memory_space<vmem>>
      %dma_wait3A_831 = tpu.memref_squeeze %dma_wait3A_830 : memref<1x1x128xi32, #tpu.memory_space<vmem>> -> memref<128xi32, #tpu.memory_space<vmem>>
      %dma_wait3A_832 = arith.constant 0 : i32
      %dma_wait3A_833 = arith.constant 0 : i32
      %dma_wait3A_834 = tpu.memref_slice %arg5[%dma_wait3A_832, %dma_wait3A_833] : memref<10240x16xf32, #tpu.memory_space<vmem_shared>> -> memref<10240x16xf32, #tpu.memory_space<vmem_shared>>
      tpu.wait_indirect_dma semaphore(%run_scoped3A_814 : memref<!tpu.dma_semaphore, #tpu.memory_space<semaphore_mem>>) src(%dma_wait3A_828 : memref<128x16xf32, #tpu.memory_space<vmem>>) dst(%dma_wait3A_834 : memref<10240x16xf32, #tpu.memory_space<vmem_shared>>)
      tpu.yield
    }) : () -> ()
    %run_scoped3A_104 = arith.constant 0 : i32
    %run_scoped3A_105 = arith.constant 0 : i32
    %run_scoped3A_106 = arith.constant 3 : i32
    "tpu.region"() ({
      %run_scoped3A_814 = tpu.sem_alloc : memref<!tpu.dma_semaphore, #tpu.memory_space<semaphore_mem>>
      %dma_start3A_815 = arith.constant 384 : i32
      %dma_start3A_816 = arith.constant 0 : i32
      %dma_start3A_817 = tpu.memref_slice %arg6[%run_scoped3A_104, %dma_start3A_815, %dma_start3A_816] : memref<2x1024x16xf32, #tpu.memory_space<vmem>> -> memref<1x128x16xf32, #tpu.memory_space<vmem>>
      %dma_start3A_818 = tpu.memref_squeeze %dma_start3A_817 : memref<1x128x16xf32, #tpu.memory_space<vmem>> -> memref<128x16xf32, #tpu.memory_space<vmem>>
      %dma_start3A_819 = arith.constant 0 : i32
      %dma_start3A_820 = tpu.memref_slice %arg7[%run_scoped3A_105, %run_scoped3A_106, %dma_start3A_819] : memref<2x8x128xi32, #tpu.memory_space<vmem>> -> memref<1x1x128xi32, #tpu.memory_space<vmem>>
      %dma_start3A_821 = tpu.memref_squeeze %dma_start3A_820 : memref<1x1x128xi32, #tpu.memory_space<vmem>> -> memref<128xi32, #tpu.memory_space<vmem>>
      %dma_start3A_822 = arith.constant 0 : i32
      %dma_start3A_823 = arith.constant 0 : i32
      %dma_start3A_824 = tpu.memref_slice %arg5[%dma_start3A_822, %dma_start3A_823] : memref<10240x16xf32, #tpu.memory_space<vmem_shared>> -> memref<10240x16xf32, #tpu.memory_space<vmem_shared>>
      tpu.enqueue_indirect_dma source(%dma_start3A_818 : memref<128x16xf32, #tpu.memory_space<vmem>>) target(%dma_start3A_824 : memref<10240x16xf32, #tpu.memory_space<vmem_shared>>) offsets(%dma_start3A_821 : memref<128xi32, #tpu.memory_space<vmem>>) semaphore(%run_scoped3A_814 : memref<!tpu.dma_semaphore, #tpu.memory_space<semaphore_mem>>) {add = true}
      %dma_wait3A_825 = arith.constant 384 : i32
      %dma_wait3A_826 = arith.constant 0 : i32
      %dma_wait3A_827 = tpu.memref_slice %arg6[%run_scoped3A_104, %dma_wait3A_825, %dma_wait3A_826] : memref<2x1024x16xf32, #tpu.memory_space<vmem>> -> memref<1x128x16xf32, #tpu.memory_space<vmem>>
      %dma_wait3A_828 = tpu.memref_squeeze %dma_wait3A_827 : memref<1x128x16xf32, #tpu.memory_space<vmem>> -> memref<128x16xf32, #tpu.memory_space<vmem>>
      %dma_wait3A_829 = arith.constant 0 : i32
      %dma_wait3A_830 = tpu.memref_slice %arg7[%run_scoped3A_105, %run_scoped3A_106, %dma_wait3A_829] : memref<2x8x128xi32, #tpu.memory_space<vmem>> -> memref<1x1x128xi32, #tpu.memory_space<vmem>>
      %dma_wait3A_831 = tpu.memref_squeeze %dma_wait3A_830 : memref<1x1x128xi32, #tpu.memory_space<vmem>> -> memref<128xi32, #tpu.memory_space<vmem>>
      %dma_wait3A_832 = arith.constant 0 : i32
      %dma_wait3A_833 = arith.constant 0 : i32
      %dma_wait3A_834 = tpu.memref_slice %arg5[%dma_wait3A_832, %dma_wait3A_833] : memref<10240x16xf32, #tpu.memory_space<vmem_shared>> -> memref<10240x16xf32, #tpu.memory_space<vmem_shared>>
      tpu.wait_indirect_dma semaphore(%run_scoped3A_814 : memref<!tpu.dma_semaphore, #tpu.memory_space<semaphore_mem>>) src(%dma_wait3A_828 : memref<128x16xf32, #tpu.memory_space<vmem>>) dst(%dma_wait3A_834 : memref<10240x16xf32, #tpu.memory_space<vmem_shared>>)
      tpu.yield
    }) : () -> ()
    %run_scoped3A_107 = arith.constant 0 : i32
    %run_scoped3A_108 = arith.constant 0 : i32
    %run_scoped3A_109 = arith.constant 4 : i32
    "tpu.region"() ({
      %run_scoped3A_814 = tpu.sem_alloc : memref<!tpu.dma_semaphore, #tpu.memory_space<semaphore_mem>>
      %dma_start3A_815 = arith.constant 512 : i32
      %dma_start3A_816 = arith.constant 0 : i32
      %dma_start3A_817 = tpu.memref_slice %arg6[%run_scoped3A_107, %dma_start3A_815, %dma_start3A_816] : memref<2x1024x16xf32, #tpu.memory_space<vmem>> -> memref<1x128x16xf32, #tpu.memory_space<vmem>>
      %dma_start3A_818 = tpu.memref_squeeze %dma_start3A_817 : memref<1x128x16xf32, #tpu.memory_space<vmem>> -> memref<128x16xf32, #tpu.memory_space<vmem>>
      %dma_start3A_819 = arith.constant 0 : i32
      %dma_start3A_820 = tpu.memref_slice %arg7[%run_scoped3A_108, %run_scoped3A_109, %dma_start3A_819] : memref<2x8x128xi32, #tpu.memory_space<vmem>> -> memref<1x1x128xi32, #tpu.memory_space<vmem>>
      %dma_start3A_821 = tpu.memref_squeeze %dma_start3A_820 : memref<1x1x128xi32, #tpu.memory_space<vmem>> -> memref<128xi32, #tpu.memory_space<vmem>>
      %dma_start3A_822 = arith.constant 0 : i32
      %dma_start3A_823 = arith.constant 0 : i32
      %dma_start3A_824 = tpu.memref_slice %arg5[%dma_start3A_822, %dma_start3A_823] : memref<10240x16xf32, #tpu.memory_space<vmem_shared>> -> memref<10240x16xf32, #tpu.memory_space<vmem_shared>>
      tpu.enqueue_indirect_dma source(%dma_start3A_818 : memref<128x16xf32, #tpu.memory_space<vmem>>) target(%dma_start3A_824 : memref<10240x16xf32, #tpu.memory_space<vmem_shared>>) offsets(%dma_start3A_821 : memref<128xi32, #tpu.memory_space<vmem>>) semaphore(%run_scoped3A_814 : memref<!tpu.dma_semaphore, #tpu.memory_space<semaphore_mem>>) {add = true}
      %dma_wait3A_825 = arith.constant 512 : i32
      %dma_wait3A_826 = arith.constant 0 : i32
      %dma_wait3A_827 = tpu.memref_slice %arg6[%run_scoped3A_107, %dma_wait3A_825, %dma_wait3A_826] : memref<2x1024x16xf32, #tpu.memory_space<vmem>> -> memref<1x128x16xf32, #tpu.memory_space<vmem>>
      %dma_wait3A_828 = tpu.memref_squeeze %dma_wait3A_827 : memref<1x128x16xf32, #tpu.memory_space<vmem>> -> memref<128x16xf32, #tpu.memory_space<vmem>>
      %dma_wait3A_829 = arith.constant 0 : i32
      %dma_wait3A_830 = tpu.memref_slice %arg7[%run_scoped3A_108, %run_scoped3A_109, %dma_wait3A_829] : memref<2x8x128xi32, #tpu.memory_space<vmem>> -> memref<1x1x128xi32, #tpu.memory_space<vmem>>
      %dma_wait3A_831 = tpu.memref_squeeze %dma_wait3A_830 : memref<1x1x128xi32, #tpu.memory_space<vmem>> -> memref<128xi32, #tpu.memory_space<vmem>>
      %dma_wait3A_832 = arith.constant 0 : i32
      %dma_wait3A_833 = arith.constant 0 : i32
      %dma_wait3A_834 = tpu.memref_slice %arg5[%dma_wait3A_832, %dma_wait3A_833] : memref<10240x16xf32, #tpu.memory_space<vmem_shared>> -> memref<10240x16xf32, #tpu.memory_space<vmem_shared>>
      tpu.wait_indirect_dma semaphore(%run_scoped3A_814 : memref<!tpu.dma_semaphore, #tpu.memory_space<semaphore_mem>>) src(%dma_wait3A_828 : memref<128x16xf32, #tpu.memory_space<vmem>>) dst(%dma_wait3A_834 : memref<10240x16xf32, #tpu.memory_space<vmem_shared>>)
      tpu.yield
    }) : () -> ()
    %run_scoped3A_110 = arith.constant 0 : i32
    %run_scoped3A_111 = arith.constant 0 : i32
    %run_scoped3A_112 = arith.constant 5 : i32
    "tpu.region"() ({
      %run_scoped3A_814 = tpu.sem_alloc : memref<!tpu.dma_semaphore, #tpu.memory_space<semaphore_mem>>
      %dma_start3A_815 = arith.constant 640 : i32
      %dma_start3A_816 = arith.constant 0 : i32
      %dma_start3A_817 = tpu.memref_slice %arg6[%run_scoped3A_110, %dma_start3A_815, %dma_start3A_816] : memref<2x1024x16xf32, #tpu.memory_space<vmem>> -> memref<1x128x16xf32, #tpu.memory_space<vmem>>
      %dma_start3A_818 = tpu.memref_squeeze %dma_start3A_817 : memref<1x128x16xf32, #tpu.memory_space<vmem>> -> memref<128x16xf32, #tpu.memory_space<vmem>>
      %dma_start3A_819 = arith.constant 0 : i32
      %dma_start3A_820 = tpu.memref_slice %arg7[%run_scoped3A_111, %run_scoped3A_112, %dma_start3A_819] : memref<2x8x128xi32, #tpu.memory_space<vmem>> -> memref<1x1x128xi32, #tpu.memory_space<vmem>>
      %dma_start3A_821 = tpu.memref_squeeze %dma_start3A_820 : memref<1x1x128xi32, #tpu.memory_space<vmem>> -> memref<128xi32, #tpu.memory_space<vmem>>
      %dma_start3A_822 = arith.constant 0 : i32
      %dma_start3A_823 = arith.constant 0 : i32
      %dma_start3A_824 = tpu.memref_slice %arg5[%dma_start3A_822, %dma_start3A_823] : memref<10240x16xf32, #tpu.memory_space<vmem_shared>> -> memref<10240x16xf32, #tpu.memory_space<vmem_shared>>
      tpu.enqueue_indirect_dma source(%dma_start3A_818 : memref<128x16xf32, #tpu.memory_space<vmem>>) target(%dma_start3A_824 : memref<10240x16xf32, #tpu.memory_space<vmem_shared>>) offsets(%dma_start3A_821 : memref<128xi32, #tpu.memory_space<vmem>>) semaphore(%run_scoped3A_814 : memref<!tpu.dma_semaphore, #tpu.memory_space<semaphore_mem>>) {add = true}
      %dma_wait3A_825 = arith.constant 640 : i32
      %dma_wait3A_826 = arith.constant 0 : i32
      %dma_wait3A_827 = tpu.memref_slice %arg6[%run_scoped3A_110, %dma_wait3A_825, %dma_wait3A_826] : memref<2x1024x16xf32, #tpu.memory_space<vmem>> -> memref<1x128x16xf32, #tpu.memory_space<vmem>>
      %dma_wait3A_828 = tpu.memref_squeeze %dma_wait3A_827 : memref<1x128x16xf32, #tpu.memory_space<vmem>> -> memref<128x16xf32, #tpu.memory_space<vmem>>
      %dma_wait3A_829 = arith.constant 0 : i32
      %dma_wait3A_830 = tpu.memref_slice %arg7[%run_scoped3A_111, %run_scoped3A_112, %dma_wait3A_829] : memref<2x8x128xi32, #tpu.memory_space<vmem>> -> memref<1x1x128xi32, #tpu.memory_space<vmem>>
      %dma_wait3A_831 = tpu.memref_squeeze %dma_wait3A_830 : memref<1x1x128xi32, #tpu.memory_space<vmem>> -> memref<128xi32, #tpu.memory_space<vmem>>
      %dma_wait3A_832 = arith.constant 0 : i32
      %dma_wait3A_833 = arith.constant 0 : i32
      %dma_wait3A_834 = tpu.memref_slice %arg5[%dma_wait3A_832, %dma_wait3A_833] : memref<10240x16xf32, #tpu.memory_space<vmem_shared>> -> memref<10240x16xf32, #tpu.memory_space<vmem_shared>>
      tpu.wait_indirect_dma semaphore(%run_scoped3A_814 : memref<!tpu.dma_semaphore, #tpu.memory_space<semaphore_mem>>) src(%dma_wait3A_828 : memref<128x16xf32, #tpu.memory_space<vmem>>) dst(%dma_wait3A_834 : memref<10240x16xf32, #tpu.memory_space<vmem_shared>>)
      tpu.yield
    }) : () -> ()
    %run_scoped3A_113 = arith.constant 0 : i32
    %run_scoped3A_114 = arith.constant 0 : i32
    %run_scoped3A_115 = arith.constant 6 : i32
    "tpu.region"() ({
      %run_scoped3A_814 = tpu.sem_alloc : memref<!tpu.dma_semaphore, #tpu.memory_space<semaphore_mem>>
      %dma_start3A_815 = arith.constant 768 : i32
      %dma_start3A_816 = arith.constant 0 : i32
      %dma_start3A_817 = tpu.memref_slice %arg6[%run_scoped3A_113, %dma_start3A_815, %dma_start3A_816] : memref<2x1024x16xf32, #tpu.memory_space<vmem>> -> memref<1x128x16xf32, #tpu.memory_space<vmem>>
      %dma_start3A_818 = tpu.memref_squeeze %dma_start3A_817 : memref<1x128x16xf32, #tpu.memory_space<vmem>> -> memref<128x16xf32, #tpu.memory_space<vmem>>
      %dma_start3A_819 = arith.constant 0 : i32
      %dma_start3A_820 = tpu.memref_slice %arg7[%run_scoped3A_114, %run_scoped3A_115, %dma_start3A_819] : memref<2x8x128xi32, #tpu.memory_space<vmem>> -> memref<1x1x128xi32, #tpu.memory_space<vmem>>
      %dma_start3A_821 = tpu.memref_squeeze %dma_start3A_820 : memref<1x1x128xi32, #tpu.memory_space<vmem>> -> memref<128xi32, #tpu.memory_space<vmem>>
      %dma_start3A_822 = arith.constant 0 : i32
      %dma_start3A_823 = arith.constant 0 : i32
      %dma_start3A_824 = tpu.memref_slice %arg5[%dma_start3A_822, %dma_start3A_823] : memref<10240x16xf32, #tpu.memory_space<vmem_shared>> -> memref<10240x16xf32, #tpu.memory_space<vmem_shared>>
      tpu.enqueue_indirect_dma source(%dma_start3A_818 : memref<128x16xf32, #tpu.memory_space<vmem>>) target(%dma_start3A_824 : memref<10240x16xf32, #tpu.memory_space<vmem_shared>>) offsets(%dma_start3A_821 : memref<128xi32, #tpu.memory_space<vmem>>) semaphore(%run_scoped3A_814 : memref<!tpu.dma_semaphore, #tpu.memory_space<semaphore_mem>>) {add = true}
      %dma_wait3A_825 = arith.constant 768 : i32
      %dma_wait3A_826 = arith.constant 0 : i32
      %dma_wait3A_827 = tpu.memref_slice %arg6[%run_scoped3A_113, %dma_wait3A_825, %dma_wait3A_826] : memref<2x1024x16xf32, #tpu.memory_space<vmem>> -> memref<1x128x16xf32, #tpu.memory_space<vmem>>
      %dma_wait3A_828 = tpu.memref_squeeze %dma_wait3A_827 : memref<1x128x16xf32, #tpu.memory_space<vmem>> -> memref<128x16xf32, #tpu.memory_space<vmem>>
      %dma_wait3A_829 = arith.constant 0 : i32
      %dma_wait3A_830 = tpu.memref_slice %arg7[%run_scoped3A_114, %run_scoped3A_115, %dma_wait3A_829] : memref<2x8x128xi32, #tpu.memory_space<vmem>> -> memref<1x1x128xi32, #tpu.memory_space<vmem>>
      %dma_wait3A_831 = tpu.memref_squeeze %dma_wait3A_830 : memref<1x1x128xi32, #tpu.memory_space<vmem>> -> memref<128xi32, #tpu.memory_space<vmem>>
      %dma_wait3A_832 = arith.constant 0 : i32
      %dma_wait3A_833 = arith.constant 0 : i32
      %dma_wait3A_834 = tpu.memref_slice %arg5[%dma_wait3A_832, %dma_wait3A_833] : memref<10240x16xf32, #tpu.memory_space<vmem_shared>> -> memref<10240x16xf32, #tpu.memory_space<vmem_shared>>
      tpu.wait_indirect_dma semaphore(%run_scoped3A_814 : memref<!tpu.dma_semaphore, #tpu.memory_space<semaphore_mem>>) src(%dma_wait3A_828 : memref<128x16xf32, #tpu.memory_space<vmem>>) dst(%dma_wait3A_834 : memref<10240x16xf32, #tpu.memory_space<vmem_shared>>)
      tpu.yield
    }) : () -> ()
    %run_scoped3A_116 = arith.constant 0 : i32
    %run_scoped3A_117 = arith.constant 0 : i32
    %run_scoped3A_118 = arith.constant 7 : i32
    "tpu.region"() ({
      %run_scoped3A_814 = tpu.sem_alloc : memref<!tpu.dma_semaphore, #tpu.memory_space<semaphore_mem>>
      %dma_start3A_815 = arith.constant 896 : i32
      %dma_start3A_816 = arith.constant 0 : i32
      %dma_start3A_817 = tpu.memref_slice %arg6[%run_scoped3A_116, %dma_start3A_815, %dma_start3A_816] : memref<2x1024x16xf32, #tpu.memory_space<vmem>> -> memref<1x128x16xf32, #tpu.memory_space<vmem>>
      %dma_start3A_818 = tpu.memref_squeeze %dma_start3A_817 : memref<1x128x16xf32, #tpu.memory_space<vmem>> -> memref<128x16xf32, #tpu.memory_space<vmem>>
      %dma_start3A_819 = arith.constant 0 : i32
      %dma_start3A_820 = tpu.memref_slice %arg7[%run_scoped3A_117, %run_scoped3A_118, %dma_start3A_819] : memref<2x8x128xi32, #tpu.memory_space<vmem>> -> memref<1x1x128xi32, #tpu.memory_space<vmem>>
      %dma_start3A_821 = tpu.memref_squeeze %dma_start3A_820 : memref<1x1x128xi32, #tpu.memory_space<vmem>> -> memref<128xi32, #tpu.memory_space<vmem>>
      %dma_start3A_822 = arith.constant 0 : i32
      %dma_start3A_823 = arith.constant 0 : i32
      %dma_start3A_824 = tpu.memref_slice %arg5[%dma_start3A_822, %dma_start3A_823] : memref<10240x16xf32, #tpu.memory_space<vmem_shared>> -> memref<10240x16xf32, #tpu.memory_space<vmem_shared>>
      tpu.enqueue_indirect_dma source(%dma_start3A_818 : memref<128x16xf32, #tpu.memory_space<vmem>>) target(%dma_start3A_824 : memref<10240x16xf32, #tpu.memory_space<vmem_shared>>) offsets(%dma_start3A_821 : memref<128xi32, #tpu.memory_space<vmem>>) semaphore(%run_scoped3A_814 : memref<!tpu.dma_semaphore, #tpu.memory_space<semaphore_mem>>) {add = true}
      %dma_wait3A_825 = arith.constant 896 : i32
      %dma_wait3A_826 = arith.constant 0 : i32
      %dma_wait3A_827 = tpu.memref_slice %arg6[%run_scoped3A_116, %dma_wait3A_825, %dma_wait3A_826] : memref<2x1024x16xf32, #tpu.memory_space<vmem>> -> memref<1x128x16xf32, #tpu.memory_space<vmem>>
      %dma_wait3A_828 = tpu.memref_squeeze %dma_wait3A_827 : memref<1x128x16xf32, #tpu.memory_space<vmem>> -> memref<128x16xf32, #tpu.memory_space<vmem>>
      %dma_wait3A_829 = arith.constant 0 : i32
      %dma_wait3A_830 = tpu.memref_slice %arg7[%run_scoped3A_117, %run_scoped3A_118, %dma_wait3A_829] : memref<2x8x128xi32, #tpu.memory_space<vmem>> -> memref<1x1x128xi32, #tpu.memory_space<vmem>>
      %dma_wait3A_831 = tpu.memref_squeeze %dma_wait3A_830 : memref<1x1x128xi32, #tpu.memory_space<vmem>> -> memref<128xi32, #tpu.memory_space<vmem>>
      %dma_wait3A_832 = arith.constant 0 : i32
      %dma_wait3A_833 = arith.constant 0 : i32
      %dma_wait3A_834 = tpu.memref_slice %arg5[%dma_wait3A_832, %dma_wait3A_833] : memref<10240x16xf32, #tpu.memory_space<vmem_shared>> -> memref<10240x16xf32, #tpu.memory_space<vmem_shared>>
      tpu.wait_indirect_dma semaphore(%run_scoped3A_814 : memref<!tpu.dma_semaphore, #tpu.memory_space<semaphore_mem>>) src(%dma_wait3A_828 : memref<128x16xf32, #tpu.memory_space<vmem>>) dst(%dma_wait3A_834 : memref<10240x16xf32, #tpu.memory_space<vmem_shared>>)
      tpu.yield
    }) : () -> ()
    %dma_wait3A_119 = arith.constant 1 : i32
    %dma_wait3A_120 = arith.constant 0 : i32
    %dma_wait3A_121 = arith.constant 0 : i32
    %dma_wait3A_122 = tpu.memref_slice %arg7[%dma_wait3A_119, %dma_wait3A_120, %dma_wait3A_121] : memref<2x8x128xi32, #tpu.memory_space<vmem>> -> memref<1x8x128xi32, #tpu.memory_space<vmem>>
    %dma_wait3A_123 = tpu.memref_squeeze %dma_wait3A_122 : memref<1x8x128xi32, #tpu.memory_space<vmem>> -> memref<8x128xi32, #tpu.memory_space<vmem>>
    %dma_wait3A_124 = arith.constant 0 : i32
    %dma_wait3A_125 = tpu.memref_slice %arg3[%add3A_66, %dma_wait3A_124] : memref<2560x128xi32, #tpu.memory_space<hbm>> -> memref<8x128xi32, #tpu.memory_space<hbm>>
    %dma_wait3A_126 = arith.constant 0 : i32
    %dma_wait3A_127 = arith.constant 0 : i32
    %dma_wait3A_128 = tpu.memref_slice %arg7[%dma_wait3A_119, %dma_wait3A_126, %dma_wait3A_127] : memref<2x8x128xi32, #tpu.memory_space<vmem>> -> memref<1x8x128xi32, #tpu.memory_space<vmem>>
    %dma_wait3A_129 = tpu.memref_squeeze %dma_wait3A_128 : memref<1x8x128xi32, #tpu.memory_space<vmem>> -> memref<8x128xi32, #tpu.memory_space<vmem>>
    %dma_wait3A_130 = arith.constant 0 : i32
    %dma_wait3A_131 = tpu.memref_slice %arg3[%add3A_66, %dma_wait3A_130] : memref<2560x128xi32, #tpu.memory_space<hbm>> -> memref<8x128xi32, #tpu.memory_space<hbm>>
    tpu.wait_dma2 semaphore(%arg8 : memref<!tpu.dma_semaphore, #tpu.memory_space<semaphore_mem>>) src(%dma_wait3A_131 : memref<8x128xi32, #tpu.memory_space<hbm>>) dst(%dma_wait3A_129 : memref<8x128xi32, #tpu.memory_space<vmem>>)
    %dma_wait3A_132 = arith.constant 1 : i32
    %dma_wait3A_133 = arith.constant 0 : i32
    %dma_wait3A_134 = arith.constant 0 : i32
    %dma_wait3A_135 = tpu.memref_slice %arg6[%dma_wait3A_132, %dma_wait3A_133, %dma_wait3A_134] : memref<2x1024x16xf32, #tpu.memory_space<vmem>> -> memref<1x1024x16xf32, #tpu.memory_space<vmem>>
    %dma_wait3A_136 = tpu.memref_squeeze %dma_wait3A_135 : memref<1x1024x16xf32, #tpu.memory_space<vmem>> -> memref<1024x16xf32, #tpu.memory_space<vmem>>
    %dma_wait3A_137 = arith.constant 0 : i32
    %dma_wait3A_138 = tpu.memref_slice %arg2[%mul3A_81, %dma_wait3A_137] : memref<327680x16xf32, #tpu.memory_space<hbm>> -> memref<1024x16xf32, #tpu.memory_space<hbm>>
    %dma_wait3A_139 = arith.constant 0 : i32
    %dma_wait3A_140 = arith.constant 0 : i32
    %dma_wait3A_141 = tpu.memref_slice %arg6[%dma_wait3A_132, %dma_wait3A_139, %dma_wait3A_140] : memref<2x1024x16xf32, #tpu.memory_space<vmem>> -> memref<1x1024x16xf32, #tpu.memory_space<vmem>>
    %dma_wait3A_142 = tpu.memref_squeeze %dma_wait3A_141 : memref<1x1024x16xf32, #tpu.memory_space<vmem>> -> memref<1024x16xf32, #tpu.memory_space<vmem>>
    %dma_wait3A_143 = arith.constant 0 : i32
    %dma_wait3A_144 = tpu.memref_slice %arg2[%mul3A_81, %dma_wait3A_143] : memref<327680x16xf32, #tpu.memory_space<hbm>> -> memref<1024x16xf32, #tpu.memory_space<hbm>>
    tpu.wait_dma2 semaphore(%arg8 : memref<!tpu.dma_semaphore, #tpu.memory_space<semaphore_mem>>) src(%dma_wait3A_144 : memref<1024x16xf32, #tpu.memory_space<hbm>>) dst(%dma_wait3A_142 : memref<1024x16xf32, #tpu.memory_space<vmem>>)
    %add3A_145 = arith.constant 16 : i32
    %add3A_146 = arith.addi %mul3A_2, %add3A_145 : i32
    %dma_start3A_147 = arith.constant 0 : i32
    %dma_start3A_148 = arith.constant 0 : i32
    %dma_start3A_149 = arith.constant 0 : i32
    %dma_start3A_150 = tpu.memref_slice %arg7[%dma_start3A_147, %dma_start3A_148, %dma_start3A_149] : memref<2x8x128xi32, #tpu.memory_space<vmem>> -> memref<1x8x128xi32, #tpu.memory_space<vmem>>
    %dma_start3A_151 = tpu.memref_squeeze %dma_start3A_150 : memref<1x8x128xi32, #tpu.memory_space<vmem>> -> memref<8x128xi32, #tpu.memory_space<vmem>>
    %dma_start3A_152 = arith.constant 0 : i32
    %dma_start3A_153 = tpu.memref_slice %arg3[%add3A_146, %dma_start3A_152] : memref<2560x128xi32, #tpu.memory_space<hbm>> -> memref<8x128xi32, #tpu.memory_space<hbm>>
    %dma_start3A_154 = arith.constant 0 : i32
    %dma_start3A_155 = arith.constant 0 : i32
    %dma_start3A_156 = tpu.memref_slice %arg7[%dma_start3A_147, %dma_start3A_154, %dma_start3A_155] : memref<2x8x128xi32, #tpu.memory_space<vmem>> -> memref<1x8x128xi32, #tpu.memory_space<vmem>>
    %dma_start3A_157 = tpu.memref_squeeze %dma_start3A_156 : memref<1x8x128xi32, #tpu.memory_space<vmem>> -> memref<8x128xi32, #tpu.memory_space<vmem>>
    %dma_start3A_158 = arith.constant 0 : i32
    %dma_start3A_159 = tpu.memref_slice %arg3[%add3A_146, %dma_start3A_158] : memref<2560x128xi32, #tpu.memory_space<hbm>> -> memref<8x128xi32, #tpu.memory_space<hbm>>
    tpu.enqueue_dma source(%dma_start3A_159 : memref<8x128xi32, #tpu.memory_space<hbm>>) target(%dma_start3A_157 : memref<8x128xi32, #tpu.memory_space<vmem>>) target_semaphore(%arg8 : memref<!tpu.dma_semaphore, #tpu.memory_space<semaphore_mem>>)
    %mul3A_160 = arith.constant 128 : i32
    %mul3A_161 = arith.muli %add3A_146, %mul3A_160 : i32
    %dma_start3A_162 = arith.constant 0 : i32
    %dma_start3A_163 = arith.constant 0 : i32
    %dma_start3A_164 = arith.constant 0 : i32
    %dma_start3A_165 = tpu.memref_slice %arg6[%dma_start3A_162, %dma_start3A_163, %dma_start3A_164] : memref<2x1024x16xf32, #tpu.memory_space<vmem>> -> memref<1x1024x16xf32, #tpu.memory_space<vmem>>
    %dma_start3A_166 = tpu.memref_squeeze %dma_start3A_165 : memref<1x1024x16xf32, #tpu.memory_space<vmem>> -> memref<1024x16xf32, #tpu.memory_space<vmem>>
    %dma_start3A_167 = arith.constant 0 : i32
    %dma_start3A_168 = tpu.memref_slice %arg2[%mul3A_161, %dma_start3A_167] : memref<327680x16xf32, #tpu.memory_space<hbm>> -> memref<1024x16xf32, #tpu.memory_space<hbm>>
    %dma_start3A_169 = arith.constant 0 : i32
    %dma_start3A_170 = arith.constant 0 : i32
    %dma_start3A_171 = tpu.memref_slice %arg6[%dma_start3A_162, %dma_start3A_169, %dma_start3A_170] : memref<2x1024x16xf32, #tpu.memory_space<vmem>> -> memref<1x1024x16xf32, #tpu.memory_space<vmem>>
    %dma_start3A_172 = tpu.memref_squeeze %dma_start3A_171 : memref<1x1024x16xf32, #tpu.memory_space<vmem>> -> memref<1024x16xf32, #tpu.memory_space<vmem>>
    %dma_start3A_173 = arith.constant 0 : i32
    %dma_start3A_174 = tpu.memref_slice %arg2[%mul3A_161, %dma_start3A_173] : memref<327680x16xf32, #tpu.memory_space<hbm>> -> memref<1024x16xf32, #tpu.memory_space<hbm>>
    tpu.enqueue_dma source(%dma_start3A_174 : memref<1024x16xf32, #tpu.memory_space<hbm>>) target(%dma_start3A_172 : memref<1024x16xf32, #tpu.memory_space<vmem>>) target_semaphore(%arg8 : memref<!tpu.dma_semaphore, #tpu.memory_space<semaphore_mem>>)
    %run_scoped3A_175 = arith.constant 1 : i32
    %run_scoped3A_176 = arith.constant 1 : i32
    %run_scoped3A_177 = arith.constant 0 : i32
    "tpu.region"() ({
      %run_scoped3A_814 = tpu.sem_alloc : memref<!tpu.dma_semaphore, #tpu.memory_space<semaphore_mem>>
      %dma_start3A_815 = arith.constant 0 : i32
      %dma_start3A_816 = arith.constant 0 : i32
      %dma_start3A_817 = tpu.memref_slice %arg6[%run_scoped3A_175, %dma_start3A_815, %dma_start3A_816] : memref<2x1024x16xf32, #tpu.memory_space<vmem>> -> memref<1x128x16xf32, #tpu.memory_space<vmem>>
      %dma_start3A_818 = tpu.memref_squeeze %dma_start3A_817 : memref<1x128x16xf32, #tpu.memory_space<vmem>> -> memref<128x16xf32, #tpu.memory_space<vmem>>
      %dma_start3A_819 = arith.constant 0 : i32
      %dma_start3A_820 = tpu.memref_slice %arg7[%run_scoped3A_176, %run_scoped3A_177, %dma_start3A_819] : memref<2x8x128xi32, #tpu.memory_space<vmem>> -> memref<1x1x128xi32, #tpu.memory_space<vmem>>
      %dma_start3A_821 = tpu.memref_squeeze %dma_start3A_820 : memref<1x1x128xi32, #tpu.memory_space<vmem>> -> memref<128xi32, #tpu.memory_space<vmem>>
      %dma_start3A_822 = arith.constant 0 : i32
      %dma_start3A_823 = arith.constant 0 : i32
      %dma_start3A_824 = tpu.memref_slice %arg5[%dma_start3A_822, %dma_start3A_823] : memref<10240x16xf32, #tpu.memory_space<vmem_shared>> -> memref<10240x16xf32, #tpu.memory_space<vmem_shared>>
      tpu.enqueue_indirect_dma source(%dma_start3A_818 : memref<128x16xf32, #tpu.memory_space<vmem>>) target(%dma_start3A_824 : memref<10240x16xf32, #tpu.memory_space<vmem_shared>>) offsets(%dma_start3A_821 : memref<128xi32, #tpu.memory_space<vmem>>) semaphore(%run_scoped3A_814 : memref<!tpu.dma_semaphore, #tpu.memory_space<semaphore_mem>>) {add = true}
      %dma_wait3A_825 = arith.constant 0 : i32
      %dma_wait3A_826 = arith.constant 0 : i32
      %dma_wait3A_827 = tpu.memref_slice %arg6[%run_scoped3A_175, %dma_wait3A_825, %dma_wait3A_826] : memref<2x1024x16xf32, #tpu.memory_space<vmem>> -> memref<1x128x16xf32, #tpu.memory_space<vmem>>
      %dma_wait3A_828 = tpu.memref_squeeze %dma_wait3A_827 : memref<1x128x16xf32, #tpu.memory_space<vmem>> -> memref<128x16xf32, #tpu.memory_space<vmem>>
      %dma_wait3A_829 = arith.constant 0 : i32
      %dma_wait3A_830 = tpu.memref_slice %arg7[%run_scoped3A_176, %run_scoped3A_177, %dma_wait3A_829] : memref<2x8x128xi32, #tpu.memory_space<vmem>> -> memref<1x1x128xi32, #tpu.memory_space<vmem>>
      %dma_wait3A_831 = tpu.memref_squeeze %dma_wait3A_830 : memref<1x1x128xi32, #tpu.memory_space<vmem>> -> memref<128xi32, #tpu.memory_space<vmem>>
      %dma_wait3A_832 = arith.constant 0 : i32
      %dma_wait3A_833 = arith.constant 0 : i32
      %dma_wait3A_834 = tpu.memref_slice %arg5[%dma_wait3A_832, %dma_wait3A_833] : memref<10240x16xf32, #tpu.memory_space<vmem_shared>> -> memref<10240x16xf32, #tpu.memory_space<vmem_shared>>
      tpu.wait_indirect_dma semaphore(%run_scoped3A_814 : memref<!tpu.dma_semaphore, #tpu.memory_space<semaphore_mem>>) src(%dma_wait3A_828 : memref<128x16xf32, #tpu.memory_space<vmem>>) dst(%dma_wait3A_834 : memref<10240x16xf32, #tpu.memory_space<vmem_shared>>)
      tpu.yield
    }) : () -> ()
    %run_scoped3A_178 = arith.constant 1 : i32
    %run_scoped3A_179 = arith.constant 1 : i32
    %run_scoped3A_180 = arith.constant 1 : i32
    "tpu.region"() ({
      %run_scoped3A_814 = tpu.sem_alloc : memref<!tpu.dma_semaphore, #tpu.memory_space<semaphore_mem>>
      %dma_start3A_815 = arith.constant 128 : i32
      %dma_start3A_816 = arith.constant 0 : i32
      %dma_start3A_817 = tpu.memref_slice %arg6[%run_scoped3A_178, %dma_start3A_815, %dma_start3A_816] : memref<2x1024x16xf32, #tpu.memory_space<vmem>> -> memref<1x128x16xf32, #tpu.memory_space<vmem>>
      %dma_start3A_818 = tpu.memref_squeeze %dma_start3A_817 : memref<1x128x16xf32, #tpu.memory_space<vmem>> -> memref<128x16xf32, #tpu.memory_space<vmem>>
      %dma_start3A_819 = arith.constant 0 : i32
      %dma_start3A_820 = tpu.memref_slice %arg7[%run_scoped3A_179, %run_scoped3A_180, %dma_start3A_819] : memref<2x8x128xi32, #tpu.memory_space<vmem>> -> memref<1x1x128xi32, #tpu.memory_space<vmem>>
      %dma_start3A_821 = tpu.memref_squeeze %dma_start3A_820 : memref<1x1x128xi32, #tpu.memory_space<vmem>> -> memref<128xi32, #tpu.memory_space<vmem>>
      %dma_start3A_822 = arith.constant 0 : i32
      %dma_start3A_823 = arith.constant 0 : i32
      %dma_start3A_824 = tpu.memref_slice %arg5[%dma_start3A_822, %dma_start3A_823] : memref<10240x16xf32, #tpu.memory_space<vmem_shared>> -> memref<10240x16xf32, #tpu.memory_space<vmem_shared>>
      tpu.enqueue_indirect_dma source(%dma_start3A_818 : memref<128x16xf32, #tpu.memory_space<vmem>>) target(%dma_start3A_824 : memref<10240x16xf32, #tpu.memory_space<vmem_shared>>) offsets(%dma_start3A_821 : memref<128xi32, #tpu.memory_space<vmem>>) semaphore(%run_scoped3A_814 : memref<!tpu.dma_semaphore, #tpu.memory_space<semaphore_mem>>) {add = true}
      %dma_wait3A_825 = arith.constant 128 : i32
      %dma_wait3A_826 = arith.constant 0 : i32
      %dma_wait3A_827 = tpu.memref_slice %arg6[%run_scoped3A_178, %dma_wait3A_825, %dma_wait3A_826] : memref<2x1024x16xf32, #tpu.memory_space<vmem>> -> memref<1x128x16xf32, #tpu.memory_space<vmem>>
      %dma_wait3A_828 = tpu.memref_squeeze %dma_wait3A_827 : memref<1x128x16xf32, #tpu.memory_space<vmem>> -> memref<128x16xf32, #tpu.memory_space<vmem>>
      %dma_wait3A_829 = arith.constant 0 : i32
      %dma_wait3A_830 = tpu.memref_slice %arg7[%run_scoped3A_179, %run_scoped3A_180, %dma_wait3A_829] : memref<2x8x128xi32, #tpu.memory_space<vmem>> -> memref<1x1x128xi32, #tpu.memory_space<vmem>>
      %dma_wait3A_831 = tpu.memref_squeeze %dma_wait3A_830 : memref<1x1x128xi32, #tpu.memory_space<vmem>> -> memref<128xi32, #tpu.memory_space<vmem>>
      %dma_wait3A_832 = arith.constant 0 : i32
      %dma_wait3A_833 = arith.constant 0 : i32
      %dma_wait3A_834 = tpu.memref_slice %arg5[%dma_wait3A_832, %dma_wait3A_833] : memref<10240x16xf32, #tpu.memory_space<vmem_shared>> -> memref<10240x16xf32, #tpu.memory_space<vmem_shared>>
      tpu.wait_indirect_dma semaphore(%run_scoped3A_814 : memref<!tpu.dma_semaphore, #tpu.memory_space<semaphore_mem>>) src(%dma_wait3A_828 : memref<128x16xf32, #tpu.memory_space<vmem>>) dst(%dma_wait3A_834 : memref<10240x16xf32, #tpu.memory_space<vmem_shared>>)
      tpu.yield
    }) : () -> ()
    %run_scoped3A_181 = arith.constant 1 : i32
    %run_scoped3A_182 = arith.constant 1 : i32
    %run_scoped3A_183 = arith.constant 2 : i32
    "tpu.region"() ({
      %run_scoped3A_814 = tpu.sem_alloc : memref<!tpu.dma_semaphore, #tpu.memory_space<semaphore_mem>>
      %dma_start3A_815 = arith.constant 256 : i32
      %dma_start3A_816 = arith.constant 0 : i32
      %dma_start3A_817 = tpu.memref_slice %arg6[%run_scoped3A_181, %dma_start3A_815, %dma_start3A_816] : memref<2x1024x16xf32, #tpu.memory_space<vmem>> -> memref<1x128x16xf32, #tpu.memory_space<vmem>>
      %dma_start3A_818 = tpu.memref_squeeze %dma_start3A_817 : memref<1x128x16xf32, #tpu.memory_space<vmem>> -> memref<128x16xf32, #tpu.memory_space<vmem>>
      %dma_start3A_819 = arith.constant 0 : i32
      %dma_start3A_820 = tpu.memref_slice %arg7[%run_scoped3A_182, %run_scoped3A_183, %dma_start3A_819] : memref<2x8x128xi32, #tpu.memory_space<vmem>> -> memref<1x1x128xi32, #tpu.memory_space<vmem>>
      %dma_start3A_821 = tpu.memref_squeeze %dma_start3A_820 : memref<1x1x128xi32, #tpu.memory_space<vmem>> -> memref<128xi32, #tpu.memory_space<vmem>>
      %dma_start3A_822 = arith.constant 0 : i32
      %dma_start3A_823 = arith.constant 0 : i32
      %dma_start3A_824 = tpu.memref_slice %arg5[%dma_start3A_822, %dma_start3A_823] : memref<10240x16xf32, #tpu.memory_space<vmem_shared>> -> memref<10240x16xf32, #tpu.memory_space<vmem_shared>>
      tpu.enqueue_indirect_dma source(%dma_start3A_818 : memref<128x16xf32, #tpu.memory_space<vmem>>) target(%dma_start3A_824 : memref<10240x16xf32, #tpu.memory_space<vmem_shared>>) offsets(%dma_start3A_821 : memref<128xi32, #tpu.memory_space<vmem>>) semaphore(%run_scoped3A_814 : memref<!tpu.dma_semaphore, #tpu.memory_space<semaphore_mem>>) {add = true}
      %dma_wait3A_825 = arith.constant 256 : i32
      %dma_wait3A_826 = arith.constant 0 : i32
      %dma_wait3A_827 = tpu.memref_slice %arg6[%run_scoped3A_181, %dma_wait3A_825, %dma_wait3A_826] : memref<2x1024x16xf32, #tpu.memory_space<vmem>> -> memref<1x128x16xf32, #tpu.memory_space<vmem>>
      %dma_wait3A_828 = tpu.memref_squeeze %dma_wait3A_827 : memref<1x128x16xf32, #tpu.memory_space<vmem>> -> memref<128x16xf32, #tpu.memory_space<vmem>>
      %dma_wait3A_829 = arith.constant 0 : i32
      %dma_wait3A_830 = tpu.memref_slice %arg7[%run_scoped3A_182, %run_scoped3A_183, %dma_wait3A_829] : memref<2x8x128xi32, #tpu.memory_space<vmem>> -> memref<1x1x128xi32, #tpu.memory_space<vmem>>
      %dma_wait3A_831 = tpu.memref_squeeze %dma_wait3A_830 : memref<1x1x128xi32, #tpu.memory_space<vmem>> -> memref<128xi32, #tpu.memory_space<vmem>>
      %dma_wait3A_832 = arith.constant 0 : i32
      %dma_wait3A_833 = arith.constant 0 : i32
      %dma_wait3A_834 = tpu.memref_slice %arg5[%dma_wait3A_832, %dma_wait3A_833] : memref<10240x16xf32, #tpu.memory_space<vmem_shared>> -> memref<10240x16xf32, #tpu.memory_space<vmem_shared>>
      tpu.wait_indirect_dma semaphore(%run_scoped3A_814 : memref<!tpu.dma_semaphore, #tpu.memory_space<semaphore_mem>>) src(%dma_wait3A_828 : memref<128x16xf32, #tpu.memory_space<vmem>>) dst(%dma_wait3A_834 : memref<10240x16xf32, #tpu.memory_space<vmem_shared>>)
      tpu.yield
    }) : () -> ()
    %run_scoped3A_184 = arith.constant 1 : i32
    %run_scoped3A_185 = arith.constant 1 : i32
    %run_scoped3A_186 = arith.constant 3 : i32
    "tpu.region"() ({
      %run_scoped3A_814 = tpu.sem_alloc : memref<!tpu.dma_semaphore, #tpu.memory_space<semaphore_mem>>
      %dma_start3A_815 = arith.constant 384 : i32
      %dma_start3A_816 = arith.constant 0 : i32
      %dma_start3A_817 = tpu.memref_slice %arg6[%run_scoped3A_184, %dma_start3A_815, %dma_start3A_816] : memref<2x1024x16xf32, #tpu.memory_space<vmem>> -> memref<1x128x16xf32, #tpu.memory_space<vmem>>
      %dma_start3A_818 = tpu.memref_squeeze %dma_start3A_817 : memref<1x128x16xf32, #tpu.memory_space<vmem>> -> memref<128x16xf32, #tpu.memory_space<vmem>>
      %dma_start3A_819 = arith.constant 0 : i32
      %dma_start3A_820 = tpu.memref_slice %arg7[%run_scoped3A_185, %run_scoped3A_186, %dma_start3A_819] : memref<2x8x128xi32, #tpu.memory_space<vmem>> -> memref<1x1x128xi32, #tpu.memory_space<vmem>>
      %dma_start3A_821 = tpu.memref_squeeze %dma_start3A_820 : memref<1x1x128xi32, #tpu.memory_space<vmem>> -> memref<128xi32, #tpu.memory_space<vmem>>
      %dma_start3A_822 = arith.constant 0 : i32
      %dma_start3A_823 = arith.constant 0 : i32
      %dma_start3A_824 = tpu.memref_slice %arg5[%dma_start3A_822, %dma_start3A_823] : memref<10240x16xf32, #tpu.memory_space<vmem_shared>> -> memref<10240x16xf32, #tpu.memory_space<vmem_shared>>
      tpu.enqueue_indirect_dma source(%dma_start3A_818 : memref<128x16xf32, #tpu.memory_space<vmem>>) target(%dma_start3A_824 : memref<10240x16xf32, #tpu.memory_space<vmem_shared>>) offsets(%dma_start3A_821 : memref<128xi32, #tpu.memory_space<vmem>>) semaphore(%run_scoped3A_814 : memref<!tpu.dma_semaphore, #tpu.memory_space<semaphore_mem>>) {add = true}
      %dma_wait3A_825 = arith.constant 384 : i32
      %dma_wait3A_826 = arith.constant 0 : i32
      %dma_wait3A_827 = tpu.memref_slice %arg6[%run_scoped3A_184, %dma_wait3A_825, %dma_wait3A_826] : memref<2x1024x16xf32, #tpu.memory_space<vmem>> -> memref<1x128x16xf32, #tpu.memory_space<vmem>>
      %dma_wait3A_828 = tpu.memref_squeeze %dma_wait3A_827 : memref<1x128x16xf32, #tpu.memory_space<vmem>> -> memref<128x16xf32, #tpu.memory_space<vmem>>
      %dma_wait3A_829 = arith.constant 0 : i32
      %dma_wait3A_830 = tpu.memref_slice %arg7[%run_scoped3A_185, %run_scoped3A_186, %dma_wait3A_829] : memref<2x8x128xi32, #tpu.memory_space<vmem>> -> memref<1x1x128xi32, #tpu.memory_space<vmem>>
      %dma_wait3A_831 = tpu.memref_squeeze %dma_wait3A_830 : memref<1x1x128xi32, #tpu.memory_space<vmem>> -> memref<128xi32, #tpu.memory_space<vmem>>
      %dma_wait3A_832 = arith.constant 0 : i32
      %dma_wait3A_833 = arith.constant 0 : i32
      %dma_wait3A_834 = tpu.memref_slice %arg5[%dma_wait3A_832, %dma_wait3A_833] : memref<10240x16xf32, #tpu.memory_space<vmem_shared>> -> memref<10240x16xf32, #tpu.memory_space<vmem_shared>>
      tpu.wait_indirect_dma semaphore(%run_scoped3A_814 : memref<!tpu.dma_semaphore, #tpu.memory_space<semaphore_mem>>) src(%dma_wait3A_828 : memref<128x16xf32, #tpu.memory_space<vmem>>) dst(%dma_wait3A_834 : memref<10240x16xf32, #tpu.memory_space<vmem_shared>>)
      tpu.yield
    }) : () -> ()
    %run_scoped3A_187 = arith.constant 1 : i32
    %run_scoped3A_188 = arith.constant 1 : i32
    %run_scoped3A_189 = arith.constant 4 : i32
    "tpu.region"() ({
      %run_scoped3A_814 = tpu.sem_alloc : memref<!tpu.dma_semaphore, #tpu.memory_space<semaphore_mem>>
      %dma_start3A_815 = arith.constant 512 : i32
      %dma_start3A_816 = arith.constant 0 : i32
      %dma_start3A_817 = tpu.memref_slice %arg6[%run_scoped3A_187, %dma_start3A_815, %dma_start3A_816] : memref<2x1024x16xf32, #tpu.memory_space<vmem>> -> memref<1x128x16xf32, #tpu.memory_space<vmem>>
      %dma_start3A_818 = tpu.memref_squeeze %dma_start3A_817 : memref<1x128x16xf32, #tpu.memory_space<vmem>> -> memref<128x16xf32, #tpu.memory_space<vmem>>
      %dma_start3A_819 = arith.constant 0 : i32
      %dma_start3A_820 = tpu.memref_slice %arg7[%run_scoped3A_188, %run_scoped3A_189, %dma_start3A_819] : memref<2x8x128xi32, #tpu.memory_space<vmem>> -> memref<1x1x128xi32, #tpu.memory_space<vmem>>
      %dma_start3A_821 = tpu.memref_squeeze %dma_start3A_820 : memref<1x1x128xi32, #tpu.memory_space<vmem>> -> memref<128xi32, #tpu.memory_space<vmem>>
      %dma_start3A_822 = arith.constant 0 : i32
      %dma_start3A_823 = arith.constant 0 : i32
      %dma_start3A_824 = tpu.memref_slice %arg5[%dma_start3A_822, %dma_start3A_823] : memref<10240x16xf32, #tpu.memory_space<vmem_shared>> -> memref<10240x16xf32, #tpu.memory_space<vmem_shared>>
      tpu.enqueue_indirect_dma source(%dma_start3A_818 : memref<128x16xf32, #tpu.memory_space<vmem>>) target(%dma_start3A_824 : memref<10240x16xf32, #tpu.memory_space<vmem_shared>>) offsets(%dma_start3A_821 : memref<128xi32, #tpu.memory_space<vmem>>) semaphore(%run_scoped3A_814 : memref<!tpu.dma_semaphore, #tpu.memory_space<semaphore_mem>>) {add = true}
      %dma_wait3A_825 = arith.constant 512 : i32
      %dma_wait3A_826 = arith.constant 0 : i32
      %dma_wait3A_827 = tpu.memref_slice %arg6[%run_scoped3A_187, %dma_wait3A_825, %dma_wait3A_826] : memref<2x1024x16xf32, #tpu.memory_space<vmem>> -> memref<1x128x16xf32, #tpu.memory_space<vmem>>
      %dma_wait3A_828 = tpu.memref_squeeze %dma_wait3A_827 : memref<1x128x16xf32, #tpu.memory_space<vmem>> -> memref<128x16xf32, #tpu.memory_space<vmem>>
      %dma_wait3A_829 = arith.constant 0 : i32
      %dma_wait3A_830 = tpu.memref_slice %arg7[%run_scoped3A_188, %run_scoped3A_189, %dma_wait3A_829] : memref<2x8x128xi32, #tpu.memory_space<vmem>> -> memref<1x1x128xi32, #tpu.memory_space<vmem>>
      %dma_wait3A_831 = tpu.memref_squeeze %dma_wait3A_830 : memref<1x1x128xi32, #tpu.memory_space<vmem>> -> memref<128xi32, #tpu.memory_space<vmem>>
      %dma_wait3A_832 = arith.constant 0 : i32
      %dma_wait3A_833 = arith.constant 0 : i32
      %dma_wait3A_834 = tpu.memref_slice %arg5[%dma_wait3A_832, %dma_wait3A_833] : memref<10240x16xf32, #tpu.memory_space<vmem_shared>> -> memref<10240x16xf32, #tpu.memory_space<vmem_shared>>
      tpu.wait_indirect_dma semaphore(%run_scoped3A_814 : memref<!tpu.dma_semaphore, #tpu.memory_space<semaphore_mem>>) src(%dma_wait3A_828 : memref<128x16xf32, #tpu.memory_space<vmem>>) dst(%dma_wait3A_834 : memref<10240x16xf32, #tpu.memory_space<vmem_shared>>)
      tpu.yield
    }) : () -> ()
    %run_scoped3A_190 = arith.constant 1 : i32
    %run_scoped3A_191 = arith.constant 1 : i32
    %run_scoped3A_192 = arith.constant 5 : i32
    "tpu.region"() ({
      %run_scoped3A_814 = tpu.sem_alloc : memref<!tpu.dma_semaphore, #tpu.memory_space<semaphore_mem>>
      %dma_start3A_815 = arith.constant 640 : i32
      %dma_start3A_816 = arith.constant 0 : i32
      %dma_start3A_817 = tpu.memref_slice %arg6[%run_scoped3A_190, %dma_start3A_815, %dma_start3A_816] : memref<2x1024x16xf32, #tpu.memory_space<vmem>> -> memref<1x128x16xf32, #tpu.memory_space<vmem>>
      %dma_start3A_818 = tpu.memref_squeeze %dma_start3A_817 : memref<1x128x16xf32, #tpu.memory_space<vmem>> -> memref<128x16xf32, #tpu.memory_space<vmem>>
      %dma_start3A_819 = arith.constant 0 : i32
      %dma_start3A_820 = tpu.memref_slice %arg7[%run_scoped3A_191, %run_scoped3A_192, %dma_start3A_819] : memref<2x8x128xi32, #tpu.memory_space<vmem>> -> memref<1x1x128xi32, #tpu.memory_space<vmem>>
      %dma_start3A_821 = tpu.memref_squeeze %dma_start3A_820 : memref<1x1x128xi32, #tpu.memory_space<vmem>> -> memref<128xi32, #tpu.memory_space<vmem>>
      %dma_start3A_822 = arith.constant 0 : i32
      %dma_start3A_823 = arith.constant 0 : i32
      %dma_start3A_824 = tpu.memref_slice %arg5[%dma_start3A_822, %dma_start3A_823] : memref<10240x16xf32, #tpu.memory_space<vmem_shared>> -> memref<10240x16xf32, #tpu.memory_space<vmem_shared>>
      tpu.enqueue_indirect_dma source(%dma_start3A_818 : memref<128x16xf32, #tpu.memory_space<vmem>>) target(%dma_start3A_824 : memref<10240x16xf32, #tpu.memory_space<vmem_shared>>) offsets(%dma_start3A_821 : memref<128xi32, #tpu.memory_space<vmem>>) semaphore(%run_scoped3A_814 : memref<!tpu.dma_semaphore, #tpu.memory_space<semaphore_mem>>) {add = true}
      %dma_wait3A_825 = arith.constant 640 : i32
      %dma_wait3A_826 = arith.constant 0 : i32
      %dma_wait3A_827 = tpu.memref_slice %arg6[%run_scoped3A_190, %dma_wait3A_825, %dma_wait3A_826] : memref<2x1024x16xf32, #tpu.memory_space<vmem>> -> memref<1x128x16xf32, #tpu.memory_space<vmem>>
      %dma_wait3A_828 = tpu.memref_squeeze %dma_wait3A_827 : memref<1x128x16xf32, #tpu.memory_space<vmem>> -> memref<128x16xf32, #tpu.memory_space<vmem>>
      %dma_wait3A_829 = arith.constant 0 : i32
      %dma_wait3A_830 = tpu.memref_slice %arg7[%run_scoped3A_191, %run_scoped3A_192, %dma_wait3A_829] : memref<2x8x128xi32, #tpu.memory_space<vmem>> -> memref<1x1x128xi32, #tpu.memory_space<vmem>>
      %dma_wait3A_831 = tpu.memref_squeeze %dma_wait3A_830 : memref<1x1x128xi32, #tpu.memory_space<vmem>> -> memref<128xi32, #tpu.memory_space<vmem>>
      %dma_wait3A_832 = arith.constant 0 : i32
      %dma_wait3A_833 = arith.constant 0 : i32
      %dma_wait3A_834 = tpu.memref_slice %arg5[%dma_wait3A_832, %dma_wait3A_833] : memref<10240x16xf32, #tpu.memory_space<vmem_shared>> -> memref<10240x16xf32, #tpu.memory_space<vmem_shared>>
      tpu.wait_indirect_dma semaphore(%run_scoped3A_814 : memref<!tpu.dma_semaphore, #tpu.memory_space<semaphore_mem>>) src(%dma_wait3A_828 : memref<128x16xf32, #tpu.memory_space<vmem>>) dst(%dma_wait3A_834 : memref<10240x16xf32, #tpu.memory_space<vmem_shared>>)
      tpu.yield
    }) : () -> ()
    %run_scoped3A_193 = arith.constant 1 : i32
    %run_scoped3A_194 = arith.constant 1 : i32
    %run_scoped3A_195 = arith.constant 6 : i32
    "tpu.region"() ({
      %run_scoped3A_814 = tpu.sem_alloc : memref<!tpu.dma_semaphore, #tpu.memory_space<semaphore_mem>>
      %dma_start3A_815 = arith.constant 768 : i32
      %dma_start3A_816 = arith.constant 0 : i32
      %dma_start3A_817 = tpu.memref_slice %arg6[%run_scoped3A_193, %dma_start3A_815, %dma_start3A_816] : memref<2x1024x16xf32, #tpu.memory_space<vmem>> -> memref<1x128x16xf32, #tpu.memory_space<vmem>>
      %dma_start3A_818 = tpu.memref_squeeze %dma_start3A_817 : memref<1x128x16xf32, #tpu.memory_space<vmem>> -> memref<128x16xf32, #tpu.memory_space<vmem>>
      %dma_start3A_819 = arith.constant 0 : i32
      %dma_start3A_820 = tpu.memref_slice %arg7[%run_scoped3A_194, %run_scoped3A_195, %dma_start3A_819] : memref<2x8x128xi32, #tpu.memory_space<vmem>> -> memref<1x1x128xi32, #tpu.memory_space<vmem>>
      %dma_start3A_821 = tpu.memref_squeeze %dma_start3A_820 : memref<1x1x128xi32, #tpu.memory_space<vmem>> -> memref<128xi32, #tpu.memory_space<vmem>>
      %dma_start3A_822 = arith.constant 0 : i32
      %dma_start3A_823 = arith.constant 0 : i32
      %dma_start3A_824 = tpu.memref_slice %arg5[%dma_start3A_822, %dma_start3A_823] : memref<10240x16xf32, #tpu.memory_space<vmem_shared>> -> memref<10240x16xf32, #tpu.memory_space<vmem_shared>>
      tpu.enqueue_indirect_dma source(%dma_start3A_818 : memref<128x16xf32, #tpu.memory_space<vmem>>) target(%dma_start3A_824 : memref<10240x16xf32, #tpu.memory_space<vmem_shared>>) offsets(%dma_start3A_821 : memref<128xi32, #tpu.memory_space<vmem>>) semaphore(%run_scoped3A_814 : memref<!tpu.dma_semaphore, #tpu.memory_space<semaphore_mem>>) {add = true}
      %dma_wait3A_825 = arith.constant 768 : i32
      %dma_wait3A_826 = arith.constant 0 : i32
      %dma_wait3A_827 = tpu.memref_slice %arg6[%run_scoped3A_193, %dma_wait3A_825, %dma_wait3A_826] : memref<2x1024x16xf32, #tpu.memory_space<vmem>> -> memref<1x128x16xf32, #tpu.memory_space<vmem>>
      %dma_wait3A_828 = tpu.memref_squeeze %dma_wait3A_827 : memref<1x128x16xf32, #tpu.memory_space<vmem>> -> memref<128x16xf32, #tpu.memory_space<vmem>>
      %dma_wait3A_829 = arith.constant 0 : i32
      %dma_wait3A_830 = tpu.memref_slice %arg7[%run_scoped3A_194, %run_scoped3A_195, %dma_wait3A_829] : memref<2x8x128xi32, #tpu.memory_space<vmem>> -> memref<1x1x128xi32, #tpu.memory_space<vmem>>
      %dma_wait3A_831 = tpu.memref_squeeze %dma_wait3A_830 : memref<1x1x128xi32, #tpu.memory_space<vmem>> -> memref<128xi32, #tpu.memory_space<vmem>>
      %dma_wait3A_832 = arith.constant 0 : i32
      %dma_wait3A_833 = arith.constant 0 : i32
      %dma_wait3A_834 = tpu.memref_slice %arg5[%dma_wait3A_832, %dma_wait3A_833] : memref<10240x16xf32, #tpu.memory_space<vmem_shared>> -> memref<10240x16xf32, #tpu.memory_space<vmem_shared>>
      tpu.wait_indirect_dma semaphore(%run_scoped3A_814 : memref<!tpu.dma_semaphore, #tpu.memory_space<semaphore_mem>>) src(%dma_wait3A_828 : memref<128x16xf32, #tpu.memory_space<vmem>>) dst(%dma_wait3A_834 : memref<10240x16xf32, #tpu.memory_space<vmem_shared>>)
      tpu.yield
    }) : () -> ()
    %run_scoped3A_196 = arith.constant 1 : i32
    %run_scoped3A_197 = arith.constant 1 : i32
    %run_scoped3A_198 = arith.constant 7 : i32
    "tpu.region"() ({
      %run_scoped3A_814 = tpu.sem_alloc : memref<!tpu.dma_semaphore, #tpu.memory_space<semaphore_mem>>
      %dma_start3A_815 = arith.constant 896 : i32
      %dma_start3A_816 = arith.constant 0 : i32
      %dma_start3A_817 = tpu.memref_slice %arg6[%run_scoped3A_196, %dma_start3A_815, %dma_start3A_816] : memref<2x1024x16xf32, #tpu.memory_space<vmem>> -> memref<1x128x16xf32, #tpu.memory_space<vmem>>
      %dma_start3A_818 = tpu.memref_squeeze %dma_start3A_817 : memref<1x128x16xf32, #tpu.memory_space<vmem>> -> memref<128x16xf32, #tpu.memory_space<vmem>>
      %dma_start3A_819 = arith.constant 0 : i32
      %dma_start3A_820 = tpu.memref_slice %arg7[%run_scoped3A_197, %run_scoped3A_198, %dma_start3A_819] : memref<2x8x128xi32, #tpu.memory_space<vmem>> -> memref<1x1x128xi32, #tpu.memory_space<vmem>>
      %dma_start3A_821 = tpu.memref_squeeze %dma_start3A_820 : memref<1x1x128xi32, #tpu.memory_space<vmem>> -> memref<128xi32, #tpu.memory_space<vmem>>
      %dma_start3A_822 = arith.constant 0 : i32
      %dma_start3A_823 = arith.constant 0 : i32
      %dma_start3A_824 = tpu.memref_slice %arg5[%dma_start3A_822, %dma_start3A_823] : memref<10240x16xf32, #tpu.memory_space<vmem_shared>> -> memref<10240x16xf32, #tpu.memory_space<vmem_shared>>
      tpu.enqueue_indirect_dma source(%dma_start3A_818 : memref<128x16xf32, #tpu.memory_space<vmem>>) target(%dma_start3A_824 : memref<10240x16xf32, #tpu.memory_space<vmem_shared>>) offsets(%dma_start3A_821 : memref<128xi32, #tpu.memory_space<vmem>>) semaphore(%run_scoped3A_814 : memref<!tpu.dma_semaphore, #tpu.memory_space<semaphore_mem>>) {add = true}
      %dma_wait3A_825 = arith.constant 896 : i32
      %dma_wait3A_826 = arith.constant 0 : i32
      %dma_wait3A_827 = tpu.memref_slice %arg6[%run_scoped3A_196, %dma_wait3A_825, %dma_wait3A_826] : memref<2x1024x16xf32, #tpu.memory_space<vmem>> -> memref<1x128x16xf32, #tpu.memory_space<vmem>>
      %dma_wait3A_828 = tpu.memref_squeeze %dma_wait3A_827 : memref<1x128x16xf32, #tpu.memory_space<vmem>> -> memref<128x16xf32, #tpu.memory_space<vmem>>
      %dma_wait3A_829 = arith.constant 0 : i32
      %dma_wait3A_830 = tpu.memref_slice %arg7[%run_scoped3A_197, %run_scoped3A_198, %dma_wait3A_829] : memref<2x8x128xi32, #tpu.memory_space<vmem>> -> memref<1x1x128xi32, #tpu.memory_space<vmem>>
      %dma_wait3A_831 = tpu.memref_squeeze %dma_wait3A_830 : memref<1x1x128xi32, #tpu.memory_space<vmem>> -> memref<128xi32, #tpu.memory_space<vmem>>
      %dma_wait3A_832 = arith.constant 0 : i32
      %dma_wait3A_833 = arith.constant 0 : i32
      %dma_wait3A_834 = tpu.memref_slice %arg5[%dma_wait3A_832, %dma_wait3A_833] : memref<10240x16xf32, #tpu.memory_space<vmem_shared>> -> memref<10240x16xf32, #tpu.memory_space<vmem_shared>>
      tpu.wait_indirect_dma semaphore(%run_scoped3A_814 : memref<!tpu.dma_semaphore, #tpu.memory_space<semaphore_mem>>) src(%dma_wait3A_828 : memref<128x16xf32, #tpu.memory_space<vmem>>) dst(%dma_wait3A_834 : memref<10240x16xf32, #tpu.memory_space<vmem_shared>>)
      tpu.yield
    }) : () -> ()
    %dma_wait3A_199 = arith.constant 0 : i32
    %dma_wait3A_200 = arith.constant 0 : i32
    %dma_wait3A_201 = arith.constant 0 : i32
    %dma_wait3A_202 = tpu.memref_slice %arg7[%dma_wait3A_199, %dma_wait3A_200, %dma_wait3A_201] : memref<2x8x128xi32, #tpu.memory_space<vmem>> -> memref<1x8x128xi32, #tpu.memory_space<vmem>>
    %dma_wait3A_203 = tpu.memref_squeeze %dma_wait3A_202 : memref<1x8x128xi32, #tpu.memory_space<vmem>> -> memref<8x128xi32, #tpu.memory_space<vmem>>
    %dma_wait3A_204 = arith.constant 0 : i32
    %dma_wait3A_205 = tpu.memref_slice %arg3[%add3A_146, %dma_wait3A_204] : memref<2560x128xi32, #tpu.memory_space<hbm>> -> memref<8x128xi32, #tpu.memory_space<hbm>>
    %dma_wait3A_206 = arith.constant 0 : i32
    %dma_wait3A_207 = arith.constant 0 : i32
    %dma_wait3A_208 = tpu.memref_slice %arg7[%dma_wait3A_199, %dma_wait3A_206, %dma_wait3A_207] : memref<2x8x128xi32, #tpu.memory_space<vmem>> -> memref<1x8x128xi32, #tpu.memory_space<vmem>>
    %dma_wait3A_209 = tpu.memref_squeeze %dma_wait3A_208 : memref<1x8x128xi32, #tpu.memory_space<vmem>> -> memref<8x128xi32, #tpu.memory_space<vmem>>
    %dma_wait3A_210 = arith.constant 0 : i32
    %dma_wait3A_211 = tpu.memref_slice %arg3[%add3A_146, %dma_wait3A_210] : memref<2560x128xi32, #tpu.memory_space<hbm>> -> memref<8x128xi32, #tpu.memory_space<hbm>>
    tpu.wait_dma2 semaphore(%arg8 : memref<!tpu.dma_semaphore, #tpu.memory_space<semaphore_mem>>) src(%dma_wait3A_211 : memref<8x128xi32, #tpu.memory_space<hbm>>) dst(%dma_wait3A_209 : memref<8x128xi32, #tpu.memory_space<vmem>>)
    %dma_wait3A_212 = arith.constant 0 : i32
    %dma_wait3A_213 = arith.constant 0 : i32
    %dma_wait3A_214 = arith.constant 0 : i32
    %dma_wait3A_215 = tpu.memref_slice %arg6[%dma_wait3A_212, %dma_wait3A_213, %dma_wait3A_214] : memref<2x1024x16xf32, #tpu.memory_space<vmem>> -> memref<1x1024x16xf32, #tpu.memory_space<vmem>>
    %dma_wait3A_216 = tpu.memref_squeeze %dma_wait3A_215 : memref<1x1024x16xf32, #tpu.memory_space<vmem>> -> memref<1024x16xf32, #tpu.memory_space<vmem>>
    %dma_wait3A_217 = arith.constant 0 : i32
    %dma_wait3A_218 = tpu.memref_slice %arg2[%mul3A_161, %dma_wait3A_217] : memref<327680x16xf32, #tpu.memory_space<hbm>> -> memref<1024x16xf32, #tpu.memory_space<hbm>>
    %dma_wait3A_219 = arith.constant 0 : i32
    %dma_wait3A_220 = arith.constant 0 : i32
    %dma_wait3A_221 = tpu.memref_slice %arg6[%dma_wait3A_212, %dma_wait3A_219, %dma_wait3A_220] : memref<2x1024x16xf32, #tpu.memory_space<vmem>> -> memref<1x1024x16xf32, #tpu.memory_space<vmem>>
    %dma_wait3A_222 = tpu.memref_squeeze %dma_wait3A_221 : memref<1x1024x16xf32, #tpu.memory_space<vmem>> -> memref<1024x16xf32, #tpu.memory_space<vmem>>
    %dma_wait3A_223 = arith.constant 0 : i32
    %dma_wait3A_224 = tpu.memref_slice %arg2[%mul3A_161, %dma_wait3A_223] : memref<327680x16xf32, #tpu.memory_space<hbm>> -> memref<1024x16xf32, #tpu.memory_space<hbm>>
    tpu.wait_dma2 semaphore(%arg8 : memref<!tpu.dma_semaphore, #tpu.memory_space<semaphore_mem>>) src(%dma_wait3A_224 : memref<1024x16xf32, #tpu.memory_space<hbm>>) dst(%dma_wait3A_222 : memref<1024x16xf32, #tpu.memory_space<vmem>>)
    %add3A_225 = arith.constant 24 : i32
    %add3A_226 = arith.addi %mul3A_2, %add3A_225 : i32
    %dma_start3A_227 = arith.constant 1 : i32
    %dma_start3A_228 = arith.constant 0 : i32
    %dma_start3A_229 = arith.constant 0 : i32
    %dma_start3A_230 = tpu.memref_slice %arg7[%dma_start3A_227, %dma_start3A_228, %dma_start3A_229] : memref<2x8x128xi32, #tpu.memory_space<vmem>> -> memref<1x8x128xi32, #tpu.memory_space<vmem>>
    %dma_start3A_231 = tpu.memref_squeeze %dma_start3A_230 : memref<1x8x128xi32, #tpu.memory_space<vmem>> -> memref<8x128xi32, #tpu.memory_space<vmem>>
    %dma_start3A_232 = arith.constant 0 : i32
    %dma_start3A_233 = tpu.memref_slice %arg3[%add3A_226, %dma_start3A_232] : memref<2560x128xi32, #tpu.memory_space<hbm>> -> memref<8x128xi32, #tpu.memory_space<hbm>>
    %dma_start3A_234 = arith.constant 0 : i32
    %dma_start3A_235 = arith.constant 0 : i32
    %dma_start3A_236 = tpu.memref_slice %arg7[%dma_start3A_227, %dma_start3A_234, %dma_start3A_235] : memref<2x8x128xi32, #tpu.memory_space<vmem>> -> memref<1x8x128xi32, #tpu.memory_space<vmem>>
    %dma_start3A_237 = tpu.memref_squeeze %dma_start3A_236 : memref<1x8x128xi32, #tpu.memory_space<vmem>> -> memref<8x128xi32, #tpu.memory_space<vmem>>
    %dma_start3A_238 = arith.constant 0 : i32
    %dma_start3A_239 = tpu.memref_slice %arg3[%add3A_226, %dma_start3A_238] : memref<2560x128xi32, #tpu.memory_space<hbm>> -> memref<8x128xi32, #tpu.memory_space<hbm>>
    tpu.enqueue_dma source(%dma_start3A_239 : memref<8x128xi32, #tpu.memory_space<hbm>>) target(%dma_start3A_237 : memref<8x128xi32, #tpu.memory_space<vmem>>) target_semaphore(%arg8 : memref<!tpu.dma_semaphore, #tpu.memory_space<semaphore_mem>>)
    %mul3A_240 = arith.constant 128 : i32
    %mul3A_241 = arith.muli %add3A_226, %mul3A_240 : i32
    %dma_start3A_242 = arith.constant 1 : i32
    %dma_start3A_243 = arith.constant 0 : i32
    %dma_start3A_244 = arith.constant 0 : i32
    %dma_start3A_245 = tpu.memref_slice %arg6[%dma_start3A_242, %dma_start3A_243, %dma_start3A_244] : memref<2x1024x16xf32, #tpu.memory_space<vmem>> -> memref<1x1024x16xf32, #tpu.memory_space<vmem>>
    %dma_start3A_246 = tpu.memref_squeeze %dma_start3A_245 : memref<1x1024x16xf32, #tpu.memory_space<vmem>> -> memref<1024x16xf32, #tpu.memory_space<vmem>>
    %dma_start3A_247 = arith.constant 0 : i32
    %dma_start3A_248 = tpu.memref_slice %arg2[%mul3A_241, %dma_start3A_247] : memref<327680x16xf32, #tpu.memory_space<hbm>> -> memref<1024x16xf32, #tpu.memory_space<hbm>>
    %dma_start3A_249 = arith.constant 0 : i32
    %dma_start3A_250 = arith.constant 0 : i32
    %dma_start3A_251 = tpu.memref_slice %arg6[%dma_start3A_242, %dma_start3A_249, %dma_start3A_250] : memref<2x1024x16xf32, #tpu.memory_space<vmem>> -> memref<1x1024x16xf32, #tpu.memory_space<vmem>>
    %dma_start3A_252 = tpu.memref_squeeze %dma_start3A_251 : memref<1x1024x16xf32, #tpu.memory_space<vmem>> -> memref<1024x16xf32, #tpu.memory_space<vmem>>
    %dma_start3A_253 = arith.constant 0 : i32
    %dma_start3A_254 = tpu.memref_slice %arg2[%mul3A_241, %dma_start3A_253] : memref<327680x16xf32, #tpu.memory_space<hbm>> -> memref<1024x16xf32, #tpu.memory_space<hbm>>
    tpu.enqueue_dma source(%dma_start3A_254 : memref<1024x16xf32, #tpu.memory_space<hbm>>) target(%dma_start3A_252 : memref<1024x16xf32, #tpu.memory_space<vmem>>) target_semaphore(%arg8 : memref<!tpu.dma_semaphore, #tpu.memory_space<semaphore_mem>>)
    %run_scoped3A_255 = arith.constant 0 : i32
    %run_scoped3A_256 = arith.constant 0 : i32
    %run_scoped3A_257 = arith.constant 0 : i32
    "tpu.region"() ({
      %run_scoped3A_814 = tpu.sem_alloc : memref<!tpu.dma_semaphore, #tpu.memory_space<semaphore_mem>>
      %dma_start3A_815 = arith.constant 0 : i32
      %dma_start3A_816 = arith.constant 0 : i32
      %dma_start3A_817 = tpu.memref_slice %arg6[%run_scoped3A_255, %dma_start3A_815, %dma_start3A_816] : memref<2x1024x16xf32, #tpu.memory_space<vmem>> -> memref<1x128x16xf32, #tpu.memory_space<vmem>>
      %dma_start3A_818 = tpu.memref_squeeze %dma_start3A_817 : memref<1x128x16xf32, #tpu.memory_space<vmem>> -> memref<128x16xf32, #tpu.memory_space<vmem>>
      %dma_start3A_819 = arith.constant 0 : i32
      %dma_start3A_820 = tpu.memref_slice %arg7[%run_scoped3A_256, %run_scoped3A_257, %dma_start3A_819] : memref<2x8x128xi32, #tpu.memory_space<vmem>> -> memref<1x1x128xi32, #tpu.memory_space<vmem>>
      %dma_start3A_821 = tpu.memref_squeeze %dma_start3A_820 : memref<1x1x128xi32, #tpu.memory_space<vmem>> -> memref<128xi32, #tpu.memory_space<vmem>>
      %dma_start3A_822 = arith.constant 0 : i32
      %dma_start3A_823 = arith.constant 0 : i32
      %dma_start3A_824 = tpu.memref_slice %arg5[%dma_start3A_822, %dma_start3A_823] : memref<10240x16xf32, #tpu.memory_space<vmem_shared>> -> memref<10240x16xf32, #tpu.memory_space<vmem_shared>>
      tpu.enqueue_indirect_dma source(%dma_start3A_818 : memref<128x16xf32, #tpu.memory_space<vmem>>) target(%dma_start3A_824 : memref<10240x16xf32, #tpu.memory_space<vmem_shared>>) offsets(%dma_start3A_821 : memref<128xi32, #tpu.memory_space<vmem>>) semaphore(%run_scoped3A_814 : memref<!tpu.dma_semaphore, #tpu.memory_space<semaphore_mem>>) {add = true}
      %dma_wait3A_825 = arith.constant 0 : i32
      %dma_wait3A_826 = arith.constant 0 : i32
      %dma_wait3A_827 = tpu.memref_slice %arg6[%run_scoped3A_255, %dma_wait3A_825, %dma_wait3A_826] : memref<2x1024x16xf32, #tpu.memory_space<vmem>> -> memref<1x128x16xf32, #tpu.memory_space<vmem>>
      %dma_wait3A_828 = tpu.memref_squeeze %dma_wait3A_827 : memref<1x128x16xf32, #tpu.memory_space<vmem>> -> memref<128x16xf32, #tpu.memory_space<vmem>>
      %dma_wait3A_829 = arith.constant 0 : i32
      %dma_wait3A_830 = tpu.memref_slice %arg7[%run_scoped3A_256, %run_scoped3A_257, %dma_wait3A_829] : memref<2x8x128xi32, #tpu.memory_space<vmem>> -> memref<1x1x128xi32, #tpu.memory_space<vmem>>
      %dma_wait3A_831 = tpu.memref_squeeze %dma_wait3A_830 : memref<1x1x128xi32, #tpu.memory_space<vmem>> -> memref<128xi32, #tpu.memory_space<vmem>>
      %dma_wait3A_832 = arith.constant 0 : i32
      %dma_wait3A_833 = arith.constant 0 : i32
      %dma_wait3A_834 = tpu.memref_slice %arg5[%dma_wait3A_832, %dma_wait3A_833] : memref<10240x16xf32, #tpu.memory_space<vmem_shared>> -> memref<10240x16xf32, #tpu.memory_space<vmem_shared>>
      tpu.wait_indirect_dma semaphore(%run_scoped3A_814 : memref<!tpu.dma_semaphore, #tpu.memory_space<semaphore_mem>>) src(%dma_wait3A_828 : memref<128x16xf32, #tpu.memory_space<vmem>>) dst(%dma_wait3A_834 : memref<10240x16xf32, #tpu.memory_space<vmem_shared>>)
      tpu.yield
    }) : () -> ()
    %run_scoped3A_258 = arith.constant 0 : i32
    %run_scoped3A_259 = arith.constant 0 : i32
    %run_scoped3A_260 = arith.constant 1 : i32
    "tpu.region"() ({
      %run_scoped3A_814 = tpu.sem_alloc : memref<!tpu.dma_semaphore, #tpu.memory_space<semaphore_mem>>
      %dma_start3A_815 = arith.constant 128 : i32
      %dma_start3A_816 = arith.constant 0 : i32
      %dma_start3A_817 = tpu.memref_slice %arg6[%run_scoped3A_258, %dma_start3A_815, %dma_start3A_816] : memref<2x1024x16xf32, #tpu.memory_space<vmem>> -> memref<1x128x16xf32, #tpu.memory_space<vmem>>
      %dma_start3A_818 = tpu.memref_squeeze %dma_start3A_817 : memref<1x128x16xf32, #tpu.memory_space<vmem>> -> memref<128x16xf32, #tpu.memory_space<vmem>>
      %dma_start3A_819 = arith.constant 0 : i32
      %dma_start3A_820 = tpu.memref_slice %arg7[%run_scoped3A_259, %run_scoped3A_260, %dma_start3A_819] : memref<2x8x128xi32, #tpu.memory_space<vmem>> -> memref<1x1x128xi32, #tpu.memory_space<vmem>>
      %dma_start3A_821 = tpu.memref_squeeze %dma_start3A_820 : memref<1x1x128xi32, #tpu.memory_space<vmem>> -> memref<128xi32, #tpu.memory_space<vmem>>
      %dma_start3A_822 = arith.constant 0 : i32
      %dma_start3A_823 = arith.constant 0 : i32
      %dma_start3A_824 = tpu.memref_slice %arg5[%dma_start3A_822, %dma_start3A_823] : memref<10240x16xf32, #tpu.memory_space<vmem_shared>> -> memref<10240x16xf32, #tpu.memory_space<vmem_shared>>
      tpu.enqueue_indirect_dma source(%dma_start3A_818 : memref<128x16xf32, #tpu.memory_space<vmem>>) target(%dma_start3A_824 : memref<10240x16xf32, #tpu.memory_space<vmem_shared>>) offsets(%dma_start3A_821 : memref<128xi32, #tpu.memory_space<vmem>>) semaphore(%run_scoped3A_814 : memref<!tpu.dma_semaphore, #tpu.memory_space<semaphore_mem>>) {add = true}
      %dma_wait3A_825 = arith.constant 128 : i32
      %dma_wait3A_826 = arith.constant 0 : i32
      %dma_wait3A_827 = tpu.memref_slice %arg6[%run_scoped3A_258, %dma_wait3A_825, %dma_wait3A_826] : memref<2x1024x16xf32, #tpu.memory_space<vmem>> -> memref<1x128x16xf32, #tpu.memory_space<vmem>>
      %dma_wait3A_828 = tpu.memref_squeeze %dma_wait3A_827 : memref<1x128x16xf32, #tpu.memory_space<vmem>> -> memref<128x16xf32, #tpu.memory_space<vmem>>
      %dma_wait3A_829 = arith.constant 0 : i32
      %dma_wait3A_830 = tpu.memref_slice %arg7[%run_scoped3A_259, %run_scoped3A_260, %dma_wait3A_829] : memref<2x8x128xi32, #tpu.memory_space<vmem>> -> memref<1x1x128xi32, #tpu.memory_space<vmem>>
      %dma_wait3A_831 = tpu.memref_squeeze %dma_wait3A_830 : memref<1x1x128xi32, #tpu.memory_space<vmem>> -> memref<128xi32, #tpu.memory_space<vmem>>
      %dma_wait3A_832 = arith.constant 0 : i32
      %dma_wait3A_833 = arith.constant 0 : i32
      %dma_wait3A_834 = tpu.memref_slice %arg5[%dma_wait3A_832, %dma_wait3A_833] : memref<10240x16xf32, #tpu.memory_space<vmem_shared>> -> memref<10240x16xf32, #tpu.memory_space<vmem_shared>>
      tpu.wait_indirect_dma semaphore(%run_scoped3A_814 : memref<!tpu.dma_semaphore, #tpu.memory_space<semaphore_mem>>) src(%dma_wait3A_828 : memref<128x16xf32, #tpu.memory_space<vmem>>) dst(%dma_wait3A_834 : memref<10240x16xf32, #tpu.memory_space<vmem_shared>>)
      tpu.yield
    }) : () -> ()
    %run_scoped3A_261 = arith.constant 0 : i32
    %run_scoped3A_262 = arith.constant 0 : i32
    %run_scoped3A_263 = arith.constant 2 : i32
    "tpu.region"() ({
      %run_scoped3A_814 = tpu.sem_alloc : memref<!tpu.dma_semaphore, #tpu.memory_space<semaphore_mem>>
      %dma_start3A_815 = arith.constant 256 : i32
      %dma_start3A_816 = arith.constant 0 : i32
      %dma_start3A_817 = tpu.memref_slice %arg6[%run_scoped3A_261, %dma_start3A_815, %dma_start3A_816] : memref<2x1024x16xf32, #tpu.memory_space<vmem>> -> memref<1x128x16xf32, #tpu.memory_space<vmem>>
      %dma_start3A_818 = tpu.memref_squeeze %dma_start3A_817 : memref<1x128x16xf32, #tpu.memory_space<vmem>> -> memref<128x16xf32, #tpu.memory_space<vmem>>
      %dma_start3A_819 = arith.constant 0 : i32
      %dma_start3A_820 = tpu.memref_slice %arg7[%run_scoped3A_262, %run_scoped3A_263, %dma_start3A_819] : memref<2x8x128xi32, #tpu.memory_space<vmem>> -> memref<1x1x128xi32, #tpu.memory_space<vmem>>
      %dma_start3A_821 = tpu.memref_squeeze %dma_start3A_820 : memref<1x1x128xi32, #tpu.memory_space<vmem>> -> memref<128xi32, #tpu.memory_space<vmem>>
      %dma_start3A_822 = arith.constant 0 : i32
      %dma_start3A_823 = arith.constant 0 : i32
      %dma_start3A_824 = tpu.memref_slice %arg5[%dma_start3A_822, %dma_start3A_823] : memref<10240x16xf32, #tpu.memory_space<vmem_shared>> -> memref<10240x16xf32, #tpu.memory_space<vmem_shared>>
      tpu.enqueue_indirect_dma source(%dma_start3A_818 : memref<128x16xf32, #tpu.memory_space<vmem>>) target(%dma_start3A_824 : memref<10240x16xf32, #tpu.memory_space<vmem_shared>>) offsets(%dma_start3A_821 : memref<128xi32, #tpu.memory_space<vmem>>) semaphore(%run_scoped3A_814 : memref<!tpu.dma_semaphore, #tpu.memory_space<semaphore_mem>>) {add = true}
      %dma_wait3A_825 = arith.constant 256 : i32
      %dma_wait3A_826 = arith.constant 0 : i32
      %dma_wait3A_827 = tpu.memref_slice %arg6[%run_scoped3A_261, %dma_wait3A_825, %dma_wait3A_826] : memref<2x1024x16xf32, #tpu.memory_space<vmem>> -> memref<1x128x16xf32, #tpu.memory_space<vmem>>
      %dma_wait3A_828 = tpu.memref_squeeze %dma_wait3A_827 : memref<1x128x16xf32, #tpu.memory_space<vmem>> -> memref<128x16xf32, #tpu.memory_space<vmem>>
      %dma_wait3A_829 = arith.constant 0 : i32
      %dma_wait3A_830 = tpu.memref_slice %arg7[%run_scoped3A_262, %run_scoped3A_263, %dma_wait3A_829] : memref<2x8x128xi32, #tpu.memory_space<vmem>> -> memref<1x1x128xi32, #tpu.memory_space<vmem>>
      %dma_wait3A_831 = tpu.memref_squeeze %dma_wait3A_830 : memref<1x1x128xi32, #tpu.memory_space<vmem>> -> memref<128xi32, #tpu.memory_space<vmem>>
      %dma_wait3A_832 = arith.constant 0 : i32
      %dma_wait3A_833 = arith.constant 0 : i32
      %dma_wait3A_834 = tpu.memref_slice %arg5[%dma_wait3A_832, %dma_wait3A_833] : memref<10240x16xf32, #tpu.memory_space<vmem_shared>> -> memref<10240x16xf32, #tpu.memory_space<vmem_shared>>
      tpu.wait_indirect_dma semaphore(%run_scoped3A_814 : memref<!tpu.dma_semaphore, #tpu.memory_space<semaphore_mem>>) src(%dma_wait3A_828 : memref<128x16xf32, #tpu.memory_space<vmem>>) dst(%dma_wait3A_834 : memref<10240x16xf32, #tpu.memory_space<vmem_shared>>)
      tpu.yield
    }) : () -> ()
    %run_scoped3A_264 = arith.constant 0 : i32
    %run_scoped3A_265 = arith.constant 0 : i32
    %run_scoped3A_266 = arith.constant 3 : i32
    "tpu.region"() ({
      %run_scoped3A_814 = tpu.sem_alloc : memref<!tpu.dma_semaphore, #tpu.memory_space<semaphore_mem>>
      %dma_start3A_815 = arith.constant 384 : i32
      %dma_start3A_816 = arith.constant 0 : i32
      %dma_start3A_817 = tpu.memref_slice %arg6[%run_scoped3A_264, %dma_start3A_815, %dma_start3A_816] : memref<2x1024x16xf32, #tpu.memory_space<vmem>> -> memref<1x128x16xf32, #tpu.memory_space<vmem>>
      %dma_start3A_818 = tpu.memref_squeeze %dma_start3A_817 : memref<1x128x16xf32, #tpu.memory_space<vmem>> -> memref<128x16xf32, #tpu.memory_space<vmem>>
      %dma_start3A_819 = arith.constant 0 : i32
      %dma_start3A_820 = tpu.memref_slice %arg7[%run_scoped3A_265, %run_scoped3A_266, %dma_start3A_819] : memref<2x8x128xi32, #tpu.memory_space<vmem>> -> memref<1x1x128xi32, #tpu.memory_space<vmem>>
      %dma_start3A_821 = tpu.memref_squeeze %dma_start3A_820 : memref<1x1x128xi32, #tpu.memory_space<vmem>> -> memref<128xi32, #tpu.memory_space<vmem>>
      %dma_start3A_822 = arith.constant 0 : i32
      %dma_start3A_823 = arith.constant 0 : i32
      %dma_start3A_824 = tpu.memref_slice %arg5[%dma_start3A_822, %dma_start3A_823] : memref<10240x16xf32, #tpu.memory_space<vmem_shared>> -> memref<10240x16xf32, #tpu.memory_space<vmem_shared>>
      tpu.enqueue_indirect_dma source(%dma_start3A_818 : memref<128x16xf32, #tpu.memory_space<vmem>>) target(%dma_start3A_824 : memref<10240x16xf32, #tpu.memory_space<vmem_shared>>) offsets(%dma_start3A_821 : memref<128xi32, #tpu.memory_space<vmem>>) semaphore(%run_scoped3A_814 : memref<!tpu.dma_semaphore, #tpu.memory_space<semaphore_mem>>) {add = true}
      %dma_wait3A_825 = arith.constant 384 : i32
      %dma_wait3A_826 = arith.constant 0 : i32
      %dma_wait3A_827 = tpu.memref_slice %arg6[%run_scoped3A_264, %dma_wait3A_825, %dma_wait3A_826] : memref<2x1024x16xf32, #tpu.memory_space<vmem>> -> memref<1x128x16xf32, #tpu.memory_space<vmem>>
      %dma_wait3A_828 = tpu.memref_squeeze %dma_wait3A_827 : memref<1x128x16xf32, #tpu.memory_space<vmem>> -> memref<128x16xf32, #tpu.memory_space<vmem>>
      %dma_wait3A_829 = arith.constant 0 : i32
      %dma_wait3A_830 = tpu.memref_slice %arg7[%run_scoped3A_265, %run_scoped3A_266, %dma_wait3A_829] : memref<2x8x128xi32, #tpu.memory_space<vmem>> -> memref<1x1x128xi32, #tpu.memory_space<vmem>>
      %dma_wait3A_831 = tpu.memref_squeeze %dma_wait3A_830 : memref<1x1x128xi32, #tpu.memory_space<vmem>> -> memref<128xi32, #tpu.memory_space<vmem>>
      %dma_wait3A_832 = arith.constant 0 : i32
      %dma_wait3A_833 = arith.constant 0 : i32
      %dma_wait3A_834 = tpu.memref_slice %arg5[%dma_wait3A_832, %dma_wait3A_833] : memref<10240x16xf32, #tpu.memory_space<vmem_shared>> -> memref<10240x16xf32, #tpu.memory_space<vmem_shared>>
      tpu.wait_indirect_dma semaphore(%run_scoped3A_814 : memref<!tpu.dma_semaphore, #tpu.memory_space<semaphore_mem>>) src(%dma_wait3A_828 : memref<128x16xf32, #tpu.memory_space<vmem>>) dst(%dma_wait3A_834 : memref<10240x16xf32, #tpu.memory_space<vmem_shared>>)
      tpu.yield
    }) : () -> ()
    %run_scoped3A_267 = arith.constant 0 : i32
    %run_scoped3A_268 = arith.constant 0 : i32
    %run_scoped3A_269 = arith.constant 4 : i32
    "tpu.region"() ({
      %run_scoped3A_814 = tpu.sem_alloc : memref<!tpu.dma_semaphore, #tpu.memory_space<semaphore_mem>>
      %dma_start3A_815 = arith.constant 512 : i32
      %dma_start3A_816 = arith.constant 0 : i32
      %dma_start3A_817 = tpu.memref_slice %arg6[%run_scoped3A_267, %dma_start3A_815, %dma_start3A_816] : memref<2x1024x16xf32, #tpu.memory_space<vmem>> -> memref<1x128x16xf32, #tpu.memory_space<vmem>>
      %dma_start3A_818 = tpu.memref_squeeze %dma_start3A_817 : memref<1x128x16xf32, #tpu.memory_space<vmem>> -> memref<128x16xf32, #tpu.memory_space<vmem>>
      %dma_start3A_819 = arith.constant 0 : i32
      %dma_start3A_820 = tpu.memref_slice %arg7[%run_scoped3A_268, %run_scoped3A_269, %dma_start3A_819] : memref<2x8x128xi32, #tpu.memory_space<vmem>> -> memref<1x1x128xi32, #tpu.memory_space<vmem>>
      %dma_start3A_821 = tpu.memref_squeeze %dma_start3A_820 : memref<1x1x128xi32, #tpu.memory_space<vmem>> -> memref<128xi32, #tpu.memory_space<vmem>>
      %dma_start3A_822 = arith.constant 0 : i32
      %dma_start3A_823 = arith.constant 0 : i32
      %dma_start3A_824 = tpu.memref_slice %arg5[%dma_start3A_822, %dma_start3A_823] : memref<10240x16xf32, #tpu.memory_space<vmem_shared>> -> memref<10240x16xf32, #tpu.memory_space<vmem_shared>>
      tpu.enqueue_indirect_dma source(%dma_start3A_818 : memref<128x16xf32, #tpu.memory_space<vmem>>) target(%dma_start3A_824 : memref<10240x16xf32, #tpu.memory_space<vmem_shared>>) offsets(%dma_start3A_821 : memref<128xi32, #tpu.memory_space<vmem>>) semaphore(%run_scoped3A_814 : memref<!tpu.dma_semaphore, #tpu.memory_space<semaphore_mem>>) {add = true}
      %dma_wait3A_825 = arith.constant 512 : i32
      %dma_wait3A_826 = arith.constant 0 : i32
      %dma_wait3A_827 = tpu.memref_slice %arg6[%run_scoped3A_267, %dma_wait3A_825, %dma_wait3A_826] : memref<2x1024x16xf32, #tpu.memory_space<vmem>> -> memref<1x128x16xf32, #tpu.memory_space<vmem>>
      %dma_wait3A_828 = tpu.memref_squeeze %dma_wait3A_827 : memref<1x128x16xf32, #tpu.memory_space<vmem>> -> memref<128x16xf32, #tpu.memory_space<vmem>>
      %dma_wait3A_829 = arith.constant 0 : i32
      %dma_wait3A_830 = tpu.memref_slice %arg7[%run_scoped3A_268, %run_scoped3A_269, %dma_wait3A_829] : memref<2x8x128xi32, #tpu.memory_space<vmem>> -> memref<1x1x128xi32, #tpu.memory_space<vmem>>
      %dma_wait3A_831 = tpu.memref_squeeze %dma_wait3A_830 : memref<1x1x128xi32, #tpu.memory_space<vmem>> -> memref<128xi32, #tpu.memory_space<vmem>>
      %dma_wait3A_832 = arith.constant 0 : i32
      %dma_wait3A_833 = arith.constant 0 : i32
      %dma_wait3A_834 = tpu.memref_slice %arg5[%dma_wait3A_832, %dma_wait3A_833] : memref<10240x16xf32, #tpu.memory_space<vmem_shared>> -> memref<10240x16xf32, #tpu.memory_space<vmem_shared>>
      tpu.wait_indirect_dma semaphore(%run_scoped3A_814 : memref<!tpu.dma_semaphore, #tpu.memory_space<semaphore_mem>>) src(%dma_wait3A_828 : memref<128x16xf32, #tpu.memory_space<vmem>>) dst(%dma_wait3A_834 : memref<10240x16xf32, #tpu.memory_space<vmem_shared>>)
      tpu.yield
    }) : () -> ()
    %run_scoped3A_270 = arith.constant 0 : i32
    %run_scoped3A_271 = arith.constant 0 : i32
    %run_scoped3A_272 = arith.constant 5 : i32
    "tpu.region"() ({
      %run_scoped3A_814 = tpu.sem_alloc : memref<!tpu.dma_semaphore, #tpu.memory_space<semaphore_mem>>
      %dma_start3A_815 = arith.constant 640 : i32
      %dma_start3A_816 = arith.constant 0 : i32
      %dma_start3A_817 = tpu.memref_slice %arg6[%run_scoped3A_270, %dma_start3A_815, %dma_start3A_816] : memref<2x1024x16xf32, #tpu.memory_space<vmem>> -> memref<1x128x16xf32, #tpu.memory_space<vmem>>
      %dma_start3A_818 = tpu.memref_squeeze %dma_start3A_817 : memref<1x128x16xf32, #tpu.memory_space<vmem>> -> memref<128x16xf32, #tpu.memory_space<vmem>>
      %dma_start3A_819 = arith.constant 0 : i32
      %dma_start3A_820 = tpu.memref_slice %arg7[%run_scoped3A_271, %run_scoped3A_272, %dma_start3A_819] : memref<2x8x128xi32, #tpu.memory_space<vmem>> -> memref<1x1x128xi32, #tpu.memory_space<vmem>>
      %dma_start3A_821 = tpu.memref_squeeze %dma_start3A_820 : memref<1x1x128xi32, #tpu.memory_space<vmem>> -> memref<128xi32, #tpu.memory_space<vmem>>
      %dma_start3A_822 = arith.constant 0 : i32
      %dma_start3A_823 = arith.constant 0 : i32
      %dma_start3A_824 = tpu.memref_slice %arg5[%dma_start3A_822, %dma_start3A_823] : memref<10240x16xf32, #tpu.memory_space<vmem_shared>> -> memref<10240x16xf32, #tpu.memory_space<vmem_shared>>
      tpu.enqueue_indirect_dma source(%dma_start3A_818 : memref<128x16xf32, #tpu.memory_space<vmem>>) target(%dma_start3A_824 : memref<10240x16xf32, #tpu.memory_space<vmem_shared>>) offsets(%dma_start3A_821 : memref<128xi32, #tpu.memory_space<vmem>>) semaphore(%run_scoped3A_814 : memref<!tpu.dma_semaphore, #tpu.memory_space<semaphore_mem>>) {add = true}
      %dma_wait3A_825 = arith.constant 640 : i32
      %dma_wait3A_826 = arith.constant 0 : i32
      %dma_wait3A_827 = tpu.memref_slice %arg6[%run_scoped3A_270, %dma_wait3A_825, %dma_wait3A_826] : memref<2x1024x16xf32, #tpu.memory_space<vmem>> -> memref<1x128x16xf32, #tpu.memory_space<vmem>>
      %dma_wait3A_828 = tpu.memref_squeeze %dma_wait3A_827 : memref<1x128x16xf32, #tpu.memory_space<vmem>> -> memref<128x16xf32, #tpu.memory_space<vmem>>
      %dma_wait3A_829 = arith.constant 0 : i32
      %dma_wait3A_830 = tpu.memref_slice %arg7[%run_scoped3A_271, %run_scoped3A_272, %dma_wait3A_829] : memref<2x8x128xi32, #tpu.memory_space<vmem>> -> memref<1x1x128xi32, #tpu.memory_space<vmem>>
      %dma_wait3A_831 = tpu.memref_squeeze %dma_wait3A_830 : memref<1x1x128xi32, #tpu.memory_space<vmem>> -> memref<128xi32, #tpu.memory_space<vmem>>
      %dma_wait3A_832 = arith.constant 0 : i32
      %dma_wait3A_833 = arith.constant 0 : i32
      %dma_wait3A_834 = tpu.memref_slice %arg5[%dma_wait3A_832, %dma_wait3A_833] : memref<10240x16xf32, #tpu.memory_space<vmem_shared>> -> memref<10240x16xf32, #tpu.memory_space<vmem_shared>>
      tpu.wait_indirect_dma semaphore(%run_scoped3A_814 : memref<!tpu.dma_semaphore, #tpu.memory_space<semaphore_mem>>) src(%dma_wait3A_828 : memref<128x16xf32, #tpu.memory_space<vmem>>) dst(%dma_wait3A_834 : memref<10240x16xf32, #tpu.memory_space<vmem_shared>>)
      tpu.yield
    }) : () -> ()
    %run_scoped3A_273 = arith.constant 0 : i32
    %run_scoped3A_274 = arith.constant 0 : i32
    %run_scoped3A_275 = arith.constant 6 : i32
    "tpu.region"() ({
      %run_scoped3A_814 = tpu.sem_alloc : memref<!tpu.dma_semaphore, #tpu.memory_space<semaphore_mem>>
      %dma_start3A_815 = arith.constant 768 : i32
      %dma_start3A_816 = arith.constant 0 : i32
      %dma_start3A_817 = tpu.memref_slice %arg6[%run_scoped3A_273, %dma_start3A_815, %dma_start3A_816] : memref<2x1024x16xf32, #tpu.memory_space<vmem>> -> memref<1x128x16xf32, #tpu.memory_space<vmem>>
      %dma_start3A_818 = tpu.memref_squeeze %dma_start3A_817 : memref<1x128x16xf32, #tpu.memory_space<vmem>> -> memref<128x16xf32, #tpu.memory_space<vmem>>
      %dma_start3A_819 = arith.constant 0 : i32
      %dma_start3A_820 = tpu.memref_slice %arg7[%run_scoped3A_274, %run_scoped3A_275, %dma_start3A_819] : memref<2x8x128xi32, #tpu.memory_space<vmem>> -> memref<1x1x128xi32, #tpu.memory_space<vmem>>
      %dma_start3A_821 = tpu.memref_squeeze %dma_start3A_820 : memref<1x1x128xi32, #tpu.memory_space<vmem>> -> memref<128xi32, #tpu.memory_space<vmem>>
      %dma_start3A_822 = arith.constant 0 : i32
      %dma_start3A_823 = arith.constant 0 : i32
      %dma_start3A_824 = tpu.memref_slice %arg5[%dma_start3A_822, %dma_start3A_823] : memref<10240x16xf32, #tpu.memory_space<vmem_shared>> -> memref<10240x16xf32, #tpu.memory_space<vmem_shared>>
      tpu.enqueue_indirect_dma source(%dma_start3A_818 : memref<128x16xf32, #tpu.memory_space<vmem>>) target(%dma_start3A_824 : memref<10240x16xf32, #tpu.memory_space<vmem_shared>>) offsets(%dma_start3A_821 : memref<128xi32, #tpu.memory_space<vmem>>) semaphore(%run_scoped3A_814 : memref<!tpu.dma_semaphore, #tpu.memory_space<semaphore_mem>>) {add = true}
      %dma_wait3A_825 = arith.constant 768 : i32
      %dma_wait3A_826 = arith.constant 0 : i32
      %dma_wait3A_827 = tpu.memref_slice %arg6[%run_scoped3A_273, %dma_wait3A_825, %dma_wait3A_826] : memref<2x1024x16xf32, #tpu.memory_space<vmem>> -> memref<1x128x16xf32, #tpu.memory_space<vmem>>
      %dma_wait3A_828 = tpu.memref_squeeze %dma_wait3A_827 : memref<1x128x16xf32, #tpu.memory_space<vmem>> -> memref<128x16xf32, #tpu.memory_space<vmem>>
      %dma_wait3A_829 = arith.constant 0 : i32
      %dma_wait3A_830 = tpu.memref_slice %arg7[%run_scoped3A_274, %run_scoped3A_275, %dma_wait3A_829] : memref<2x8x128xi32, #tpu.memory_space<vmem>> -> memref<1x1x128xi32, #tpu.memory_space<vmem>>
      %dma_wait3A_831 = tpu.memref_squeeze %dma_wait3A_830 : memref<1x1x128xi32, #tpu.memory_space<vmem>> -> memref<128xi32, #tpu.memory_space<vmem>>
      %dma_wait3A_832 = arith.constant 0 : i32
      %dma_wait3A_833 = arith.constant 0 : i32
      %dma_wait3A_834 = tpu.memref_slice %arg5[%dma_wait3A_832, %dma_wait3A_833] : memref<10240x16xf32, #tpu.memory_space<vmem_shared>> -> memref<10240x16xf32, #tpu.memory_space<vmem_shared>>
      tpu.wait_indirect_dma semaphore(%run_scoped3A_814 : memref<!tpu.dma_semaphore, #tpu.memory_space<semaphore_mem>>) src(%dma_wait3A_828 : memref<128x16xf32, #tpu.memory_space<vmem>>) dst(%dma_wait3A_834 : memref<10240x16xf32, #tpu.memory_space<vmem_shared>>)
      tpu.yield
    }) : () -> ()
    %run_scoped3A_276 = arith.constant 0 : i32
    %run_scoped3A_277 = arith.constant 0 : i32
    %run_scoped3A_278 = arith.constant 7 : i32
    "tpu.region"() ({
      %run_scoped3A_814 = tpu.sem_alloc : memref<!tpu.dma_semaphore, #tpu.memory_space<semaphore_mem>>
      %dma_start3A_815 = arith.constant 896 : i32
      %dma_start3A_816 = arith.constant 0 : i32
      %dma_start3A_817 = tpu.memref_slice %arg6[%run_scoped3A_276, %dma_start3A_815, %dma_start3A_816] : memref<2x1024x16xf32, #tpu.memory_space<vmem>> -> memref<1x128x16xf32, #tpu.memory_space<vmem>>
      %dma_start3A_818 = tpu.memref_squeeze %dma_start3A_817 : memref<1x128x16xf32, #tpu.memory_space<vmem>> -> memref<128x16xf32, #tpu.memory_space<vmem>>
      %dma_start3A_819 = arith.constant 0 : i32
      %dma_start3A_820 = tpu.memref_slice %arg7[%run_scoped3A_277, %run_scoped3A_278, %dma_start3A_819] : memref<2x8x128xi32, #tpu.memory_space<vmem>> -> memref<1x1x128xi32, #tpu.memory_space<vmem>>
      %dma_start3A_821 = tpu.memref_squeeze %dma_start3A_820 : memref<1x1x128xi32, #tpu.memory_space<vmem>> -> memref<128xi32, #tpu.memory_space<vmem>>
      %dma_start3A_822 = arith.constant 0 : i32
      %dma_start3A_823 = arith.constant 0 : i32
      %dma_start3A_824 = tpu.memref_slice %arg5[%dma_start3A_822, %dma_start3A_823] : memref<10240x16xf32, #tpu.memory_space<vmem_shared>> -> memref<10240x16xf32, #tpu.memory_space<vmem_shared>>
      tpu.enqueue_indirect_dma source(%dma_start3A_818 : memref<128x16xf32, #tpu.memory_space<vmem>>) target(%dma_start3A_824 : memref<10240x16xf32, #tpu.memory_space<vmem_shared>>) offsets(%dma_start3A_821 : memref<128xi32, #tpu.memory_space<vmem>>) semaphore(%run_scoped3A_814 : memref<!tpu.dma_semaphore, #tpu.memory_space<semaphore_mem>>) {add = true}
      %dma_wait3A_825 = arith.constant 896 : i32
      %dma_wait3A_826 = arith.constant 0 : i32
      %dma_wait3A_827 = tpu.memref_slice %arg6[%run_scoped3A_276, %dma_wait3A_825, %dma_wait3A_826] : memref<2x1024x16xf32, #tpu.memory_space<vmem>> -> memref<1x128x16xf32, #tpu.memory_space<vmem>>
      %dma_wait3A_828 = tpu.memref_squeeze %dma_wait3A_827 : memref<1x128x16xf32, #tpu.memory_space<vmem>> -> memref<128x16xf32, #tpu.memory_space<vmem>>
      %dma_wait3A_829 = arith.constant 0 : i32
      %dma_wait3A_830 = tpu.memref_slice %arg7[%run_scoped3A_277, %run_scoped3A_278, %dma_wait3A_829] : memref<2x8x128xi32, #tpu.memory_space<vmem>> -> memref<1x1x128xi32, #tpu.memory_space<vmem>>
      %dma_wait3A_831 = tpu.memref_squeeze %dma_wait3A_830 : memref<1x1x128xi32, #tpu.memory_space<vmem>> -> memref<128xi32, #tpu.memory_space<vmem>>
      %dma_wait3A_832 = arith.constant 0 : i32
      %dma_wait3A_833 = arith.constant 0 : i32
      %dma_wait3A_834 = tpu.memref_slice %arg5[%dma_wait3A_832, %dma_wait3A_833] : memref<10240x16xf32, #tpu.memory_space<vmem_shared>> -> memref<10240x16xf32, #tpu.memory_space<vmem_shared>>
      tpu.wait_indirect_dma semaphore(%run_scoped3A_814 : memref<!tpu.dma_semaphore, #tpu.memory_space<semaphore_mem>>) src(%dma_wait3A_828 : memref<128x16xf32, #tpu.memory_space<vmem>>) dst(%dma_wait3A_834 : memref<10240x16xf32, #tpu.memory_space<vmem_shared>>)
      tpu.yield
    }) : () -> ()
    %dma_wait3A_279 = arith.constant 1 : i32
    %dma_wait3A_280 = arith.constant 0 : i32
    %dma_wait3A_281 = arith.constant 0 : i32
    %dma_wait3A_282 = tpu.memref_slice %arg7[%dma_wait3A_279, %dma_wait3A_280, %dma_wait3A_281] : memref<2x8x128xi32, #tpu.memory_space<vmem>> -> memref<1x8x128xi32, #tpu.memory_space<vmem>>
    %dma_wait3A_283 = tpu.memref_squeeze %dma_wait3A_282 : memref<1x8x128xi32, #tpu.memory_space<vmem>> -> memref<8x128xi32, #tpu.memory_space<vmem>>
    %dma_wait3A_284 = arith.constant 0 : i32
    %dma_wait3A_285 = tpu.memref_slice %arg3[%add3A_226, %dma_wait3A_284] : memref<2560x128xi32, #tpu.memory_space<hbm>> -> memref<8x128xi32, #tpu.memory_space<hbm>>
    %dma_wait3A_286 = arith.constant 0 : i32
    %dma_wait3A_287 = arith.constant 0 : i32
    %dma_wait3A_288 = tpu.memref_slice %arg7[%dma_wait3A_279, %dma_wait3A_286, %dma_wait3A_287] : memref<2x8x128xi32, #tpu.memory_space<vmem>> -> memref<1x8x128xi32, #tpu.memory_space<vmem>>
    %dma_wait3A_289 = tpu.memref_squeeze %dma_wait3A_288 : memref<1x8x128xi32, #tpu.memory_space<vmem>> -> memref<8x128xi32, #tpu.memory_space<vmem>>
    %dma_wait3A_290 = arith.constant 0 : i32
    %dma_wait3A_291 = tpu.memref_slice %arg3[%add3A_226, %dma_wait3A_290] : memref<2560x128xi32, #tpu.memory_space<hbm>> -> memref<8x128xi32, #tpu.memory_space<hbm>>
    tpu.wait_dma2 semaphore(%arg8 : memref<!tpu.dma_semaphore, #tpu.memory_space<semaphore_mem>>) src(%dma_wait3A_291 : memref<8x128xi32, #tpu.memory_space<hbm>>) dst(%dma_wait3A_289 : memref<8x128xi32, #tpu.memory_space<vmem>>)
    %dma_wait3A_292 = arith.constant 1 : i32
    %dma_wait3A_293 = arith.constant 0 : i32
    %dma_wait3A_294 = arith.constant 0 : i32
    %dma_wait3A_295 = tpu.memref_slice %arg6[%dma_wait3A_292, %dma_wait3A_293, %dma_wait3A_294] : memref<2x1024x16xf32, #tpu.memory_space<vmem>> -> memref<1x1024x16xf32, #tpu.memory_space<vmem>>
    %dma_wait3A_296 = tpu.memref_squeeze %dma_wait3A_295 : memref<1x1024x16xf32, #tpu.memory_space<vmem>> -> memref<1024x16xf32, #tpu.memory_space<vmem>>
    %dma_wait3A_297 = arith.constant 0 : i32
    %dma_wait3A_298 = tpu.memref_slice %arg2[%mul3A_241, %dma_wait3A_297] : memref<327680x16xf32, #tpu.memory_space<hbm>> -> memref<1024x16xf32, #tpu.memory_space<hbm>>
    %dma_wait3A_299 = arith.constant 0 : i32
    %dma_wait3A_300 = arith.constant 0 : i32
    %dma_wait3A_301 = tpu.memref_slice %arg6[%dma_wait3A_292, %dma_wait3A_299, %dma_wait3A_300] : memref<2x1024x16xf32, #tpu.memory_space<vmem>> -> memref<1x1024x16xf32, #tpu.memory_space<vmem>>
    %dma_wait3A_302 = tpu.memref_squeeze %dma_wait3A_301 : memref<1x1024x16xf32, #tpu.memory_space<vmem>> -> memref<1024x16xf32, #tpu.memory_space<vmem>>
    %dma_wait3A_303 = arith.constant 0 : i32
    %dma_wait3A_304 = tpu.memref_slice %arg2[%mul3A_241, %dma_wait3A_303] : memref<327680x16xf32, #tpu.memory_space<hbm>> -> memref<1024x16xf32, #tpu.memory_space<hbm>>
    tpu.wait_dma2 semaphore(%arg8 : memref<!tpu.dma_semaphore, #tpu.memory_space<semaphore_mem>>) src(%dma_wait3A_304 : memref<1024x16xf32, #tpu.memory_space<hbm>>) dst(%dma_wait3A_302 : memref<1024x16xf32, #tpu.memory_space<vmem>>)
    %add3A_305 = arith.constant 32 : i32
    %add3A_306 = arith.addi %mul3A_2, %add3A_305 : i32
    %dma_start3A_307 = arith.constant 0 : i32
    %dma_start3A_308 = arith.constant 0 : i32
    %dma_start3A_309 = arith.constant 0 : i32
    %dma_start3A_310 = tpu.memref_slice %arg7[%dma_start3A_307, %dma_start3A_308, %dma_start3A_309] : memref<2x8x128xi32, #tpu.memory_space<vmem>> -> memref<1x8x128xi32, #tpu.memory_space<vmem>>
    %dma_start3A_311 = tpu.memref_squeeze %dma_start3A_310 : memref<1x8x128xi32, #tpu.memory_space<vmem>> -> memref<8x128xi32, #tpu.memory_space<vmem>>
    %dma_start3A_312 = arith.constant 0 : i32
    %dma_start3A_313 = tpu.memref_slice %arg3[%add3A_306, %dma_start3A_312] : memref<2560x128xi32, #tpu.memory_space<hbm>> -> memref<8x128xi32, #tpu.memory_space<hbm>>
    %dma_start3A_314 = arith.constant 0 : i32
    %dma_start3A_315 = arith.constant 0 : i32
    %dma_start3A_316 = tpu.memref_slice %arg7[%dma_start3A_307, %dma_start3A_314, %dma_start3A_315] : memref<2x8x128xi32, #tpu.memory_space<vmem>> -> memref<1x8x128xi32, #tpu.memory_space<vmem>>
    %dma_start3A_317 = tpu.memref_squeeze %dma_start3A_316 : memref<1x8x128xi32, #tpu.memory_space<vmem>> -> memref<8x128xi32, #tpu.memory_space<vmem>>
    %dma_start3A_318 = arith.constant 0 : i32
    %dma_start3A_319 = tpu.memref_slice %arg3[%add3A_306, %dma_start3A_318] : memref<2560x128xi32, #tpu.memory_space<hbm>> -> memref<8x128xi32, #tpu.memory_space<hbm>>
    tpu.enqueue_dma source(%dma_start3A_319 : memref<8x128xi32, #tpu.memory_space<hbm>>) target(%dma_start3A_317 : memref<8x128xi32, #tpu.memory_space<vmem>>) target_semaphore(%arg8 : memref<!tpu.dma_semaphore, #tpu.memory_space<semaphore_mem>>)
    %mul3A_320 = arith.constant 128 : i32
    %mul3A_321 = arith.muli %add3A_306, %mul3A_320 : i32
    %dma_start3A_322 = arith.constant 0 : i32
    %dma_start3A_323 = arith.constant 0 : i32
    %dma_start3A_324 = arith.constant 0 : i32
    %dma_start3A_325 = tpu.memref_slice %arg6[%dma_start3A_322, %dma_start3A_323, %dma_start3A_324] : memref<2x1024x16xf32, #tpu.memory_space<vmem>> -> memref<1x1024x16xf32, #tpu.memory_space<vmem>>
    %dma_start3A_326 = tpu.memref_squeeze %dma_start3A_325 : memref<1x1024x16xf32, #tpu.memory_space<vmem>> -> memref<1024x16xf32, #tpu.memory_space<vmem>>
    %dma_start3A_327 = arith.constant 0 : i32
    %dma_start3A_328 = tpu.memref_slice %arg2[%mul3A_321, %dma_start3A_327] : memref<327680x16xf32, #tpu.memory_space<hbm>> -> memref<1024x16xf32, #tpu.memory_space<hbm>>
    %dma_start3A_329 = arith.constant 0 : i32
    %dma_start3A_330 = arith.constant 0 : i32
    %dma_start3A_331 = tpu.memref_slice %arg6[%dma_start3A_322, %dma_start3A_329, %dma_start3A_330] : memref<2x1024x16xf32, #tpu.memory_space<vmem>> -> memref<1x1024x16xf32, #tpu.memory_space<vmem>>
    %dma_start3A_332 = tpu.memref_squeeze %dma_start3A_331 : memref<1x1024x16xf32, #tpu.memory_space<vmem>> -> memref<1024x16xf32, #tpu.memory_space<vmem>>
    %dma_start3A_333 = arith.constant 0 : i32
    %dma_start3A_334 = tpu.memref_slice %arg2[%mul3A_321, %dma_start3A_333] : memref<327680x16xf32, #tpu.memory_space<hbm>> -> memref<1024x16xf32, #tpu.memory_space<hbm>>
    tpu.enqueue_dma source(%dma_start3A_334 : memref<1024x16xf32, #tpu.memory_space<hbm>>) target(%dma_start3A_332 : memref<1024x16xf32, #tpu.memory_space<vmem>>) target_semaphore(%arg8 : memref<!tpu.dma_semaphore, #tpu.memory_space<semaphore_mem>>)
    %run_scoped3A_335 = arith.constant 1 : i32
    %run_scoped3A_336 = arith.constant 1 : i32
    %run_scoped3A_337 = arith.constant 0 : i32
    "tpu.region"() ({
      %run_scoped3A_814 = tpu.sem_alloc : memref<!tpu.dma_semaphore, #tpu.memory_space<semaphore_mem>>
      %dma_start3A_815 = arith.constant 0 : i32
      %dma_start3A_816 = arith.constant 0 : i32
      %dma_start3A_817 = tpu.memref_slice %arg6[%run_scoped3A_335, %dma_start3A_815, %dma_start3A_816] : memref<2x1024x16xf32, #tpu.memory_space<vmem>> -> memref<1x128x16xf32, #tpu.memory_space<vmem>>
      %dma_start3A_818 = tpu.memref_squeeze %dma_start3A_817 : memref<1x128x16xf32, #tpu.memory_space<vmem>> -> memref<128x16xf32, #tpu.memory_space<vmem>>
      %dma_start3A_819 = arith.constant 0 : i32
      %dma_start3A_820 = tpu.memref_slice %arg7[%run_scoped3A_336, %run_scoped3A_337, %dma_start3A_819] : memref<2x8x128xi32, #tpu.memory_space<vmem>> -> memref<1x1x128xi32, #tpu.memory_space<vmem>>
      %dma_start3A_821 = tpu.memref_squeeze %dma_start3A_820 : memref<1x1x128xi32, #tpu.memory_space<vmem>> -> memref<128xi32, #tpu.memory_space<vmem>>
      %dma_start3A_822 = arith.constant 0 : i32
      %dma_start3A_823 = arith.constant 0 : i32
      %dma_start3A_824 = tpu.memref_slice %arg5[%dma_start3A_822, %dma_start3A_823] : memref<10240x16xf32, #tpu.memory_space<vmem_shared>> -> memref<10240x16xf32, #tpu.memory_space<vmem_shared>>
      tpu.enqueue_indirect_dma source(%dma_start3A_818 : memref<128x16xf32, #tpu.memory_space<vmem>>) target(%dma_start3A_824 : memref<10240x16xf32, #tpu.memory_space<vmem_shared>>) offsets(%dma_start3A_821 : memref<128xi32, #tpu.memory_space<vmem>>) semaphore(%run_scoped3A_814 : memref<!tpu.dma_semaphore, #tpu.memory_space<semaphore_mem>>) {add = true}
      %dma_wait3A_825 = arith.constant 0 : i32
      %dma_wait3A_826 = arith.constant 0 : i32
      %dma_wait3A_827 = tpu.memref_slice %arg6[%run_scoped3A_335, %dma_wait3A_825, %dma_wait3A_826] : memref<2x1024x16xf32, #tpu.memory_space<vmem>> -> memref<1x128x16xf32, #tpu.memory_space<vmem>>
      %dma_wait3A_828 = tpu.memref_squeeze %dma_wait3A_827 : memref<1x128x16xf32, #tpu.memory_space<vmem>> -> memref<128x16xf32, #tpu.memory_space<vmem>>
      %dma_wait3A_829 = arith.constant 0 : i32
      %dma_wait3A_830 = tpu.memref_slice %arg7[%run_scoped3A_336, %run_scoped3A_337, %dma_wait3A_829] : memref<2x8x128xi32, #tpu.memory_space<vmem>> -> memref<1x1x128xi32, #tpu.memory_space<vmem>>
      %dma_wait3A_831 = tpu.memref_squeeze %dma_wait3A_830 : memref<1x1x128xi32, #tpu.memory_space<vmem>> -> memref<128xi32, #tpu.memory_space<vmem>>
      %dma_wait3A_832 = arith.constant 0 : i32
      %dma_wait3A_833 = arith.constant 0 : i32
      %dma_wait3A_834 = tpu.memref_slice %arg5[%dma_wait3A_832, %dma_wait3A_833] : memref<10240x16xf32, #tpu.memory_space<vmem_shared>> -> memref<10240x16xf32, #tpu.memory_space<vmem_shared>>
      tpu.wait_indirect_dma semaphore(%run_scoped3A_814 : memref<!tpu.dma_semaphore, #tpu.memory_space<semaphore_mem>>) src(%dma_wait3A_828 : memref<128x16xf32, #tpu.memory_space<vmem>>) dst(%dma_wait3A_834 : memref<10240x16xf32, #tpu.memory_space<vmem_shared>>)
      tpu.yield
    }) : () -> ()
    %run_scoped3A_338 = arith.constant 1 : i32
    %run_scoped3A_339 = arith.constant 1 : i32
    %run_scoped3A_340 = arith.constant 1 : i32
    "tpu.region"() ({
      %run_scoped3A_814 = tpu.sem_alloc : memref<!tpu.dma_semaphore, #tpu.memory_space<semaphore_mem>>
      %dma_start3A_815 = arith.constant 128 : i32
      %dma_start3A_816 = arith.constant 0 : i32
      %dma_start3A_817 = tpu.memref_slice %arg6[%run_scoped3A_338, %dma_start3A_815, %dma_start3A_816] : memref<2x1024x16xf32, #tpu.memory_space<vmem>> -> memref<1x128x16xf32, #tpu.memory_space<vmem>>
      %dma_start3A_818 = tpu.memref_squeeze %dma_start3A_817 : memref<1x128x16xf32, #tpu.memory_space<vmem>> -> memref<128x16xf32, #tpu.memory_space<vmem>>
      %dma_start3A_819 = arith.constant 0 : i32
      %dma_start3A_820 = tpu.memref_slice %arg7[%run_scoped3A_339, %run_scoped3A_340, %dma_start3A_819] : memref<2x8x128xi32, #tpu.memory_space<vmem>> -> memref<1x1x128xi32, #tpu.memory_space<vmem>>
      %dma_start3A_821 = tpu.memref_squeeze %dma_start3A_820 : memref<1x1x128xi32, #tpu.memory_space<vmem>> -> memref<128xi32, #tpu.memory_space<vmem>>
      %dma_start3A_822 = arith.constant 0 : i32
      %dma_start3A_823 = arith.constant 0 : i32
      %dma_start3A_824 = tpu.memref_slice %arg5[%dma_start3A_822, %dma_start3A_823] : memref<10240x16xf32, #tpu.memory_space<vmem_shared>> -> memref<10240x16xf32, #tpu.memory_space<vmem_shared>>
      tpu.enqueue_indirect_dma source(%dma_start3A_818 : memref<128x16xf32, #tpu.memory_space<vmem>>) target(%dma_start3A_824 : memref<10240x16xf32, #tpu.memory_space<vmem_shared>>) offsets(%dma_start3A_821 : memref<128xi32, #tpu.memory_space<vmem>>) semaphore(%run_scoped3A_814 : memref<!tpu.dma_semaphore, #tpu.memory_space<semaphore_mem>>) {add = true}
      %dma_wait3A_825 = arith.constant 128 : i32
      %dma_wait3A_826 = arith.constant 0 : i32
      %dma_wait3A_827 = tpu.memref_slice %arg6[%run_scoped3A_338, %dma_wait3A_825, %dma_wait3A_826] : memref<2x1024x16xf32, #tpu.memory_space<vmem>> -> memref<1x128x16xf32, #tpu.memory_space<vmem>>
      %dma_wait3A_828 = tpu.memref_squeeze %dma_wait3A_827 : memref<1x128x16xf32, #tpu.memory_space<vmem>> -> memref<128x16xf32, #tpu.memory_space<vmem>>
      %dma_wait3A_829 = arith.constant 0 : i32
      %dma_wait3A_830 = tpu.memref_slice %arg7[%run_scoped3A_339, %run_scoped3A_340, %dma_wait3A_829] : memref<2x8x128xi32, #tpu.memory_space<vmem>> -> memref<1x1x128xi32, #tpu.memory_space<vmem>>
      %dma_wait3A_831 = tpu.memref_squeeze %dma_wait3A_830 : memref<1x1x128xi32, #tpu.memory_space<vmem>> -> memref<128xi32, #tpu.memory_space<vmem>>
      %dma_wait3A_832 = arith.constant 0 : i32
      %dma_wait3A_833 = arith.constant 0 : i32
      %dma_wait3A_834 = tpu.memref_slice %arg5[%dma_wait3A_832, %dma_wait3A_833] : memref<10240x16xf32, #tpu.memory_space<vmem_shared>> -> memref<10240x16xf32, #tpu.memory_space<vmem_shared>>
      tpu.wait_indirect_dma semaphore(%run_scoped3A_814 : memref<!tpu.dma_semaphore, #tpu.memory_space<semaphore_mem>>) src(%dma_wait3A_828 : memref<128x16xf32, #tpu.memory_space<vmem>>) dst(%dma_wait3A_834 : memref<10240x16xf32, #tpu.memory_space<vmem_shared>>)
      tpu.yield
    }) : () -> ()
    %run_scoped3A_341 = arith.constant 1 : i32
    %run_scoped3A_342 = arith.constant 1 : i32
    %run_scoped3A_343 = arith.constant 2 : i32
    "tpu.region"() ({
      %run_scoped3A_814 = tpu.sem_alloc : memref<!tpu.dma_semaphore, #tpu.memory_space<semaphore_mem>>
      %dma_start3A_815 = arith.constant 256 : i32
      %dma_start3A_816 = arith.constant 0 : i32
      %dma_start3A_817 = tpu.memref_slice %arg6[%run_scoped3A_341, %dma_start3A_815, %dma_start3A_816] : memref<2x1024x16xf32, #tpu.memory_space<vmem>> -> memref<1x128x16xf32, #tpu.memory_space<vmem>>
      %dma_start3A_818 = tpu.memref_squeeze %dma_start3A_817 : memref<1x128x16xf32, #tpu.memory_space<vmem>> -> memref<128x16xf32, #tpu.memory_space<vmem>>
      %dma_start3A_819 = arith.constant 0 : i32
      %dma_start3A_820 = tpu.memref_slice %arg7[%run_scoped3A_342, %run_scoped3A_343, %dma_start3A_819] : memref<2x8x128xi32, #tpu.memory_space<vmem>> -> memref<1x1x128xi32, #tpu.memory_space<vmem>>
      %dma_start3A_821 = tpu.memref_squeeze %dma_start3A_820 : memref<1x1x128xi32, #tpu.memory_space<vmem>> -> memref<128xi32, #tpu.memory_space<vmem>>
      %dma_start3A_822 = arith.constant 0 : i32
      %dma_start3A_823 = arith.constant 0 : i32
      %dma_start3A_824 = tpu.memref_slice %arg5[%dma_start3A_822, %dma_start3A_823] : memref<10240x16xf32, #tpu.memory_space<vmem_shared>> -> memref<10240x16xf32, #tpu.memory_space<vmem_shared>>
      tpu.enqueue_indirect_dma source(%dma_start3A_818 : memref<128x16xf32, #tpu.memory_space<vmem>>) target(%dma_start3A_824 : memref<10240x16xf32, #tpu.memory_space<vmem_shared>>) offsets(%dma_start3A_821 : memref<128xi32, #tpu.memory_space<vmem>>) semaphore(%run_scoped3A_814 : memref<!tpu.dma_semaphore, #tpu.memory_space<semaphore_mem>>) {add = true}
      %dma_wait3A_825 = arith.constant 256 : i32
      %dma_wait3A_826 = arith.constant 0 : i32
      %dma_wait3A_827 = tpu.memref_slice %arg6[%run_scoped3A_341, %dma_wait3A_825, %dma_wait3A_826] : memref<2x1024x16xf32, #tpu.memory_space<vmem>> -> memref<1x128x16xf32, #tpu.memory_space<vmem>>
      %dma_wait3A_828 = tpu.memref_squeeze %dma_wait3A_827 : memref<1x128x16xf32, #tpu.memory_space<vmem>> -> memref<128x16xf32, #tpu.memory_space<vmem>>
      %dma_wait3A_829 = arith.constant 0 : i32
      %dma_wait3A_830 = tpu.memref_slice %arg7[%run_scoped3A_342, %run_scoped3A_343, %dma_wait3A_829] : memref<2x8x128xi32, #tpu.memory_space<vmem>> -> memref<1x1x128xi32, #tpu.memory_space<vmem>>
      %dma_wait3A_831 = tpu.memref_squeeze %dma_wait3A_830 : memref<1x1x128xi32, #tpu.memory_space<vmem>> -> memref<128xi32, #tpu.memory_space<vmem>>
      %dma_wait3A_832 = arith.constant 0 : i32
      %dma_wait3A_833 = arith.constant 0 : i32
      %dma_wait3A_834 = tpu.memref_slice %arg5[%dma_wait3A_832, %dma_wait3A_833] : memref<10240x16xf32, #tpu.memory_space<vmem_shared>> -> memref<10240x16xf32, #tpu.memory_space<vmem_shared>>
      tpu.wait_indirect_dma semaphore(%run_scoped3A_814 : memref<!tpu.dma_semaphore, #tpu.memory_space<semaphore_mem>>) src(%dma_wait3A_828 : memref<128x16xf32, #tpu.memory_space<vmem>>) dst(%dma_wait3A_834 : memref<10240x16xf32, #tpu.memory_space<vmem_shared>>)
      tpu.yield
    }) : () -> ()
    %run_scoped3A_344 = arith.constant 1 : i32
    %run_scoped3A_345 = arith.constant 1 : i32
    %run_scoped3A_346 = arith.constant 3 : i32
    "tpu.region"() ({
      %run_scoped3A_814 = tpu.sem_alloc : memref<!tpu.dma_semaphore, #tpu.memory_space<semaphore_mem>>
      %dma_start3A_815 = arith.constant 384 : i32
      %dma_start3A_816 = arith.constant 0 : i32
      %dma_start3A_817 = tpu.memref_slice %arg6[%run_scoped3A_344, %dma_start3A_815, %dma_start3A_816] : memref<2x1024x16xf32, #tpu.memory_space<vmem>> -> memref<1x128x16xf32, #tpu.memory_space<vmem>>
      %dma_start3A_818 = tpu.memref_squeeze %dma_start3A_817 : memref<1x128x16xf32, #tpu.memory_space<vmem>> -> memref<128x16xf32, #tpu.memory_space<vmem>>
      %dma_start3A_819 = arith.constant 0 : i32
      %dma_start3A_820 = tpu.memref_slice %arg7[%run_scoped3A_345, %run_scoped3A_346, %dma_start3A_819] : memref<2x8x128xi32, #tpu.memory_space<vmem>> -> memref<1x1x128xi32, #tpu.memory_space<vmem>>
      %dma_start3A_821 = tpu.memref_squeeze %dma_start3A_820 : memref<1x1x128xi32, #tpu.memory_space<vmem>> -> memref<128xi32, #tpu.memory_space<vmem>>
      %dma_start3A_822 = arith.constant 0 : i32
      %dma_start3A_823 = arith.constant 0 : i32
      %dma_start3A_824 = tpu.memref_slice %arg5[%dma_start3A_822, %dma_start3A_823] : memref<10240x16xf32, #tpu.memory_space<vmem_shared>> -> memref<10240x16xf32, #tpu.memory_space<vmem_shared>>
      tpu.enqueue_indirect_dma source(%dma_start3A_818 : memref<128x16xf32, #tpu.memory_space<vmem>>) target(%dma_start3A_824 : memref<10240x16xf32, #tpu.memory_space<vmem_shared>>) offsets(%dma_start3A_821 : memref<128xi32, #tpu.memory_space<vmem>>) semaphore(%run_scoped3A_814 : memref<!tpu.dma_semaphore, #tpu.memory_space<semaphore_mem>>) {add = true}
      %dma_wait3A_825 = arith.constant 384 : i32
      %dma_wait3A_826 = arith.constant 0 : i32
      %dma_wait3A_827 = tpu.memref_slice %arg6[%run_scoped3A_344, %dma_wait3A_825, %dma_wait3A_826] : memref<2x1024x16xf32, #tpu.memory_space<vmem>> -> memref<1x128x16xf32, #tpu.memory_space<vmem>>
      %dma_wait3A_828 = tpu.memref_squeeze %dma_wait3A_827 : memref<1x128x16xf32, #tpu.memory_space<vmem>> -> memref<128x16xf32, #tpu.memory_space<vmem>>
      %dma_wait3A_829 = arith.constant 0 : i32
      %dma_wait3A_830 = tpu.memref_slice %arg7[%run_scoped3A_345, %run_scoped3A_346, %dma_wait3A_829] : memref<2x8x128xi32, #tpu.memory_space<vmem>> -> memref<1x1x128xi32, #tpu.memory_space<vmem>>
      %dma_wait3A_831 = tpu.memref_squeeze %dma_wait3A_830 : memref<1x1x128xi32, #tpu.memory_space<vmem>> -> memref<128xi32, #tpu.memory_space<vmem>>
      %dma_wait3A_832 = arith.constant 0 : i32
      %dma_wait3A_833 = arith.constant 0 : i32
      %dma_wait3A_834 = tpu.memref_slice %arg5[%dma_wait3A_832, %dma_wait3A_833] : memref<10240x16xf32, #tpu.memory_space<vmem_shared>> -> memref<10240x16xf32, #tpu.memory_space<vmem_shared>>
      tpu.wait_indirect_dma semaphore(%run_scoped3A_814 : memref<!tpu.dma_semaphore, #tpu.memory_space<semaphore_mem>>) src(%dma_wait3A_828 : memref<128x16xf32, #tpu.memory_space<vmem>>) dst(%dma_wait3A_834 : memref<10240x16xf32, #tpu.memory_space<vmem_shared>>)
      tpu.yield
    }) : () -> ()
    %run_scoped3A_347 = arith.constant 1 : i32
    %run_scoped3A_348 = arith.constant 1 : i32
    %run_scoped3A_349 = arith.constant 4 : i32
    "tpu.region"() ({
      %run_scoped3A_814 = tpu.sem_alloc : memref<!tpu.dma_semaphore, #tpu.memory_space<semaphore_mem>>
      %dma_start3A_815 = arith.constant 512 : i32
      %dma_start3A_816 = arith.constant 0 : i32
      %dma_start3A_817 = tpu.memref_slice %arg6[%run_scoped3A_347, %dma_start3A_815, %dma_start3A_816] : memref<2x1024x16xf32, #tpu.memory_space<vmem>> -> memref<1x128x16xf32, #tpu.memory_space<vmem>>
      %dma_start3A_818 = tpu.memref_squeeze %dma_start3A_817 : memref<1x128x16xf32, #tpu.memory_space<vmem>> -> memref<128x16xf32, #tpu.memory_space<vmem>>
      %dma_start3A_819 = arith.constant 0 : i32
      %dma_start3A_820 = tpu.memref_slice %arg7[%run_scoped3A_348, %run_scoped3A_349, %dma_start3A_819] : memref<2x8x128xi32, #tpu.memory_space<vmem>> -> memref<1x1x128xi32, #tpu.memory_space<vmem>>
      %dma_start3A_821 = tpu.memref_squeeze %dma_start3A_820 : memref<1x1x128xi32, #tpu.memory_space<vmem>> -> memref<128xi32, #tpu.memory_space<vmem>>
      %dma_start3A_822 = arith.constant 0 : i32
      %dma_start3A_823 = arith.constant 0 : i32
      %dma_start3A_824 = tpu.memref_slice %arg5[%dma_start3A_822, %dma_start3A_823] : memref<10240x16xf32, #tpu.memory_space<vmem_shared>> -> memref<10240x16xf32, #tpu.memory_space<vmem_shared>>
      tpu.enqueue_indirect_dma source(%dma_start3A_818 : memref<128x16xf32, #tpu.memory_space<vmem>>) target(%dma_start3A_824 : memref<10240x16xf32, #tpu.memory_space<vmem_shared>>) offsets(%dma_start3A_821 : memref<128xi32, #tpu.memory_space<vmem>>) semaphore(%run_scoped3A_814 : memref<!tpu.dma_semaphore, #tpu.memory_space<semaphore_mem>>) {add = true}
      %dma_wait3A_825 = arith.constant 512 : i32
      %dma_wait3A_826 = arith.constant 0 : i32
      %dma_wait3A_827 = tpu.memref_slice %arg6[%run_scoped3A_347, %dma_wait3A_825, %dma_wait3A_826] : memref<2x1024x16xf32, #tpu.memory_space<vmem>> -> memref<1x128x16xf32, #tpu.memory_space<vmem>>
      %dma_wait3A_828 = tpu.memref_squeeze %dma_wait3A_827 : memref<1x128x16xf32, #tpu.memory_space<vmem>> -> memref<128x16xf32, #tpu.memory_space<vmem>>
      %dma_wait3A_829 = arith.constant 0 : i32
      %dma_wait3A_830 = tpu.memref_slice %arg7[%run_scoped3A_348, %run_scoped3A_349, %dma_wait3A_829] : memref<2x8x128xi32, #tpu.memory_space<vmem>> -> memref<1x1x128xi32, #tpu.memory_space<vmem>>
      %dma_wait3A_831 = tpu.memref_squeeze %dma_wait3A_830 : memref<1x1x128xi32, #tpu.memory_space<vmem>> -> memref<128xi32, #tpu.memory_space<vmem>>
      %dma_wait3A_832 = arith.constant 0 : i32
      %dma_wait3A_833 = arith.constant 0 : i32
      %dma_wait3A_834 = tpu.memref_slice %arg5[%dma_wait3A_832, %dma_wait3A_833] : memref<10240x16xf32, #tpu.memory_space<vmem_shared>> -> memref<10240x16xf32, #tpu.memory_space<vmem_shared>>
      tpu.wait_indirect_dma semaphore(%run_scoped3A_814 : memref<!tpu.dma_semaphore, #tpu.memory_space<semaphore_mem>>) src(%dma_wait3A_828 : memref<128x16xf32, #tpu.memory_space<vmem>>) dst(%dma_wait3A_834 : memref<10240x16xf32, #tpu.memory_space<vmem_shared>>)
      tpu.yield
    }) : () -> ()
    %run_scoped3A_350 = arith.constant 1 : i32
    %run_scoped3A_351 = arith.constant 1 : i32
    %run_scoped3A_352 = arith.constant 5 : i32
    "tpu.region"() ({
      %run_scoped3A_814 = tpu.sem_alloc : memref<!tpu.dma_semaphore, #tpu.memory_space<semaphore_mem>>
      %dma_start3A_815 = arith.constant 640 : i32
      %dma_start3A_816 = arith.constant 0 : i32
      %dma_start3A_817 = tpu.memref_slice %arg6[%run_scoped3A_350, %dma_start3A_815, %dma_start3A_816] : memref<2x1024x16xf32, #tpu.memory_space<vmem>> -> memref<1x128x16xf32, #tpu.memory_space<vmem>>
      %dma_start3A_818 = tpu.memref_squeeze %dma_start3A_817 : memref<1x128x16xf32, #tpu.memory_space<vmem>> -> memref<128x16xf32, #tpu.memory_space<vmem>>
      %dma_start3A_819 = arith.constant 0 : i32
      %dma_start3A_820 = tpu.memref_slice %arg7[%run_scoped3A_351, %run_scoped3A_352, %dma_start3A_819] : memref<2x8x128xi32, #tpu.memory_space<vmem>> -> memref<1x1x128xi32, #tpu.memory_space<vmem>>
      %dma_start3A_821 = tpu.memref_squeeze %dma_start3A_820 : memref<1x1x128xi32, #tpu.memory_space<vmem>> -> memref<128xi32, #tpu.memory_space<vmem>>
      %dma_start3A_822 = arith.constant 0 : i32
      %dma_start3A_823 = arith.constant 0 : i32
      %dma_start3A_824 = tpu.memref_slice %arg5[%dma_start3A_822, %dma_start3A_823] : memref<10240x16xf32, #tpu.memory_space<vmem_shared>> -> memref<10240x16xf32, #tpu.memory_space<vmem_shared>>
      tpu.enqueue_indirect_dma source(%dma_start3A_818 : memref<128x16xf32, #tpu.memory_space<vmem>>) target(%dma_start3A_824 : memref<10240x16xf32, #tpu.memory_space<vmem_shared>>) offsets(%dma_start3A_821 : memref<128xi32, #tpu.memory_space<vmem>>) semaphore(%run_scoped3A_814 : memref<!tpu.dma_semaphore, #tpu.memory_space<semaphore_mem>>) {add = true}
      %dma_wait3A_825 = arith.constant 640 : i32
      %dma_wait3A_826 = arith.constant 0 : i32
      %dma_wait3A_827 = tpu.memref_slice %arg6[%run_scoped3A_350, %dma_wait3A_825, %dma_wait3A_826] : memref<2x1024x16xf32, #tpu.memory_space<vmem>> -> memref<1x128x16xf32, #tpu.memory_space<vmem>>
      %dma_wait3A_828 = tpu.memref_squeeze %dma_wait3A_827 : memref<1x128x16xf32, #tpu.memory_space<vmem>> -> memref<128x16xf32, #tpu.memory_space<vmem>>
      %dma_wait3A_829 = arith.constant 0 : i32
      %dma_wait3A_830 = tpu.memref_slice %arg7[%run_scoped3A_351, %run_scoped3A_352, %dma_wait3A_829] : memref<2x8x128xi32, #tpu.memory_space<vmem>> -> memref<1x1x128xi32, #tpu.memory_space<vmem>>
      %dma_wait3A_831 = tpu.memref_squeeze %dma_wait3A_830 : memref<1x1x128xi32, #tpu.memory_space<vmem>> -> memref<128xi32, #tpu.memory_space<vmem>>
      %dma_wait3A_832 = arith.constant 0 : i32
      %dma_wait3A_833 = arith.constant 0 : i32
      %dma_wait3A_834 = tpu.memref_slice %arg5[%dma_wait3A_832, %dma_wait3A_833] : memref<10240x16xf32, #tpu.memory_space<vmem_shared>> -> memref<10240x16xf32, #tpu.memory_space<vmem_shared>>
      tpu.wait_indirect_dma semaphore(%run_scoped3A_814 : memref<!tpu.dma_semaphore, #tpu.memory_space<semaphore_mem>>) src(%dma_wait3A_828 : memref<128x16xf32, #tpu.memory_space<vmem>>) dst(%dma_wait3A_834 : memref<10240x16xf32, #tpu.memory_space<vmem_shared>>)
      tpu.yield
    }) : () -> ()
    %run_scoped3A_353 = arith.constant 1 : i32
    %run_scoped3A_354 = arith.constant 1 : i32
    %run_scoped3A_355 = arith.constant 6 : i32
    "tpu.region"() ({
      %run_scoped3A_814 = tpu.sem_alloc : memref<!tpu.dma_semaphore, #tpu.memory_space<semaphore_mem>>
      %dma_start3A_815 = arith.constant 768 : i32
      %dma_start3A_816 = arith.constant 0 : i32
      %dma_start3A_817 = tpu.memref_slice %arg6[%run_scoped3A_353, %dma_start3A_815, %dma_start3A_816] : memref<2x1024x16xf32, #tpu.memory_space<vmem>> -> memref<1x128x16xf32, #tpu.memory_space<vmem>>
      %dma_start3A_818 = tpu.memref_squeeze %dma_start3A_817 : memref<1x128x16xf32, #tpu.memory_space<vmem>> -> memref<128x16xf32, #tpu.memory_space<vmem>>
      %dma_start3A_819 = arith.constant 0 : i32
      %dma_start3A_820 = tpu.memref_slice %arg7[%run_scoped3A_354, %run_scoped3A_355, %dma_start3A_819] : memref<2x8x128xi32, #tpu.memory_space<vmem>> -> memref<1x1x128xi32, #tpu.memory_space<vmem>>
      %dma_start3A_821 = tpu.memref_squeeze %dma_start3A_820 : memref<1x1x128xi32, #tpu.memory_space<vmem>> -> memref<128xi32, #tpu.memory_space<vmem>>
      %dma_start3A_822 = arith.constant 0 : i32
      %dma_start3A_823 = arith.constant 0 : i32
      %dma_start3A_824 = tpu.memref_slice %arg5[%dma_start3A_822, %dma_start3A_823] : memref<10240x16xf32, #tpu.memory_space<vmem_shared>> -> memref<10240x16xf32, #tpu.memory_space<vmem_shared>>
      tpu.enqueue_indirect_dma source(%dma_start3A_818 : memref<128x16xf32, #tpu.memory_space<vmem>>) target(%dma_start3A_824 : memref<10240x16xf32, #tpu.memory_space<vmem_shared>>) offsets(%dma_start3A_821 : memref<128xi32, #tpu.memory_space<vmem>>) semaphore(%run_scoped3A_814 : memref<!tpu.dma_semaphore, #tpu.memory_space<semaphore_mem>>) {add = true}
      %dma_wait3A_825 = arith.constant 768 : i32
      %dma_wait3A_826 = arith.constant 0 : i32
      %dma_wait3A_827 = tpu.memref_slice %arg6[%run_scoped3A_353, %dma_wait3A_825, %dma_wait3A_826] : memref<2x1024x16xf32, #tpu.memory_space<vmem>> -> memref<1x128x16xf32, #tpu.memory_space<vmem>>
      %dma_wait3A_828 = tpu.memref_squeeze %dma_wait3A_827 : memref<1x128x16xf32, #tpu.memory_space<vmem>> -> memref<128x16xf32, #tpu.memory_space<vmem>>
      %dma_wait3A_829 = arith.constant 0 : i32
      %dma_wait3A_830 = tpu.memref_slice %arg7[%run_scoped3A_354, %run_scoped3A_355, %dma_wait3A_829] : memref<2x8x128xi32, #tpu.memory_space<vmem>> -> memref<1x1x128xi32, #tpu.memory_space<vmem>>
      %dma_wait3A_831 = tpu.memref_squeeze %dma_wait3A_830 : memref<1x1x128xi32, #tpu.memory_space<vmem>> -> memref<128xi32, #tpu.memory_space<vmem>>
      %dma_wait3A_832 = arith.constant 0 : i32
      %dma_wait3A_833 = arith.constant 0 : i32
      %dma_wait3A_834 = tpu.memref_slice %arg5[%dma_wait3A_832, %dma_wait3A_833] : memref<10240x16xf32, #tpu.memory_space<vmem_shared>> -> memref<10240x16xf32, #tpu.memory_space<vmem_shared>>
      tpu.wait_indirect_dma semaphore(%run_scoped3A_814 : memref<!tpu.dma_semaphore, #tpu.memory_space<semaphore_mem>>) src(%dma_wait3A_828 : memref<128x16xf32, #tpu.memory_space<vmem>>) dst(%dma_wait3A_834 : memref<10240x16xf32, #tpu.memory_space<vmem_shared>>)
      tpu.yield
    }) : () -> ()
    %run_scoped3A_356 = arith.constant 1 : i32
    %run_scoped3A_357 = arith.constant 1 : i32
    %run_scoped3A_358 = arith.constant 7 : i32
    "tpu.region"() ({
      %run_scoped3A_814 = tpu.sem_alloc : memref<!tpu.dma_semaphore, #tpu.memory_space<semaphore_mem>>
      %dma_start3A_815 = arith.constant 896 : i32
      %dma_start3A_816 = arith.constant 0 : i32
      %dma_start3A_817 = tpu.memref_slice %arg6[%run_scoped3A_356, %dma_start3A_815, %dma_start3A_816] : memref<2x1024x16xf32, #tpu.memory_space<vmem>> -> memref<1x128x16xf32, #tpu.memory_space<vmem>>
      %dma_start3A_818 = tpu.memref_squeeze %dma_start3A_817 : memref<1x128x16xf32, #tpu.memory_space<vmem>> -> memref<128x16xf32, #tpu.memory_space<vmem>>
      %dma_start3A_819 = arith.constant 0 : i32
      %dma_start3A_820 = tpu.memref_slice %arg7[%run_scoped3A_357, %run_scoped3A_358, %dma_start3A_819] : memref<2x8x128xi32, #tpu.memory_space<vmem>> -> memref<1x1x128xi32, #tpu.memory_space<vmem>>
      %dma_start3A_821 = tpu.memref_squeeze %dma_start3A_820 : memref<1x1x128xi32, #tpu.memory_space<vmem>> -> memref<128xi32, #tpu.memory_space<vmem>>
      %dma_start3A_822 = arith.constant 0 : i32
      %dma_start3A_823 = arith.constant 0 : i32
      %dma_start3A_824 = tpu.memref_slice %arg5[%dma_start3A_822, %dma_start3A_823] : memref<10240x16xf32, #tpu.memory_space<vmem_shared>> -> memref<10240x16xf32, #tpu.memory_space<vmem_shared>>
      tpu.enqueue_indirect_dma source(%dma_start3A_818 : memref<128x16xf32, #tpu.memory_space<vmem>>) target(%dma_start3A_824 : memref<10240x16xf32, #tpu.memory_space<vmem_shared>>) offsets(%dma_start3A_821 : memref<128xi32, #tpu.memory_space<vmem>>) semaphore(%run_scoped3A_814 : memref<!tpu.dma_semaphore, #tpu.memory_space<semaphore_mem>>) {add = true}
      %dma_wait3A_825 = arith.constant 896 : i32
      %dma_wait3A_826 = arith.constant 0 : i32
      %dma_wait3A_827 = tpu.memref_slice %arg6[%run_scoped3A_356, %dma_wait3A_825, %dma_wait3A_826] : memref<2x1024x16xf32, #tpu.memory_space<vmem>> -> memref<1x128x16xf32, #tpu.memory_space<vmem>>
      %dma_wait3A_828 = tpu.memref_squeeze %dma_wait3A_827 : memref<1x128x16xf32, #tpu.memory_space<vmem>> -> memref<128x16xf32, #tpu.memory_space<vmem>>
      %dma_wait3A_829 = arith.constant 0 : i32
      %dma_wait3A_830 = tpu.memref_slice %arg7[%run_scoped3A_357, %run_scoped3A_358, %dma_wait3A_829] : memref<2x8x128xi32, #tpu.memory_space<vmem>> -> memref<1x1x128xi32, #tpu.memory_space<vmem>>
      %dma_wait3A_831 = tpu.memref_squeeze %dma_wait3A_830 : memref<1x1x128xi32, #tpu.memory_space<vmem>> -> memref<128xi32, #tpu.memory_space<vmem>>
      %dma_wait3A_832 = arith.constant 0 : i32
      %dma_wait3A_833 = arith.constant 0 : i32
      %dma_wait3A_834 = tpu.memref_slice %arg5[%dma_wait3A_832, %dma_wait3A_833] : memref<10240x16xf32, #tpu.memory_space<vmem_shared>> -> memref<10240x16xf32, #tpu.memory_space<vmem_shared>>
      tpu.wait_indirect_dma semaphore(%run_scoped3A_814 : memref<!tpu.dma_semaphore, #tpu.memory_space<semaphore_mem>>) src(%dma_wait3A_828 : memref<128x16xf32, #tpu.memory_space<vmem>>) dst(%dma_wait3A_834 : memref<10240x16xf32, #tpu.memory_space<vmem_shared>>)
      tpu.yield
    }) : () -> ()
    %dma_wait3A_359 = arith.constant 0 : i32
    %dma_wait3A_360 = arith.constant 0 : i32
    %dma_wait3A_361 = arith.constant 0 : i32
    %dma_wait3A_362 = tpu.memref_slice %arg7[%dma_wait3A_359, %dma_wait3A_360, %dma_wait3A_361] : memref<2x8x128xi32, #tpu.memory_space<vmem>> -> memref<1x8x128xi32, #tpu.memory_space<vmem>>
    %dma_wait3A_363 = tpu.memref_squeeze %dma_wait3A_362 : memref<1x8x128xi32, #tpu.memory_space<vmem>> -> memref<8x128xi32, #tpu.memory_space<vmem>>
    %dma_wait3A_364 = arith.constant 0 : i32
    %dma_wait3A_365 = tpu.memref_slice %arg3[%add3A_306, %dma_wait3A_364] : memref<2560x128xi32, #tpu.memory_space<hbm>> -> memref<8x128xi32, #tpu.memory_space<hbm>>
    %dma_wait3A_366 = arith.constant 0 : i32
    %dma_wait3A_367 = arith.constant 0 : i32
    %dma_wait3A_368 = tpu.memref_slice %arg7[%dma_wait3A_359, %dma_wait3A_366, %dma_wait3A_367] : memref<2x8x128xi32, #tpu.memory_space<vmem>> -> memref<1x8x128xi32, #tpu.memory_space<vmem>>
    %dma_wait3A_369 = tpu.memref_squeeze %dma_wait3A_368 : memref<1x8x128xi32, #tpu.memory_space<vmem>> -> memref<8x128xi32, #tpu.memory_space<vmem>>
    %dma_wait3A_370 = arith.constant 0 : i32
    %dma_wait3A_371 = tpu.memref_slice %arg3[%add3A_306, %dma_wait3A_370] : memref<2560x128xi32, #tpu.memory_space<hbm>> -> memref<8x128xi32, #tpu.memory_space<hbm>>
    tpu.wait_dma2 semaphore(%arg8 : memref<!tpu.dma_semaphore, #tpu.memory_space<semaphore_mem>>) src(%dma_wait3A_371 : memref<8x128xi32, #tpu.memory_space<hbm>>) dst(%dma_wait3A_369 : memref<8x128xi32, #tpu.memory_space<vmem>>)
    %dma_wait3A_372 = arith.constant 0 : i32
    %dma_wait3A_373 = arith.constant 0 : i32
    %dma_wait3A_374 = arith.constant 0 : i32
    %dma_wait3A_375 = tpu.memref_slice %arg6[%dma_wait3A_372, %dma_wait3A_373, %dma_wait3A_374] : memref<2x1024x16xf32, #tpu.memory_space<vmem>> -> memref<1x1024x16xf32, #tpu.memory_space<vmem>>
    %dma_wait3A_376 = tpu.memref_squeeze %dma_wait3A_375 : memref<1x1024x16xf32, #tpu.memory_space<vmem>> -> memref<1024x16xf32, #tpu.memory_space<vmem>>
    %dma_wait3A_377 = arith.constant 0 : i32
    %dma_wait3A_378 = tpu.memref_slice %arg2[%mul3A_321, %dma_wait3A_377] : memref<327680x16xf32, #tpu.memory_space<hbm>> -> memref<1024x16xf32, #tpu.memory_space<hbm>>
    %dma_wait3A_379 = arith.constant 0 : i32
    %dma_wait3A_380 = arith.constant 0 : i32
    %dma_wait3A_381 = tpu.memref_slice %arg6[%dma_wait3A_372, %dma_wait3A_379, %dma_wait3A_380] : memref<2x1024x16xf32, #tpu.memory_space<vmem>> -> memref<1x1024x16xf32, #tpu.memory_space<vmem>>
    %dma_wait3A_382 = tpu.memref_squeeze %dma_wait3A_381 : memref<1x1024x16xf32, #tpu.memory_space<vmem>> -> memref<1024x16xf32, #tpu.memory_space<vmem>>
    %dma_wait3A_383 = arith.constant 0 : i32
    %dma_wait3A_384 = tpu.memref_slice %arg2[%mul3A_321, %dma_wait3A_383] : memref<327680x16xf32, #tpu.memory_space<hbm>> -> memref<1024x16xf32, #tpu.memory_space<hbm>>
    tpu.wait_dma2 semaphore(%arg8 : memref<!tpu.dma_semaphore, #tpu.memory_space<semaphore_mem>>) src(%dma_wait3A_384 : memref<1024x16xf32, #tpu.memory_space<hbm>>) dst(%dma_wait3A_382 : memref<1024x16xf32, #tpu.memory_space<vmem>>)
    %add3A_385 = arith.constant 40 : i32
    %add3A_386 = arith.addi %mul3A_2, %add3A_385 : i32
    %dma_start3A_387 = arith.constant 1 : i32
    %dma_start3A_388 = arith.constant 0 : i32
    %dma_start3A_389 = arith.constant 0 : i32
    %dma_start3A_390 = tpu.memref_slice %arg7[%dma_start3A_387, %dma_start3A_388, %dma_start3A_389] : memref<2x8x128xi32, #tpu.memory_space<vmem>> -> memref<1x8x128xi32, #tpu.memory_space<vmem>>
    %dma_start3A_391 = tpu.memref_squeeze %dma_start3A_390 : memref<1x8x128xi32, #tpu.memory_space<vmem>> -> memref<8x128xi32, #tpu.memory_space<vmem>>
    %dma_start3A_392 = arith.constant 0 : i32
    %dma_start3A_393 = tpu.memref_slice %arg3[%add3A_386, %dma_start3A_392] : memref<2560x128xi32, #tpu.memory_space<hbm>> -> memref<8x128xi32, #tpu.memory_space<hbm>>
    %dma_start3A_394 = arith.constant 0 : i32
    %dma_start3A_395 = arith.constant 0 : i32
    %dma_start3A_396 = tpu.memref_slice %arg7[%dma_start3A_387, %dma_start3A_394, %dma_start3A_395] : memref<2x8x128xi32, #tpu.memory_space<vmem>> -> memref<1x8x128xi32, #tpu.memory_space<vmem>>
    %dma_start3A_397 = tpu.memref_squeeze %dma_start3A_396 : memref<1x8x128xi32, #tpu.memory_space<vmem>> -> memref<8x128xi32, #tpu.memory_space<vmem>>
    %dma_start3A_398 = arith.constant 0 : i32
    %dma_start3A_399 = tpu.memref_slice %arg3[%add3A_386, %dma_start3A_398] : memref<2560x128xi32, #tpu.memory_space<hbm>> -> memref<8x128xi32, #tpu.memory_space<hbm>>
    tpu.enqueue_dma source(%dma_start3A_399 : memref<8x128xi32, #tpu.memory_space<hbm>>) target(%dma_start3A_397 : memref<8x128xi32, #tpu.memory_space<vmem>>) target_semaphore(%arg8 : memref<!tpu.dma_semaphore, #tpu.memory_space<semaphore_mem>>)
    %mul3A_400 = arith.constant 128 : i32
    %mul3A_401 = arith.muli %add3A_386, %mul3A_400 : i32
    %dma_start3A_402 = arith.constant 1 : i32
    %dma_start3A_403 = arith.constant 0 : i32
    %dma_start3A_404 = arith.constant 0 : i32
    %dma_start3A_405 = tpu.memref_slice %arg6[%dma_start3A_402, %dma_start3A_403, %dma_start3A_404] : memref<2x1024x16xf32, #tpu.memory_space<vmem>> -> memref<1x1024x16xf32, #tpu.memory_space<vmem>>
    %dma_start3A_406 = tpu.memref_squeeze %dma_start3A_405 : memref<1x1024x16xf32, #tpu.memory_space<vmem>> -> memref<1024x16xf32, #tpu.memory_space<vmem>>
    %dma_start3A_407 = arith.constant 0 : i32
    %dma_start3A_408 = tpu.memref_slice %arg2[%mul3A_401, %dma_start3A_407] : memref<327680x16xf32, #tpu.memory_space<hbm>> -> memref<1024x16xf32, #tpu.memory_space<hbm>>
    %dma_start3A_409 = arith.constant 0 : i32
    %dma_start3A_410 = arith.constant 0 : i32
    %dma_start3A_411 = tpu.memref_slice %arg6[%dma_start3A_402, %dma_start3A_409, %dma_start3A_410] : memref<2x1024x16xf32, #tpu.memory_space<vmem>> -> memref<1x1024x16xf32, #tpu.memory_space<vmem>>
    %dma_start3A_412 = tpu.memref_squeeze %dma_start3A_411 : memref<1x1024x16xf32, #tpu.memory_space<vmem>> -> memref<1024x16xf32, #tpu.memory_space<vmem>>
    %dma_start3A_413 = arith.constant 0 : i32
    %dma_start3A_414 = tpu.memref_slice %arg2[%mul3A_401, %dma_start3A_413] : memref<327680x16xf32, #tpu.memory_space<hbm>> -> memref<1024x16xf32, #tpu.memory_space<hbm>>
    tpu.enqueue_dma source(%dma_start3A_414 : memref<1024x16xf32, #tpu.memory_space<hbm>>) target(%dma_start3A_412 : memref<1024x16xf32, #tpu.memory_space<vmem>>) target_semaphore(%arg8 : memref<!tpu.dma_semaphore, #tpu.memory_space<semaphore_mem>>)
    %run_scoped3A_415 = arith.constant 0 : i32
    %run_scoped3A_416 = arith.constant 0 : i32
    %run_scoped3A_417 = arith.constant 0 : i32
    "tpu.region"() ({
      %run_scoped3A_814 = tpu.sem_alloc : memref<!tpu.dma_semaphore, #tpu.memory_space<semaphore_mem>>
      %dma_start3A_815 = arith.constant 0 : i32
      %dma_start3A_816 = arith.constant 0 : i32
      %dma_start3A_817 = tpu.memref_slice %arg6[%run_scoped3A_415, %dma_start3A_815, %dma_start3A_816] : memref<2x1024x16xf32, #tpu.memory_space<vmem>> -> memref<1x128x16xf32, #tpu.memory_space<vmem>>
      %dma_start3A_818 = tpu.memref_squeeze %dma_start3A_817 : memref<1x128x16xf32, #tpu.memory_space<vmem>> -> memref<128x16xf32, #tpu.memory_space<vmem>>
      %dma_start3A_819 = arith.constant 0 : i32
      %dma_start3A_820 = tpu.memref_slice %arg7[%run_scoped3A_416, %run_scoped3A_417, %dma_start3A_819] : memref<2x8x128xi32, #tpu.memory_space<vmem>> -> memref<1x1x128xi32, #tpu.memory_space<vmem>>
      %dma_start3A_821 = tpu.memref_squeeze %dma_start3A_820 : memref<1x1x128xi32, #tpu.memory_space<vmem>> -> memref<128xi32, #tpu.memory_space<vmem>>
      %dma_start3A_822 = arith.constant 0 : i32
      %dma_start3A_823 = arith.constant 0 : i32
      %dma_start3A_824 = tpu.memref_slice %arg5[%dma_start3A_822, %dma_start3A_823] : memref<10240x16xf32, #tpu.memory_space<vmem_shared>> -> memref<10240x16xf32, #tpu.memory_space<vmem_shared>>
      tpu.enqueue_indirect_dma source(%dma_start3A_818 : memref<128x16xf32, #tpu.memory_space<vmem>>) target(%dma_start3A_824 : memref<10240x16xf32, #tpu.memory_space<vmem_shared>>) offsets(%dma_start3A_821 : memref<128xi32, #tpu.memory_space<vmem>>) semaphore(%run_scoped3A_814 : memref<!tpu.dma_semaphore, #tpu.memory_space<semaphore_mem>>) {add = true}
      %dma_wait3A_825 = arith.constant 0 : i32
      %dma_wait3A_826 = arith.constant 0 : i32
      %dma_wait3A_827 = tpu.memref_slice %arg6[%run_scoped3A_415, %dma_wait3A_825, %dma_wait3A_826] : memref<2x1024x16xf32, #tpu.memory_space<vmem>> -> memref<1x128x16xf32, #tpu.memory_space<vmem>>
      %dma_wait3A_828 = tpu.memref_squeeze %dma_wait3A_827 : memref<1x128x16xf32, #tpu.memory_space<vmem>> -> memref<128x16xf32, #tpu.memory_space<vmem>>
      %dma_wait3A_829 = arith.constant 0 : i32
      %dma_wait3A_830 = tpu.memref_slice %arg7[%run_scoped3A_416, %run_scoped3A_417, %dma_wait3A_829] : memref<2x8x128xi32, #tpu.memory_space<vmem>> -> memref<1x1x128xi32, #tpu.memory_space<vmem>>
      %dma_wait3A_831 = tpu.memref_squeeze %dma_wait3A_830 : memref<1x1x128xi32, #tpu.memory_space<vmem>> -> memref<128xi32, #tpu.memory_space<vmem>>
      %dma_wait3A_832 = arith.constant 0 : i32
      %dma_wait3A_833 = arith.constant 0 : i32
      %dma_wait3A_834 = tpu.memref_slice %arg5[%dma_wait3A_832, %dma_wait3A_833] : memref<10240x16xf32, #tpu.memory_space<vmem_shared>> -> memref<10240x16xf32, #tpu.memory_space<vmem_shared>>
      tpu.wait_indirect_dma semaphore(%run_scoped3A_814 : memref<!tpu.dma_semaphore, #tpu.memory_space<semaphore_mem>>) src(%dma_wait3A_828 : memref<128x16xf32, #tpu.memory_space<vmem>>) dst(%dma_wait3A_834 : memref<10240x16xf32, #tpu.memory_space<vmem_shared>>)
      tpu.yield
    }) : () -> ()
    %run_scoped3A_418 = arith.constant 0 : i32
    %run_scoped3A_419 = arith.constant 0 : i32
    %run_scoped3A_420 = arith.constant 1 : i32
    "tpu.region"() ({
      %run_scoped3A_814 = tpu.sem_alloc : memref<!tpu.dma_semaphore, #tpu.memory_space<semaphore_mem>>
      %dma_start3A_815 = arith.constant 128 : i32
      %dma_start3A_816 = arith.constant 0 : i32
      %dma_start3A_817 = tpu.memref_slice %arg6[%run_scoped3A_418, %dma_start3A_815, %dma_start3A_816] : memref<2x1024x16xf32, #tpu.memory_space<vmem>> -> memref<1x128x16xf32, #tpu.memory_space<vmem>>
      %dma_start3A_818 = tpu.memref_squeeze %dma_start3A_817 : memref<1x128x16xf32, #tpu.memory_space<vmem>> -> memref<128x16xf32, #tpu.memory_space<vmem>>
      %dma_start3A_819 = arith.constant 0 : i32
      %dma_start3A_820 = tpu.memref_slice %arg7[%run_scoped3A_419, %run_scoped3A_420, %dma_start3A_819] : memref<2x8x128xi32, #tpu.memory_space<vmem>> -> memref<1x1x128xi32, #tpu.memory_space<vmem>>
      %dma_start3A_821 = tpu.memref_squeeze %dma_start3A_820 : memref<1x1x128xi32, #tpu.memory_space<vmem>> -> memref<128xi32, #tpu.memory_space<vmem>>
      %dma_start3A_822 = arith.constant 0 : i32
      %dma_start3A_823 = arith.constant 0 : i32
      %dma_start3A_824 = tpu.memref_slice %arg5[%dma_start3A_822, %dma_start3A_823] : memref<10240x16xf32, #tpu.memory_space<vmem_shared>> -> memref<10240x16xf32, #tpu.memory_space<vmem_shared>>
      tpu.enqueue_indirect_dma source(%dma_start3A_818 : memref<128x16xf32, #tpu.memory_space<vmem>>) target(%dma_start3A_824 : memref<10240x16xf32, #tpu.memory_space<vmem_shared>>) offsets(%dma_start3A_821 : memref<128xi32, #tpu.memory_space<vmem>>) semaphore(%run_scoped3A_814 : memref<!tpu.dma_semaphore, #tpu.memory_space<semaphore_mem>>) {add = true}
      %dma_wait3A_825 = arith.constant 128 : i32
      %dma_wait3A_826 = arith.constant 0 : i32
      %dma_wait3A_827 = tpu.memref_slice %arg6[%run_scoped3A_418, %dma_wait3A_825, %dma_wait3A_826] : memref<2x1024x16xf32, #tpu.memory_space<vmem>> -> memref<1x128x16xf32, #tpu.memory_space<vmem>>
      %dma_wait3A_828 = tpu.memref_squeeze %dma_wait3A_827 : memref<1x128x16xf32, #tpu.memory_space<vmem>> -> memref<128x16xf32, #tpu.memory_space<vmem>>
      %dma_wait3A_829 = arith.constant 0 : i32
      %dma_wait3A_830 = tpu.memref_slice %arg7[%run_scoped3A_419, %run_scoped3A_420, %dma_wait3A_829] : memref<2x8x128xi32, #tpu.memory_space<vmem>> -> memref<1x1x128xi32, #tpu.memory_space<vmem>>
      %dma_wait3A_831 = tpu.memref_squeeze %dma_wait3A_830 : memref<1x1x128xi32, #tpu.memory_space<vmem>> -> memref<128xi32, #tpu.memory_space<vmem>>
      %dma_wait3A_832 = arith.constant 0 : i32
      %dma_wait3A_833 = arith.constant 0 : i32
      %dma_wait3A_834 = tpu.memref_slice %arg5[%dma_wait3A_832, %dma_wait3A_833] : memref<10240x16xf32, #tpu.memory_space<vmem_shared>> -> memref<10240x16xf32, #tpu.memory_space<vmem_shared>>
      tpu.wait_indirect_dma semaphore(%run_scoped3A_814 : memref<!tpu.dma_semaphore, #tpu.memory_space<semaphore_mem>>) src(%dma_wait3A_828 : memref<128x16xf32, #tpu.memory_space<vmem>>) dst(%dma_wait3A_834 : memref<10240x16xf32, #tpu.memory_space<vmem_shared>>)
      tpu.yield
    }) : () -> ()
    %run_scoped3A_421 = arith.constant 0 : i32
    %run_scoped3A_422 = arith.constant 0 : i32
    %run_scoped3A_423 = arith.constant 2 : i32
    "tpu.region"() ({
      %run_scoped3A_814 = tpu.sem_alloc : memref<!tpu.dma_semaphore, #tpu.memory_space<semaphore_mem>>
      %dma_start3A_815 = arith.constant 256 : i32
      %dma_start3A_816 = arith.constant 0 : i32
      %dma_start3A_817 = tpu.memref_slice %arg6[%run_scoped3A_421, %dma_start3A_815, %dma_start3A_816] : memref<2x1024x16xf32, #tpu.memory_space<vmem>> -> memref<1x128x16xf32, #tpu.memory_space<vmem>>
      %dma_start3A_818 = tpu.memref_squeeze %dma_start3A_817 : memref<1x128x16xf32, #tpu.memory_space<vmem>> -> memref<128x16xf32, #tpu.memory_space<vmem>>
      %dma_start3A_819 = arith.constant 0 : i32
      %dma_start3A_820 = tpu.memref_slice %arg7[%run_scoped3A_422, %run_scoped3A_423, %dma_start3A_819] : memref<2x8x128xi32, #tpu.memory_space<vmem>> -> memref<1x1x128xi32, #tpu.memory_space<vmem>>
      %dma_start3A_821 = tpu.memref_squeeze %dma_start3A_820 : memref<1x1x128xi32, #tpu.memory_space<vmem>> -> memref<128xi32, #tpu.memory_space<vmem>>
      %dma_start3A_822 = arith.constant 0 : i32
      %dma_start3A_823 = arith.constant 0 : i32
      %dma_start3A_824 = tpu.memref_slice %arg5[%dma_start3A_822, %dma_start3A_823] : memref<10240x16xf32, #tpu.memory_space<vmem_shared>> -> memref<10240x16xf32, #tpu.memory_space<vmem_shared>>
      tpu.enqueue_indirect_dma source(%dma_start3A_818 : memref<128x16xf32, #tpu.memory_space<vmem>>) target(%dma_start3A_824 : memref<10240x16xf32, #tpu.memory_space<vmem_shared>>) offsets(%dma_start3A_821 : memref<128xi32, #tpu.memory_space<vmem>>) semaphore(%run_scoped3A_814 : memref<!tpu.dma_semaphore, #tpu.memory_space<semaphore_mem>>) {add = true}
      %dma_wait3A_825 = arith.constant 256 : i32
      %dma_wait3A_826 = arith.constant 0 : i32
      %dma_wait3A_827 = tpu.memref_slice %arg6[%run_scoped3A_421, %dma_wait3A_825, %dma_wait3A_826] : memref<2x1024x16xf32, #tpu.memory_space<vmem>> -> memref<1x128x16xf32, #tpu.memory_space<vmem>>
      %dma_wait3A_828 = tpu.memref_squeeze %dma_wait3A_827 : memref<1x128x16xf32, #tpu.memory_space<vmem>> -> memref<128x16xf32, #tpu.memory_space<vmem>>
      %dma_wait3A_829 = arith.constant 0 : i32
      %dma_wait3A_830 = tpu.memref_slice %arg7[%run_scoped3A_422, %run_scoped3A_423, %dma_wait3A_829] : memref<2x8x128xi32, #tpu.memory_space<vmem>> -> memref<1x1x128xi32, #tpu.memory_space<vmem>>
      %dma_wait3A_831 = tpu.memref_squeeze %dma_wait3A_830 : memref<1x1x128xi32, #tpu.memory_space<vmem>> -> memref<128xi32, #tpu.memory_space<vmem>>
      %dma_wait3A_832 = arith.constant 0 : i32
      %dma_wait3A_833 = arith.constant 0 : i32
      %dma_wait3A_834 = tpu.memref_slice %arg5[%dma_wait3A_832, %dma_wait3A_833] : memref<10240x16xf32, #tpu.memory_space<vmem_shared>> -> memref<10240x16xf32, #tpu.memory_space<vmem_shared>>
      tpu.wait_indirect_dma semaphore(%run_scoped3A_814 : memref<!tpu.dma_semaphore, #tpu.memory_space<semaphore_mem>>) src(%dma_wait3A_828 : memref<128x16xf32, #tpu.memory_space<vmem>>) dst(%dma_wait3A_834 : memref<10240x16xf32, #tpu.memory_space<vmem_shared>>)
      tpu.yield
    }) : () -> ()
    %run_scoped3A_424 = arith.constant 0 : i32
    %run_scoped3A_425 = arith.constant 0 : i32
    %run_scoped3A_426 = arith.constant 3 : i32
    "tpu.region"() ({
      %run_scoped3A_814 = tpu.sem_alloc : memref<!tpu.dma_semaphore, #tpu.memory_space<semaphore_mem>>
      %dma_start3A_815 = arith.constant 384 : i32
      %dma_start3A_816 = arith.constant 0 : i32
      %dma_start3A_817 = tpu.memref_slice %arg6[%run_scoped3A_424, %dma_start3A_815, %dma_start3A_816] : memref<2x1024x16xf32, #tpu.memory_space<vmem>> -> memref<1x128x16xf32, #tpu.memory_space<vmem>>
      %dma_start3A_818 = tpu.memref_squeeze %dma_start3A_817 : memref<1x128x16xf32, #tpu.memory_space<vmem>> -> memref<128x16xf32, #tpu.memory_space<vmem>>
      %dma_start3A_819 = arith.constant 0 : i32
      %dma_start3A_820 = tpu.memref_slice %arg7[%run_scoped3A_425, %run_scoped3A_426, %dma_start3A_819] : memref<2x8x128xi32, #tpu.memory_space<vmem>> -> memref<1x1x128xi32, #tpu.memory_space<vmem>>
      %dma_start3A_821 = tpu.memref_squeeze %dma_start3A_820 : memref<1x1x128xi32, #tpu.memory_space<vmem>> -> memref<128xi32, #tpu.memory_space<vmem>>
      %dma_start3A_822 = arith.constant 0 : i32
      %dma_start3A_823 = arith.constant 0 : i32
      %dma_start3A_824 = tpu.memref_slice %arg5[%dma_start3A_822, %dma_start3A_823] : memref<10240x16xf32, #tpu.memory_space<vmem_shared>> -> memref<10240x16xf32, #tpu.memory_space<vmem_shared>>
      tpu.enqueue_indirect_dma source(%dma_start3A_818 : memref<128x16xf32, #tpu.memory_space<vmem>>) target(%dma_start3A_824 : memref<10240x16xf32, #tpu.memory_space<vmem_shared>>) offsets(%dma_start3A_821 : memref<128xi32, #tpu.memory_space<vmem>>) semaphore(%run_scoped3A_814 : memref<!tpu.dma_semaphore, #tpu.memory_space<semaphore_mem>>) {add = true}
      %dma_wait3A_825 = arith.constant 384 : i32
      %dma_wait3A_826 = arith.constant 0 : i32
      %dma_wait3A_827 = tpu.memref_slice %arg6[%run_scoped3A_424, %dma_wait3A_825, %dma_wait3A_826] : memref<2x1024x16xf32, #tpu.memory_space<vmem>> -> memref<1x128x16xf32, #tpu.memory_space<vmem>>
      %dma_wait3A_828 = tpu.memref_squeeze %dma_wait3A_827 : memref<1x128x16xf32, #tpu.memory_space<vmem>> -> memref<128x16xf32, #tpu.memory_space<vmem>>
      %dma_wait3A_829 = arith.constant 0 : i32
      %dma_wait3A_830 = tpu.memref_slice %arg7[%run_scoped3A_425, %run_scoped3A_426, %dma_wait3A_829] : memref<2x8x128xi32, #tpu.memory_space<vmem>> -> memref<1x1x128xi32, #tpu.memory_space<vmem>>
      %dma_wait3A_831 = tpu.memref_squeeze %dma_wait3A_830 : memref<1x1x128xi32, #tpu.memory_space<vmem>> -> memref<128xi32, #tpu.memory_space<vmem>>
      %dma_wait3A_832 = arith.constant 0 : i32
      %dma_wait3A_833 = arith.constant 0 : i32
      %dma_wait3A_834 = tpu.memref_slice %arg5[%dma_wait3A_832, %dma_wait3A_833] : memref<10240x16xf32, #tpu.memory_space<vmem_shared>> -> memref<10240x16xf32, #tpu.memory_space<vmem_shared>>
      tpu.wait_indirect_dma semaphore(%run_scoped3A_814 : memref<!tpu.dma_semaphore, #tpu.memory_space<semaphore_mem>>) src(%dma_wait3A_828 : memref<128x16xf32, #tpu.memory_space<vmem>>) dst(%dma_wait3A_834 : memref<10240x16xf32, #tpu.memory_space<vmem_shared>>)
      tpu.yield
    }) : () -> ()
    %run_scoped3A_427 = arith.constant 0 : i32
    %run_scoped3A_428 = arith.constant 0 : i32
    %run_scoped3A_429 = arith.constant 4 : i32
    "tpu.region"() ({
      %run_scoped3A_814 = tpu.sem_alloc : memref<!tpu.dma_semaphore, #tpu.memory_space<semaphore_mem>>
      %dma_start3A_815 = arith.constant 512 : i32
      %dma_start3A_816 = arith.constant 0 : i32
      %dma_start3A_817 = tpu.memref_slice %arg6[%run_scoped3A_427, %dma_start3A_815, %dma_start3A_816] : memref<2x1024x16xf32, #tpu.memory_space<vmem>> -> memref<1x128x16xf32, #tpu.memory_space<vmem>>
      %dma_start3A_818 = tpu.memref_squeeze %dma_start3A_817 : memref<1x128x16xf32, #tpu.memory_space<vmem>> -> memref<128x16xf32, #tpu.memory_space<vmem>>
      %dma_start3A_819 = arith.constant 0 : i32
      %dma_start3A_820 = tpu.memref_slice %arg7[%run_scoped3A_428, %run_scoped3A_429, %dma_start3A_819] : memref<2x8x128xi32, #tpu.memory_space<vmem>> -> memref<1x1x128xi32, #tpu.memory_space<vmem>>
      %dma_start3A_821 = tpu.memref_squeeze %dma_start3A_820 : memref<1x1x128xi32, #tpu.memory_space<vmem>> -> memref<128xi32, #tpu.memory_space<vmem>>
      %dma_start3A_822 = arith.constant 0 : i32
      %dma_start3A_823 = arith.constant 0 : i32
      %dma_start3A_824 = tpu.memref_slice %arg5[%dma_start3A_822, %dma_start3A_823] : memref<10240x16xf32, #tpu.memory_space<vmem_shared>> -> memref<10240x16xf32, #tpu.memory_space<vmem_shared>>
      tpu.enqueue_indirect_dma source(%dma_start3A_818 : memref<128x16xf32, #tpu.memory_space<vmem>>) target(%dma_start3A_824 : memref<10240x16xf32, #tpu.memory_space<vmem_shared>>) offsets(%dma_start3A_821 : memref<128xi32, #tpu.memory_space<vmem>>) semaphore(%run_scoped3A_814 : memref<!tpu.dma_semaphore, #tpu.memory_space<semaphore_mem>>) {add = true}
      %dma_wait3A_825 = arith.constant 512 : i32
      %dma_wait3A_826 = arith.constant 0 : i32
      %dma_wait3A_827 = tpu.memref_slice %arg6[%run_scoped3A_427, %dma_wait3A_825, %dma_wait3A_826] : memref<2x1024x16xf32, #tpu.memory_space<vmem>> -> memref<1x128x16xf32, #tpu.memory_space<vmem>>
      %dma_wait3A_828 = tpu.memref_squeeze %dma_wait3A_827 : memref<1x128x16xf32, #tpu.memory_space<vmem>> -> memref<128x16xf32, #tpu.memory_space<vmem>>
      %dma_wait3A_829 = arith.constant 0 : i32
      %dma_wait3A_830 = tpu.memref_slice %arg7[%run_scoped3A_428, %run_scoped3A_429, %dma_wait3A_829] : memref<2x8x128xi32, #tpu.memory_space<vmem>> -> memref<1x1x128xi32, #tpu.memory_space<vmem>>
      %dma_wait3A_831 = tpu.memref_squeeze %dma_wait3A_830 : memref<1x1x128xi32, #tpu.memory_space<vmem>> -> memref<128xi32, #tpu.memory_space<vmem>>
      %dma_wait3A_832 = arith.constant 0 : i32
      %dma_wait3A_833 = arith.constant 0 : i32
      %dma_wait3A_834 = tpu.memref_slice %arg5[%dma_wait3A_832, %dma_wait3A_833] : memref<10240x16xf32, #tpu.memory_space<vmem_shared>> -> memref<10240x16xf32, #tpu.memory_space<vmem_shared>>
      tpu.wait_indirect_dma semaphore(%run_scoped3A_814 : memref<!tpu.dma_semaphore, #tpu.memory_space<semaphore_mem>>) src(%dma_wait3A_828 : memref<128x16xf32, #tpu.memory_space<vmem>>) dst(%dma_wait3A_834 : memref<10240x16xf32, #tpu.memory_space<vmem_shared>>)
      tpu.yield
    }) : () -> ()
    %run_scoped3A_430 = arith.constant 0 : i32
    %run_scoped3A_431 = arith.constant 0 : i32
    %run_scoped3A_432 = arith.constant 5 : i32
    "tpu.region"() ({
      %run_scoped3A_814 = tpu.sem_alloc : memref<!tpu.dma_semaphore, #tpu.memory_space<semaphore_mem>>
      %dma_start3A_815 = arith.constant 640 : i32
      %dma_start3A_816 = arith.constant 0 : i32
      %dma_start3A_817 = tpu.memref_slice %arg6[%run_scoped3A_430, %dma_start3A_815, %dma_start3A_816] : memref<2x1024x16xf32, #tpu.memory_space<vmem>> -> memref<1x128x16xf32, #tpu.memory_space<vmem>>
      %dma_start3A_818 = tpu.memref_squeeze %dma_start3A_817 : memref<1x128x16xf32, #tpu.memory_space<vmem>> -> memref<128x16xf32, #tpu.memory_space<vmem>>
      %dma_start3A_819 = arith.constant 0 : i32
      %dma_start3A_820 = tpu.memref_slice %arg7[%run_scoped3A_431, %run_scoped3A_432, %dma_start3A_819] : memref<2x8x128xi32, #tpu.memory_space<vmem>> -> memref<1x1x128xi32, #tpu.memory_space<vmem>>
      %dma_start3A_821 = tpu.memref_squeeze %dma_start3A_820 : memref<1x1x128xi32, #tpu.memory_space<vmem>> -> memref<128xi32, #tpu.memory_space<vmem>>
      %dma_start3A_822 = arith.constant 0 : i32
      %dma_start3A_823 = arith.constant 0 : i32
      %dma_start3A_824 = tpu.memref_slice %arg5[%dma_start3A_822, %dma_start3A_823] : memref<10240x16xf32, #tpu.memory_space<vmem_shared>> -> memref<10240x16xf32, #tpu.memory_space<vmem_shared>>
      tpu.enqueue_indirect_dma source(%dma_start3A_818 : memref<128x16xf32, #tpu.memory_space<vmem>>) target(%dma_start3A_824 : memref<10240x16xf32, #tpu.memory_space<vmem_shared>>) offsets(%dma_start3A_821 : memref<128xi32, #tpu.memory_space<vmem>>) semaphore(%run_scoped3A_814 : memref<!tpu.dma_semaphore, #tpu.memory_space<semaphore_mem>>) {add = true}
      %dma_wait3A_825 = arith.constant 640 : i32
      %dma_wait3A_826 = arith.constant 0 : i32
      %dma_wait3A_827 = tpu.memref_slice %arg6[%run_scoped3A_430, %dma_wait3A_825, %dma_wait3A_826] : memref<2x1024x16xf32, #tpu.memory_space<vmem>> -> memref<1x128x16xf32, #tpu.memory_space<vmem>>
      %dma_wait3A_828 = tpu.memref_squeeze %dma_wait3A_827 : memref<1x128x16xf32, #tpu.memory_space<vmem>> -> memref<128x16xf32, #tpu.memory_space<vmem>>
      %dma_wait3A_829 = arith.constant 0 : i32
      %dma_wait3A_830 = tpu.memref_slice %arg7[%run_scoped3A_431, %run_scoped3A_432, %dma_wait3A_829] : memref<2x8x128xi32, #tpu.memory_space<vmem>> -> memref<1x1x128xi32, #tpu.memory_space<vmem>>
      %dma_wait3A_831 = tpu.memref_squeeze %dma_wait3A_830 : memref<1x1x128xi32, #tpu.memory_space<vmem>> -> memref<128xi32, #tpu.memory_space<vmem>>
      %dma_wait3A_832 = arith.constant 0 : i32
      %dma_wait3A_833 = arith.constant 0 : i32
      %dma_wait3A_834 = tpu.memref_slice %arg5[%dma_wait3A_832, %dma_wait3A_833] : memref<10240x16xf32, #tpu.memory_space<vmem_shared>> -> memref<10240x16xf32, #tpu.memory_space<vmem_shared>>
      tpu.wait_indirect_dma semaphore(%run_scoped3A_814 : memref<!tpu.dma_semaphore, #tpu.memory_space<semaphore_mem>>) src(%dma_wait3A_828 : memref<128x16xf32, #tpu.memory_space<vmem>>) dst(%dma_wait3A_834 : memref<10240x16xf32, #tpu.memory_space<vmem_shared>>)
      tpu.yield
    }) : () -> ()
    %run_scoped3A_433 = arith.constant 0 : i32
    %run_scoped3A_434 = arith.constant 0 : i32
    %run_scoped3A_435 = arith.constant 6 : i32
    "tpu.region"() ({
      %run_scoped3A_814 = tpu.sem_alloc : memref<!tpu.dma_semaphore, #tpu.memory_space<semaphore_mem>>
      %dma_start3A_815 = arith.constant 768 : i32
      %dma_start3A_816 = arith.constant 0 : i32
      %dma_start3A_817 = tpu.memref_slice %arg6[%run_scoped3A_433, %dma_start3A_815, %dma_start3A_816] : memref<2x1024x16xf32, #tpu.memory_space<vmem>> -> memref<1x128x16xf32, #tpu.memory_space<vmem>>
      %dma_start3A_818 = tpu.memref_squeeze %dma_start3A_817 : memref<1x128x16xf32, #tpu.memory_space<vmem>> -> memref<128x16xf32, #tpu.memory_space<vmem>>
      %dma_start3A_819 = arith.constant 0 : i32
      %dma_start3A_820 = tpu.memref_slice %arg7[%run_scoped3A_434, %run_scoped3A_435, %dma_start3A_819] : memref<2x8x128xi32, #tpu.memory_space<vmem>> -> memref<1x1x128xi32, #tpu.memory_space<vmem>>
      %dma_start3A_821 = tpu.memref_squeeze %dma_start3A_820 : memref<1x1x128xi32, #tpu.memory_space<vmem>> -> memref<128xi32, #tpu.memory_space<vmem>>
      %dma_start3A_822 = arith.constant 0 : i32
      %dma_start3A_823 = arith.constant 0 : i32
      %dma_start3A_824 = tpu.memref_slice %arg5[%dma_start3A_822, %dma_start3A_823] : memref<10240x16xf32, #tpu.memory_space<vmem_shared>> -> memref<10240x16xf32, #tpu.memory_space<vmem_shared>>
      tpu.enqueue_indirect_dma source(%dma_start3A_818 : memref<128x16xf32, #tpu.memory_space<vmem>>) target(%dma_start3A_824 : memref<10240x16xf32, #tpu.memory_space<vmem_shared>>) offsets(%dma_start3A_821 : memref<128xi32, #tpu.memory_space<vmem>>) semaphore(%run_scoped3A_814 : memref<!tpu.dma_semaphore, #tpu.memory_space<semaphore_mem>>) {add = true}
      %dma_wait3A_825 = arith.constant 768 : i32
      %dma_wait3A_826 = arith.constant 0 : i32
      %dma_wait3A_827 = tpu.memref_slice %arg6[%run_scoped3A_433, %dma_wait3A_825, %dma_wait3A_826] : memref<2x1024x16xf32, #tpu.memory_space<vmem>> -> memref<1x128x16xf32, #tpu.memory_space<vmem>>
      %dma_wait3A_828 = tpu.memref_squeeze %dma_wait3A_827 : memref<1x128x16xf32, #tpu.memory_space<vmem>> -> memref<128x16xf32, #tpu.memory_space<vmem>>
      %dma_wait3A_829 = arith.constant 0 : i32
      %dma_wait3A_830 = tpu.memref_slice %arg7[%run_scoped3A_434, %run_scoped3A_435, %dma_wait3A_829] : memref<2x8x128xi32, #tpu.memory_space<vmem>> -> memref<1x1x128xi32, #tpu.memory_space<vmem>>
      %dma_wait3A_831 = tpu.memref_squeeze %dma_wait3A_830 : memref<1x1x128xi32, #tpu.memory_space<vmem>> -> memref<128xi32, #tpu.memory_space<vmem>>
      %dma_wait3A_832 = arith.constant 0 : i32
      %dma_wait3A_833 = arith.constant 0 : i32
      %dma_wait3A_834 = tpu.memref_slice %arg5[%dma_wait3A_832, %dma_wait3A_833] : memref<10240x16xf32, #tpu.memory_space<vmem_shared>> -> memref<10240x16xf32, #tpu.memory_space<vmem_shared>>
      tpu.wait_indirect_dma semaphore(%run_scoped3A_814 : memref<!tpu.dma_semaphore, #tpu.memory_space<semaphore_mem>>) src(%dma_wait3A_828 : memref<128x16xf32, #tpu.memory_space<vmem>>) dst(%dma_wait3A_834 : memref<10240x16xf32, #tpu.memory_space<vmem_shared>>)
      tpu.yield
    }) : () -> ()
    %run_scoped3A_436 = arith.constant 0 : i32
    %run_scoped3A_437 = arith.constant 0 : i32
    %run_scoped3A_438 = arith.constant 7 : i32
    "tpu.region"() ({
      %run_scoped3A_814 = tpu.sem_alloc : memref<!tpu.dma_semaphore, #tpu.memory_space<semaphore_mem>>
      %dma_start3A_815 = arith.constant 896 : i32
      %dma_start3A_816 = arith.constant 0 : i32
      %dma_start3A_817 = tpu.memref_slice %arg6[%run_scoped3A_436, %dma_start3A_815, %dma_start3A_816] : memref<2x1024x16xf32, #tpu.memory_space<vmem>> -> memref<1x128x16xf32, #tpu.memory_space<vmem>>
      %dma_start3A_818 = tpu.memref_squeeze %dma_start3A_817 : memref<1x128x16xf32, #tpu.memory_space<vmem>> -> memref<128x16xf32, #tpu.memory_space<vmem>>
      %dma_start3A_819 = arith.constant 0 : i32
      %dma_start3A_820 = tpu.memref_slice %arg7[%run_scoped3A_437, %run_scoped3A_438, %dma_start3A_819] : memref<2x8x128xi32, #tpu.memory_space<vmem>> -> memref<1x1x128xi32, #tpu.memory_space<vmem>>
      %dma_start3A_821 = tpu.memref_squeeze %dma_start3A_820 : memref<1x1x128xi32, #tpu.memory_space<vmem>> -> memref<128xi32, #tpu.memory_space<vmem>>
      %dma_start3A_822 = arith.constant 0 : i32
      %dma_start3A_823 = arith.constant 0 : i32
      %dma_start3A_824 = tpu.memref_slice %arg5[%dma_start3A_822, %dma_start3A_823] : memref<10240x16xf32, #tpu.memory_space<vmem_shared>> -> memref<10240x16xf32, #tpu.memory_space<vmem_shared>>
      tpu.enqueue_indirect_dma source(%dma_start3A_818 : memref<128x16xf32, #tpu.memory_space<vmem>>) target(%dma_start3A_824 : memref<10240x16xf32, #tpu.memory_space<vmem_shared>>) offsets(%dma_start3A_821 : memref<128xi32, #tpu.memory_space<vmem>>) semaphore(%run_scoped3A_814 : memref<!tpu.dma_semaphore, #tpu.memory_space<semaphore_mem>>) {add = true}
      %dma_wait3A_825 = arith.constant 896 : i32
      %dma_wait3A_826 = arith.constant 0 : i32
      %dma_wait3A_827 = tpu.memref_slice %arg6[%run_scoped3A_436, %dma_wait3A_825, %dma_wait3A_826] : memref<2x1024x16xf32, #tpu.memory_space<vmem>> -> memref<1x128x16xf32, #tpu.memory_space<vmem>>
      %dma_wait3A_828 = tpu.memref_squeeze %dma_wait3A_827 : memref<1x128x16xf32, #tpu.memory_space<vmem>> -> memref<128x16xf32, #tpu.memory_space<vmem>>
      %dma_wait3A_829 = arith.constant 0 : i32
      %dma_wait3A_830 = tpu.memref_slice %arg7[%run_scoped3A_437, %run_scoped3A_438, %dma_wait3A_829] : memref<2x8x128xi32, #tpu.memory_space<vmem>> -> memref<1x1x128xi32, #tpu.memory_space<vmem>>
      %dma_wait3A_831 = tpu.memref_squeeze %dma_wait3A_830 : memref<1x1x128xi32, #tpu.memory_space<vmem>> -> memref<128xi32, #tpu.memory_space<vmem>>
      %dma_wait3A_832 = arith.constant 0 : i32
      %dma_wait3A_833 = arith.constant 0 : i32
      %dma_wait3A_834 = tpu.memref_slice %arg5[%dma_wait3A_832, %dma_wait3A_833] : memref<10240x16xf32, #tpu.memory_space<vmem_shared>> -> memref<10240x16xf32, #tpu.memory_space<vmem_shared>>
      tpu.wait_indirect_dma semaphore(%run_scoped3A_814 : memref<!tpu.dma_semaphore, #tpu.memory_space<semaphore_mem>>) src(%dma_wait3A_828 : memref<128x16xf32, #tpu.memory_space<vmem>>) dst(%dma_wait3A_834 : memref<10240x16xf32, #tpu.memory_space<vmem_shared>>)
      tpu.yield
    }) : () -> ()
    %dma_wait3A_439 = arith.constant 1 : i32
    %dma_wait3A_440 = arith.constant 0 : i32
    %dma_wait3A_441 = arith.constant 0 : i32
    %dma_wait3A_442 = tpu.memref_slice %arg7[%dma_wait3A_439, %dma_wait3A_440, %dma_wait3A_441] : memref<2x8x128xi32, #tpu.memory_space<vmem>> -> memref<1x8x128xi32, #tpu.memory_space<vmem>>
    %dma_wait3A_443 = tpu.memref_squeeze %dma_wait3A_442 : memref<1x8x128xi32, #tpu.memory_space<vmem>> -> memref<8x128xi32, #tpu.memory_space<vmem>>
    %dma_wait3A_444 = arith.constant 0 : i32
    %dma_wait3A_445 = tpu.memref_slice %arg3[%add3A_386, %dma_wait3A_444] : memref<2560x128xi32, #tpu.memory_space<hbm>> -> memref<8x128xi32, #tpu.memory_space<hbm>>
    %dma_wait3A_446 = arith.constant 0 : i32
    %dma_wait3A_447 = arith.constant 0 : i32
    %dma_wait3A_448 = tpu.memref_slice %arg7[%dma_wait3A_439, %dma_wait3A_446, %dma_wait3A_447] : memref<2x8x128xi32, #tpu.memory_space<vmem>> -> memref<1x8x128xi32, #tpu.memory_space<vmem>>
    %dma_wait3A_449 = tpu.memref_squeeze %dma_wait3A_448 : memref<1x8x128xi32, #tpu.memory_space<vmem>> -> memref<8x128xi32, #tpu.memory_space<vmem>>
    %dma_wait3A_450 = arith.constant 0 : i32
    %dma_wait3A_451 = tpu.memref_slice %arg3[%add3A_386, %dma_wait3A_450] : memref<2560x128xi32, #tpu.memory_space<hbm>> -> memref<8x128xi32, #tpu.memory_space<hbm>>
    tpu.wait_dma2 semaphore(%arg8 : memref<!tpu.dma_semaphore, #tpu.memory_space<semaphore_mem>>) src(%dma_wait3A_451 : memref<8x128xi32, #tpu.memory_space<hbm>>) dst(%dma_wait3A_449 : memref<8x128xi32, #tpu.memory_space<vmem>>)
    %dma_wait3A_452 = arith.constant 1 : i32
    %dma_wait3A_453 = arith.constant 0 : i32
    %dma_wait3A_454 = arith.constant 0 : i32
    %dma_wait3A_455 = tpu.memref_slice %arg6[%dma_wait3A_452, %dma_wait3A_453, %dma_wait3A_454] : memref<2x1024x16xf32, #tpu.memory_space<vmem>> -> memref<1x1024x16xf32, #tpu.memory_space<vmem>>
    %dma_wait3A_456 = tpu.memref_squeeze %dma_wait3A_455 : memref<1x1024x16xf32, #tpu.memory_space<vmem>> -> memref<1024x16xf32, #tpu.memory_space<vmem>>
    %dma_wait3A_457 = arith.constant 0 : i32
    %dma_wait3A_458 = tpu.memref_slice %arg2[%mul3A_401, %dma_wait3A_457] : memref<327680x16xf32, #tpu.memory_space<hbm>> -> memref<1024x16xf32, #tpu.memory_space<hbm>>
    %dma_wait3A_459 = arith.constant 0 : i32
    %dma_wait3A_460 = arith.constant 0 : i32
    %dma_wait3A_461 = tpu.memref_slice %arg6[%dma_wait3A_452, %dma_wait3A_459, %dma_wait3A_460] : memref<2x1024x16xf32, #tpu.memory_space<vmem>> -> memref<1x1024x16xf32, #tpu.memory_space<vmem>>
    %dma_wait3A_462 = tpu.memref_squeeze %dma_wait3A_461 : memref<1x1024x16xf32, #tpu.memory_space<vmem>> -> memref<1024x16xf32, #tpu.memory_space<vmem>>
    %dma_wait3A_463 = arith.constant 0 : i32
    %dma_wait3A_464 = tpu.memref_slice %arg2[%mul3A_401, %dma_wait3A_463] : memref<327680x16xf32, #tpu.memory_space<hbm>> -> memref<1024x16xf32, #tpu.memory_space<hbm>>
    tpu.wait_dma2 semaphore(%arg8 : memref<!tpu.dma_semaphore, #tpu.memory_space<semaphore_mem>>) src(%dma_wait3A_464 : memref<1024x16xf32, #tpu.memory_space<hbm>>) dst(%dma_wait3A_462 : memref<1024x16xf32, #tpu.memory_space<vmem>>)
    %add3A_465 = arith.constant 48 : i32
    %add3A_466 = arith.addi %mul3A_2, %add3A_465 : i32
    %dma_start3A_467 = arith.constant 0 : i32
    %dma_start3A_468 = arith.constant 0 : i32
    %dma_start3A_469 = arith.constant 0 : i32
    %dma_start3A_470 = tpu.memref_slice %arg7[%dma_start3A_467, %dma_start3A_468, %dma_start3A_469] : memref<2x8x128xi32, #tpu.memory_space<vmem>> -> memref<1x8x128xi32, #tpu.memory_space<vmem>>
    %dma_start3A_471 = tpu.memref_squeeze %dma_start3A_470 : memref<1x8x128xi32, #tpu.memory_space<vmem>> -> memref<8x128xi32, #tpu.memory_space<vmem>>
    %dma_start3A_472 = arith.constant 0 : i32
    %dma_start3A_473 = tpu.memref_slice %arg3[%add3A_466, %dma_start3A_472] : memref<2560x128xi32, #tpu.memory_space<hbm>> -> memref<8x128xi32, #tpu.memory_space<hbm>>
    %dma_start3A_474 = arith.constant 0 : i32
    %dma_start3A_475 = arith.constant 0 : i32
    %dma_start3A_476 = tpu.memref_slice %arg7[%dma_start3A_467, %dma_start3A_474, %dma_start3A_475] : memref<2x8x128xi32, #tpu.memory_space<vmem>> -> memref<1x8x128xi32, #tpu.memory_space<vmem>>
    %dma_start3A_477 = tpu.memref_squeeze %dma_start3A_476 : memref<1x8x128xi32, #tpu.memory_space<vmem>> -> memref<8x128xi32, #tpu.memory_space<vmem>>
    %dma_start3A_478 = arith.constant 0 : i32
    %dma_start3A_479 = tpu.memref_slice %arg3[%add3A_466, %dma_start3A_478] : memref<2560x128xi32, #tpu.memory_space<hbm>> -> memref<8x128xi32, #tpu.memory_space<hbm>>
    tpu.enqueue_dma source(%dma_start3A_479 : memref<8x128xi32, #tpu.memory_space<hbm>>) target(%dma_start3A_477 : memref<8x128xi32, #tpu.memory_space<vmem>>) target_semaphore(%arg8 : memref<!tpu.dma_semaphore, #tpu.memory_space<semaphore_mem>>)
    %mul3A_480 = arith.constant 128 : i32
    %mul3A_481 = arith.muli %add3A_466, %mul3A_480 : i32
    %dma_start3A_482 = arith.constant 0 : i32
    %dma_start3A_483 = arith.constant 0 : i32
    %dma_start3A_484 = arith.constant 0 : i32
    %dma_start3A_485 = tpu.memref_slice %arg6[%dma_start3A_482, %dma_start3A_483, %dma_start3A_484] : memref<2x1024x16xf32, #tpu.memory_space<vmem>> -> memref<1x1024x16xf32, #tpu.memory_space<vmem>>
    %dma_start3A_486 = tpu.memref_squeeze %dma_start3A_485 : memref<1x1024x16xf32, #tpu.memory_space<vmem>> -> memref<1024x16xf32, #tpu.memory_space<vmem>>
    %dma_start3A_487 = arith.constant 0 : i32
    %dma_start3A_488 = tpu.memref_slice %arg2[%mul3A_481, %dma_start3A_487] : memref<327680x16xf32, #tpu.memory_space<hbm>> -> memref<1024x16xf32, #tpu.memory_space<hbm>>
    %dma_start3A_489 = arith.constant 0 : i32
    %dma_start3A_490 = arith.constant 0 : i32
    %dma_start3A_491 = tpu.memref_slice %arg6[%dma_start3A_482, %dma_start3A_489, %dma_start3A_490] : memref<2x1024x16xf32, #tpu.memory_space<vmem>> -> memref<1x1024x16xf32, #tpu.memory_space<vmem>>
    %dma_start3A_492 = tpu.memref_squeeze %dma_start3A_491 : memref<1x1024x16xf32, #tpu.memory_space<vmem>> -> memref<1024x16xf32, #tpu.memory_space<vmem>>
    %dma_start3A_493 = arith.constant 0 : i32
    %dma_start3A_494 = tpu.memref_slice %arg2[%mul3A_481, %dma_start3A_493] : memref<327680x16xf32, #tpu.memory_space<hbm>> -> memref<1024x16xf32, #tpu.memory_space<hbm>>
    tpu.enqueue_dma source(%dma_start3A_494 : memref<1024x16xf32, #tpu.memory_space<hbm>>) target(%dma_start3A_492 : memref<1024x16xf32, #tpu.memory_space<vmem>>) target_semaphore(%arg8 : memref<!tpu.dma_semaphore, #tpu.memory_space<semaphore_mem>>)
    %run_scoped3A_495 = arith.constant 1 : i32
    %run_scoped3A_496 = arith.constant 1 : i32
    %run_scoped3A_497 = arith.constant 0 : i32
    "tpu.region"() ({
      %run_scoped3A_814 = tpu.sem_alloc : memref<!tpu.dma_semaphore, #tpu.memory_space<semaphore_mem>>
      %dma_start3A_815 = arith.constant 0 : i32
      %dma_start3A_816 = arith.constant 0 : i32
      %dma_start3A_817 = tpu.memref_slice %arg6[%run_scoped3A_495, %dma_start3A_815, %dma_start3A_816] : memref<2x1024x16xf32, #tpu.memory_space<vmem>> -> memref<1x128x16xf32, #tpu.memory_space<vmem>>
      %dma_start3A_818 = tpu.memref_squeeze %dma_start3A_817 : memref<1x128x16xf32, #tpu.memory_space<vmem>> -> memref<128x16xf32, #tpu.memory_space<vmem>>
      %dma_start3A_819 = arith.constant 0 : i32
      %dma_start3A_820 = tpu.memref_slice %arg7[%run_scoped3A_496, %run_scoped3A_497, %dma_start3A_819] : memref<2x8x128xi32, #tpu.memory_space<vmem>> -> memref<1x1x128xi32, #tpu.memory_space<vmem>>
      %dma_start3A_821 = tpu.memref_squeeze %dma_start3A_820 : memref<1x1x128xi32, #tpu.memory_space<vmem>> -> memref<128xi32, #tpu.memory_space<vmem>>
      %dma_start3A_822 = arith.constant 0 : i32
      %dma_start3A_823 = arith.constant 0 : i32
      %dma_start3A_824 = tpu.memref_slice %arg5[%dma_start3A_822, %dma_start3A_823] : memref<10240x16xf32, #tpu.memory_space<vmem_shared>> -> memref<10240x16xf32, #tpu.memory_space<vmem_shared>>
      tpu.enqueue_indirect_dma source(%dma_start3A_818 : memref<128x16xf32, #tpu.memory_space<vmem>>) target(%dma_start3A_824 : memref<10240x16xf32, #tpu.memory_space<vmem_shared>>) offsets(%dma_start3A_821 : memref<128xi32, #tpu.memory_space<vmem>>) semaphore(%run_scoped3A_814 : memref<!tpu.dma_semaphore, #tpu.memory_space<semaphore_mem>>) {add = true}
      %dma_wait3A_825 = arith.constant 0 : i32
      %dma_wait3A_826 = arith.constant 0 : i32
      %dma_wait3A_827 = tpu.memref_slice %arg6[%run_scoped3A_495, %dma_wait3A_825, %dma_wait3A_826] : memref<2x1024x16xf32, #tpu.memory_space<vmem>> -> memref<1x128x16xf32, #tpu.memory_space<vmem>>
      %dma_wait3A_828 = tpu.memref_squeeze %dma_wait3A_827 : memref<1x128x16xf32, #tpu.memory_space<vmem>> -> memref<128x16xf32, #tpu.memory_space<vmem>>
      %dma_wait3A_829 = arith.constant 0 : i32
      %dma_wait3A_830 = tpu.memref_slice %arg7[%run_scoped3A_496, %run_scoped3A_497, %dma_wait3A_829] : memref<2x8x128xi32, #tpu.memory_space<vmem>> -> memref<1x1x128xi32, #tpu.memory_space<vmem>>
      %dma_wait3A_831 = tpu.memref_squeeze %dma_wait3A_830 : memref<1x1x128xi32, #tpu.memory_space<vmem>> -> memref<128xi32, #tpu.memory_space<vmem>>
      %dma_wait3A_832 = arith.constant 0 : i32
      %dma_wait3A_833 = arith.constant 0 : i32
      %dma_wait3A_834 = tpu.memref_slice %arg5[%dma_wait3A_832, %dma_wait3A_833] : memref<10240x16xf32, #tpu.memory_space<vmem_shared>> -> memref<10240x16xf32, #tpu.memory_space<vmem_shared>>
      tpu.wait_indirect_dma semaphore(%run_scoped3A_814 : memref<!tpu.dma_semaphore, #tpu.memory_space<semaphore_mem>>) src(%dma_wait3A_828 : memref<128x16xf32, #tpu.memory_space<vmem>>) dst(%dma_wait3A_834 : memref<10240x16xf32, #tpu.memory_space<vmem_shared>>)
      tpu.yield
    }) : () -> ()
    %run_scoped3A_498 = arith.constant 1 : i32
    %run_scoped3A_499 = arith.constant 1 : i32
    %run_scoped3A_500 = arith.constant 1 : i32
    "tpu.region"() ({
      %run_scoped3A_814 = tpu.sem_alloc : memref<!tpu.dma_semaphore, #tpu.memory_space<semaphore_mem>>
      %dma_start3A_815 = arith.constant 128 : i32
      %dma_start3A_816 = arith.constant 0 : i32
      %dma_start3A_817 = tpu.memref_slice %arg6[%run_scoped3A_498, %dma_start3A_815, %dma_start3A_816] : memref<2x1024x16xf32, #tpu.memory_space<vmem>> -> memref<1x128x16xf32, #tpu.memory_space<vmem>>
      %dma_start3A_818 = tpu.memref_squeeze %dma_start3A_817 : memref<1x128x16xf32, #tpu.memory_space<vmem>> -> memref<128x16xf32, #tpu.memory_space<vmem>>
      %dma_start3A_819 = arith.constant 0 : i32
      %dma_start3A_820 = tpu.memref_slice %arg7[%run_scoped3A_499, %run_scoped3A_500, %dma_start3A_819] : memref<2x8x128xi32, #tpu.memory_space<vmem>> -> memref<1x1x128xi32, #tpu.memory_space<vmem>>
      %dma_start3A_821 = tpu.memref_squeeze %dma_start3A_820 : memref<1x1x128xi32, #tpu.memory_space<vmem>> -> memref<128xi32, #tpu.memory_space<vmem>>
      %dma_start3A_822 = arith.constant 0 : i32
      %dma_start3A_823 = arith.constant 0 : i32
      %dma_start3A_824 = tpu.memref_slice %arg5[%dma_start3A_822, %dma_start3A_823] : memref<10240x16xf32, #tpu.memory_space<vmem_shared>> -> memref<10240x16xf32, #tpu.memory_space<vmem_shared>>
      tpu.enqueue_indirect_dma source(%dma_start3A_818 : memref<128x16xf32, #tpu.memory_space<vmem>>) target(%dma_start3A_824 : memref<10240x16xf32, #tpu.memory_space<vmem_shared>>) offsets(%dma_start3A_821 : memref<128xi32, #tpu.memory_space<vmem>>) semaphore(%run_scoped3A_814 : memref<!tpu.dma_semaphore, #tpu.memory_space<semaphore_mem>>) {add = true}
      %dma_wait3A_825 = arith.constant 128 : i32
      %dma_wait3A_826 = arith.constant 0 : i32
      %dma_wait3A_827 = tpu.memref_slice %arg6[%run_scoped3A_498, %dma_wait3A_825, %dma_wait3A_826] : memref<2x1024x16xf32, #tpu.memory_space<vmem>> -> memref<1x128x16xf32, #tpu.memory_space<vmem>>
      %dma_wait3A_828 = tpu.memref_squeeze %dma_wait3A_827 : memref<1x128x16xf32, #tpu.memory_space<vmem>> -> memref<128x16xf32, #tpu.memory_space<vmem>>
      %dma_wait3A_829 = arith.constant 0 : i32
      %dma_wait3A_830 = tpu.memref_slice %arg7[%run_scoped3A_499, %run_scoped3A_500, %dma_wait3A_829] : memref<2x8x128xi32, #tpu.memory_space<vmem>> -> memref<1x1x128xi32, #tpu.memory_space<vmem>>
      %dma_wait3A_831 = tpu.memref_squeeze %dma_wait3A_830 : memref<1x1x128xi32, #tpu.memory_space<vmem>> -> memref<128xi32, #tpu.memory_space<vmem>>
      %dma_wait3A_832 = arith.constant 0 : i32
      %dma_wait3A_833 = arith.constant 0 : i32
      %dma_wait3A_834 = tpu.memref_slice %arg5[%dma_wait3A_832, %dma_wait3A_833] : memref<10240x16xf32, #tpu.memory_space<vmem_shared>> -> memref<10240x16xf32, #tpu.memory_space<vmem_shared>>
      tpu.wait_indirect_dma semaphore(%run_scoped3A_814 : memref<!tpu.dma_semaphore, #tpu.memory_space<semaphore_mem>>) src(%dma_wait3A_828 : memref<128x16xf32, #tpu.memory_space<vmem>>) dst(%dma_wait3A_834 : memref<10240x16xf32, #tpu.memory_space<vmem_shared>>)
      tpu.yield
    }) : () -> ()
    %run_scoped3A_501 = arith.constant 1 : i32
    %run_scoped3A_502 = arith.constant 1 : i32
    %run_scoped3A_503 = arith.constant 2 : i32
    "tpu.region"() ({
      %run_scoped3A_814 = tpu.sem_alloc : memref<!tpu.dma_semaphore, #tpu.memory_space<semaphore_mem>>
      %dma_start3A_815 = arith.constant 256 : i32
      %dma_start3A_816 = arith.constant 0 : i32
      %dma_start3A_817 = tpu.memref_slice %arg6[%run_scoped3A_501, %dma_start3A_815, %dma_start3A_816] : memref<2x1024x16xf32, #tpu.memory_space<vmem>> -> memref<1x128x16xf32, #tpu.memory_space<vmem>>
      %dma_start3A_818 = tpu.memref_squeeze %dma_start3A_817 : memref<1x128x16xf32, #tpu.memory_space<vmem>> -> memref<128x16xf32, #tpu.memory_space<vmem>>
      %dma_start3A_819 = arith.constant 0 : i32
      %dma_start3A_820 = tpu.memref_slice %arg7[%run_scoped3A_502, %run_scoped3A_503, %dma_start3A_819] : memref<2x8x128xi32, #tpu.memory_space<vmem>> -> memref<1x1x128xi32, #tpu.memory_space<vmem>>
      %dma_start3A_821 = tpu.memref_squeeze %dma_start3A_820 : memref<1x1x128xi32, #tpu.memory_space<vmem>> -> memref<128xi32, #tpu.memory_space<vmem>>
      %dma_start3A_822 = arith.constant 0 : i32
      %dma_start3A_823 = arith.constant 0 : i32
      %dma_start3A_824 = tpu.memref_slice %arg5[%dma_start3A_822, %dma_start3A_823] : memref<10240x16xf32, #tpu.memory_space<vmem_shared>> -> memref<10240x16xf32, #tpu.memory_space<vmem_shared>>
      tpu.enqueue_indirect_dma source(%dma_start3A_818 : memref<128x16xf32, #tpu.memory_space<vmem>>) target(%dma_start3A_824 : memref<10240x16xf32, #tpu.memory_space<vmem_shared>>) offsets(%dma_start3A_821 : memref<128xi32, #tpu.memory_space<vmem>>) semaphore(%run_scoped3A_814 : memref<!tpu.dma_semaphore, #tpu.memory_space<semaphore_mem>>) {add = true}
      %dma_wait3A_825 = arith.constant 256 : i32
      %dma_wait3A_826 = arith.constant 0 : i32
      %dma_wait3A_827 = tpu.memref_slice %arg6[%run_scoped3A_501, %dma_wait3A_825, %dma_wait3A_826] : memref<2x1024x16xf32, #tpu.memory_space<vmem>> -> memref<1x128x16xf32, #tpu.memory_space<vmem>>
      %dma_wait3A_828 = tpu.memref_squeeze %dma_wait3A_827 : memref<1x128x16xf32, #tpu.memory_space<vmem>> -> memref<128x16xf32, #tpu.memory_space<vmem>>
      %dma_wait3A_829 = arith.constant 0 : i32
      %dma_wait3A_830 = tpu.memref_slice %arg7[%run_scoped3A_502, %run_scoped3A_503, %dma_wait3A_829] : memref<2x8x128xi32, #tpu.memory_space<vmem>> -> memref<1x1x128xi32, #tpu.memory_space<vmem>>
      %dma_wait3A_831 = tpu.memref_squeeze %dma_wait3A_830 : memref<1x1x128xi32, #tpu.memory_space<vmem>> -> memref<128xi32, #tpu.memory_space<vmem>>
      %dma_wait3A_832 = arith.constant 0 : i32
      %dma_wait3A_833 = arith.constant 0 : i32
      %dma_wait3A_834 = tpu.memref_slice %arg5[%dma_wait3A_832, %dma_wait3A_833] : memref<10240x16xf32, #tpu.memory_space<vmem_shared>> -> memref<10240x16xf32, #tpu.memory_space<vmem_shared>>
      tpu.wait_indirect_dma semaphore(%run_scoped3A_814 : memref<!tpu.dma_semaphore, #tpu.memory_space<semaphore_mem>>) src(%dma_wait3A_828 : memref<128x16xf32, #tpu.memory_space<vmem>>) dst(%dma_wait3A_834 : memref<10240x16xf32, #tpu.memory_space<vmem_shared>>)
      tpu.yield
    }) : () -> ()
    %run_scoped3A_504 = arith.constant 1 : i32
    %run_scoped3A_505 = arith.constant 1 : i32
    %run_scoped3A_506 = arith.constant 3 : i32
    "tpu.region"() ({
      %run_scoped3A_814 = tpu.sem_alloc : memref<!tpu.dma_semaphore, #tpu.memory_space<semaphore_mem>>
      %dma_start3A_815 = arith.constant 384 : i32
      %dma_start3A_816 = arith.constant 0 : i32
      %dma_start3A_817 = tpu.memref_slice %arg6[%run_scoped3A_504, %dma_start3A_815, %dma_start3A_816] : memref<2x1024x16xf32, #tpu.memory_space<vmem>> -> memref<1x128x16xf32, #tpu.memory_space<vmem>>
      %dma_start3A_818 = tpu.memref_squeeze %dma_start3A_817 : memref<1x128x16xf32, #tpu.memory_space<vmem>> -> memref<128x16xf32, #tpu.memory_space<vmem>>
      %dma_start3A_819 = arith.constant 0 : i32
      %dma_start3A_820 = tpu.memref_slice %arg7[%run_scoped3A_505, %run_scoped3A_506, %dma_start3A_819] : memref<2x8x128xi32, #tpu.memory_space<vmem>> -> memref<1x1x128xi32, #tpu.memory_space<vmem>>
      %dma_start3A_821 = tpu.memref_squeeze %dma_start3A_820 : memref<1x1x128xi32, #tpu.memory_space<vmem>> -> memref<128xi32, #tpu.memory_space<vmem>>
      %dma_start3A_822 = arith.constant 0 : i32
      %dma_start3A_823 = arith.constant 0 : i32
      %dma_start3A_824 = tpu.memref_slice %arg5[%dma_start3A_822, %dma_start3A_823] : memref<10240x16xf32, #tpu.memory_space<vmem_shared>> -> memref<10240x16xf32, #tpu.memory_space<vmem_shared>>
      tpu.enqueue_indirect_dma source(%dma_start3A_818 : memref<128x16xf32, #tpu.memory_space<vmem>>) target(%dma_start3A_824 : memref<10240x16xf32, #tpu.memory_space<vmem_shared>>) offsets(%dma_start3A_821 : memref<128xi32, #tpu.memory_space<vmem>>) semaphore(%run_scoped3A_814 : memref<!tpu.dma_semaphore, #tpu.memory_space<semaphore_mem>>) {add = true}
      %dma_wait3A_825 = arith.constant 384 : i32
      %dma_wait3A_826 = arith.constant 0 : i32
      %dma_wait3A_827 = tpu.memref_slice %arg6[%run_scoped3A_504, %dma_wait3A_825, %dma_wait3A_826] : memref<2x1024x16xf32, #tpu.memory_space<vmem>> -> memref<1x128x16xf32, #tpu.memory_space<vmem>>
      %dma_wait3A_828 = tpu.memref_squeeze %dma_wait3A_827 : memref<1x128x16xf32, #tpu.memory_space<vmem>> -> memref<128x16xf32, #tpu.memory_space<vmem>>
      %dma_wait3A_829 = arith.constant 0 : i32
      %dma_wait3A_830 = tpu.memref_slice %arg7[%run_scoped3A_505, %run_scoped3A_506, %dma_wait3A_829] : memref<2x8x128xi32, #tpu.memory_space<vmem>> -> memref<1x1x128xi32, #tpu.memory_space<vmem>>
      %dma_wait3A_831 = tpu.memref_squeeze %dma_wait3A_830 : memref<1x1x128xi32, #tpu.memory_space<vmem>> -> memref<128xi32, #tpu.memory_space<vmem>>
      %dma_wait3A_832 = arith.constant 0 : i32
      %dma_wait3A_833 = arith.constant 0 : i32
      %dma_wait3A_834 = tpu.memref_slice %arg5[%dma_wait3A_832, %dma_wait3A_833] : memref<10240x16xf32, #tpu.memory_space<vmem_shared>> -> memref<10240x16xf32, #tpu.memory_space<vmem_shared>>
      tpu.wait_indirect_dma semaphore(%run_scoped3A_814 : memref<!tpu.dma_semaphore, #tpu.memory_space<semaphore_mem>>) src(%dma_wait3A_828 : memref<128x16xf32, #tpu.memory_space<vmem>>) dst(%dma_wait3A_834 : memref<10240x16xf32, #tpu.memory_space<vmem_shared>>)
      tpu.yield
    }) : () -> ()
    %run_scoped3A_507 = arith.constant 1 : i32
    %run_scoped3A_508 = arith.constant 1 : i32
    %run_scoped3A_509 = arith.constant 4 : i32
    "tpu.region"() ({
      %run_scoped3A_814 = tpu.sem_alloc : memref<!tpu.dma_semaphore, #tpu.memory_space<semaphore_mem>>
      %dma_start3A_815 = arith.constant 512 : i32
      %dma_start3A_816 = arith.constant 0 : i32
      %dma_start3A_817 = tpu.memref_slice %arg6[%run_scoped3A_507, %dma_start3A_815, %dma_start3A_816] : memref<2x1024x16xf32, #tpu.memory_space<vmem>> -> memref<1x128x16xf32, #tpu.memory_space<vmem>>
      %dma_start3A_818 = tpu.memref_squeeze %dma_start3A_817 : memref<1x128x16xf32, #tpu.memory_space<vmem>> -> memref<128x16xf32, #tpu.memory_space<vmem>>
      %dma_start3A_819 = arith.constant 0 : i32
      %dma_start3A_820 = tpu.memref_slice %arg7[%run_scoped3A_508, %run_scoped3A_509, %dma_start3A_819] : memref<2x8x128xi32, #tpu.memory_space<vmem>> -> memref<1x1x128xi32, #tpu.memory_space<vmem>>
      %dma_start3A_821 = tpu.memref_squeeze %dma_start3A_820 : memref<1x1x128xi32, #tpu.memory_space<vmem>> -> memref<128xi32, #tpu.memory_space<vmem>>
      %dma_start3A_822 = arith.constant 0 : i32
      %dma_start3A_823 = arith.constant 0 : i32
      %dma_start3A_824 = tpu.memref_slice %arg5[%dma_start3A_822, %dma_start3A_823] : memref<10240x16xf32, #tpu.memory_space<vmem_shared>> -> memref<10240x16xf32, #tpu.memory_space<vmem_shared>>
      tpu.enqueue_indirect_dma source(%dma_start3A_818 : memref<128x16xf32, #tpu.memory_space<vmem>>) target(%dma_start3A_824 : memref<10240x16xf32, #tpu.memory_space<vmem_shared>>) offsets(%dma_start3A_821 : memref<128xi32, #tpu.memory_space<vmem>>) semaphore(%run_scoped3A_814 : memref<!tpu.dma_semaphore, #tpu.memory_space<semaphore_mem>>) {add = true}
      %dma_wait3A_825 = arith.constant 512 : i32
      %dma_wait3A_826 = arith.constant 0 : i32
      %dma_wait3A_827 = tpu.memref_slice %arg6[%run_scoped3A_507, %dma_wait3A_825, %dma_wait3A_826] : memref<2x1024x16xf32, #tpu.memory_space<vmem>> -> memref<1x128x16xf32, #tpu.memory_space<vmem>>
      %dma_wait3A_828 = tpu.memref_squeeze %dma_wait3A_827 : memref<1x128x16xf32, #tpu.memory_space<vmem>> -> memref<128x16xf32, #tpu.memory_space<vmem>>
      %dma_wait3A_829 = arith.constant 0 : i32
      %dma_wait3A_830 = tpu.memref_slice %arg7[%run_scoped3A_508, %run_scoped3A_509, %dma_wait3A_829] : memref<2x8x128xi32, #tpu.memory_space<vmem>> -> memref<1x1x128xi32, #tpu.memory_space<vmem>>
      %dma_wait3A_831 = tpu.memref_squeeze %dma_wait3A_830 : memref<1x1x128xi32, #tpu.memory_space<vmem>> -> memref<128xi32, #tpu.memory_space<vmem>>
      %dma_wait3A_832 = arith.constant 0 : i32
      %dma_wait3A_833 = arith.constant 0 : i32
      %dma_wait3A_834 = tpu.memref_slice %arg5[%dma_wait3A_832, %dma_wait3A_833] : memref<10240x16xf32, #tpu.memory_space<vmem_shared>> -> memref<10240x16xf32, #tpu.memory_space<vmem_shared>>
      tpu.wait_indirect_dma semaphore(%run_scoped3A_814 : memref<!tpu.dma_semaphore, #tpu.memory_space<semaphore_mem>>) src(%dma_wait3A_828 : memref<128x16xf32, #tpu.memory_space<vmem>>) dst(%dma_wait3A_834 : memref<10240x16xf32, #tpu.memory_space<vmem_shared>>)
      tpu.yield
    }) : () -> ()
    %run_scoped3A_510 = arith.constant 1 : i32
    %run_scoped3A_511 = arith.constant 1 : i32
    %run_scoped3A_512 = arith.constant 5 : i32
    "tpu.region"() ({
      %run_scoped3A_814 = tpu.sem_alloc : memref<!tpu.dma_semaphore, #tpu.memory_space<semaphore_mem>>
      %dma_start3A_815 = arith.constant 640 : i32
      %dma_start3A_816 = arith.constant 0 : i32
      %dma_start3A_817 = tpu.memref_slice %arg6[%run_scoped3A_510, %dma_start3A_815, %dma_start3A_816] : memref<2x1024x16xf32, #tpu.memory_space<vmem>> -> memref<1x128x16xf32, #tpu.memory_space<vmem>>
      %dma_start3A_818 = tpu.memref_squeeze %dma_start3A_817 : memref<1x128x16xf32, #tpu.memory_space<vmem>> -> memref<128x16xf32, #tpu.memory_space<vmem>>
      %dma_start3A_819 = arith.constant 0 : i32
      %dma_start3A_820 = tpu.memref_slice %arg7[%run_scoped3A_511, %run_scoped3A_512, %dma_start3A_819] : memref<2x8x128xi32, #tpu.memory_space<vmem>> -> memref<1x1x128xi32, #tpu.memory_space<vmem>>
      %dma_start3A_821 = tpu.memref_squeeze %dma_start3A_820 : memref<1x1x128xi32, #tpu.memory_space<vmem>> -> memref<128xi32, #tpu.memory_space<vmem>>
      %dma_start3A_822 = arith.constant 0 : i32
      %dma_start3A_823 = arith.constant 0 : i32
      %dma_start3A_824 = tpu.memref_slice %arg5[%dma_start3A_822, %dma_start3A_823] : memref<10240x16xf32, #tpu.memory_space<vmem_shared>> -> memref<10240x16xf32, #tpu.memory_space<vmem_shared>>
      tpu.enqueue_indirect_dma source(%dma_start3A_818 : memref<128x16xf32, #tpu.memory_space<vmem>>) target(%dma_start3A_824 : memref<10240x16xf32, #tpu.memory_space<vmem_shared>>) offsets(%dma_start3A_821 : memref<128xi32, #tpu.memory_space<vmem>>) semaphore(%run_scoped3A_814 : memref<!tpu.dma_semaphore, #tpu.memory_space<semaphore_mem>>) {add = true}
      %dma_wait3A_825 = arith.constant 640 : i32
      %dma_wait3A_826 = arith.constant 0 : i32
      %dma_wait3A_827 = tpu.memref_slice %arg6[%run_scoped3A_510, %dma_wait3A_825, %dma_wait3A_826] : memref<2x1024x16xf32, #tpu.memory_space<vmem>> -> memref<1x128x16xf32, #tpu.memory_space<vmem>>
      %dma_wait3A_828 = tpu.memref_squeeze %dma_wait3A_827 : memref<1x128x16xf32, #tpu.memory_space<vmem>> -> memref<128x16xf32, #tpu.memory_space<vmem>>
      %dma_wait3A_829 = arith.constant 0 : i32
      %dma_wait3A_830 = tpu.memref_slice %arg7[%run_scoped3A_511, %run_scoped3A_512, %dma_wait3A_829] : memref<2x8x128xi32, #tpu.memory_space<vmem>> -> memref<1x1x128xi32, #tpu.memory_space<vmem>>
      %dma_wait3A_831 = tpu.memref_squeeze %dma_wait3A_830 : memref<1x1x128xi32, #tpu.memory_space<vmem>> -> memref<128xi32, #tpu.memory_space<vmem>>
      %dma_wait3A_832 = arith.constant 0 : i32
      %dma_wait3A_833 = arith.constant 0 : i32
      %dma_wait3A_834 = tpu.memref_slice %arg5[%dma_wait3A_832, %dma_wait3A_833] : memref<10240x16xf32, #tpu.memory_space<vmem_shared>> -> memref<10240x16xf32, #tpu.memory_space<vmem_shared>>
      tpu.wait_indirect_dma semaphore(%run_scoped3A_814 : memref<!tpu.dma_semaphore, #tpu.memory_space<semaphore_mem>>) src(%dma_wait3A_828 : memref<128x16xf32, #tpu.memory_space<vmem>>) dst(%dma_wait3A_834 : memref<10240x16xf32, #tpu.memory_space<vmem_shared>>)
      tpu.yield
    }) : () -> ()
    %run_scoped3A_513 = arith.constant 1 : i32
    %run_scoped3A_514 = arith.constant 1 : i32
    %run_scoped3A_515 = arith.constant 6 : i32
    "tpu.region"() ({
      %run_scoped3A_814 = tpu.sem_alloc : memref<!tpu.dma_semaphore, #tpu.memory_space<semaphore_mem>>
      %dma_start3A_815 = arith.constant 768 : i32
      %dma_start3A_816 = arith.constant 0 : i32
      %dma_start3A_817 = tpu.memref_slice %arg6[%run_scoped3A_513, %dma_start3A_815, %dma_start3A_816] : memref<2x1024x16xf32, #tpu.memory_space<vmem>> -> memref<1x128x16xf32, #tpu.memory_space<vmem>>
      %dma_start3A_818 = tpu.memref_squeeze %dma_start3A_817 : memref<1x128x16xf32, #tpu.memory_space<vmem>> -> memref<128x16xf32, #tpu.memory_space<vmem>>
      %dma_start3A_819 = arith.constant 0 : i32
      %dma_start3A_820 = tpu.memref_slice %arg7[%run_scoped3A_514, %run_scoped3A_515, %dma_start3A_819] : memref<2x8x128xi32, #tpu.memory_space<vmem>> -> memref<1x1x128xi32, #tpu.memory_space<vmem>>
      %dma_start3A_821 = tpu.memref_squeeze %dma_start3A_820 : memref<1x1x128xi32, #tpu.memory_space<vmem>> -> memref<128xi32, #tpu.memory_space<vmem>>
      %dma_start3A_822 = arith.constant 0 : i32
      %dma_start3A_823 = arith.constant 0 : i32
      %dma_start3A_824 = tpu.memref_slice %arg5[%dma_start3A_822, %dma_start3A_823] : memref<10240x16xf32, #tpu.memory_space<vmem_shared>> -> memref<10240x16xf32, #tpu.memory_space<vmem_shared>>
      tpu.enqueue_indirect_dma source(%dma_start3A_818 : memref<128x16xf32, #tpu.memory_space<vmem>>) target(%dma_start3A_824 : memref<10240x16xf32, #tpu.memory_space<vmem_shared>>) offsets(%dma_start3A_821 : memref<128xi32, #tpu.memory_space<vmem>>) semaphore(%run_scoped3A_814 : memref<!tpu.dma_semaphore, #tpu.memory_space<semaphore_mem>>) {add = true}
      %dma_wait3A_825 = arith.constant 768 : i32
      %dma_wait3A_826 = arith.constant 0 : i32
      %dma_wait3A_827 = tpu.memref_slice %arg6[%run_scoped3A_513, %dma_wait3A_825, %dma_wait3A_826] : memref<2x1024x16xf32, #tpu.memory_space<vmem>> -> memref<1x128x16xf32, #tpu.memory_space<vmem>>
      %dma_wait3A_828 = tpu.memref_squeeze %dma_wait3A_827 : memref<1x128x16xf32, #tpu.memory_space<vmem>> -> memref<128x16xf32, #tpu.memory_space<vmem>>
      %dma_wait3A_829 = arith.constant 0 : i32
      %dma_wait3A_830 = tpu.memref_slice %arg7[%run_scoped3A_514, %run_scoped3A_515, %dma_wait3A_829] : memref<2x8x128xi32, #tpu.memory_space<vmem>> -> memref<1x1x128xi32, #tpu.memory_space<vmem>>
      %dma_wait3A_831 = tpu.memref_squeeze %dma_wait3A_830 : memref<1x1x128xi32, #tpu.memory_space<vmem>> -> memref<128xi32, #tpu.memory_space<vmem>>
      %dma_wait3A_832 = arith.constant 0 : i32
      %dma_wait3A_833 = arith.constant 0 : i32
      %dma_wait3A_834 = tpu.memref_slice %arg5[%dma_wait3A_832, %dma_wait3A_833] : memref<10240x16xf32, #tpu.memory_space<vmem_shared>> -> memref<10240x16xf32, #tpu.memory_space<vmem_shared>>
      tpu.wait_indirect_dma semaphore(%run_scoped3A_814 : memref<!tpu.dma_semaphore, #tpu.memory_space<semaphore_mem>>) src(%dma_wait3A_828 : memref<128x16xf32, #tpu.memory_space<vmem>>) dst(%dma_wait3A_834 : memref<10240x16xf32, #tpu.memory_space<vmem_shared>>)
      tpu.yield
    }) : () -> ()
    %run_scoped3A_516 = arith.constant 1 : i32
    %run_scoped3A_517 = arith.constant 1 : i32
    %run_scoped3A_518 = arith.constant 7 : i32
    "tpu.region"() ({
      %run_scoped3A_814 = tpu.sem_alloc : memref<!tpu.dma_semaphore, #tpu.memory_space<semaphore_mem>>
      %dma_start3A_815 = arith.constant 896 : i32
      %dma_start3A_816 = arith.constant 0 : i32
      %dma_start3A_817 = tpu.memref_slice %arg6[%run_scoped3A_516, %dma_start3A_815, %dma_start3A_816] : memref<2x1024x16xf32, #tpu.memory_space<vmem>> -> memref<1x128x16xf32, #tpu.memory_space<vmem>>
      %dma_start3A_818 = tpu.memref_squeeze %dma_start3A_817 : memref<1x128x16xf32, #tpu.memory_space<vmem>> -> memref<128x16xf32, #tpu.memory_space<vmem>>
      %dma_start3A_819 = arith.constant 0 : i32
      %dma_start3A_820 = tpu.memref_slice %arg7[%run_scoped3A_517, %run_scoped3A_518, %dma_start3A_819] : memref<2x8x128xi32, #tpu.memory_space<vmem>> -> memref<1x1x128xi32, #tpu.memory_space<vmem>>
      %dma_start3A_821 = tpu.memref_squeeze %dma_start3A_820 : memref<1x1x128xi32, #tpu.memory_space<vmem>> -> memref<128xi32, #tpu.memory_space<vmem>>
      %dma_start3A_822 = arith.constant 0 : i32
      %dma_start3A_823 = arith.constant 0 : i32
      %dma_start3A_824 = tpu.memref_slice %arg5[%dma_start3A_822, %dma_start3A_823] : memref<10240x16xf32, #tpu.memory_space<vmem_shared>> -> memref<10240x16xf32, #tpu.memory_space<vmem_shared>>
      tpu.enqueue_indirect_dma source(%dma_start3A_818 : memref<128x16xf32, #tpu.memory_space<vmem>>) target(%dma_start3A_824 : memref<10240x16xf32, #tpu.memory_space<vmem_shared>>) offsets(%dma_start3A_821 : memref<128xi32, #tpu.memory_space<vmem>>) semaphore(%run_scoped3A_814 : memref<!tpu.dma_semaphore, #tpu.memory_space<semaphore_mem>>) {add = true}
      %dma_wait3A_825 = arith.constant 896 : i32
      %dma_wait3A_826 = arith.constant 0 : i32
      %dma_wait3A_827 = tpu.memref_slice %arg6[%run_scoped3A_516, %dma_wait3A_825, %dma_wait3A_826] : memref<2x1024x16xf32, #tpu.memory_space<vmem>> -> memref<1x128x16xf32, #tpu.memory_space<vmem>>
      %dma_wait3A_828 = tpu.memref_squeeze %dma_wait3A_827 : memref<1x128x16xf32, #tpu.memory_space<vmem>> -> memref<128x16xf32, #tpu.memory_space<vmem>>
      %dma_wait3A_829 = arith.constant 0 : i32
      %dma_wait3A_830 = tpu.memref_slice %arg7[%run_scoped3A_517, %run_scoped3A_518, %dma_wait3A_829] : memref<2x8x128xi32, #tpu.memory_space<vmem>> -> memref<1x1x128xi32, #tpu.memory_space<vmem>>
      %dma_wait3A_831 = tpu.memref_squeeze %dma_wait3A_830 : memref<1x1x128xi32, #tpu.memory_space<vmem>> -> memref<128xi32, #tpu.memory_space<vmem>>
      %dma_wait3A_832 = arith.constant 0 : i32
      %dma_wait3A_833 = arith.constant 0 : i32
      %dma_wait3A_834 = tpu.memref_slice %arg5[%dma_wait3A_832, %dma_wait3A_833] : memref<10240x16xf32, #tpu.memory_space<vmem_shared>> -> memref<10240x16xf32, #tpu.memory_space<vmem_shared>>
      tpu.wait_indirect_dma semaphore(%run_scoped3A_814 : memref<!tpu.dma_semaphore, #tpu.memory_space<semaphore_mem>>) src(%dma_wait3A_828 : memref<128x16xf32, #tpu.memory_space<vmem>>) dst(%dma_wait3A_834 : memref<10240x16xf32, #tpu.memory_space<vmem_shared>>)
      tpu.yield
    }) : () -> ()
    %dma_wait3A_519 = arith.constant 0 : i32
    %dma_wait3A_520 = arith.constant 0 : i32
    %dma_wait3A_521 = arith.constant 0 : i32
    %dma_wait3A_522 = tpu.memref_slice %arg7[%dma_wait3A_519, %dma_wait3A_520, %dma_wait3A_521] : memref<2x8x128xi32, #tpu.memory_space<vmem>> -> memref<1x8x128xi32, #tpu.memory_space<vmem>>
    %dma_wait3A_523 = tpu.memref_squeeze %dma_wait3A_522 : memref<1x8x128xi32, #tpu.memory_space<vmem>> -> memref<8x128xi32, #tpu.memory_space<vmem>>
    %dma_wait3A_524 = arith.constant 0 : i32
    %dma_wait3A_525 = tpu.memref_slice %arg3[%add3A_466, %dma_wait3A_524] : memref<2560x128xi32, #tpu.memory_space<hbm>> -> memref<8x128xi32, #tpu.memory_space<hbm>>
    %dma_wait3A_526 = arith.constant 0 : i32
    %dma_wait3A_527 = arith.constant 0 : i32
    %dma_wait3A_528 = tpu.memref_slice %arg7[%dma_wait3A_519, %dma_wait3A_526, %dma_wait3A_527] : memref<2x8x128xi32, #tpu.memory_space<vmem>> -> memref<1x8x128xi32, #tpu.memory_space<vmem>>
    %dma_wait3A_529 = tpu.memref_squeeze %dma_wait3A_528 : memref<1x8x128xi32, #tpu.memory_space<vmem>> -> memref<8x128xi32, #tpu.memory_space<vmem>>
    %dma_wait3A_530 = arith.constant 0 : i32
    %dma_wait3A_531 = tpu.memref_slice %arg3[%add3A_466, %dma_wait3A_530] : memref<2560x128xi32, #tpu.memory_space<hbm>> -> memref<8x128xi32, #tpu.memory_space<hbm>>
    tpu.wait_dma2 semaphore(%arg8 : memref<!tpu.dma_semaphore, #tpu.memory_space<semaphore_mem>>) src(%dma_wait3A_531 : memref<8x128xi32, #tpu.memory_space<hbm>>) dst(%dma_wait3A_529 : memref<8x128xi32, #tpu.memory_space<vmem>>)
    %dma_wait3A_532 = arith.constant 0 : i32
    %dma_wait3A_533 = arith.constant 0 : i32
    %dma_wait3A_534 = arith.constant 0 : i32
    %dma_wait3A_535 = tpu.memref_slice %arg6[%dma_wait3A_532, %dma_wait3A_533, %dma_wait3A_534] : memref<2x1024x16xf32, #tpu.memory_space<vmem>> -> memref<1x1024x16xf32, #tpu.memory_space<vmem>>
    %dma_wait3A_536 = tpu.memref_squeeze %dma_wait3A_535 : memref<1x1024x16xf32, #tpu.memory_space<vmem>> -> memref<1024x16xf32, #tpu.memory_space<vmem>>
    %dma_wait3A_537 = arith.constant 0 : i32
    %dma_wait3A_538 = tpu.memref_slice %arg2[%mul3A_481, %dma_wait3A_537] : memref<327680x16xf32, #tpu.memory_space<hbm>> -> memref<1024x16xf32, #tpu.memory_space<hbm>>
    %dma_wait3A_539 = arith.constant 0 : i32
    %dma_wait3A_540 = arith.constant 0 : i32
    %dma_wait3A_541 = tpu.memref_slice %arg6[%dma_wait3A_532, %dma_wait3A_539, %dma_wait3A_540] : memref<2x1024x16xf32, #tpu.memory_space<vmem>> -> memref<1x1024x16xf32, #tpu.memory_space<vmem>>
    %dma_wait3A_542 = tpu.memref_squeeze %dma_wait3A_541 : memref<1x1024x16xf32, #tpu.memory_space<vmem>> -> memref<1024x16xf32, #tpu.memory_space<vmem>>
    %dma_wait3A_543 = arith.constant 0 : i32
    %dma_wait3A_544 = tpu.memref_slice %arg2[%mul3A_481, %dma_wait3A_543] : memref<327680x16xf32, #tpu.memory_space<hbm>> -> memref<1024x16xf32, #tpu.memory_space<hbm>>
    tpu.wait_dma2 semaphore(%arg8 : memref<!tpu.dma_semaphore, #tpu.memory_space<semaphore_mem>>) src(%dma_wait3A_544 : memref<1024x16xf32, #tpu.memory_space<hbm>>) dst(%dma_wait3A_542 : memref<1024x16xf32, #tpu.memory_space<vmem>>)
    %add3A_545 = arith.constant 56 : i32
    %add3A_546 = arith.addi %mul3A_2, %add3A_545 : i32
    %dma_start3A_547 = arith.constant 1 : i32
    %dma_start3A_548 = arith.constant 0 : i32
    %dma_start3A_549 = arith.constant 0 : i32
    %dma_start3A_550 = tpu.memref_slice %arg7[%dma_start3A_547, %dma_start3A_548, %dma_start3A_549] : memref<2x8x128xi32, #tpu.memory_space<vmem>> -> memref<1x8x128xi32, #tpu.memory_space<vmem>>
    %dma_start3A_551 = tpu.memref_squeeze %dma_start3A_550 : memref<1x8x128xi32, #tpu.memory_space<vmem>> -> memref<8x128xi32, #tpu.memory_space<vmem>>
    %dma_start3A_552 = arith.constant 0 : i32
    %dma_start3A_553 = tpu.memref_slice %arg3[%add3A_546, %dma_start3A_552] : memref<2560x128xi32, #tpu.memory_space<hbm>> -> memref<8x128xi32, #tpu.memory_space<hbm>>
    %dma_start3A_554 = arith.constant 0 : i32
    %dma_start3A_555 = arith.constant 0 : i32
    %dma_start3A_556 = tpu.memref_slice %arg7[%dma_start3A_547, %dma_start3A_554, %dma_start3A_555] : memref<2x8x128xi32, #tpu.memory_space<vmem>> -> memref<1x8x128xi32, #tpu.memory_space<vmem>>
    %dma_start3A_557 = tpu.memref_squeeze %dma_start3A_556 : memref<1x8x128xi32, #tpu.memory_space<vmem>> -> memref<8x128xi32, #tpu.memory_space<vmem>>
    %dma_start3A_558 = arith.constant 0 : i32
    %dma_start3A_559 = tpu.memref_slice %arg3[%add3A_546, %dma_start3A_558] : memref<2560x128xi32, #tpu.memory_space<hbm>> -> memref<8x128xi32, #tpu.memory_space<hbm>>
    tpu.enqueue_dma source(%dma_start3A_559 : memref<8x128xi32, #tpu.memory_space<hbm>>) target(%dma_start3A_557 : memref<8x128xi32, #tpu.memory_space<vmem>>) target_semaphore(%arg8 : memref<!tpu.dma_semaphore, #tpu.memory_space<semaphore_mem>>)
    %mul3A_560 = arith.constant 128 : i32
    %mul3A_561 = arith.muli %add3A_546, %mul3A_560 : i32
    %dma_start3A_562 = arith.constant 1 : i32
    %dma_start3A_563 = arith.constant 0 : i32
    %dma_start3A_564 = arith.constant 0 : i32
    %dma_start3A_565 = tpu.memref_slice %arg6[%dma_start3A_562, %dma_start3A_563, %dma_start3A_564] : memref<2x1024x16xf32, #tpu.memory_space<vmem>> -> memref<1x1024x16xf32, #tpu.memory_space<vmem>>
    %dma_start3A_566 = tpu.memref_squeeze %dma_start3A_565 : memref<1x1024x16xf32, #tpu.memory_space<vmem>> -> memref<1024x16xf32, #tpu.memory_space<vmem>>
    %dma_start3A_567 = arith.constant 0 : i32
    %dma_start3A_568 = tpu.memref_slice %arg2[%mul3A_561, %dma_start3A_567] : memref<327680x16xf32, #tpu.memory_space<hbm>> -> memref<1024x16xf32, #tpu.memory_space<hbm>>
    %dma_start3A_569 = arith.constant 0 : i32
    %dma_start3A_570 = arith.constant 0 : i32
    %dma_start3A_571 = tpu.memref_slice %arg6[%dma_start3A_562, %dma_start3A_569, %dma_start3A_570] : memref<2x1024x16xf32, #tpu.memory_space<vmem>> -> memref<1x1024x16xf32, #tpu.memory_space<vmem>>
    %dma_start3A_572 = tpu.memref_squeeze %dma_start3A_571 : memref<1x1024x16xf32, #tpu.memory_space<vmem>> -> memref<1024x16xf32, #tpu.memory_space<vmem>>
    %dma_start3A_573 = arith.constant 0 : i32
    %dma_start3A_574 = tpu.memref_slice %arg2[%mul3A_561, %dma_start3A_573] : memref<327680x16xf32, #tpu.memory_space<hbm>> -> memref<1024x16xf32, #tpu.memory_space<hbm>>
    tpu.enqueue_dma source(%dma_start3A_574 : memref<1024x16xf32, #tpu.memory_space<hbm>>) target(%dma_start3A_572 : memref<1024x16xf32, #tpu.memory_space<vmem>>) target_semaphore(%arg8 : memref<!tpu.dma_semaphore, #tpu.memory_space<semaphore_mem>>)
    %run_scoped3A_575 = arith.constant 0 : i32
    %run_scoped3A_576 = arith.constant 0 : i32
    %run_scoped3A_577 = arith.constant 0 : i32
    "tpu.region"() ({
      %run_scoped3A_814 = tpu.sem_alloc : memref<!tpu.dma_semaphore, #tpu.memory_space<semaphore_mem>>
      %dma_start3A_815 = arith.constant 0 : i32
      %dma_start3A_816 = arith.constant 0 : i32
      %dma_start3A_817 = tpu.memref_slice %arg6[%run_scoped3A_575, %dma_start3A_815, %dma_start3A_816] : memref<2x1024x16xf32, #tpu.memory_space<vmem>> -> memref<1x128x16xf32, #tpu.memory_space<vmem>>
      %dma_start3A_818 = tpu.memref_squeeze %dma_start3A_817 : memref<1x128x16xf32, #tpu.memory_space<vmem>> -> memref<128x16xf32, #tpu.memory_space<vmem>>
      %dma_start3A_819 = arith.constant 0 : i32
      %dma_start3A_820 = tpu.memref_slice %arg7[%run_scoped3A_576, %run_scoped3A_577, %dma_start3A_819] : memref<2x8x128xi32, #tpu.memory_space<vmem>> -> memref<1x1x128xi32, #tpu.memory_space<vmem>>
      %dma_start3A_821 = tpu.memref_squeeze %dma_start3A_820 : memref<1x1x128xi32, #tpu.memory_space<vmem>> -> memref<128xi32, #tpu.memory_space<vmem>>
      %dma_start3A_822 = arith.constant 0 : i32
      %dma_start3A_823 = arith.constant 0 : i32
      %dma_start3A_824 = tpu.memref_slice %arg5[%dma_start3A_822, %dma_start3A_823] : memref<10240x16xf32, #tpu.memory_space<vmem_shared>> -> memref<10240x16xf32, #tpu.memory_space<vmem_shared>>
      tpu.enqueue_indirect_dma source(%dma_start3A_818 : memref<128x16xf32, #tpu.memory_space<vmem>>) target(%dma_start3A_824 : memref<10240x16xf32, #tpu.memory_space<vmem_shared>>) offsets(%dma_start3A_821 : memref<128xi32, #tpu.memory_space<vmem>>) semaphore(%run_scoped3A_814 : memref<!tpu.dma_semaphore, #tpu.memory_space<semaphore_mem>>) {add = true}
      %dma_wait3A_825 = arith.constant 0 : i32
      %dma_wait3A_826 = arith.constant 0 : i32
      %dma_wait3A_827 = tpu.memref_slice %arg6[%run_scoped3A_575, %dma_wait3A_825, %dma_wait3A_826] : memref<2x1024x16xf32, #tpu.memory_space<vmem>> -> memref<1x128x16xf32, #tpu.memory_space<vmem>>
      %dma_wait3A_828 = tpu.memref_squeeze %dma_wait3A_827 : memref<1x128x16xf32, #tpu.memory_space<vmem>> -> memref<128x16xf32, #tpu.memory_space<vmem>>
      %dma_wait3A_829 = arith.constant 0 : i32
      %dma_wait3A_830 = tpu.memref_slice %arg7[%run_scoped3A_576, %run_scoped3A_577, %dma_wait3A_829] : memref<2x8x128xi32, #tpu.memory_space<vmem>> -> memref<1x1x128xi32, #tpu.memory_space<vmem>>
      %dma_wait3A_831 = tpu.memref_squeeze %dma_wait3A_830 : memref<1x1x128xi32, #tpu.memory_space<vmem>> -> memref<128xi32, #tpu.memory_space<vmem>>
      %dma_wait3A_832 = arith.constant 0 : i32
      %dma_wait3A_833 = arith.constant 0 : i32
      %dma_wait3A_834 = tpu.memref_slice %arg5[%dma_wait3A_832, %dma_wait3A_833] : memref<10240x16xf32, #tpu.memory_space<vmem_shared>> -> memref<10240x16xf32, #tpu.memory_space<vmem_shared>>
      tpu.wait_indirect_dma semaphore(%run_scoped3A_814 : memref<!tpu.dma_semaphore, #tpu.memory_space<semaphore_mem>>) src(%dma_wait3A_828 : memref<128x16xf32, #tpu.memory_space<vmem>>) dst(%dma_wait3A_834 : memref<10240x16xf32, #tpu.memory_space<vmem_shared>>)
      tpu.yield
    }) : () -> ()
    %run_scoped3A_578 = arith.constant 0 : i32
    %run_scoped3A_579 = arith.constant 0 : i32
    %run_scoped3A_580 = arith.constant 1 : i32
    "tpu.region"() ({
      %run_scoped3A_814 = tpu.sem_alloc : memref<!tpu.dma_semaphore, #tpu.memory_space<semaphore_mem>>
      %dma_start3A_815 = arith.constant 128 : i32
      %dma_start3A_816 = arith.constant 0 : i32
      %dma_start3A_817 = tpu.memref_slice %arg6[%run_scoped3A_578, %dma_start3A_815, %dma_start3A_816] : memref<2x1024x16xf32, #tpu.memory_space<vmem>> -> memref<1x128x16xf32, #tpu.memory_space<vmem>>
      %dma_start3A_818 = tpu.memref_squeeze %dma_start3A_817 : memref<1x128x16xf32, #tpu.memory_space<vmem>> -> memref<128x16xf32, #tpu.memory_space<vmem>>
      %dma_start3A_819 = arith.constant 0 : i32
      %dma_start3A_820 = tpu.memref_slice %arg7[%run_scoped3A_579, %run_scoped3A_580, %dma_start3A_819] : memref<2x8x128xi32, #tpu.memory_space<vmem>> -> memref<1x1x128xi32, #tpu.memory_space<vmem>>
      %dma_start3A_821 = tpu.memref_squeeze %dma_start3A_820 : memref<1x1x128xi32, #tpu.memory_space<vmem>> -> memref<128xi32, #tpu.memory_space<vmem>>
      %dma_start3A_822 = arith.constant 0 : i32
      %dma_start3A_823 = arith.constant 0 : i32
      %dma_start3A_824 = tpu.memref_slice %arg5[%dma_start3A_822, %dma_start3A_823] : memref<10240x16xf32, #tpu.memory_space<vmem_shared>> -> memref<10240x16xf32, #tpu.memory_space<vmem_shared>>
      tpu.enqueue_indirect_dma source(%dma_start3A_818 : memref<128x16xf32, #tpu.memory_space<vmem>>) target(%dma_start3A_824 : memref<10240x16xf32, #tpu.memory_space<vmem_shared>>) offsets(%dma_start3A_821 : memref<128xi32, #tpu.memory_space<vmem>>) semaphore(%run_scoped3A_814 : memref<!tpu.dma_semaphore, #tpu.memory_space<semaphore_mem>>) {add = true}
      %dma_wait3A_825 = arith.constant 128 : i32
      %dma_wait3A_826 = arith.constant 0 : i32
      %dma_wait3A_827 = tpu.memref_slice %arg6[%run_scoped3A_578, %dma_wait3A_825, %dma_wait3A_826] : memref<2x1024x16xf32, #tpu.memory_space<vmem>> -> memref<1x128x16xf32, #tpu.memory_space<vmem>>
      %dma_wait3A_828 = tpu.memref_squeeze %dma_wait3A_827 : memref<1x128x16xf32, #tpu.memory_space<vmem>> -> memref<128x16xf32, #tpu.memory_space<vmem>>
      %dma_wait3A_829 = arith.constant 0 : i32
      %dma_wait3A_830 = tpu.memref_slice %arg7[%run_scoped3A_579, %run_scoped3A_580, %dma_wait3A_829] : memref<2x8x128xi32, #tpu.memory_space<vmem>> -> memref<1x1x128xi32, #tpu.memory_space<vmem>>
      %dma_wait3A_831 = tpu.memref_squeeze %dma_wait3A_830 : memref<1x1x128xi32, #tpu.memory_space<vmem>> -> memref<128xi32, #tpu.memory_space<vmem>>
      %dma_wait3A_832 = arith.constant 0 : i32
      %dma_wait3A_833 = arith.constant 0 : i32
      %dma_wait3A_834 = tpu.memref_slice %arg5[%dma_wait3A_832, %dma_wait3A_833] : memref<10240x16xf32, #tpu.memory_space<vmem_shared>> -> memref<10240x16xf32, #tpu.memory_space<vmem_shared>>
      tpu.wait_indirect_dma semaphore(%run_scoped3A_814 : memref<!tpu.dma_semaphore, #tpu.memory_space<semaphore_mem>>) src(%dma_wait3A_828 : memref<128x16xf32, #tpu.memory_space<vmem>>) dst(%dma_wait3A_834 : memref<10240x16xf32, #tpu.memory_space<vmem_shared>>)
      tpu.yield
    }) : () -> ()
    %run_scoped3A_581 = arith.constant 0 : i32
    %run_scoped3A_582 = arith.constant 0 : i32
    %run_scoped3A_583 = arith.constant 2 : i32
    "tpu.region"() ({
      %run_scoped3A_814 = tpu.sem_alloc : memref<!tpu.dma_semaphore, #tpu.memory_space<semaphore_mem>>
      %dma_start3A_815 = arith.constant 256 : i32
      %dma_start3A_816 = arith.constant 0 : i32
      %dma_start3A_817 = tpu.memref_slice %arg6[%run_scoped3A_581, %dma_start3A_815, %dma_start3A_816] : memref<2x1024x16xf32, #tpu.memory_space<vmem>> -> memref<1x128x16xf32, #tpu.memory_space<vmem>>
      %dma_start3A_818 = tpu.memref_squeeze %dma_start3A_817 : memref<1x128x16xf32, #tpu.memory_space<vmem>> -> memref<128x16xf32, #tpu.memory_space<vmem>>
      %dma_start3A_819 = arith.constant 0 : i32
      %dma_start3A_820 = tpu.memref_slice %arg7[%run_scoped3A_582, %run_scoped3A_583, %dma_start3A_819] : memref<2x8x128xi32, #tpu.memory_space<vmem>> -> memref<1x1x128xi32, #tpu.memory_space<vmem>>
      %dma_start3A_821 = tpu.memref_squeeze %dma_start3A_820 : memref<1x1x128xi32, #tpu.memory_space<vmem>> -> memref<128xi32, #tpu.memory_space<vmem>>
      %dma_start3A_822 = arith.constant 0 : i32
      %dma_start3A_823 = arith.constant 0 : i32
      %dma_start3A_824 = tpu.memref_slice %arg5[%dma_start3A_822, %dma_start3A_823] : memref<10240x16xf32, #tpu.memory_space<vmem_shared>> -> memref<10240x16xf32, #tpu.memory_space<vmem_shared>>
      tpu.enqueue_indirect_dma source(%dma_start3A_818 : memref<128x16xf32, #tpu.memory_space<vmem>>) target(%dma_start3A_824 : memref<10240x16xf32, #tpu.memory_space<vmem_shared>>) offsets(%dma_start3A_821 : memref<128xi32, #tpu.memory_space<vmem>>) semaphore(%run_scoped3A_814 : memref<!tpu.dma_semaphore, #tpu.memory_space<semaphore_mem>>) {add = true}
      %dma_wait3A_825 = arith.constant 256 : i32
      %dma_wait3A_826 = arith.constant 0 : i32
      %dma_wait3A_827 = tpu.memref_slice %arg6[%run_scoped3A_581, %dma_wait3A_825, %dma_wait3A_826] : memref<2x1024x16xf32, #tpu.memory_space<vmem>> -> memref<1x128x16xf32, #tpu.memory_space<vmem>>
      %dma_wait3A_828 = tpu.memref_squeeze %dma_wait3A_827 : memref<1x128x16xf32, #tpu.memory_space<vmem>> -> memref<128x16xf32, #tpu.memory_space<vmem>>
      %dma_wait3A_829 = arith.constant 0 : i32
      %dma_wait3A_830 = tpu.memref_slice %arg7[%run_scoped3A_582, %run_scoped3A_583, %dma_wait3A_829] : memref<2x8x128xi32, #tpu.memory_space<vmem>> -> memref<1x1x128xi32, #tpu.memory_space<vmem>>
      %dma_wait3A_831 = tpu.memref_squeeze %dma_wait3A_830 : memref<1x1x128xi32, #tpu.memory_space<vmem>> -> memref<128xi32, #tpu.memory_space<vmem>>
      %dma_wait3A_832 = arith.constant 0 : i32
      %dma_wait3A_833 = arith.constant 0 : i32
      %dma_wait3A_834 = tpu.memref_slice %arg5[%dma_wait3A_832, %dma_wait3A_833] : memref<10240x16xf32, #tpu.memory_space<vmem_shared>> -> memref<10240x16xf32, #tpu.memory_space<vmem_shared>>
      tpu.wait_indirect_dma semaphore(%run_scoped3A_814 : memref<!tpu.dma_semaphore, #tpu.memory_space<semaphore_mem>>) src(%dma_wait3A_828 : memref<128x16xf32, #tpu.memory_space<vmem>>) dst(%dma_wait3A_834 : memref<10240x16xf32, #tpu.memory_space<vmem_shared>>)
      tpu.yield
    }) : () -> ()
    %run_scoped3A_584 = arith.constant 0 : i32
    %run_scoped3A_585 = arith.constant 0 : i32
    %run_scoped3A_586 = arith.constant 3 : i32
    "tpu.region"() ({
      %run_scoped3A_814 = tpu.sem_alloc : memref<!tpu.dma_semaphore, #tpu.memory_space<semaphore_mem>>
      %dma_start3A_815 = arith.constant 384 : i32
      %dma_start3A_816 = arith.constant 0 : i32
      %dma_start3A_817 = tpu.memref_slice %arg6[%run_scoped3A_584, %dma_start3A_815, %dma_start3A_816] : memref<2x1024x16xf32, #tpu.memory_space<vmem>> -> memref<1x128x16xf32, #tpu.memory_space<vmem>>
      %dma_start3A_818 = tpu.memref_squeeze %dma_start3A_817 : memref<1x128x16xf32, #tpu.memory_space<vmem>> -> memref<128x16xf32, #tpu.memory_space<vmem>>
      %dma_start3A_819 = arith.constant 0 : i32
      %dma_start3A_820 = tpu.memref_slice %arg7[%run_scoped3A_585, %run_scoped3A_586, %dma_start3A_819] : memref<2x8x128xi32, #tpu.memory_space<vmem>> -> memref<1x1x128xi32, #tpu.memory_space<vmem>>
      %dma_start3A_821 = tpu.memref_squeeze %dma_start3A_820 : memref<1x1x128xi32, #tpu.memory_space<vmem>> -> memref<128xi32, #tpu.memory_space<vmem>>
      %dma_start3A_822 = arith.constant 0 : i32
      %dma_start3A_823 = arith.constant 0 : i32
      %dma_start3A_824 = tpu.memref_slice %arg5[%dma_start3A_822, %dma_start3A_823] : memref<10240x16xf32, #tpu.memory_space<vmem_shared>> -> memref<10240x16xf32, #tpu.memory_space<vmem_shared>>
      tpu.enqueue_indirect_dma source(%dma_start3A_818 : memref<128x16xf32, #tpu.memory_space<vmem>>) target(%dma_start3A_824 : memref<10240x16xf32, #tpu.memory_space<vmem_shared>>) offsets(%dma_start3A_821 : memref<128xi32, #tpu.memory_space<vmem>>) semaphore(%run_scoped3A_814 : memref<!tpu.dma_semaphore, #tpu.memory_space<semaphore_mem>>) {add = true}
      %dma_wait3A_825 = arith.constant 384 : i32
      %dma_wait3A_826 = arith.constant 0 : i32
      %dma_wait3A_827 = tpu.memref_slice %arg6[%run_scoped3A_584, %dma_wait3A_825, %dma_wait3A_826] : memref<2x1024x16xf32, #tpu.memory_space<vmem>> -> memref<1x128x16xf32, #tpu.memory_space<vmem>>
      %dma_wait3A_828 = tpu.memref_squeeze %dma_wait3A_827 : memref<1x128x16xf32, #tpu.memory_space<vmem>> -> memref<128x16xf32, #tpu.memory_space<vmem>>
      %dma_wait3A_829 = arith.constant 0 : i32
      %dma_wait3A_830 = tpu.memref_slice %arg7[%run_scoped3A_585, %run_scoped3A_586, %dma_wait3A_829] : memref<2x8x128xi32, #tpu.memory_space<vmem>> -> memref<1x1x128xi32, #tpu.memory_space<vmem>>
      %dma_wait3A_831 = tpu.memref_squeeze %dma_wait3A_830 : memref<1x1x128xi32, #tpu.memory_space<vmem>> -> memref<128xi32, #tpu.memory_space<vmem>>
      %dma_wait3A_832 = arith.constant 0 : i32
      %dma_wait3A_833 = arith.constant 0 : i32
      %dma_wait3A_834 = tpu.memref_slice %arg5[%dma_wait3A_832, %dma_wait3A_833] : memref<10240x16xf32, #tpu.memory_space<vmem_shared>> -> memref<10240x16xf32, #tpu.memory_space<vmem_shared>>
      tpu.wait_indirect_dma semaphore(%run_scoped3A_814 : memref<!tpu.dma_semaphore, #tpu.memory_space<semaphore_mem>>) src(%dma_wait3A_828 : memref<128x16xf32, #tpu.memory_space<vmem>>) dst(%dma_wait3A_834 : memref<10240x16xf32, #tpu.memory_space<vmem_shared>>)
      tpu.yield
    }) : () -> ()
    %run_scoped3A_587 = arith.constant 0 : i32
    %run_scoped3A_588 = arith.constant 0 : i32
    %run_scoped3A_589 = arith.constant 4 : i32
    "tpu.region"() ({
      %run_scoped3A_814 = tpu.sem_alloc : memref<!tpu.dma_semaphore, #tpu.memory_space<semaphore_mem>>
      %dma_start3A_815 = arith.constant 512 : i32
      %dma_start3A_816 = arith.constant 0 : i32
      %dma_start3A_817 = tpu.memref_slice %arg6[%run_scoped3A_587, %dma_start3A_815, %dma_start3A_816] : memref<2x1024x16xf32, #tpu.memory_space<vmem>> -> memref<1x128x16xf32, #tpu.memory_space<vmem>>
      %dma_start3A_818 = tpu.memref_squeeze %dma_start3A_817 : memref<1x128x16xf32, #tpu.memory_space<vmem>> -> memref<128x16xf32, #tpu.memory_space<vmem>>
      %dma_start3A_819 = arith.constant 0 : i32
      %dma_start3A_820 = tpu.memref_slice %arg7[%run_scoped3A_588, %run_scoped3A_589, %dma_start3A_819] : memref<2x8x128xi32, #tpu.memory_space<vmem>> -> memref<1x1x128xi32, #tpu.memory_space<vmem>>
      %dma_start3A_821 = tpu.memref_squeeze %dma_start3A_820 : memref<1x1x128xi32, #tpu.memory_space<vmem>> -> memref<128xi32, #tpu.memory_space<vmem>>
      %dma_start3A_822 = arith.constant 0 : i32
      %dma_start3A_823 = arith.constant 0 : i32
      %dma_start3A_824 = tpu.memref_slice %arg5[%dma_start3A_822, %dma_start3A_823] : memref<10240x16xf32, #tpu.memory_space<vmem_shared>> -> memref<10240x16xf32, #tpu.memory_space<vmem_shared>>
      tpu.enqueue_indirect_dma source(%dma_start3A_818 : memref<128x16xf32, #tpu.memory_space<vmem>>) target(%dma_start3A_824 : memref<10240x16xf32, #tpu.memory_space<vmem_shared>>) offsets(%dma_start3A_821 : memref<128xi32, #tpu.memory_space<vmem>>) semaphore(%run_scoped3A_814 : memref<!tpu.dma_semaphore, #tpu.memory_space<semaphore_mem>>) {add = true}
      %dma_wait3A_825 = arith.constant 512 : i32
      %dma_wait3A_826 = arith.constant 0 : i32
      %dma_wait3A_827 = tpu.memref_slice %arg6[%run_scoped3A_587, %dma_wait3A_825, %dma_wait3A_826] : memref<2x1024x16xf32, #tpu.memory_space<vmem>> -> memref<1x128x16xf32, #tpu.memory_space<vmem>>
      %dma_wait3A_828 = tpu.memref_squeeze %dma_wait3A_827 : memref<1x128x16xf32, #tpu.memory_space<vmem>> -> memref<128x16xf32, #tpu.memory_space<vmem>>
      %dma_wait3A_829 = arith.constant 0 : i32
      %dma_wait3A_830 = tpu.memref_slice %arg7[%run_scoped3A_588, %run_scoped3A_589, %dma_wait3A_829] : memref<2x8x128xi32, #tpu.memory_space<vmem>> -> memref<1x1x128xi32, #tpu.memory_space<vmem>>
      %dma_wait3A_831 = tpu.memref_squeeze %dma_wait3A_830 : memref<1x1x128xi32, #tpu.memory_space<vmem>> -> memref<128xi32, #tpu.memory_space<vmem>>
      %dma_wait3A_832 = arith.constant 0 : i32
      %dma_wait3A_833 = arith.constant 0 : i32
      %dma_wait3A_834 = tpu.memref_slice %arg5[%dma_wait3A_832, %dma_wait3A_833] : memref<10240x16xf32, #tpu.memory_space<vmem_shared>> -> memref<10240x16xf32, #tpu.memory_space<vmem_shared>>
      tpu.wait_indirect_dma semaphore(%run_scoped3A_814 : memref<!tpu.dma_semaphore, #tpu.memory_space<semaphore_mem>>) src(%dma_wait3A_828 : memref<128x16xf32, #tpu.memory_space<vmem>>) dst(%dma_wait3A_834 : memref<10240x16xf32, #tpu.memory_space<vmem_shared>>)
      tpu.yield
    }) : () -> ()
    %run_scoped3A_590 = arith.constant 0 : i32
    %run_scoped3A_591 = arith.constant 0 : i32
    %run_scoped3A_592 = arith.constant 5 : i32
    "tpu.region"() ({
      %run_scoped3A_814 = tpu.sem_alloc : memref<!tpu.dma_semaphore, #tpu.memory_space<semaphore_mem>>
      %dma_start3A_815 = arith.constant 640 : i32
      %dma_start3A_816 = arith.constant 0 : i32
      %dma_start3A_817 = tpu.memref_slice %arg6[%run_scoped3A_590, %dma_start3A_815, %dma_start3A_816] : memref<2x1024x16xf32, #tpu.memory_space<vmem>> -> memref<1x128x16xf32, #tpu.memory_space<vmem>>
      %dma_start3A_818 = tpu.memref_squeeze %dma_start3A_817 : memref<1x128x16xf32, #tpu.memory_space<vmem>> -> memref<128x16xf32, #tpu.memory_space<vmem>>
      %dma_start3A_819 = arith.constant 0 : i32
      %dma_start3A_820 = tpu.memref_slice %arg7[%run_scoped3A_591, %run_scoped3A_592, %dma_start3A_819] : memref<2x8x128xi32, #tpu.memory_space<vmem>> -> memref<1x1x128xi32, #tpu.memory_space<vmem>>
      %dma_start3A_821 = tpu.memref_squeeze %dma_start3A_820 : memref<1x1x128xi32, #tpu.memory_space<vmem>> -> memref<128xi32, #tpu.memory_space<vmem>>
      %dma_start3A_822 = arith.constant 0 : i32
      %dma_start3A_823 = arith.constant 0 : i32
      %dma_start3A_824 = tpu.memref_slice %arg5[%dma_start3A_822, %dma_start3A_823] : memref<10240x16xf32, #tpu.memory_space<vmem_shared>> -> memref<10240x16xf32, #tpu.memory_space<vmem_shared>>
      tpu.enqueue_indirect_dma source(%dma_start3A_818 : memref<128x16xf32, #tpu.memory_space<vmem>>) target(%dma_start3A_824 : memref<10240x16xf32, #tpu.memory_space<vmem_shared>>) offsets(%dma_start3A_821 : memref<128xi32, #tpu.memory_space<vmem>>) semaphore(%run_scoped3A_814 : memref<!tpu.dma_semaphore, #tpu.memory_space<semaphore_mem>>) {add = true}
      %dma_wait3A_825 = arith.constant 640 : i32
      %dma_wait3A_826 = arith.constant 0 : i32
      %dma_wait3A_827 = tpu.memref_slice %arg6[%run_scoped3A_590, %dma_wait3A_825, %dma_wait3A_826] : memref<2x1024x16xf32, #tpu.memory_space<vmem>> -> memref<1x128x16xf32, #tpu.memory_space<vmem>>
      %dma_wait3A_828 = tpu.memref_squeeze %dma_wait3A_827 : memref<1x128x16xf32, #tpu.memory_space<vmem>> -> memref<128x16xf32, #tpu.memory_space<vmem>>
      %dma_wait3A_829 = arith.constant 0 : i32
      %dma_wait3A_830 = tpu.memref_slice %arg7[%run_scoped3A_591, %run_scoped3A_592, %dma_wait3A_829] : memref<2x8x128xi32, #tpu.memory_space<vmem>> -> memref<1x1x128xi32, #tpu.memory_space<vmem>>
      %dma_wait3A_831 = tpu.memref_squeeze %dma_wait3A_830 : memref<1x1x128xi32, #tpu.memory_space<vmem>> -> memref<128xi32, #tpu.memory_space<vmem>>
      %dma_wait3A_832 = arith.constant 0 : i32
      %dma_wait3A_833 = arith.constant 0 : i32
      %dma_wait3A_834 = tpu.memref_slice %arg5[%dma_wait3A_832, %dma_wait3A_833] : memref<10240x16xf32, #tpu.memory_space<vmem_shared>> -> memref<10240x16xf32, #tpu.memory_space<vmem_shared>>
      tpu.wait_indirect_dma semaphore(%run_scoped3A_814 : memref<!tpu.dma_semaphore, #tpu.memory_space<semaphore_mem>>) src(%dma_wait3A_828 : memref<128x16xf32, #tpu.memory_space<vmem>>) dst(%dma_wait3A_834 : memref<10240x16xf32, #tpu.memory_space<vmem_shared>>)
      tpu.yield
    }) : () -> ()
    %run_scoped3A_593 = arith.constant 0 : i32
    %run_scoped3A_594 = arith.constant 0 : i32
    %run_scoped3A_595 = arith.constant 6 : i32
    "tpu.region"() ({
      %run_scoped3A_814 = tpu.sem_alloc : memref<!tpu.dma_semaphore, #tpu.memory_space<semaphore_mem>>
      %dma_start3A_815 = arith.constant 768 : i32
      %dma_start3A_816 = arith.constant 0 : i32
      %dma_start3A_817 = tpu.memref_slice %arg6[%run_scoped3A_593, %dma_start3A_815, %dma_start3A_816] : memref<2x1024x16xf32, #tpu.memory_space<vmem>> -> memref<1x128x16xf32, #tpu.memory_space<vmem>>
      %dma_start3A_818 = tpu.memref_squeeze %dma_start3A_817 : memref<1x128x16xf32, #tpu.memory_space<vmem>> -> memref<128x16xf32, #tpu.memory_space<vmem>>
      %dma_start3A_819 = arith.constant 0 : i32
      %dma_start3A_820 = tpu.memref_slice %arg7[%run_scoped3A_594, %run_scoped3A_595, %dma_start3A_819] : memref<2x8x128xi32, #tpu.memory_space<vmem>> -> memref<1x1x128xi32, #tpu.memory_space<vmem>>
      %dma_start3A_821 = tpu.memref_squeeze %dma_start3A_820 : memref<1x1x128xi32, #tpu.memory_space<vmem>> -> memref<128xi32, #tpu.memory_space<vmem>>
      %dma_start3A_822 = arith.constant 0 : i32
      %dma_start3A_823 = arith.constant 0 : i32
      %dma_start3A_824 = tpu.memref_slice %arg5[%dma_start3A_822, %dma_start3A_823] : memref<10240x16xf32, #tpu.memory_space<vmem_shared>> -> memref<10240x16xf32, #tpu.memory_space<vmem_shared>>
      tpu.enqueue_indirect_dma source(%dma_start3A_818 : memref<128x16xf32, #tpu.memory_space<vmem>>) target(%dma_start3A_824 : memref<10240x16xf32, #tpu.memory_space<vmem_shared>>) offsets(%dma_start3A_821 : memref<128xi32, #tpu.memory_space<vmem>>) semaphore(%run_scoped3A_814 : memref<!tpu.dma_semaphore, #tpu.memory_space<semaphore_mem>>) {add = true}
      %dma_wait3A_825 = arith.constant 768 : i32
      %dma_wait3A_826 = arith.constant 0 : i32
      %dma_wait3A_827 = tpu.memref_slice %arg6[%run_scoped3A_593, %dma_wait3A_825, %dma_wait3A_826] : memref<2x1024x16xf32, #tpu.memory_space<vmem>> -> memref<1x128x16xf32, #tpu.memory_space<vmem>>
      %dma_wait3A_828 = tpu.memref_squeeze %dma_wait3A_827 : memref<1x128x16xf32, #tpu.memory_space<vmem>> -> memref<128x16xf32, #tpu.memory_space<vmem>>
      %dma_wait3A_829 = arith.constant 0 : i32
      %dma_wait3A_830 = tpu.memref_slice %arg7[%run_scoped3A_594, %run_scoped3A_595, %dma_wait3A_829] : memref<2x8x128xi32, #tpu.memory_space<vmem>> -> memref<1x1x128xi32, #tpu.memory_space<vmem>>
      %dma_wait3A_831 = tpu.memref_squeeze %dma_wait3A_830 : memref<1x1x128xi32, #tpu.memory_space<vmem>> -> memref<128xi32, #tpu.memory_space<vmem>>
      %dma_wait3A_832 = arith.constant 0 : i32
      %dma_wait3A_833 = arith.constant 0 : i32
      %dma_wait3A_834 = tpu.memref_slice %arg5[%dma_wait3A_832, %dma_wait3A_833] : memref<10240x16xf32, #tpu.memory_space<vmem_shared>> -> memref<10240x16xf32, #tpu.memory_space<vmem_shared>>
      tpu.wait_indirect_dma semaphore(%run_scoped3A_814 : memref<!tpu.dma_semaphore, #tpu.memory_space<semaphore_mem>>) src(%dma_wait3A_828 : memref<128x16xf32, #tpu.memory_space<vmem>>) dst(%dma_wait3A_834 : memref<10240x16xf32, #tpu.memory_space<vmem_shared>>)
      tpu.yield
    }) : () -> ()
    %run_scoped3A_596 = arith.constant 0 : i32
    %run_scoped3A_597 = arith.constant 0 : i32
    %run_scoped3A_598 = arith.constant 7 : i32
    "tpu.region"() ({
      %run_scoped3A_814 = tpu.sem_alloc : memref<!tpu.dma_semaphore, #tpu.memory_space<semaphore_mem>>
      %dma_start3A_815 = arith.constant 896 : i32
      %dma_start3A_816 = arith.constant 0 : i32
      %dma_start3A_817 = tpu.memref_slice %arg6[%run_scoped3A_596, %dma_start3A_815, %dma_start3A_816] : memref<2x1024x16xf32, #tpu.memory_space<vmem>> -> memref<1x128x16xf32, #tpu.memory_space<vmem>>
      %dma_start3A_818 = tpu.memref_squeeze %dma_start3A_817 : memref<1x128x16xf32, #tpu.memory_space<vmem>> -> memref<128x16xf32, #tpu.memory_space<vmem>>
      %dma_start3A_819 = arith.constant 0 : i32
      %dma_start3A_820 = tpu.memref_slice %arg7[%run_scoped3A_597, %run_scoped3A_598, %dma_start3A_819] : memref<2x8x128xi32, #tpu.memory_space<vmem>> -> memref<1x1x128xi32, #tpu.memory_space<vmem>>
      %dma_start3A_821 = tpu.memref_squeeze %dma_start3A_820 : memref<1x1x128xi32, #tpu.memory_space<vmem>> -> memref<128xi32, #tpu.memory_space<vmem>>
      %dma_start3A_822 = arith.constant 0 : i32
      %dma_start3A_823 = arith.constant 0 : i32
      %dma_start3A_824 = tpu.memref_slice %arg5[%dma_start3A_822, %dma_start3A_823] : memref<10240x16xf32, #tpu.memory_space<vmem_shared>> -> memref<10240x16xf32, #tpu.memory_space<vmem_shared>>
      tpu.enqueue_indirect_dma source(%dma_start3A_818 : memref<128x16xf32, #tpu.memory_space<vmem>>) target(%dma_start3A_824 : memref<10240x16xf32, #tpu.memory_space<vmem_shared>>) offsets(%dma_start3A_821 : memref<128xi32, #tpu.memory_space<vmem>>) semaphore(%run_scoped3A_814 : memref<!tpu.dma_semaphore, #tpu.memory_space<semaphore_mem>>) {add = true}
      %dma_wait3A_825 = arith.constant 896 : i32
      %dma_wait3A_826 = arith.constant 0 : i32
      %dma_wait3A_827 = tpu.memref_slice %arg6[%run_scoped3A_596, %dma_wait3A_825, %dma_wait3A_826] : memref<2x1024x16xf32, #tpu.memory_space<vmem>> -> memref<1x128x16xf32, #tpu.memory_space<vmem>>
      %dma_wait3A_828 = tpu.memref_squeeze %dma_wait3A_827 : memref<1x128x16xf32, #tpu.memory_space<vmem>> -> memref<128x16xf32, #tpu.memory_space<vmem>>
      %dma_wait3A_829 = arith.constant 0 : i32
      %dma_wait3A_830 = tpu.memref_slice %arg7[%run_scoped3A_597, %run_scoped3A_598, %dma_wait3A_829] : memref<2x8x128xi32, #tpu.memory_space<vmem>> -> memref<1x1x128xi32, #tpu.memory_space<vmem>>
      %dma_wait3A_831 = tpu.memref_squeeze %dma_wait3A_830 : memref<1x1x128xi32, #tpu.memory_space<vmem>> -> memref<128xi32, #tpu.memory_space<vmem>>
      %dma_wait3A_832 = arith.constant 0 : i32
      %dma_wait3A_833 = arith.constant 0 : i32
      %dma_wait3A_834 = tpu.memref_slice %arg5[%dma_wait3A_832, %dma_wait3A_833] : memref<10240x16xf32, #tpu.memory_space<vmem_shared>> -> memref<10240x16xf32, #tpu.memory_space<vmem_shared>>
      tpu.wait_indirect_dma semaphore(%run_scoped3A_814 : memref<!tpu.dma_semaphore, #tpu.memory_space<semaphore_mem>>) src(%dma_wait3A_828 : memref<128x16xf32, #tpu.memory_space<vmem>>) dst(%dma_wait3A_834 : memref<10240x16xf32, #tpu.memory_space<vmem_shared>>)
      tpu.yield
    }) : () -> ()
    %dma_wait3A_599 = arith.constant 1 : i32
    %dma_wait3A_600 = arith.constant 0 : i32
    %dma_wait3A_601 = arith.constant 0 : i32
    %dma_wait3A_602 = tpu.memref_slice %arg7[%dma_wait3A_599, %dma_wait3A_600, %dma_wait3A_601] : memref<2x8x128xi32, #tpu.memory_space<vmem>> -> memref<1x8x128xi32, #tpu.memory_space<vmem>>
    %dma_wait3A_603 = tpu.memref_squeeze %dma_wait3A_602 : memref<1x8x128xi32, #tpu.memory_space<vmem>> -> memref<8x128xi32, #tpu.memory_space<vmem>>
    %dma_wait3A_604 = arith.constant 0 : i32
    %dma_wait3A_605 = tpu.memref_slice %arg3[%add3A_546, %dma_wait3A_604] : memref<2560x128xi32, #tpu.memory_space<hbm>> -> memref<8x128xi32, #tpu.memory_space<hbm>>
    %dma_wait3A_606 = arith.constant 0 : i32
    %dma_wait3A_607 = arith.constant 0 : i32
    %dma_wait3A_608 = tpu.memref_slice %arg7[%dma_wait3A_599, %dma_wait3A_606, %dma_wait3A_607] : memref<2x8x128xi32, #tpu.memory_space<vmem>> -> memref<1x8x128xi32, #tpu.memory_space<vmem>>
    %dma_wait3A_609 = tpu.memref_squeeze %dma_wait3A_608 : memref<1x8x128xi32, #tpu.memory_space<vmem>> -> memref<8x128xi32, #tpu.memory_space<vmem>>
    %dma_wait3A_610 = arith.constant 0 : i32
    %dma_wait3A_611 = tpu.memref_slice %arg3[%add3A_546, %dma_wait3A_610] : memref<2560x128xi32, #tpu.memory_space<hbm>> -> memref<8x128xi32, #tpu.memory_space<hbm>>
    tpu.wait_dma2 semaphore(%arg8 : memref<!tpu.dma_semaphore, #tpu.memory_space<semaphore_mem>>) src(%dma_wait3A_611 : memref<8x128xi32, #tpu.memory_space<hbm>>) dst(%dma_wait3A_609 : memref<8x128xi32, #tpu.memory_space<vmem>>)
    %dma_wait3A_612 = arith.constant 1 : i32
    %dma_wait3A_613 = arith.constant 0 : i32
    %dma_wait3A_614 = arith.constant 0 : i32
    %dma_wait3A_615 = tpu.memref_slice %arg6[%dma_wait3A_612, %dma_wait3A_613, %dma_wait3A_614] : memref<2x1024x16xf32, #tpu.memory_space<vmem>> -> memref<1x1024x16xf32, #tpu.memory_space<vmem>>
    %dma_wait3A_616 = tpu.memref_squeeze %dma_wait3A_615 : memref<1x1024x16xf32, #tpu.memory_space<vmem>> -> memref<1024x16xf32, #tpu.memory_space<vmem>>
    %dma_wait3A_617 = arith.constant 0 : i32
    %dma_wait3A_618 = tpu.memref_slice %arg2[%mul3A_561, %dma_wait3A_617] : memref<327680x16xf32, #tpu.memory_space<hbm>> -> memref<1024x16xf32, #tpu.memory_space<hbm>>
    %dma_wait3A_619 = arith.constant 0 : i32
    %dma_wait3A_620 = arith.constant 0 : i32
    %dma_wait3A_621 = tpu.memref_slice %arg6[%dma_wait3A_612, %dma_wait3A_619, %dma_wait3A_620] : memref<2x1024x16xf32, #tpu.memory_space<vmem>> -> memref<1x1024x16xf32, #tpu.memory_space<vmem>>
    %dma_wait3A_622 = tpu.memref_squeeze %dma_wait3A_621 : memref<1x1024x16xf32, #tpu.memory_space<vmem>> -> memref<1024x16xf32, #tpu.memory_space<vmem>>
    %dma_wait3A_623 = arith.constant 0 : i32
    %dma_wait3A_624 = tpu.memref_slice %arg2[%mul3A_561, %dma_wait3A_623] : memref<327680x16xf32, #tpu.memory_space<hbm>> -> memref<1024x16xf32, #tpu.memory_space<hbm>>
    tpu.wait_dma2 semaphore(%arg8 : memref<!tpu.dma_semaphore, #tpu.memory_space<semaphore_mem>>) src(%dma_wait3A_624 : memref<1024x16xf32, #tpu.memory_space<hbm>>) dst(%dma_wait3A_622 : memref<1024x16xf32, #tpu.memory_space<vmem>>)
    %add3A_625 = arith.constant 64 : i32
    %add3A_626 = arith.addi %mul3A_2, %add3A_625 : i32
    %dma_start3A_627 = arith.constant 0 : i32
    %dma_start3A_628 = arith.constant 0 : i32
    %dma_start3A_629 = arith.constant 0 : i32
    %dma_start3A_630 = tpu.memref_slice %arg7[%dma_start3A_627, %dma_start3A_628, %dma_start3A_629] : memref<2x8x128xi32, #tpu.memory_space<vmem>> -> memref<1x8x128xi32, #tpu.memory_space<vmem>>
    %dma_start3A_631 = tpu.memref_squeeze %dma_start3A_630 : memref<1x8x128xi32, #tpu.memory_space<vmem>> -> memref<8x128xi32, #tpu.memory_space<vmem>>
    %dma_start3A_632 = arith.constant 0 : i32
    %dma_start3A_633 = tpu.memref_slice %arg3[%add3A_626, %dma_start3A_632] : memref<2560x128xi32, #tpu.memory_space<hbm>> -> memref<8x128xi32, #tpu.memory_space<hbm>>
    %dma_start3A_634 = arith.constant 0 : i32
    %dma_start3A_635 = arith.constant 0 : i32
    %dma_start3A_636 = tpu.memref_slice %arg7[%dma_start3A_627, %dma_start3A_634, %dma_start3A_635] : memref<2x8x128xi32, #tpu.memory_space<vmem>> -> memref<1x8x128xi32, #tpu.memory_space<vmem>>
    %dma_start3A_637 = tpu.memref_squeeze %dma_start3A_636 : memref<1x8x128xi32, #tpu.memory_space<vmem>> -> memref<8x128xi32, #tpu.memory_space<vmem>>
    %dma_start3A_638 = arith.constant 0 : i32
    %dma_start3A_639 = tpu.memref_slice %arg3[%add3A_626, %dma_start3A_638] : memref<2560x128xi32, #tpu.memory_space<hbm>> -> memref<8x128xi32, #tpu.memory_space<hbm>>
    tpu.enqueue_dma source(%dma_start3A_639 : memref<8x128xi32, #tpu.memory_space<hbm>>) target(%dma_start3A_637 : memref<8x128xi32, #tpu.memory_space<vmem>>) target_semaphore(%arg8 : memref<!tpu.dma_semaphore, #tpu.memory_space<semaphore_mem>>)
    %mul3A_640 = arith.constant 128 : i32
    %mul3A_641 = arith.muli %add3A_626, %mul3A_640 : i32
    %dma_start3A_642 = arith.constant 0 : i32
    %dma_start3A_643 = arith.constant 0 : i32
    %dma_start3A_644 = arith.constant 0 : i32
    %dma_start3A_645 = tpu.memref_slice %arg6[%dma_start3A_642, %dma_start3A_643, %dma_start3A_644] : memref<2x1024x16xf32, #tpu.memory_space<vmem>> -> memref<1x1024x16xf32, #tpu.memory_space<vmem>>
    %dma_start3A_646 = tpu.memref_squeeze %dma_start3A_645 : memref<1x1024x16xf32, #tpu.memory_space<vmem>> -> memref<1024x16xf32, #tpu.memory_space<vmem>>
    %dma_start3A_647 = arith.constant 0 : i32
    %dma_start3A_648 = tpu.memref_slice %arg2[%mul3A_641, %dma_start3A_647] : memref<327680x16xf32, #tpu.memory_space<hbm>> -> memref<1024x16xf32, #tpu.memory_space<hbm>>
    %dma_start3A_649 = arith.constant 0 : i32
    %dma_start3A_650 = arith.constant 0 : i32
    %dma_start3A_651 = tpu.memref_slice %arg6[%dma_start3A_642, %dma_start3A_649, %dma_start3A_650] : memref<2x1024x16xf32, #tpu.memory_space<vmem>> -> memref<1x1024x16xf32, #tpu.memory_space<vmem>>
    %dma_start3A_652 = tpu.memref_squeeze %dma_start3A_651 : memref<1x1024x16xf32, #tpu.memory_space<vmem>> -> memref<1024x16xf32, #tpu.memory_space<vmem>>
    %dma_start3A_653 = arith.constant 0 : i32
    %dma_start3A_654 = tpu.memref_slice %arg2[%mul3A_641, %dma_start3A_653] : memref<327680x16xf32, #tpu.memory_space<hbm>> -> memref<1024x16xf32, #tpu.memory_space<hbm>>
    tpu.enqueue_dma source(%dma_start3A_654 : memref<1024x16xf32, #tpu.memory_space<hbm>>) target(%dma_start3A_652 : memref<1024x16xf32, #tpu.memory_space<vmem>>) target_semaphore(%arg8 : memref<!tpu.dma_semaphore, #tpu.memory_space<semaphore_mem>>)
    %run_scoped3A_655 = arith.constant 1 : i32
    %run_scoped3A_656 = arith.constant 1 : i32
    %run_scoped3A_657 = arith.constant 0 : i32
    "tpu.region"() ({
      %run_scoped3A_814 = tpu.sem_alloc : memref<!tpu.dma_semaphore, #tpu.memory_space<semaphore_mem>>
      %dma_start3A_815 = arith.constant 0 : i32
      %dma_start3A_816 = arith.constant 0 : i32
      %dma_start3A_817 = tpu.memref_slice %arg6[%run_scoped3A_655, %dma_start3A_815, %dma_start3A_816] : memref<2x1024x16xf32, #tpu.memory_space<vmem>> -> memref<1x128x16xf32, #tpu.memory_space<vmem>>
      %dma_start3A_818 = tpu.memref_squeeze %dma_start3A_817 : memref<1x128x16xf32, #tpu.memory_space<vmem>> -> memref<128x16xf32, #tpu.memory_space<vmem>>
      %dma_start3A_819 = arith.constant 0 : i32
      %dma_start3A_820 = tpu.memref_slice %arg7[%run_scoped3A_656, %run_scoped3A_657, %dma_start3A_819] : memref<2x8x128xi32, #tpu.memory_space<vmem>> -> memref<1x1x128xi32, #tpu.memory_space<vmem>>
      %dma_start3A_821 = tpu.memref_squeeze %dma_start3A_820 : memref<1x1x128xi32, #tpu.memory_space<vmem>> -> memref<128xi32, #tpu.memory_space<vmem>>
      %dma_start3A_822 = arith.constant 0 : i32
      %dma_start3A_823 = arith.constant 0 : i32
      %dma_start3A_824 = tpu.memref_slice %arg5[%dma_start3A_822, %dma_start3A_823] : memref<10240x16xf32, #tpu.memory_space<vmem_shared>> -> memref<10240x16xf32, #tpu.memory_space<vmem_shared>>
      tpu.enqueue_indirect_dma source(%dma_start3A_818 : memref<128x16xf32, #tpu.memory_space<vmem>>) target(%dma_start3A_824 : memref<10240x16xf32, #tpu.memory_space<vmem_shared>>) offsets(%dma_start3A_821 : memref<128xi32, #tpu.memory_space<vmem>>) semaphore(%run_scoped3A_814 : memref<!tpu.dma_semaphore, #tpu.memory_space<semaphore_mem>>) {add = true}
      %dma_wait3A_825 = arith.constant 0 : i32
      %dma_wait3A_826 = arith.constant 0 : i32
      %dma_wait3A_827 = tpu.memref_slice %arg6[%run_scoped3A_655, %dma_wait3A_825, %dma_wait3A_826] : memref<2x1024x16xf32, #tpu.memory_space<vmem>> -> memref<1x128x16xf32, #tpu.memory_space<vmem>>
      %dma_wait3A_828 = tpu.memref_squeeze %dma_wait3A_827 : memref<1x128x16xf32, #tpu.memory_space<vmem>> -> memref<128x16xf32, #tpu.memory_space<vmem>>
      %dma_wait3A_829 = arith.constant 0 : i32
      %dma_wait3A_830 = tpu.memref_slice %arg7[%run_scoped3A_656, %run_scoped3A_657, %dma_wait3A_829] : memref<2x8x128xi32, #tpu.memory_space<vmem>> -> memref<1x1x128xi32, #tpu.memory_space<vmem>>
      %dma_wait3A_831 = tpu.memref_squeeze %dma_wait3A_830 : memref<1x1x128xi32, #tpu.memory_space<vmem>> -> memref<128xi32, #tpu.memory_space<vmem>>
      %dma_wait3A_832 = arith.constant 0 : i32
      %dma_wait3A_833 = arith.constant 0 : i32
      %dma_wait3A_834 = tpu.memref_slice %arg5[%dma_wait3A_832, %dma_wait3A_833] : memref<10240x16xf32, #tpu.memory_space<vmem_shared>> -> memref<10240x16xf32, #tpu.memory_space<vmem_shared>>
      tpu.wait_indirect_dma semaphore(%run_scoped3A_814 : memref<!tpu.dma_semaphore, #tpu.memory_space<semaphore_mem>>) src(%dma_wait3A_828 : memref<128x16xf32, #tpu.memory_space<vmem>>) dst(%dma_wait3A_834 : memref<10240x16xf32, #tpu.memory_space<vmem_shared>>)
      tpu.yield
    }) : () -> ()
    %run_scoped3A_658 = arith.constant 1 : i32
    %run_scoped3A_659 = arith.constant 1 : i32
    %run_scoped3A_660 = arith.constant 1 : i32
    "tpu.region"() ({
      %run_scoped3A_814 = tpu.sem_alloc : memref<!tpu.dma_semaphore, #tpu.memory_space<semaphore_mem>>
      %dma_start3A_815 = arith.constant 128 : i32
      %dma_start3A_816 = arith.constant 0 : i32
      %dma_start3A_817 = tpu.memref_slice %arg6[%run_scoped3A_658, %dma_start3A_815, %dma_start3A_816] : memref<2x1024x16xf32, #tpu.memory_space<vmem>> -> memref<1x128x16xf32, #tpu.memory_space<vmem>>
      %dma_start3A_818 = tpu.memref_squeeze %dma_start3A_817 : memref<1x128x16xf32, #tpu.memory_space<vmem>> -> memref<128x16xf32, #tpu.memory_space<vmem>>
      %dma_start3A_819 = arith.constant 0 : i32
      %dma_start3A_820 = tpu.memref_slice %arg7[%run_scoped3A_659, %run_scoped3A_660, %dma_start3A_819] : memref<2x8x128xi32, #tpu.memory_space<vmem>> -> memref<1x1x128xi32, #tpu.memory_space<vmem>>
      %dma_start3A_821 = tpu.memref_squeeze %dma_start3A_820 : memref<1x1x128xi32, #tpu.memory_space<vmem>> -> memref<128xi32, #tpu.memory_space<vmem>>
      %dma_start3A_822 = arith.constant 0 : i32
      %dma_start3A_823 = arith.constant 0 : i32
      %dma_start3A_824 = tpu.memref_slice %arg5[%dma_start3A_822, %dma_start3A_823] : memref<10240x16xf32, #tpu.memory_space<vmem_shared>> -> memref<10240x16xf32, #tpu.memory_space<vmem_shared>>
      tpu.enqueue_indirect_dma source(%dma_start3A_818 : memref<128x16xf32, #tpu.memory_space<vmem>>) target(%dma_start3A_824 : memref<10240x16xf32, #tpu.memory_space<vmem_shared>>) offsets(%dma_start3A_821 : memref<128xi32, #tpu.memory_space<vmem>>) semaphore(%run_scoped3A_814 : memref<!tpu.dma_semaphore, #tpu.memory_space<semaphore_mem>>) {add = true}
      %dma_wait3A_825 = arith.constant 128 : i32
      %dma_wait3A_826 = arith.constant 0 : i32
      %dma_wait3A_827 = tpu.memref_slice %arg6[%run_scoped3A_658, %dma_wait3A_825, %dma_wait3A_826] : memref<2x1024x16xf32, #tpu.memory_space<vmem>> -> memref<1x128x16xf32, #tpu.memory_space<vmem>>
      %dma_wait3A_828 = tpu.memref_squeeze %dma_wait3A_827 : memref<1x128x16xf32, #tpu.memory_space<vmem>> -> memref<128x16xf32, #tpu.memory_space<vmem>>
      %dma_wait3A_829 = arith.constant 0 : i32
      %dma_wait3A_830 = tpu.memref_slice %arg7[%run_scoped3A_659, %run_scoped3A_660, %dma_wait3A_829] : memref<2x8x128xi32, #tpu.memory_space<vmem>> -> memref<1x1x128xi32, #tpu.memory_space<vmem>>
      %dma_wait3A_831 = tpu.memref_squeeze %dma_wait3A_830 : memref<1x1x128xi32, #tpu.memory_space<vmem>> -> memref<128xi32, #tpu.memory_space<vmem>>
      %dma_wait3A_832 = arith.constant 0 : i32
      %dma_wait3A_833 = arith.constant 0 : i32
      %dma_wait3A_834 = tpu.memref_slice %arg5[%dma_wait3A_832, %dma_wait3A_833] : memref<10240x16xf32, #tpu.memory_space<vmem_shared>> -> memref<10240x16xf32, #tpu.memory_space<vmem_shared>>
      tpu.wait_indirect_dma semaphore(%run_scoped3A_814 : memref<!tpu.dma_semaphore, #tpu.memory_space<semaphore_mem>>) src(%dma_wait3A_828 : memref<128x16xf32, #tpu.memory_space<vmem>>) dst(%dma_wait3A_834 : memref<10240x16xf32, #tpu.memory_space<vmem_shared>>)
      tpu.yield
    }) : () -> ()
    %run_scoped3A_661 = arith.constant 1 : i32
    %run_scoped3A_662 = arith.constant 1 : i32
    %run_scoped3A_663 = arith.constant 2 : i32
    "tpu.region"() ({
      %run_scoped3A_814 = tpu.sem_alloc : memref<!tpu.dma_semaphore, #tpu.memory_space<semaphore_mem>>
      %dma_start3A_815 = arith.constant 256 : i32
      %dma_start3A_816 = arith.constant 0 : i32
      %dma_start3A_817 = tpu.memref_slice %arg6[%run_scoped3A_661, %dma_start3A_815, %dma_start3A_816] : memref<2x1024x16xf32, #tpu.memory_space<vmem>> -> memref<1x128x16xf32, #tpu.memory_space<vmem>>
      %dma_start3A_818 = tpu.memref_squeeze %dma_start3A_817 : memref<1x128x16xf32, #tpu.memory_space<vmem>> -> memref<128x16xf32, #tpu.memory_space<vmem>>
      %dma_start3A_819 = arith.constant 0 : i32
      %dma_start3A_820 = tpu.memref_slice %arg7[%run_scoped3A_662, %run_scoped3A_663, %dma_start3A_819] : memref<2x8x128xi32, #tpu.memory_space<vmem>> -> memref<1x1x128xi32, #tpu.memory_space<vmem>>
      %dma_start3A_821 = tpu.memref_squeeze %dma_start3A_820 : memref<1x1x128xi32, #tpu.memory_space<vmem>> -> memref<128xi32, #tpu.memory_space<vmem>>
      %dma_start3A_822 = arith.constant 0 : i32
      %dma_start3A_823 = arith.constant 0 : i32
      %dma_start3A_824 = tpu.memref_slice %arg5[%dma_start3A_822, %dma_start3A_823] : memref<10240x16xf32, #tpu.memory_space<vmem_shared>> -> memref<10240x16xf32, #tpu.memory_space<vmem_shared>>
      tpu.enqueue_indirect_dma source(%dma_start3A_818 : memref<128x16xf32, #tpu.memory_space<vmem>>) target(%dma_start3A_824 : memref<10240x16xf32, #tpu.memory_space<vmem_shared>>) offsets(%dma_start3A_821 : memref<128xi32, #tpu.memory_space<vmem>>) semaphore(%run_scoped3A_814 : memref<!tpu.dma_semaphore, #tpu.memory_space<semaphore_mem>>) {add = true}
      %dma_wait3A_825 = arith.constant 256 : i32
      %dma_wait3A_826 = arith.constant 0 : i32
      %dma_wait3A_827 = tpu.memref_slice %arg6[%run_scoped3A_661, %dma_wait3A_825, %dma_wait3A_826] : memref<2x1024x16xf32, #tpu.memory_space<vmem>> -> memref<1x128x16xf32, #tpu.memory_space<vmem>>
      %dma_wait3A_828 = tpu.memref_squeeze %dma_wait3A_827 : memref<1x128x16xf32, #tpu.memory_space<vmem>> -> memref<128x16xf32, #tpu.memory_space<vmem>>
      %dma_wait3A_829 = arith.constant 0 : i32
      %dma_wait3A_830 = tpu.memref_slice %arg7[%run_scoped3A_662, %run_scoped3A_663, %dma_wait3A_829] : memref<2x8x128xi32, #tpu.memory_space<vmem>> -> memref<1x1x128xi32, #tpu.memory_space<vmem>>
      %dma_wait3A_831 = tpu.memref_squeeze %dma_wait3A_830 : memref<1x1x128xi32, #tpu.memory_space<vmem>> -> memref<128xi32, #tpu.memory_space<vmem>>
      %dma_wait3A_832 = arith.constant 0 : i32
      %dma_wait3A_833 = arith.constant 0 : i32
      %dma_wait3A_834 = tpu.memref_slice %arg5[%dma_wait3A_832, %dma_wait3A_833] : memref<10240x16xf32, #tpu.memory_space<vmem_shared>> -> memref<10240x16xf32, #tpu.memory_space<vmem_shared>>
      tpu.wait_indirect_dma semaphore(%run_scoped3A_814 : memref<!tpu.dma_semaphore, #tpu.memory_space<semaphore_mem>>) src(%dma_wait3A_828 : memref<128x16xf32, #tpu.memory_space<vmem>>) dst(%dma_wait3A_834 : memref<10240x16xf32, #tpu.memory_space<vmem_shared>>)
      tpu.yield
    }) : () -> ()
    %run_scoped3A_664 = arith.constant 1 : i32
    %run_scoped3A_665 = arith.constant 1 : i32
    %run_scoped3A_666 = arith.constant 3 : i32
    "tpu.region"() ({
      %run_scoped3A_814 = tpu.sem_alloc : memref<!tpu.dma_semaphore, #tpu.memory_space<semaphore_mem>>
      %dma_start3A_815 = arith.constant 384 : i32
      %dma_start3A_816 = arith.constant 0 : i32
      %dma_start3A_817 = tpu.memref_slice %arg6[%run_scoped3A_664, %dma_start3A_815, %dma_start3A_816] : memref<2x1024x16xf32, #tpu.memory_space<vmem>> -> memref<1x128x16xf32, #tpu.memory_space<vmem>>
      %dma_start3A_818 = tpu.memref_squeeze %dma_start3A_817 : memref<1x128x16xf32, #tpu.memory_space<vmem>> -> memref<128x16xf32, #tpu.memory_space<vmem>>
      %dma_start3A_819 = arith.constant 0 : i32
      %dma_start3A_820 = tpu.memref_slice %arg7[%run_scoped3A_665, %run_scoped3A_666, %dma_start3A_819] : memref<2x8x128xi32, #tpu.memory_space<vmem>> -> memref<1x1x128xi32, #tpu.memory_space<vmem>>
      %dma_start3A_821 = tpu.memref_squeeze %dma_start3A_820 : memref<1x1x128xi32, #tpu.memory_space<vmem>> -> memref<128xi32, #tpu.memory_space<vmem>>
      %dma_start3A_822 = arith.constant 0 : i32
      %dma_start3A_823 = arith.constant 0 : i32
      %dma_start3A_824 = tpu.memref_slice %arg5[%dma_start3A_822, %dma_start3A_823] : memref<10240x16xf32, #tpu.memory_space<vmem_shared>> -> memref<10240x16xf32, #tpu.memory_space<vmem_shared>>
      tpu.enqueue_indirect_dma source(%dma_start3A_818 : memref<128x16xf32, #tpu.memory_space<vmem>>) target(%dma_start3A_824 : memref<10240x16xf32, #tpu.memory_space<vmem_shared>>) offsets(%dma_start3A_821 : memref<128xi32, #tpu.memory_space<vmem>>) semaphore(%run_scoped3A_814 : memref<!tpu.dma_semaphore, #tpu.memory_space<semaphore_mem>>) {add = true}
      %dma_wait3A_825 = arith.constant 384 : i32
      %dma_wait3A_826 = arith.constant 0 : i32
      %dma_wait3A_827 = tpu.memref_slice %arg6[%run_scoped3A_664, %dma_wait3A_825, %dma_wait3A_826] : memref<2x1024x16xf32, #tpu.memory_space<vmem>> -> memref<1x128x16xf32, #tpu.memory_space<vmem>>
      %dma_wait3A_828 = tpu.memref_squeeze %dma_wait3A_827 : memref<1x128x16xf32, #tpu.memory_space<vmem>> -> memref<128x16xf32, #tpu.memory_space<vmem>>
      %dma_wait3A_829 = arith.constant 0 : i32
      %dma_wait3A_830 = tpu.memref_slice %arg7[%run_scoped3A_665, %run_scoped3A_666, %dma_wait3A_829] : memref<2x8x128xi32, #tpu.memory_space<vmem>> -> memref<1x1x128xi32, #tpu.memory_space<vmem>>
      %dma_wait3A_831 = tpu.memref_squeeze %dma_wait3A_830 : memref<1x1x128xi32, #tpu.memory_space<vmem>> -> memref<128xi32, #tpu.memory_space<vmem>>
      %dma_wait3A_832 = arith.constant 0 : i32
      %dma_wait3A_833 = arith.constant 0 : i32
      %dma_wait3A_834 = tpu.memref_slice %arg5[%dma_wait3A_832, %dma_wait3A_833] : memref<10240x16xf32, #tpu.memory_space<vmem_shared>> -> memref<10240x16xf32, #tpu.memory_space<vmem_shared>>
      tpu.wait_indirect_dma semaphore(%run_scoped3A_814 : memref<!tpu.dma_semaphore, #tpu.memory_space<semaphore_mem>>) src(%dma_wait3A_828 : memref<128x16xf32, #tpu.memory_space<vmem>>) dst(%dma_wait3A_834 : memref<10240x16xf32, #tpu.memory_space<vmem_shared>>)
      tpu.yield
    }) : () -> ()
    %run_scoped3A_667 = arith.constant 1 : i32
    %run_scoped3A_668 = arith.constant 1 : i32
    %run_scoped3A_669 = arith.constant 4 : i32
    "tpu.region"() ({
      %run_scoped3A_814 = tpu.sem_alloc : memref<!tpu.dma_semaphore, #tpu.memory_space<semaphore_mem>>
      %dma_start3A_815 = arith.constant 512 : i32
      %dma_start3A_816 = arith.constant 0 : i32
      %dma_start3A_817 = tpu.memref_slice %arg6[%run_scoped3A_667, %dma_start3A_815, %dma_start3A_816] : memref<2x1024x16xf32, #tpu.memory_space<vmem>> -> memref<1x128x16xf32, #tpu.memory_space<vmem>>
      %dma_start3A_818 = tpu.memref_squeeze %dma_start3A_817 : memref<1x128x16xf32, #tpu.memory_space<vmem>> -> memref<128x16xf32, #tpu.memory_space<vmem>>
      %dma_start3A_819 = arith.constant 0 : i32
      %dma_start3A_820 = tpu.memref_slice %arg7[%run_scoped3A_668, %run_scoped3A_669, %dma_start3A_819] : memref<2x8x128xi32, #tpu.memory_space<vmem>> -> memref<1x1x128xi32, #tpu.memory_space<vmem>>
      %dma_start3A_821 = tpu.memref_squeeze %dma_start3A_820 : memref<1x1x128xi32, #tpu.memory_space<vmem>> -> memref<128xi32, #tpu.memory_space<vmem>>
      %dma_start3A_822 = arith.constant 0 : i32
      %dma_start3A_823 = arith.constant 0 : i32
      %dma_start3A_824 = tpu.memref_slice %arg5[%dma_start3A_822, %dma_start3A_823] : memref<10240x16xf32, #tpu.memory_space<vmem_shared>> -> memref<10240x16xf32, #tpu.memory_space<vmem_shared>>
      tpu.enqueue_indirect_dma source(%dma_start3A_818 : memref<128x16xf32, #tpu.memory_space<vmem>>) target(%dma_start3A_824 : memref<10240x16xf32, #tpu.memory_space<vmem_shared>>) offsets(%dma_start3A_821 : memref<128xi32, #tpu.memory_space<vmem>>) semaphore(%run_scoped3A_814 : memref<!tpu.dma_semaphore, #tpu.memory_space<semaphore_mem>>) {add = true}
      %dma_wait3A_825 = arith.constant 512 : i32
      %dma_wait3A_826 = arith.constant 0 : i32
      %dma_wait3A_827 = tpu.memref_slice %arg6[%run_scoped3A_667, %dma_wait3A_825, %dma_wait3A_826] : memref<2x1024x16xf32, #tpu.memory_space<vmem>> -> memref<1x128x16xf32, #tpu.memory_space<vmem>>
      %dma_wait3A_828 = tpu.memref_squeeze %dma_wait3A_827 : memref<1x128x16xf32, #tpu.memory_space<vmem>> -> memref<128x16xf32, #tpu.memory_space<vmem>>
      %dma_wait3A_829 = arith.constant 0 : i32
      %dma_wait3A_830 = tpu.memref_slice %arg7[%run_scoped3A_668, %run_scoped3A_669, %dma_wait3A_829] : memref<2x8x128xi32, #tpu.memory_space<vmem>> -> memref<1x1x128xi32, #tpu.memory_space<vmem>>
      %dma_wait3A_831 = tpu.memref_squeeze %dma_wait3A_830 : memref<1x1x128xi32, #tpu.memory_space<vmem>> -> memref<128xi32, #tpu.memory_space<vmem>>
      %dma_wait3A_832 = arith.constant 0 : i32
      %dma_wait3A_833 = arith.constant 0 : i32
      %dma_wait3A_834 = tpu.memref_slice %arg5[%dma_wait3A_832, %dma_wait3A_833] : memref<10240x16xf32, #tpu.memory_space<vmem_shared>> -> memref<10240x16xf32, #tpu.memory_space<vmem_shared>>
      tpu.wait_indirect_dma semaphore(%run_scoped3A_814 : memref<!tpu.dma_semaphore, #tpu.memory_space<semaphore_mem>>) src(%dma_wait3A_828 : memref<128x16xf32, #tpu.memory_space<vmem>>) dst(%dma_wait3A_834 : memref<10240x16xf32, #tpu.memory_space<vmem_shared>>)
      tpu.yield
    }) : () -> ()
    %run_scoped3A_670 = arith.constant 1 : i32
    %run_scoped3A_671 = arith.constant 1 : i32
    %run_scoped3A_672 = arith.constant 5 : i32
    "tpu.region"() ({
      %run_scoped3A_814 = tpu.sem_alloc : memref<!tpu.dma_semaphore, #tpu.memory_space<semaphore_mem>>
      %dma_start3A_815 = arith.constant 640 : i32
      %dma_start3A_816 = arith.constant 0 : i32
      %dma_start3A_817 = tpu.memref_slice %arg6[%run_scoped3A_670, %dma_start3A_815, %dma_start3A_816] : memref<2x1024x16xf32, #tpu.memory_space<vmem>> -> memref<1x128x16xf32, #tpu.memory_space<vmem>>
      %dma_start3A_818 = tpu.memref_squeeze %dma_start3A_817 : memref<1x128x16xf32, #tpu.memory_space<vmem>> -> memref<128x16xf32, #tpu.memory_space<vmem>>
      %dma_start3A_819 = arith.constant 0 : i32
      %dma_start3A_820 = tpu.memref_slice %arg7[%run_scoped3A_671, %run_scoped3A_672, %dma_start3A_819] : memref<2x8x128xi32, #tpu.memory_space<vmem>> -> memref<1x1x128xi32, #tpu.memory_space<vmem>>
      %dma_start3A_821 = tpu.memref_squeeze %dma_start3A_820 : memref<1x1x128xi32, #tpu.memory_space<vmem>> -> memref<128xi32, #tpu.memory_space<vmem>>
      %dma_start3A_822 = arith.constant 0 : i32
      %dma_start3A_823 = arith.constant 0 : i32
      %dma_start3A_824 = tpu.memref_slice %arg5[%dma_start3A_822, %dma_start3A_823] : memref<10240x16xf32, #tpu.memory_space<vmem_shared>> -> memref<10240x16xf32, #tpu.memory_space<vmem_shared>>
      tpu.enqueue_indirect_dma source(%dma_start3A_818 : memref<128x16xf32, #tpu.memory_space<vmem>>) target(%dma_start3A_824 : memref<10240x16xf32, #tpu.memory_space<vmem_shared>>) offsets(%dma_start3A_821 : memref<128xi32, #tpu.memory_space<vmem>>) semaphore(%run_scoped3A_814 : memref<!tpu.dma_semaphore, #tpu.memory_space<semaphore_mem>>) {add = true}
      %dma_wait3A_825 = arith.constant 640 : i32
      %dma_wait3A_826 = arith.constant 0 : i32
      %dma_wait3A_827 = tpu.memref_slice %arg6[%run_scoped3A_670, %dma_wait3A_825, %dma_wait3A_826] : memref<2x1024x16xf32, #tpu.memory_space<vmem>> -> memref<1x128x16xf32, #tpu.memory_space<vmem>>
      %dma_wait3A_828 = tpu.memref_squeeze %dma_wait3A_827 : memref<1x128x16xf32, #tpu.memory_space<vmem>> -> memref<128x16xf32, #tpu.memory_space<vmem>>
      %dma_wait3A_829 = arith.constant 0 : i32
      %dma_wait3A_830 = tpu.memref_slice %arg7[%run_scoped3A_671, %run_scoped3A_672, %dma_wait3A_829] : memref<2x8x128xi32, #tpu.memory_space<vmem>> -> memref<1x1x128xi32, #tpu.memory_space<vmem>>
      %dma_wait3A_831 = tpu.memref_squeeze %dma_wait3A_830 : memref<1x1x128xi32, #tpu.memory_space<vmem>> -> memref<128xi32, #tpu.memory_space<vmem>>
      %dma_wait3A_832 = arith.constant 0 : i32
      %dma_wait3A_833 = arith.constant 0 : i32
      %dma_wait3A_834 = tpu.memref_slice %arg5[%dma_wait3A_832, %dma_wait3A_833] : memref<10240x16xf32, #tpu.memory_space<vmem_shared>> -> memref<10240x16xf32, #tpu.memory_space<vmem_shared>>
      tpu.wait_indirect_dma semaphore(%run_scoped3A_814 : memref<!tpu.dma_semaphore, #tpu.memory_space<semaphore_mem>>) src(%dma_wait3A_828 : memref<128x16xf32, #tpu.memory_space<vmem>>) dst(%dma_wait3A_834 : memref<10240x16xf32, #tpu.memory_space<vmem_shared>>)
      tpu.yield
    }) : () -> ()
    %run_scoped3A_673 = arith.constant 1 : i32
    %run_scoped3A_674 = arith.constant 1 : i32
    %run_scoped3A_675 = arith.constant 6 : i32
    "tpu.region"() ({
      %run_scoped3A_814 = tpu.sem_alloc : memref<!tpu.dma_semaphore, #tpu.memory_space<semaphore_mem>>
      %dma_start3A_815 = arith.constant 768 : i32
      %dma_start3A_816 = arith.constant 0 : i32
      %dma_start3A_817 = tpu.memref_slice %arg6[%run_scoped3A_673, %dma_start3A_815, %dma_start3A_816] : memref<2x1024x16xf32, #tpu.memory_space<vmem>> -> memref<1x128x16xf32, #tpu.memory_space<vmem>>
      %dma_start3A_818 = tpu.memref_squeeze %dma_start3A_817 : memref<1x128x16xf32, #tpu.memory_space<vmem>> -> memref<128x16xf32, #tpu.memory_space<vmem>>
      %dma_start3A_819 = arith.constant 0 : i32
      %dma_start3A_820 = tpu.memref_slice %arg7[%run_scoped3A_674, %run_scoped3A_675, %dma_start3A_819] : memref<2x8x128xi32, #tpu.memory_space<vmem>> -> memref<1x1x128xi32, #tpu.memory_space<vmem>>
      %dma_start3A_821 = tpu.memref_squeeze %dma_start3A_820 : memref<1x1x128xi32, #tpu.memory_space<vmem>> -> memref<128xi32, #tpu.memory_space<vmem>>
      %dma_start3A_822 = arith.constant 0 : i32
      %dma_start3A_823 = arith.constant 0 : i32
      %dma_start3A_824 = tpu.memref_slice %arg5[%dma_start3A_822, %dma_start3A_823] : memref<10240x16xf32, #tpu.memory_space<vmem_shared>> -> memref<10240x16xf32, #tpu.memory_space<vmem_shared>>
      tpu.enqueue_indirect_dma source(%dma_start3A_818 : memref<128x16xf32, #tpu.memory_space<vmem>>) target(%dma_start3A_824 : memref<10240x16xf32, #tpu.memory_space<vmem_shared>>) offsets(%dma_start3A_821 : memref<128xi32, #tpu.memory_space<vmem>>) semaphore(%run_scoped3A_814 : memref<!tpu.dma_semaphore, #tpu.memory_space<semaphore_mem>>) {add = true}
      %dma_wait3A_825 = arith.constant 768 : i32
      %dma_wait3A_826 = arith.constant 0 : i32
      %dma_wait3A_827 = tpu.memref_slice %arg6[%run_scoped3A_673, %dma_wait3A_825, %dma_wait3A_826] : memref<2x1024x16xf32, #tpu.memory_space<vmem>> -> memref<1x128x16xf32, #tpu.memory_space<vmem>>
      %dma_wait3A_828 = tpu.memref_squeeze %dma_wait3A_827 : memref<1x128x16xf32, #tpu.memory_space<vmem>> -> memref<128x16xf32, #tpu.memory_space<vmem>>
      %dma_wait3A_829 = arith.constant 0 : i32
      %dma_wait3A_830 = tpu.memref_slice %arg7[%run_scoped3A_674, %run_scoped3A_675, %dma_wait3A_829] : memref<2x8x128xi32, #tpu.memory_space<vmem>> -> memref<1x1x128xi32, #tpu.memory_space<vmem>>
      %dma_wait3A_831 = tpu.memref_squeeze %dma_wait3A_830 : memref<1x1x128xi32, #tpu.memory_space<vmem>> -> memref<128xi32, #tpu.memory_space<vmem>>
      %dma_wait3A_832 = arith.constant 0 : i32
      %dma_wait3A_833 = arith.constant 0 : i32
      %dma_wait3A_834 = tpu.memref_slice %arg5[%dma_wait3A_832, %dma_wait3A_833] : memref<10240x16xf32, #tpu.memory_space<vmem_shared>> -> memref<10240x16xf32, #tpu.memory_space<vmem_shared>>
      tpu.wait_indirect_dma semaphore(%run_scoped3A_814 : memref<!tpu.dma_semaphore, #tpu.memory_space<semaphore_mem>>) src(%dma_wait3A_828 : memref<128x16xf32, #tpu.memory_space<vmem>>) dst(%dma_wait3A_834 : memref<10240x16xf32, #tpu.memory_space<vmem_shared>>)
      tpu.yield
    }) : () -> ()
    %run_scoped3A_676 = arith.constant 1 : i32
    %run_scoped3A_677 = arith.constant 1 : i32
    %run_scoped3A_678 = arith.constant 7 : i32
    "tpu.region"() ({
      %run_scoped3A_814 = tpu.sem_alloc : memref<!tpu.dma_semaphore, #tpu.memory_space<semaphore_mem>>
      %dma_start3A_815 = arith.constant 896 : i32
      %dma_start3A_816 = arith.constant 0 : i32
      %dma_start3A_817 = tpu.memref_slice %arg6[%run_scoped3A_676, %dma_start3A_815, %dma_start3A_816] : memref<2x1024x16xf32, #tpu.memory_space<vmem>> -> memref<1x128x16xf32, #tpu.memory_space<vmem>>
      %dma_start3A_818 = tpu.memref_squeeze %dma_start3A_817 : memref<1x128x16xf32, #tpu.memory_space<vmem>> -> memref<128x16xf32, #tpu.memory_space<vmem>>
      %dma_start3A_819 = arith.constant 0 : i32
      %dma_start3A_820 = tpu.memref_slice %arg7[%run_scoped3A_677, %run_scoped3A_678, %dma_start3A_819] : memref<2x8x128xi32, #tpu.memory_space<vmem>> -> memref<1x1x128xi32, #tpu.memory_space<vmem>>
      %dma_start3A_821 = tpu.memref_squeeze %dma_start3A_820 : memref<1x1x128xi32, #tpu.memory_space<vmem>> -> memref<128xi32, #tpu.memory_space<vmem>>
      %dma_start3A_822 = arith.constant 0 : i32
      %dma_start3A_823 = arith.constant 0 : i32
      %dma_start3A_824 = tpu.memref_slice %arg5[%dma_start3A_822, %dma_start3A_823] : memref<10240x16xf32, #tpu.memory_space<vmem_shared>> -> memref<10240x16xf32, #tpu.memory_space<vmem_shared>>
      tpu.enqueue_indirect_dma source(%dma_start3A_818 : memref<128x16xf32, #tpu.memory_space<vmem>>) target(%dma_start3A_824 : memref<10240x16xf32, #tpu.memory_space<vmem_shared>>) offsets(%dma_start3A_821 : memref<128xi32, #tpu.memory_space<vmem>>) semaphore(%run_scoped3A_814 : memref<!tpu.dma_semaphore, #tpu.memory_space<semaphore_mem>>) {add = true}
      %dma_wait3A_825 = arith.constant 896 : i32
      %dma_wait3A_826 = arith.constant 0 : i32
      %dma_wait3A_827 = tpu.memref_slice %arg6[%run_scoped3A_676, %dma_wait3A_825, %dma_wait3A_826] : memref<2x1024x16xf32, #tpu.memory_space<vmem>> -> memref<1x128x16xf32, #tpu.memory_space<vmem>>
      %dma_wait3A_828 = tpu.memref_squeeze %dma_wait3A_827 : memref<1x128x16xf32, #tpu.memory_space<vmem>> -> memref<128x16xf32, #tpu.memory_space<vmem>>
      %dma_wait3A_829 = arith.constant 0 : i32
      %dma_wait3A_830 = tpu.memref_slice %arg7[%run_scoped3A_677, %run_scoped3A_678, %dma_wait3A_829] : memref<2x8x128xi32, #tpu.memory_space<vmem>> -> memref<1x1x128xi32, #tpu.memory_space<vmem>>
      %dma_wait3A_831 = tpu.memref_squeeze %dma_wait3A_830 : memref<1x1x128xi32, #tpu.memory_space<vmem>> -> memref<128xi32, #tpu.memory_space<vmem>>
      %dma_wait3A_832 = arith.constant 0 : i32
      %dma_wait3A_833 = arith.constant 0 : i32
      %dma_wait3A_834 = tpu.memref_slice %arg5[%dma_wait3A_832, %dma_wait3A_833] : memref<10240x16xf32, #tpu.memory_space<vmem_shared>> -> memref<10240x16xf32, #tpu.memory_space<vmem_shared>>
      tpu.wait_indirect_dma semaphore(%run_scoped3A_814 : memref<!tpu.dma_semaphore, #tpu.memory_space<semaphore_mem>>) src(%dma_wait3A_828 : memref<128x16xf32, #tpu.memory_space<vmem>>) dst(%dma_wait3A_834 : memref<10240x16xf32, #tpu.memory_space<vmem_shared>>)
      tpu.yield
    }) : () -> ()
    %dma_wait3A_679 = arith.constant 0 : i32
    %dma_wait3A_680 = arith.constant 0 : i32
    %dma_wait3A_681 = arith.constant 0 : i32
    %dma_wait3A_682 = tpu.memref_slice %arg7[%dma_wait3A_679, %dma_wait3A_680, %dma_wait3A_681] : memref<2x8x128xi32, #tpu.memory_space<vmem>> -> memref<1x8x128xi32, #tpu.memory_space<vmem>>
    %dma_wait3A_683 = tpu.memref_squeeze %dma_wait3A_682 : memref<1x8x128xi32, #tpu.memory_space<vmem>> -> memref<8x128xi32, #tpu.memory_space<vmem>>
    %dma_wait3A_684 = arith.constant 0 : i32
    %dma_wait3A_685 = tpu.memref_slice %arg3[%add3A_626, %dma_wait3A_684] : memref<2560x128xi32, #tpu.memory_space<hbm>> -> memref<8x128xi32, #tpu.memory_space<hbm>>
    %dma_wait3A_686 = arith.constant 0 : i32
    %dma_wait3A_687 = arith.constant 0 : i32
    %dma_wait3A_688 = tpu.memref_slice %arg7[%dma_wait3A_679, %dma_wait3A_686, %dma_wait3A_687] : memref<2x8x128xi32, #tpu.memory_space<vmem>> -> memref<1x8x128xi32, #tpu.memory_space<vmem>>
    %dma_wait3A_689 = tpu.memref_squeeze %dma_wait3A_688 : memref<1x8x128xi32, #tpu.memory_space<vmem>> -> memref<8x128xi32, #tpu.memory_space<vmem>>
    %dma_wait3A_690 = arith.constant 0 : i32
    %dma_wait3A_691 = tpu.memref_slice %arg3[%add3A_626, %dma_wait3A_690] : memref<2560x128xi32, #tpu.memory_space<hbm>> -> memref<8x128xi32, #tpu.memory_space<hbm>>
    tpu.wait_dma2 semaphore(%arg8 : memref<!tpu.dma_semaphore, #tpu.memory_space<semaphore_mem>>) src(%dma_wait3A_691 : memref<8x128xi32, #tpu.memory_space<hbm>>) dst(%dma_wait3A_689 : memref<8x128xi32, #tpu.memory_space<vmem>>)
    %dma_wait3A_692 = arith.constant 0 : i32
    %dma_wait3A_693 = arith.constant 0 : i32
    %dma_wait3A_694 = arith.constant 0 : i32
    %dma_wait3A_695 = tpu.memref_slice %arg6[%dma_wait3A_692, %dma_wait3A_693, %dma_wait3A_694] : memref<2x1024x16xf32, #tpu.memory_space<vmem>> -> memref<1x1024x16xf32, #tpu.memory_space<vmem>>
    %dma_wait3A_696 = tpu.memref_squeeze %dma_wait3A_695 : memref<1x1024x16xf32, #tpu.memory_space<vmem>> -> memref<1024x16xf32, #tpu.memory_space<vmem>>
    %dma_wait3A_697 = arith.constant 0 : i32
    %dma_wait3A_698 = tpu.memref_slice %arg2[%mul3A_641, %dma_wait3A_697] : memref<327680x16xf32, #tpu.memory_space<hbm>> -> memref<1024x16xf32, #tpu.memory_space<hbm>>
    %dma_wait3A_699 = arith.constant 0 : i32
    %dma_wait3A_700 = arith.constant 0 : i32
    %dma_wait3A_701 = tpu.memref_slice %arg6[%dma_wait3A_692, %dma_wait3A_699, %dma_wait3A_700] : memref<2x1024x16xf32, #tpu.memory_space<vmem>> -> memref<1x1024x16xf32, #tpu.memory_space<vmem>>
    %dma_wait3A_702 = tpu.memref_squeeze %dma_wait3A_701 : memref<1x1024x16xf32, #tpu.memory_space<vmem>> -> memref<1024x16xf32, #tpu.memory_space<vmem>>
    %dma_wait3A_703 = arith.constant 0 : i32
    %dma_wait3A_704 = tpu.memref_slice %arg2[%mul3A_641, %dma_wait3A_703] : memref<327680x16xf32, #tpu.memory_space<hbm>> -> memref<1024x16xf32, #tpu.memory_space<hbm>>
    tpu.wait_dma2 semaphore(%arg8 : memref<!tpu.dma_semaphore, #tpu.memory_space<semaphore_mem>>) src(%dma_wait3A_704 : memref<1024x16xf32, #tpu.memory_space<hbm>>) dst(%dma_wait3A_702 : memref<1024x16xf32, #tpu.memory_space<vmem>>)
    %add3A_705 = arith.constant 72 : i32
    %add3A_706 = arith.addi %mul3A_2, %add3A_705 : i32
    %dma_start3A_707 = arith.constant 1 : i32
    %dma_start3A_708 = arith.constant 0 : i32
    %dma_start3A_709 = arith.constant 0 : i32
    %dma_start3A_710 = tpu.memref_slice %arg7[%dma_start3A_707, %dma_start3A_708, %dma_start3A_709] : memref<2x8x128xi32, #tpu.memory_space<vmem>> -> memref<1x8x128xi32, #tpu.memory_space<vmem>>
    %dma_start3A_711 = tpu.memref_squeeze %dma_start3A_710 : memref<1x8x128xi32, #tpu.memory_space<vmem>> -> memref<8x128xi32, #tpu.memory_space<vmem>>
    %dma_start3A_712 = arith.constant 0 : i32
    %dma_start3A_713 = tpu.memref_slice %arg3[%add3A_706, %dma_start3A_712] : memref<2560x128xi32, #tpu.memory_space<hbm>> -> memref<8x128xi32, #tpu.memory_space<hbm>>
    %dma_start3A_714 = arith.constant 0 : i32
    %dma_start3A_715 = arith.constant 0 : i32
    %dma_start3A_716 = tpu.memref_slice %arg7[%dma_start3A_707, %dma_start3A_714, %dma_start3A_715] : memref<2x8x128xi32, #tpu.memory_space<vmem>> -> memref<1x8x128xi32, #tpu.memory_space<vmem>>
    %dma_start3A_717 = tpu.memref_squeeze %dma_start3A_716 : memref<1x8x128xi32, #tpu.memory_space<vmem>> -> memref<8x128xi32, #tpu.memory_space<vmem>>
    %dma_start3A_718 = arith.constant 0 : i32
    %dma_start3A_719 = tpu.memref_slice %arg3[%add3A_706, %dma_start3A_718] : memref<2560x128xi32, #tpu.memory_space<hbm>> -> memref<8x128xi32, #tpu.memory_space<hbm>>
    tpu.enqueue_dma source(%dma_start3A_719 : memref<8x128xi32, #tpu.memory_space<hbm>>) target(%dma_start3A_717 : memref<8x128xi32, #tpu.memory_space<vmem>>) target_semaphore(%arg8 : memref<!tpu.dma_semaphore, #tpu.memory_space<semaphore_mem>>)
    %mul3A_720 = arith.constant 128 : i32
    %mul3A_721 = arith.muli %add3A_706, %mul3A_720 : i32
    %dma_start3A_722 = arith.constant 1 : i32
    %dma_start3A_723 = arith.constant 0 : i32
    %dma_start3A_724 = arith.constant 0 : i32
    %dma_start3A_725 = tpu.memref_slice %arg6[%dma_start3A_722, %dma_start3A_723, %dma_start3A_724] : memref<2x1024x16xf32, #tpu.memory_space<vmem>> -> memref<1x1024x16xf32, #tpu.memory_space<vmem>>
    %dma_start3A_726 = tpu.memref_squeeze %dma_start3A_725 : memref<1x1024x16xf32, #tpu.memory_space<vmem>> -> memref<1024x16xf32, #tpu.memory_space<vmem>>
    %dma_start3A_727 = arith.constant 0 : i32
    %dma_start3A_728 = tpu.memref_slice %arg2[%mul3A_721, %dma_start3A_727] : memref<327680x16xf32, #tpu.memory_space<hbm>> -> memref<1024x16xf32, #tpu.memory_space<hbm>>
    %dma_start3A_729 = arith.constant 0 : i32
    %dma_start3A_730 = arith.constant 0 : i32
    %dma_start3A_731 = tpu.memref_slice %arg6[%dma_start3A_722, %dma_start3A_729, %dma_start3A_730] : memref<2x1024x16xf32, #tpu.memory_space<vmem>> -> memref<1x1024x16xf32, #tpu.memory_space<vmem>>
    %dma_start3A_732 = tpu.memref_squeeze %dma_start3A_731 : memref<1x1024x16xf32, #tpu.memory_space<vmem>> -> memref<1024x16xf32, #tpu.memory_space<vmem>>
    %dma_start3A_733 = arith.constant 0 : i32
    %dma_start3A_734 = tpu.memref_slice %arg2[%mul3A_721, %dma_start3A_733] : memref<327680x16xf32, #tpu.memory_space<hbm>> -> memref<1024x16xf32, #tpu.memory_space<hbm>>
    tpu.enqueue_dma source(%dma_start3A_734 : memref<1024x16xf32, #tpu.memory_space<hbm>>) target(%dma_start3A_732 : memref<1024x16xf32, #tpu.memory_space<vmem>>) target_semaphore(%arg8 : memref<!tpu.dma_semaphore, #tpu.memory_space<semaphore_mem>>)
    %run_scoped3A_735 = arith.constant 0 : i32
    %run_scoped3A_736 = arith.constant 0 : i32
    %run_scoped3A_737 = arith.constant 0 : i32
    "tpu.region"() ({
      %run_scoped3A_814 = tpu.sem_alloc : memref<!tpu.dma_semaphore, #tpu.memory_space<semaphore_mem>>
      %dma_start3A_815 = arith.constant 0 : i32
      %dma_start3A_816 = arith.constant 0 : i32
      %dma_start3A_817 = tpu.memref_slice %arg6[%run_scoped3A_735, %dma_start3A_815, %dma_start3A_816] : memref<2x1024x16xf32, #tpu.memory_space<vmem>> -> memref<1x128x16xf32, #tpu.memory_space<vmem>>
      %dma_start3A_818 = tpu.memref_squeeze %dma_start3A_817 : memref<1x128x16xf32, #tpu.memory_space<vmem>> -> memref<128x16xf32, #tpu.memory_space<vmem>>
      %dma_start3A_819 = arith.constant 0 : i32
      %dma_start3A_820 = tpu.memref_slice %arg7[%run_scoped3A_736, %run_scoped3A_737, %dma_start3A_819] : memref<2x8x128xi32, #tpu.memory_space<vmem>> -> memref<1x1x128xi32, #tpu.memory_space<vmem>>
      %dma_start3A_821 = tpu.memref_squeeze %dma_start3A_820 : memref<1x1x128xi32, #tpu.memory_space<vmem>> -> memref<128xi32, #tpu.memory_space<vmem>>
      %dma_start3A_822 = arith.constant 0 : i32
      %dma_start3A_823 = arith.constant 0 : i32
      %dma_start3A_824 = tpu.memref_slice %arg5[%dma_start3A_822, %dma_start3A_823] : memref<10240x16xf32, #tpu.memory_space<vmem_shared>> -> memref<10240x16xf32, #tpu.memory_space<vmem_shared>>
      tpu.enqueue_indirect_dma source(%dma_start3A_818 : memref<128x16xf32, #tpu.memory_space<vmem>>) target(%dma_start3A_824 : memref<10240x16xf32, #tpu.memory_space<vmem_shared>>) offsets(%dma_start3A_821 : memref<128xi32, #tpu.memory_space<vmem>>) semaphore(%run_scoped3A_814 : memref<!tpu.dma_semaphore, #tpu.memory_space<semaphore_mem>>) {add = true}
      %dma_wait3A_825 = arith.constant 0 : i32
      %dma_wait3A_826 = arith.constant 0 : i32
      %dma_wait3A_827 = tpu.memref_slice %arg6[%run_scoped3A_735, %dma_wait3A_825, %dma_wait3A_826] : memref<2x1024x16xf32, #tpu.memory_space<vmem>> -> memref<1x128x16xf32, #tpu.memory_space<vmem>>
      %dma_wait3A_828 = tpu.memref_squeeze %dma_wait3A_827 : memref<1x128x16xf32, #tpu.memory_space<vmem>> -> memref<128x16xf32, #tpu.memory_space<vmem>>
      %dma_wait3A_829 = arith.constant 0 : i32
      %dma_wait3A_830 = tpu.memref_slice %arg7[%run_scoped3A_736, %run_scoped3A_737, %dma_wait3A_829] : memref<2x8x128xi32, #tpu.memory_space<vmem>> -> memref<1x1x128xi32, #tpu.memory_space<vmem>>
      %dma_wait3A_831 = tpu.memref_squeeze %dma_wait3A_830 : memref<1x1x128xi32, #tpu.memory_space<vmem>> -> memref<128xi32, #tpu.memory_space<vmem>>
      %dma_wait3A_832 = arith.constant 0 : i32
      %dma_wait3A_833 = arith.constant 0 : i32
      %dma_wait3A_834 = tpu.memref_slice %arg5[%dma_wait3A_832, %dma_wait3A_833] : memref<10240x16xf32, #tpu.memory_space<vmem_shared>> -> memref<10240x16xf32, #tpu.memory_space<vmem_shared>>
      tpu.wait_indirect_dma semaphore(%run_scoped3A_814 : memref<!tpu.dma_semaphore, #tpu.memory_space<semaphore_mem>>) src(%dma_wait3A_828 : memref<128x16xf32, #tpu.memory_space<vmem>>) dst(%dma_wait3A_834 : memref<10240x16xf32, #tpu.memory_space<vmem_shared>>)
      tpu.yield
    }) : () -> ()
    %run_scoped3A_738 = arith.constant 0 : i32
    %run_scoped3A_739 = arith.constant 0 : i32
    %run_scoped3A_740 = arith.constant 1 : i32
    "tpu.region"() ({
      %run_scoped3A_814 = tpu.sem_alloc : memref<!tpu.dma_semaphore, #tpu.memory_space<semaphore_mem>>
      %dma_start3A_815 = arith.constant 128 : i32
      %dma_start3A_816 = arith.constant 0 : i32
      %dma_start3A_817 = tpu.memref_slice %arg6[%run_scoped3A_738, %dma_start3A_815, %dma_start3A_816] : memref<2x1024x16xf32, #tpu.memory_space<vmem>> -> memref<1x128x16xf32, #tpu.memory_space<vmem>>
      %dma_start3A_818 = tpu.memref_squeeze %dma_start3A_817 : memref<1x128x16xf32, #tpu.memory_space<vmem>> -> memref<128x16xf32, #tpu.memory_space<vmem>>
      %dma_start3A_819 = arith.constant 0 : i32
      %dma_start3A_820 = tpu.memref_slice %arg7[%run_scoped3A_739, %run_scoped3A_740, %dma_start3A_819] : memref<2x8x128xi32, #tpu.memory_space<vmem>> -> memref<1x1x128xi32, #tpu.memory_space<vmem>>
      %dma_start3A_821 = tpu.memref_squeeze %dma_start3A_820 : memref<1x1x128xi32, #tpu.memory_space<vmem>> -> memref<128xi32, #tpu.memory_space<vmem>>
      %dma_start3A_822 = arith.constant 0 : i32
      %dma_start3A_823 = arith.constant 0 : i32
      %dma_start3A_824 = tpu.memref_slice %arg5[%dma_start3A_822, %dma_start3A_823] : memref<10240x16xf32, #tpu.memory_space<vmem_shared>> -> memref<10240x16xf32, #tpu.memory_space<vmem_shared>>
      tpu.enqueue_indirect_dma source(%dma_start3A_818 : memref<128x16xf32, #tpu.memory_space<vmem>>) target(%dma_start3A_824 : memref<10240x16xf32, #tpu.memory_space<vmem_shared>>) offsets(%dma_start3A_821 : memref<128xi32, #tpu.memory_space<vmem>>) semaphore(%run_scoped3A_814 : memref<!tpu.dma_semaphore, #tpu.memory_space<semaphore_mem>>) {add = true}
      %dma_wait3A_825 = arith.constant 128 : i32
      %dma_wait3A_826 = arith.constant 0 : i32
      %dma_wait3A_827 = tpu.memref_slice %arg6[%run_scoped3A_738, %dma_wait3A_825, %dma_wait3A_826] : memref<2x1024x16xf32, #tpu.memory_space<vmem>> -> memref<1x128x16xf32, #tpu.memory_space<vmem>>
      %dma_wait3A_828 = tpu.memref_squeeze %dma_wait3A_827 : memref<1x128x16xf32, #tpu.memory_space<vmem>> -> memref<128x16xf32, #tpu.memory_space<vmem>>
      %dma_wait3A_829 = arith.constant 0 : i32
      %dma_wait3A_830 = tpu.memref_slice %arg7[%run_scoped3A_739, %run_scoped3A_740, %dma_wait3A_829] : memref<2x8x128xi32, #tpu.memory_space<vmem>> -> memref<1x1x128xi32, #tpu.memory_space<vmem>>
      %dma_wait3A_831 = tpu.memref_squeeze %dma_wait3A_830 : memref<1x1x128xi32, #tpu.memory_space<vmem>> -> memref<128xi32, #tpu.memory_space<vmem>>
      %dma_wait3A_832 = arith.constant 0 : i32
      %dma_wait3A_833 = arith.constant 0 : i32
      %dma_wait3A_834 = tpu.memref_slice %arg5[%dma_wait3A_832, %dma_wait3A_833] : memref<10240x16xf32, #tpu.memory_space<vmem_shared>> -> memref<10240x16xf32, #tpu.memory_space<vmem_shared>>
      tpu.wait_indirect_dma semaphore(%run_scoped3A_814 : memref<!tpu.dma_semaphore, #tpu.memory_space<semaphore_mem>>) src(%dma_wait3A_828 : memref<128x16xf32, #tpu.memory_space<vmem>>) dst(%dma_wait3A_834 : memref<10240x16xf32, #tpu.memory_space<vmem_shared>>)
      tpu.yield
    }) : () -> ()
    %run_scoped3A_741 = arith.constant 0 : i32
    %run_scoped3A_742 = arith.constant 0 : i32
    %run_scoped3A_743 = arith.constant 2 : i32
    "tpu.region"() ({
      %run_scoped3A_814 = tpu.sem_alloc : memref<!tpu.dma_semaphore, #tpu.memory_space<semaphore_mem>>
      %dma_start3A_815 = arith.constant 256 : i32
      %dma_start3A_816 = arith.constant 0 : i32
      %dma_start3A_817 = tpu.memref_slice %arg6[%run_scoped3A_741, %dma_start3A_815, %dma_start3A_816] : memref<2x1024x16xf32, #tpu.memory_space<vmem>> -> memref<1x128x16xf32, #tpu.memory_space<vmem>>
      %dma_start3A_818 = tpu.memref_squeeze %dma_start3A_817 : memref<1x128x16xf32, #tpu.memory_space<vmem>> -> memref<128x16xf32, #tpu.memory_space<vmem>>
      %dma_start3A_819 = arith.constant 0 : i32
      %dma_start3A_820 = tpu.memref_slice %arg7[%run_scoped3A_742, %run_scoped3A_743, %dma_start3A_819] : memref<2x8x128xi32, #tpu.memory_space<vmem>> -> memref<1x1x128xi32, #tpu.memory_space<vmem>>
      %dma_start3A_821 = tpu.memref_squeeze %dma_start3A_820 : memref<1x1x128xi32, #tpu.memory_space<vmem>> -> memref<128xi32, #tpu.memory_space<vmem>>
      %dma_start3A_822 = arith.constant 0 : i32
      %dma_start3A_823 = arith.constant 0 : i32
      %dma_start3A_824 = tpu.memref_slice %arg5[%dma_start3A_822, %dma_start3A_823] : memref<10240x16xf32, #tpu.memory_space<vmem_shared>> -> memref<10240x16xf32, #tpu.memory_space<vmem_shared>>
      tpu.enqueue_indirect_dma source(%dma_start3A_818 : memref<128x16xf32, #tpu.memory_space<vmem>>) target(%dma_start3A_824 : memref<10240x16xf32, #tpu.memory_space<vmem_shared>>) offsets(%dma_start3A_821 : memref<128xi32, #tpu.memory_space<vmem>>) semaphore(%run_scoped3A_814 : memref<!tpu.dma_semaphore, #tpu.memory_space<semaphore_mem>>) {add = true}
      %dma_wait3A_825 = arith.constant 256 : i32
      %dma_wait3A_826 = arith.constant 0 : i32
      %dma_wait3A_827 = tpu.memref_slice %arg6[%run_scoped3A_741, %dma_wait3A_825, %dma_wait3A_826] : memref<2x1024x16xf32, #tpu.memory_space<vmem>> -> memref<1x128x16xf32, #tpu.memory_space<vmem>>
      %dma_wait3A_828 = tpu.memref_squeeze %dma_wait3A_827 : memref<1x128x16xf32, #tpu.memory_space<vmem>> -> memref<128x16xf32, #tpu.memory_space<vmem>>
      %dma_wait3A_829 = arith.constant 0 : i32
      %dma_wait3A_830 = tpu.memref_slice %arg7[%run_scoped3A_742, %run_scoped3A_743, %dma_wait3A_829] : memref<2x8x128xi32, #tpu.memory_space<vmem>> -> memref<1x1x128xi32, #tpu.memory_space<vmem>>
      %dma_wait3A_831 = tpu.memref_squeeze %dma_wait3A_830 : memref<1x1x128xi32, #tpu.memory_space<vmem>> -> memref<128xi32, #tpu.memory_space<vmem>>
      %dma_wait3A_832 = arith.constant 0 : i32
      %dma_wait3A_833 = arith.constant 0 : i32
      %dma_wait3A_834 = tpu.memref_slice %arg5[%dma_wait3A_832, %dma_wait3A_833] : memref<10240x16xf32, #tpu.memory_space<vmem_shared>> -> memref<10240x16xf32, #tpu.memory_space<vmem_shared>>
      tpu.wait_indirect_dma semaphore(%run_scoped3A_814 : memref<!tpu.dma_semaphore, #tpu.memory_space<semaphore_mem>>) src(%dma_wait3A_828 : memref<128x16xf32, #tpu.memory_space<vmem>>) dst(%dma_wait3A_834 : memref<10240x16xf32, #tpu.memory_space<vmem_shared>>)
      tpu.yield
    }) : () -> ()
    %run_scoped3A_744 = arith.constant 0 : i32
    %run_scoped3A_745 = arith.constant 0 : i32
    %run_scoped3A_746 = arith.constant 3 : i32
    "tpu.region"() ({
      %run_scoped3A_814 = tpu.sem_alloc : memref<!tpu.dma_semaphore, #tpu.memory_space<semaphore_mem>>
      %dma_start3A_815 = arith.constant 384 : i32
      %dma_start3A_816 = arith.constant 0 : i32
      %dma_start3A_817 = tpu.memref_slice %arg6[%run_scoped3A_744, %dma_start3A_815, %dma_start3A_816] : memref<2x1024x16xf32, #tpu.memory_space<vmem>> -> memref<1x128x16xf32, #tpu.memory_space<vmem>>
      %dma_start3A_818 = tpu.memref_squeeze %dma_start3A_817 : memref<1x128x16xf32, #tpu.memory_space<vmem>> -> memref<128x16xf32, #tpu.memory_space<vmem>>
      %dma_start3A_819 = arith.constant 0 : i32
      %dma_start3A_820 = tpu.memref_slice %arg7[%run_scoped3A_745, %run_scoped3A_746, %dma_start3A_819] : memref<2x8x128xi32, #tpu.memory_space<vmem>> -> memref<1x1x128xi32, #tpu.memory_space<vmem>>
      %dma_start3A_821 = tpu.memref_squeeze %dma_start3A_820 : memref<1x1x128xi32, #tpu.memory_space<vmem>> -> memref<128xi32, #tpu.memory_space<vmem>>
      %dma_start3A_822 = arith.constant 0 : i32
      %dma_start3A_823 = arith.constant 0 : i32
      %dma_start3A_824 = tpu.memref_slice %arg5[%dma_start3A_822, %dma_start3A_823] : memref<10240x16xf32, #tpu.memory_space<vmem_shared>> -> memref<10240x16xf32, #tpu.memory_space<vmem_shared>>
      tpu.enqueue_indirect_dma source(%dma_start3A_818 : memref<128x16xf32, #tpu.memory_space<vmem>>) target(%dma_start3A_824 : memref<10240x16xf32, #tpu.memory_space<vmem_shared>>) offsets(%dma_start3A_821 : memref<128xi32, #tpu.memory_space<vmem>>) semaphore(%run_scoped3A_814 : memref<!tpu.dma_semaphore, #tpu.memory_space<semaphore_mem>>) {add = true}
      %dma_wait3A_825 = arith.constant 384 : i32
      %dma_wait3A_826 = arith.constant 0 : i32
      %dma_wait3A_827 = tpu.memref_slice %arg6[%run_scoped3A_744, %dma_wait3A_825, %dma_wait3A_826] : memref<2x1024x16xf32, #tpu.memory_space<vmem>> -> memref<1x128x16xf32, #tpu.memory_space<vmem>>
      %dma_wait3A_828 = tpu.memref_squeeze %dma_wait3A_827 : memref<1x128x16xf32, #tpu.memory_space<vmem>> -> memref<128x16xf32, #tpu.memory_space<vmem>>
      %dma_wait3A_829 = arith.constant 0 : i32
      %dma_wait3A_830 = tpu.memref_slice %arg7[%run_scoped3A_745, %run_scoped3A_746, %dma_wait3A_829] : memref<2x8x128xi32, #tpu.memory_space<vmem>> -> memref<1x1x128xi32, #tpu.memory_space<vmem>>
      %dma_wait3A_831 = tpu.memref_squeeze %dma_wait3A_830 : memref<1x1x128xi32, #tpu.memory_space<vmem>> -> memref<128xi32, #tpu.memory_space<vmem>>
      %dma_wait3A_832 = arith.constant 0 : i32
      %dma_wait3A_833 = arith.constant 0 : i32
      %dma_wait3A_834 = tpu.memref_slice %arg5[%dma_wait3A_832, %dma_wait3A_833] : memref<10240x16xf32, #tpu.memory_space<vmem_shared>> -> memref<10240x16xf32, #tpu.memory_space<vmem_shared>>
      tpu.wait_indirect_dma semaphore(%run_scoped3A_814 : memref<!tpu.dma_semaphore, #tpu.memory_space<semaphore_mem>>) src(%dma_wait3A_828 : memref<128x16xf32, #tpu.memory_space<vmem>>) dst(%dma_wait3A_834 : memref<10240x16xf32, #tpu.memory_space<vmem_shared>>)
      tpu.yield
    }) : () -> ()
    %run_scoped3A_747 = arith.constant 0 : i32
    %run_scoped3A_748 = arith.constant 0 : i32
    %run_scoped3A_749 = arith.constant 4 : i32
    "tpu.region"() ({
      %run_scoped3A_814 = tpu.sem_alloc : memref<!tpu.dma_semaphore, #tpu.memory_space<semaphore_mem>>
      %dma_start3A_815 = arith.constant 512 : i32
      %dma_start3A_816 = arith.constant 0 : i32
      %dma_start3A_817 = tpu.memref_slice %arg6[%run_scoped3A_747, %dma_start3A_815, %dma_start3A_816] : memref<2x1024x16xf32, #tpu.memory_space<vmem>> -> memref<1x128x16xf32, #tpu.memory_space<vmem>>
      %dma_start3A_818 = tpu.memref_squeeze %dma_start3A_817 : memref<1x128x16xf32, #tpu.memory_space<vmem>> -> memref<128x16xf32, #tpu.memory_space<vmem>>
      %dma_start3A_819 = arith.constant 0 : i32
      %dma_start3A_820 = tpu.memref_slice %arg7[%run_scoped3A_748, %run_scoped3A_749, %dma_start3A_819] : memref<2x8x128xi32, #tpu.memory_space<vmem>> -> memref<1x1x128xi32, #tpu.memory_space<vmem>>
      %dma_start3A_821 = tpu.memref_squeeze %dma_start3A_820 : memref<1x1x128xi32, #tpu.memory_space<vmem>> -> memref<128xi32, #tpu.memory_space<vmem>>
      %dma_start3A_822 = arith.constant 0 : i32
      %dma_start3A_823 = arith.constant 0 : i32
      %dma_start3A_824 = tpu.memref_slice %arg5[%dma_start3A_822, %dma_start3A_823] : memref<10240x16xf32, #tpu.memory_space<vmem_shared>> -> memref<10240x16xf32, #tpu.memory_space<vmem_shared>>
      tpu.enqueue_indirect_dma source(%dma_start3A_818 : memref<128x16xf32, #tpu.memory_space<vmem>>) target(%dma_start3A_824 : memref<10240x16xf32, #tpu.memory_space<vmem_shared>>) offsets(%dma_start3A_821 : memref<128xi32, #tpu.memory_space<vmem>>) semaphore(%run_scoped3A_814 : memref<!tpu.dma_semaphore, #tpu.memory_space<semaphore_mem>>) {add = true}
      %dma_wait3A_825 = arith.constant 512 : i32
      %dma_wait3A_826 = arith.constant 0 : i32
      %dma_wait3A_827 = tpu.memref_slice %arg6[%run_scoped3A_747, %dma_wait3A_825, %dma_wait3A_826] : memref<2x1024x16xf32, #tpu.memory_space<vmem>> -> memref<1x128x16xf32, #tpu.memory_space<vmem>>
      %dma_wait3A_828 = tpu.memref_squeeze %dma_wait3A_827 : memref<1x128x16xf32, #tpu.memory_space<vmem>> -> memref<128x16xf32, #tpu.memory_space<vmem>>
      %dma_wait3A_829 = arith.constant 0 : i32
      %dma_wait3A_830 = tpu.memref_slice %arg7[%run_scoped3A_748, %run_scoped3A_749, %dma_wait3A_829] : memref<2x8x128xi32, #tpu.memory_space<vmem>> -> memref<1x1x128xi32, #tpu.memory_space<vmem>>
      %dma_wait3A_831 = tpu.memref_squeeze %dma_wait3A_830 : memref<1x1x128xi32, #tpu.memory_space<vmem>> -> memref<128xi32, #tpu.memory_space<vmem>>
      %dma_wait3A_832 = arith.constant 0 : i32
      %dma_wait3A_833 = arith.constant 0 : i32
      %dma_wait3A_834 = tpu.memref_slice %arg5[%dma_wait3A_832, %dma_wait3A_833] : memref<10240x16xf32, #tpu.memory_space<vmem_shared>> -> memref<10240x16xf32, #tpu.memory_space<vmem_shared>>
      tpu.wait_indirect_dma semaphore(%run_scoped3A_814 : memref<!tpu.dma_semaphore, #tpu.memory_space<semaphore_mem>>) src(%dma_wait3A_828 : memref<128x16xf32, #tpu.memory_space<vmem>>) dst(%dma_wait3A_834 : memref<10240x16xf32, #tpu.memory_space<vmem_shared>>)
      tpu.yield
    }) : () -> ()
    %run_scoped3A_750 = arith.constant 0 : i32
    %run_scoped3A_751 = arith.constant 0 : i32
    %run_scoped3A_752 = arith.constant 5 : i32
    "tpu.region"() ({
      %run_scoped3A_814 = tpu.sem_alloc : memref<!tpu.dma_semaphore, #tpu.memory_space<semaphore_mem>>
      %dma_start3A_815 = arith.constant 640 : i32
      %dma_start3A_816 = arith.constant 0 : i32
      %dma_start3A_817 = tpu.memref_slice %arg6[%run_scoped3A_750, %dma_start3A_815, %dma_start3A_816] : memref<2x1024x16xf32, #tpu.memory_space<vmem>> -> memref<1x128x16xf32, #tpu.memory_space<vmem>>
      %dma_start3A_818 = tpu.memref_squeeze %dma_start3A_817 : memref<1x128x16xf32, #tpu.memory_space<vmem>> -> memref<128x16xf32, #tpu.memory_space<vmem>>
      %dma_start3A_819 = arith.constant 0 : i32
      %dma_start3A_820 = tpu.memref_slice %arg7[%run_scoped3A_751, %run_scoped3A_752, %dma_start3A_819] : memref<2x8x128xi32, #tpu.memory_space<vmem>> -> memref<1x1x128xi32, #tpu.memory_space<vmem>>
      %dma_start3A_821 = tpu.memref_squeeze %dma_start3A_820 : memref<1x1x128xi32, #tpu.memory_space<vmem>> -> memref<128xi32, #tpu.memory_space<vmem>>
      %dma_start3A_822 = arith.constant 0 : i32
      %dma_start3A_823 = arith.constant 0 : i32
      %dma_start3A_824 = tpu.memref_slice %arg5[%dma_start3A_822, %dma_start3A_823] : memref<10240x16xf32, #tpu.memory_space<vmem_shared>> -> memref<10240x16xf32, #tpu.memory_space<vmem_shared>>
      tpu.enqueue_indirect_dma source(%dma_start3A_818 : memref<128x16xf32, #tpu.memory_space<vmem>>) target(%dma_start3A_824 : memref<10240x16xf32, #tpu.memory_space<vmem_shared>>) offsets(%dma_start3A_821 : memref<128xi32, #tpu.memory_space<vmem>>) semaphore(%run_scoped3A_814 : memref<!tpu.dma_semaphore, #tpu.memory_space<semaphore_mem>>) {add = true}
      %dma_wait3A_825 = arith.constant 640 : i32
      %dma_wait3A_826 = arith.constant 0 : i32
      %dma_wait3A_827 = tpu.memref_slice %arg6[%run_scoped3A_750, %dma_wait3A_825, %dma_wait3A_826] : memref<2x1024x16xf32, #tpu.memory_space<vmem>> -> memref<1x128x16xf32, #tpu.memory_space<vmem>>
      %dma_wait3A_828 = tpu.memref_squeeze %dma_wait3A_827 : memref<1x128x16xf32, #tpu.memory_space<vmem>> -> memref<128x16xf32, #tpu.memory_space<vmem>>
      %dma_wait3A_829 = arith.constant 0 : i32
      %dma_wait3A_830 = tpu.memref_slice %arg7[%run_scoped3A_751, %run_scoped3A_752, %dma_wait3A_829] : memref<2x8x128xi32, #tpu.memory_space<vmem>> -> memref<1x1x128xi32, #tpu.memory_space<vmem>>
      %dma_wait3A_831 = tpu.memref_squeeze %dma_wait3A_830 : memref<1x1x128xi32, #tpu.memory_space<vmem>> -> memref<128xi32, #tpu.memory_space<vmem>>
      %dma_wait3A_832 = arith.constant 0 : i32
      %dma_wait3A_833 = arith.constant 0 : i32
      %dma_wait3A_834 = tpu.memref_slice %arg5[%dma_wait3A_832, %dma_wait3A_833] : memref<10240x16xf32, #tpu.memory_space<vmem_shared>> -> memref<10240x16xf32, #tpu.memory_space<vmem_shared>>
      tpu.wait_indirect_dma semaphore(%run_scoped3A_814 : memref<!tpu.dma_semaphore, #tpu.memory_space<semaphore_mem>>) src(%dma_wait3A_828 : memref<128x16xf32, #tpu.memory_space<vmem>>) dst(%dma_wait3A_834 : memref<10240x16xf32, #tpu.memory_space<vmem_shared>>)
      tpu.yield
    }) : () -> ()
    %run_scoped3A_753 = arith.constant 0 : i32
    %run_scoped3A_754 = arith.constant 0 : i32
    %run_scoped3A_755 = arith.constant 6 : i32
    "tpu.region"() ({
      %run_scoped3A_814 = tpu.sem_alloc : memref<!tpu.dma_semaphore, #tpu.memory_space<semaphore_mem>>
      %dma_start3A_815 = arith.constant 768 : i32
      %dma_start3A_816 = arith.constant 0 : i32
      %dma_start3A_817 = tpu.memref_slice %arg6[%run_scoped3A_753, %dma_start3A_815, %dma_start3A_816] : memref<2x1024x16xf32, #tpu.memory_space<vmem>> -> memref<1x128x16xf32, #tpu.memory_space<vmem>>
      %dma_start3A_818 = tpu.memref_squeeze %dma_start3A_817 : memref<1x128x16xf32, #tpu.memory_space<vmem>> -> memref<128x16xf32, #tpu.memory_space<vmem>>
      %dma_start3A_819 = arith.constant 0 : i32
      %dma_start3A_820 = tpu.memref_slice %arg7[%run_scoped3A_754, %run_scoped3A_755, %dma_start3A_819] : memref<2x8x128xi32, #tpu.memory_space<vmem>> -> memref<1x1x128xi32, #tpu.memory_space<vmem>>
      %dma_start3A_821 = tpu.memref_squeeze %dma_start3A_820 : memref<1x1x128xi32, #tpu.memory_space<vmem>> -> memref<128xi32, #tpu.memory_space<vmem>>
      %dma_start3A_822 = arith.constant 0 : i32
      %dma_start3A_823 = arith.constant 0 : i32
      %dma_start3A_824 = tpu.memref_slice %arg5[%dma_start3A_822, %dma_start3A_823] : memref<10240x16xf32, #tpu.memory_space<vmem_shared>> -> memref<10240x16xf32, #tpu.memory_space<vmem_shared>>
      tpu.enqueue_indirect_dma source(%dma_start3A_818 : memref<128x16xf32, #tpu.memory_space<vmem>>) target(%dma_start3A_824 : memref<10240x16xf32, #tpu.memory_space<vmem_shared>>) offsets(%dma_start3A_821 : memref<128xi32, #tpu.memory_space<vmem>>) semaphore(%run_scoped3A_814 : memref<!tpu.dma_semaphore, #tpu.memory_space<semaphore_mem>>) {add = true}
      %dma_wait3A_825 = arith.constant 768 : i32
      %dma_wait3A_826 = arith.constant 0 : i32
      %dma_wait3A_827 = tpu.memref_slice %arg6[%run_scoped3A_753, %dma_wait3A_825, %dma_wait3A_826] : memref<2x1024x16xf32, #tpu.memory_space<vmem>> -> memref<1x128x16xf32, #tpu.memory_space<vmem>>
      %dma_wait3A_828 = tpu.memref_squeeze %dma_wait3A_827 : memref<1x128x16xf32, #tpu.memory_space<vmem>> -> memref<128x16xf32, #tpu.memory_space<vmem>>
      %dma_wait3A_829 = arith.constant 0 : i32
      %dma_wait3A_830 = tpu.memref_slice %arg7[%run_scoped3A_754, %run_scoped3A_755, %dma_wait3A_829] : memref<2x8x128xi32, #tpu.memory_space<vmem>> -> memref<1x1x128xi32, #tpu.memory_space<vmem>>
      %dma_wait3A_831 = tpu.memref_squeeze %dma_wait3A_830 : memref<1x1x128xi32, #tpu.memory_space<vmem>> -> memref<128xi32, #tpu.memory_space<vmem>>
      %dma_wait3A_832 = arith.constant 0 : i32
      %dma_wait3A_833 = arith.constant 0 : i32
      %dma_wait3A_834 = tpu.memref_slice %arg5[%dma_wait3A_832, %dma_wait3A_833] : memref<10240x16xf32, #tpu.memory_space<vmem_shared>> -> memref<10240x16xf32, #tpu.memory_space<vmem_shared>>
      tpu.wait_indirect_dma semaphore(%run_scoped3A_814 : memref<!tpu.dma_semaphore, #tpu.memory_space<semaphore_mem>>) src(%dma_wait3A_828 : memref<128x16xf32, #tpu.memory_space<vmem>>) dst(%dma_wait3A_834 : memref<10240x16xf32, #tpu.memory_space<vmem_shared>>)
      tpu.yield
    }) : () -> ()
    %run_scoped3A_756 = arith.constant 0 : i32
    %run_scoped3A_757 = arith.constant 0 : i32
    %run_scoped3A_758 = arith.constant 7 : i32
    "tpu.region"() ({
      %run_scoped3A_814 = tpu.sem_alloc : memref<!tpu.dma_semaphore, #tpu.memory_space<semaphore_mem>>
      %dma_start3A_815 = arith.constant 896 : i32
      %dma_start3A_816 = arith.constant 0 : i32
      %dma_start3A_817 = tpu.memref_slice %arg6[%run_scoped3A_756, %dma_start3A_815, %dma_start3A_816] : memref<2x1024x16xf32, #tpu.memory_space<vmem>> -> memref<1x128x16xf32, #tpu.memory_space<vmem>>
      %dma_start3A_818 = tpu.memref_squeeze %dma_start3A_817 : memref<1x128x16xf32, #tpu.memory_space<vmem>> -> memref<128x16xf32, #tpu.memory_space<vmem>>
      %dma_start3A_819 = arith.constant 0 : i32
      %dma_start3A_820 = tpu.memref_slice %arg7[%run_scoped3A_757, %run_scoped3A_758, %dma_start3A_819] : memref<2x8x128xi32, #tpu.memory_space<vmem>> -> memref<1x1x128xi32, #tpu.memory_space<vmem>>
      %dma_start3A_821 = tpu.memref_squeeze %dma_start3A_820 : memref<1x1x128xi32, #tpu.memory_space<vmem>> -> memref<128xi32, #tpu.memory_space<vmem>>
      %dma_start3A_822 = arith.constant 0 : i32
      %dma_start3A_823 = arith.constant 0 : i32
      %dma_start3A_824 = tpu.memref_slice %arg5[%dma_start3A_822, %dma_start3A_823] : memref<10240x16xf32, #tpu.memory_space<vmem_shared>> -> memref<10240x16xf32, #tpu.memory_space<vmem_shared>>
      tpu.enqueue_indirect_dma source(%dma_start3A_818 : memref<128x16xf32, #tpu.memory_space<vmem>>) target(%dma_start3A_824 : memref<10240x16xf32, #tpu.memory_space<vmem_shared>>) offsets(%dma_start3A_821 : memref<128xi32, #tpu.memory_space<vmem>>) semaphore(%run_scoped3A_814 : memref<!tpu.dma_semaphore, #tpu.memory_space<semaphore_mem>>) {add = true}
      %dma_wait3A_825 = arith.constant 896 : i32
      %dma_wait3A_826 = arith.constant 0 : i32
      %dma_wait3A_827 = tpu.memref_slice %arg6[%run_scoped3A_756, %dma_wait3A_825, %dma_wait3A_826] : memref<2x1024x16xf32, #tpu.memory_space<vmem>> -> memref<1x128x16xf32, #tpu.memory_space<vmem>>
      %dma_wait3A_828 = tpu.memref_squeeze %dma_wait3A_827 : memref<1x128x16xf32, #tpu.memory_space<vmem>> -> memref<128x16xf32, #tpu.memory_space<vmem>>
      %dma_wait3A_829 = arith.constant 0 : i32
      %dma_wait3A_830 = tpu.memref_slice %arg7[%run_scoped3A_757, %run_scoped3A_758, %dma_wait3A_829] : memref<2x8x128xi32, #tpu.memory_space<vmem>> -> memref<1x1x128xi32, #tpu.memory_space<vmem>>
      %dma_wait3A_831 = tpu.memref_squeeze %dma_wait3A_830 : memref<1x1x128xi32, #tpu.memory_space<vmem>> -> memref<128xi32, #tpu.memory_space<vmem>>
      %dma_wait3A_832 = arith.constant 0 : i32
      %dma_wait3A_833 = arith.constant 0 : i32
      %dma_wait3A_834 = tpu.memref_slice %arg5[%dma_wait3A_832, %dma_wait3A_833] : memref<10240x16xf32, #tpu.memory_space<vmem_shared>> -> memref<10240x16xf32, #tpu.memory_space<vmem_shared>>
      tpu.wait_indirect_dma semaphore(%run_scoped3A_814 : memref<!tpu.dma_semaphore, #tpu.memory_space<semaphore_mem>>) src(%dma_wait3A_828 : memref<128x16xf32, #tpu.memory_space<vmem>>) dst(%dma_wait3A_834 : memref<10240x16xf32, #tpu.memory_space<vmem_shared>>)
      tpu.yield
    }) : () -> ()
    %dma_wait3A_759 = arith.constant 1 : i32
    %dma_wait3A_760 = arith.constant 0 : i32
    %dma_wait3A_761 = arith.constant 0 : i32
    %dma_wait3A_762 = tpu.memref_slice %arg7[%dma_wait3A_759, %dma_wait3A_760, %dma_wait3A_761] : memref<2x8x128xi32, #tpu.memory_space<vmem>> -> memref<1x8x128xi32, #tpu.memory_space<vmem>>
    %dma_wait3A_763 = tpu.memref_squeeze %dma_wait3A_762 : memref<1x8x128xi32, #tpu.memory_space<vmem>> -> memref<8x128xi32, #tpu.memory_space<vmem>>
    %dma_wait3A_764 = arith.constant 0 : i32
    %dma_wait3A_765 = tpu.memref_slice %arg3[%add3A_706, %dma_wait3A_764] : memref<2560x128xi32, #tpu.memory_space<hbm>> -> memref<8x128xi32, #tpu.memory_space<hbm>>
    %dma_wait3A_766 = arith.constant 0 : i32
    %dma_wait3A_767 = arith.constant 0 : i32
    %dma_wait3A_768 = tpu.memref_slice %arg7[%dma_wait3A_759, %dma_wait3A_766, %dma_wait3A_767] : memref<2x8x128xi32, #tpu.memory_space<vmem>> -> memref<1x8x128xi32, #tpu.memory_space<vmem>>
    %dma_wait3A_769 = tpu.memref_squeeze %dma_wait3A_768 : memref<1x8x128xi32, #tpu.memory_space<vmem>> -> memref<8x128xi32, #tpu.memory_space<vmem>>
    %dma_wait3A_770 = arith.constant 0 : i32
    %dma_wait3A_771 = tpu.memref_slice %arg3[%add3A_706, %dma_wait3A_770] : memref<2560x128xi32, #tpu.memory_space<hbm>> -> memref<8x128xi32, #tpu.memory_space<hbm>>
    tpu.wait_dma2 semaphore(%arg8 : memref<!tpu.dma_semaphore, #tpu.memory_space<semaphore_mem>>) src(%dma_wait3A_771 : memref<8x128xi32, #tpu.memory_space<hbm>>) dst(%dma_wait3A_769 : memref<8x128xi32, #tpu.memory_space<vmem>>)
    %dma_wait3A_772 = arith.constant 1 : i32
    %dma_wait3A_773 = arith.constant 0 : i32
    %dma_wait3A_774 = arith.constant 0 : i32
    %dma_wait3A_775 = tpu.memref_slice %arg6[%dma_wait3A_772, %dma_wait3A_773, %dma_wait3A_774] : memref<2x1024x16xf32, #tpu.memory_space<vmem>> -> memref<1x1024x16xf32, #tpu.memory_space<vmem>>
    %dma_wait3A_776 = tpu.memref_squeeze %dma_wait3A_775 : memref<1x1024x16xf32, #tpu.memory_space<vmem>> -> memref<1024x16xf32, #tpu.memory_space<vmem>>
    %dma_wait3A_777 = arith.constant 0 : i32
    %dma_wait3A_778 = tpu.memref_slice %arg2[%mul3A_721, %dma_wait3A_777] : memref<327680x16xf32, #tpu.memory_space<hbm>> -> memref<1024x16xf32, #tpu.memory_space<hbm>>
    %dma_wait3A_779 = arith.constant 0 : i32
    %dma_wait3A_780 = arith.constant 0 : i32
    %dma_wait3A_781 = tpu.memref_slice %arg6[%dma_wait3A_772, %dma_wait3A_779, %dma_wait3A_780] : memref<2x1024x16xf32, #tpu.memory_space<vmem>> -> memref<1x1024x16xf32, #tpu.memory_space<vmem>>
    %dma_wait3A_782 = tpu.memref_squeeze %dma_wait3A_781 : memref<1x1024x16xf32, #tpu.memory_space<vmem>> -> memref<1024x16xf32, #tpu.memory_space<vmem>>
    %dma_wait3A_783 = arith.constant 0 : i32
    %dma_wait3A_784 = tpu.memref_slice %arg2[%mul3A_721, %dma_wait3A_783] : memref<327680x16xf32, #tpu.memory_space<hbm>> -> memref<1024x16xf32, #tpu.memory_space<hbm>>
    tpu.wait_dma2 semaphore(%arg8 : memref<!tpu.dma_semaphore, #tpu.memory_space<semaphore_mem>>) src(%dma_wait3A_784 : memref<1024x16xf32, #tpu.memory_space<hbm>>) dst(%dma_wait3A_782 : memref<1024x16xf32, #tpu.memory_space<vmem>>)
    %run_scoped3A_785 = arith.constant 1 : i32
    %run_scoped3A_786 = arith.constant 1 : i32
    %run_scoped3A_787 = arith.constant 0 : i32
    "tpu.region"() ({
      %run_scoped3A_814 = tpu.sem_alloc : memref<!tpu.dma_semaphore, #tpu.memory_space<semaphore_mem>>
      %dma_start3A_815 = arith.constant 0 : i32
      %dma_start3A_816 = arith.constant 0 : i32
      %dma_start3A_817 = tpu.memref_slice %arg6[%run_scoped3A_785, %dma_start3A_815, %dma_start3A_816] : memref<2x1024x16xf32, #tpu.memory_space<vmem>> -> memref<1x128x16xf32, #tpu.memory_space<vmem>>
      %dma_start3A_818 = tpu.memref_squeeze %dma_start3A_817 : memref<1x128x16xf32, #tpu.memory_space<vmem>> -> memref<128x16xf32, #tpu.memory_space<vmem>>
      %dma_start3A_819 = arith.constant 0 : i32
      %dma_start3A_820 = tpu.memref_slice %arg7[%run_scoped3A_786, %run_scoped3A_787, %dma_start3A_819] : memref<2x8x128xi32, #tpu.memory_space<vmem>> -> memref<1x1x128xi32, #tpu.memory_space<vmem>>
      %dma_start3A_821 = tpu.memref_squeeze %dma_start3A_820 : memref<1x1x128xi32, #tpu.memory_space<vmem>> -> memref<128xi32, #tpu.memory_space<vmem>>
      %dma_start3A_822 = arith.constant 0 : i32
      %dma_start3A_823 = arith.constant 0 : i32
      %dma_start3A_824 = tpu.memref_slice %arg5[%dma_start3A_822, %dma_start3A_823] : memref<10240x16xf32, #tpu.memory_space<vmem_shared>> -> memref<10240x16xf32, #tpu.memory_space<vmem_shared>>
      tpu.enqueue_indirect_dma source(%dma_start3A_818 : memref<128x16xf32, #tpu.memory_space<vmem>>) target(%dma_start3A_824 : memref<10240x16xf32, #tpu.memory_space<vmem_shared>>) offsets(%dma_start3A_821 : memref<128xi32, #tpu.memory_space<vmem>>) semaphore(%run_scoped3A_814 : memref<!tpu.dma_semaphore, #tpu.memory_space<semaphore_mem>>) {add = true}
      %dma_wait3A_825 = arith.constant 0 : i32
      %dma_wait3A_826 = arith.constant 0 : i32
      %dma_wait3A_827 = tpu.memref_slice %arg6[%run_scoped3A_785, %dma_wait3A_825, %dma_wait3A_826] : memref<2x1024x16xf32, #tpu.memory_space<vmem>> -> memref<1x128x16xf32, #tpu.memory_space<vmem>>
      %dma_wait3A_828 = tpu.memref_squeeze %dma_wait3A_827 : memref<1x128x16xf32, #tpu.memory_space<vmem>> -> memref<128x16xf32, #tpu.memory_space<vmem>>
      %dma_wait3A_829 = arith.constant 0 : i32
      %dma_wait3A_830 = tpu.memref_slice %arg7[%run_scoped3A_786, %run_scoped3A_787, %dma_wait3A_829] : memref<2x8x128xi32, #tpu.memory_space<vmem>> -> memref<1x1x128xi32, #tpu.memory_space<vmem>>
      %dma_wait3A_831 = tpu.memref_squeeze %dma_wait3A_830 : memref<1x1x128xi32, #tpu.memory_space<vmem>> -> memref<128xi32, #tpu.memory_space<vmem>>
      %dma_wait3A_832 = arith.constant 0 : i32
      %dma_wait3A_833 = arith.constant 0 : i32
      %dma_wait3A_834 = tpu.memref_slice %arg5[%dma_wait3A_832, %dma_wait3A_833] : memref<10240x16xf32, #tpu.memory_space<vmem_shared>> -> memref<10240x16xf32, #tpu.memory_space<vmem_shared>>
      tpu.wait_indirect_dma semaphore(%run_scoped3A_814 : memref<!tpu.dma_semaphore, #tpu.memory_space<semaphore_mem>>) src(%dma_wait3A_828 : memref<128x16xf32, #tpu.memory_space<vmem>>) dst(%dma_wait3A_834 : memref<10240x16xf32, #tpu.memory_space<vmem_shared>>)
      tpu.yield
    }) : () -> ()
    %run_scoped3A_788 = arith.constant 1 : i32
    %run_scoped3A_789 = arith.constant 1 : i32
    %run_scoped3A_790 = arith.constant 1 : i32
    "tpu.region"() ({
      %run_scoped3A_814 = tpu.sem_alloc : memref<!tpu.dma_semaphore, #tpu.memory_space<semaphore_mem>>
      %dma_start3A_815 = arith.constant 128 : i32
      %dma_start3A_816 = arith.constant 0 : i32
      %dma_start3A_817 = tpu.memref_slice %arg6[%run_scoped3A_788, %dma_start3A_815, %dma_start3A_816] : memref<2x1024x16xf32, #tpu.memory_space<vmem>> -> memref<1x128x16xf32, #tpu.memory_space<vmem>>
      %dma_start3A_818 = tpu.memref_squeeze %dma_start3A_817 : memref<1x128x16xf32, #tpu.memory_space<vmem>> -> memref<128x16xf32, #tpu.memory_space<vmem>>
      %dma_start3A_819 = arith.constant 0 : i32
      %dma_start3A_820 = tpu.memref_slice %arg7[%run_scoped3A_789, %run_scoped3A_790, %dma_start3A_819] : memref<2x8x128xi32, #tpu.memory_space<vmem>> -> memref<1x1x128xi32, #tpu.memory_space<vmem>>
      %dma_start3A_821 = tpu.memref_squeeze %dma_start3A_820 : memref<1x1x128xi32, #tpu.memory_space<vmem>> -> memref<128xi32, #tpu.memory_space<vmem>>
      %dma_start3A_822 = arith.constant 0 : i32
      %dma_start3A_823 = arith.constant 0 : i32
      %dma_start3A_824 = tpu.memref_slice %arg5[%dma_start3A_822, %dma_start3A_823] : memref<10240x16xf32, #tpu.memory_space<vmem_shared>> -> memref<10240x16xf32, #tpu.memory_space<vmem_shared>>
      tpu.enqueue_indirect_dma source(%dma_start3A_818 : memref<128x16xf32, #tpu.memory_space<vmem>>) target(%dma_start3A_824 : memref<10240x16xf32, #tpu.memory_space<vmem_shared>>) offsets(%dma_start3A_821 : memref<128xi32, #tpu.memory_space<vmem>>) semaphore(%run_scoped3A_814 : memref<!tpu.dma_semaphore, #tpu.memory_space<semaphore_mem>>) {add = true}
      %dma_wait3A_825 = arith.constant 128 : i32
      %dma_wait3A_826 = arith.constant 0 : i32
      %dma_wait3A_827 = tpu.memref_slice %arg6[%run_scoped3A_788, %dma_wait3A_825, %dma_wait3A_826] : memref<2x1024x16xf32, #tpu.memory_space<vmem>> -> memref<1x128x16xf32, #tpu.memory_space<vmem>>
      %dma_wait3A_828 = tpu.memref_squeeze %dma_wait3A_827 : memref<1x128x16xf32, #tpu.memory_space<vmem>> -> memref<128x16xf32, #tpu.memory_space<vmem>>
      %dma_wait3A_829 = arith.constant 0 : i32
      %dma_wait3A_830 = tpu.memref_slice %arg7[%run_scoped3A_789, %run_scoped3A_790, %dma_wait3A_829] : memref<2x8x128xi32, #tpu.memory_space<vmem>> -> memref<1x1x128xi32, #tpu.memory_space<vmem>>
      %dma_wait3A_831 = tpu.memref_squeeze %dma_wait3A_830 : memref<1x1x128xi32, #tpu.memory_space<vmem>> -> memref<128xi32, #tpu.memory_space<vmem>>
      %dma_wait3A_832 = arith.constant 0 : i32
      %dma_wait3A_833 = arith.constant 0 : i32
      %dma_wait3A_834 = tpu.memref_slice %arg5[%dma_wait3A_832, %dma_wait3A_833] : memref<10240x16xf32, #tpu.memory_space<vmem_shared>> -> memref<10240x16xf32, #tpu.memory_space<vmem_shared>>
      tpu.wait_indirect_dma semaphore(%run_scoped3A_814 : memref<!tpu.dma_semaphore, #tpu.memory_space<semaphore_mem>>) src(%dma_wait3A_828 : memref<128x16xf32, #tpu.memory_space<vmem>>) dst(%dma_wait3A_834 : memref<10240x16xf32, #tpu.memory_space<vmem_shared>>)
      tpu.yield
    }) : () -> ()
    %run_scoped3A_791 = arith.constant 1 : i32
    %run_scoped3A_792 = arith.constant 1 : i32
    %run_scoped3A_793 = arith.constant 2 : i32
    "tpu.region"() ({
      %run_scoped3A_814 = tpu.sem_alloc : memref<!tpu.dma_semaphore, #tpu.memory_space<semaphore_mem>>
      %dma_start3A_815 = arith.constant 256 : i32
      %dma_start3A_816 = arith.constant 0 : i32
      %dma_start3A_817 = tpu.memref_slice %arg6[%run_scoped3A_791, %dma_start3A_815, %dma_start3A_816] : memref<2x1024x16xf32, #tpu.memory_space<vmem>> -> memref<1x128x16xf32, #tpu.memory_space<vmem>>
      %dma_start3A_818 = tpu.memref_squeeze %dma_start3A_817 : memref<1x128x16xf32, #tpu.memory_space<vmem>> -> memref<128x16xf32, #tpu.memory_space<vmem>>
      %dma_start3A_819 = arith.constant 0 : i32
      %dma_start3A_820 = tpu.memref_slice %arg7[%run_scoped3A_792, %run_scoped3A_793, %dma_start3A_819] : memref<2x8x128xi32, #tpu.memory_space<vmem>> -> memref<1x1x128xi32, #tpu.memory_space<vmem>>
      %dma_start3A_821 = tpu.memref_squeeze %dma_start3A_820 : memref<1x1x128xi32, #tpu.memory_space<vmem>> -> memref<128xi32, #tpu.memory_space<vmem>>
      %dma_start3A_822 = arith.constant 0 : i32
      %dma_start3A_823 = arith.constant 0 : i32
      %dma_start3A_824 = tpu.memref_slice %arg5[%dma_start3A_822, %dma_start3A_823] : memref<10240x16xf32, #tpu.memory_space<vmem_shared>> -> memref<10240x16xf32, #tpu.memory_space<vmem_shared>>
      tpu.enqueue_indirect_dma source(%dma_start3A_818 : memref<128x16xf32, #tpu.memory_space<vmem>>) target(%dma_start3A_824 : memref<10240x16xf32, #tpu.memory_space<vmem_shared>>) offsets(%dma_start3A_821 : memref<128xi32, #tpu.memory_space<vmem>>) semaphore(%run_scoped3A_814 : memref<!tpu.dma_semaphore, #tpu.memory_space<semaphore_mem>>) {add = true}
      %dma_wait3A_825 = arith.constant 256 : i32
      %dma_wait3A_826 = arith.constant 0 : i32
      %dma_wait3A_827 = tpu.memref_slice %arg6[%run_scoped3A_791, %dma_wait3A_825, %dma_wait3A_826] : memref<2x1024x16xf32, #tpu.memory_space<vmem>> -> memref<1x128x16xf32, #tpu.memory_space<vmem>>
      %dma_wait3A_828 = tpu.memref_squeeze %dma_wait3A_827 : memref<1x128x16xf32, #tpu.memory_space<vmem>> -> memref<128x16xf32, #tpu.memory_space<vmem>>
      %dma_wait3A_829 = arith.constant 0 : i32
      %dma_wait3A_830 = tpu.memref_slice %arg7[%run_scoped3A_792, %run_scoped3A_793, %dma_wait3A_829] : memref<2x8x128xi32, #tpu.memory_space<vmem>> -> memref<1x1x128xi32, #tpu.memory_space<vmem>>
      %dma_wait3A_831 = tpu.memref_squeeze %dma_wait3A_830 : memref<1x1x128xi32, #tpu.memory_space<vmem>> -> memref<128xi32, #tpu.memory_space<vmem>>
      %dma_wait3A_832 = arith.constant 0 : i32
      %dma_wait3A_833 = arith.constant 0 : i32
      %dma_wait3A_834 = tpu.memref_slice %arg5[%dma_wait3A_832, %dma_wait3A_833] : memref<10240x16xf32, #tpu.memory_space<vmem_shared>> -> memref<10240x16xf32, #tpu.memory_space<vmem_shared>>
      tpu.wait_indirect_dma semaphore(%run_scoped3A_814 : memref<!tpu.dma_semaphore, #tpu.memory_space<semaphore_mem>>) src(%dma_wait3A_828 : memref<128x16xf32, #tpu.memory_space<vmem>>) dst(%dma_wait3A_834 : memref<10240x16xf32, #tpu.memory_space<vmem_shared>>)
      tpu.yield
    }) : () -> ()
    %run_scoped3A_794 = arith.constant 1 : i32
    %run_scoped3A_795 = arith.constant 1 : i32
    %run_scoped3A_796 = arith.constant 3 : i32
    "tpu.region"() ({
      %run_scoped3A_814 = tpu.sem_alloc : memref<!tpu.dma_semaphore, #tpu.memory_space<semaphore_mem>>
      %dma_start3A_815 = arith.constant 384 : i32
      %dma_start3A_816 = arith.constant 0 : i32
      %dma_start3A_817 = tpu.memref_slice %arg6[%run_scoped3A_794, %dma_start3A_815, %dma_start3A_816] : memref<2x1024x16xf32, #tpu.memory_space<vmem>> -> memref<1x128x16xf32, #tpu.memory_space<vmem>>
      %dma_start3A_818 = tpu.memref_squeeze %dma_start3A_817 : memref<1x128x16xf32, #tpu.memory_space<vmem>> -> memref<128x16xf32, #tpu.memory_space<vmem>>
      %dma_start3A_819 = arith.constant 0 : i32
      %dma_start3A_820 = tpu.memref_slice %arg7[%run_scoped3A_795, %run_scoped3A_796, %dma_start3A_819] : memref<2x8x128xi32, #tpu.memory_space<vmem>> -> memref<1x1x128xi32, #tpu.memory_space<vmem>>
      %dma_start3A_821 = tpu.memref_squeeze %dma_start3A_820 : memref<1x1x128xi32, #tpu.memory_space<vmem>> -> memref<128xi32, #tpu.memory_space<vmem>>
      %dma_start3A_822 = arith.constant 0 : i32
      %dma_start3A_823 = arith.constant 0 : i32
      %dma_start3A_824 = tpu.memref_slice %arg5[%dma_start3A_822, %dma_start3A_823] : memref<10240x16xf32, #tpu.memory_space<vmem_shared>> -> memref<10240x16xf32, #tpu.memory_space<vmem_shared>>
      tpu.enqueue_indirect_dma source(%dma_start3A_818 : memref<128x16xf32, #tpu.memory_space<vmem>>) target(%dma_start3A_824 : memref<10240x16xf32, #tpu.memory_space<vmem_shared>>) offsets(%dma_start3A_821 : memref<128xi32, #tpu.memory_space<vmem>>) semaphore(%run_scoped3A_814 : memref<!tpu.dma_semaphore, #tpu.memory_space<semaphore_mem>>) {add = true}
      %dma_wait3A_825 = arith.constant 384 : i32
      %dma_wait3A_826 = arith.constant 0 : i32
      %dma_wait3A_827 = tpu.memref_slice %arg6[%run_scoped3A_794, %dma_wait3A_825, %dma_wait3A_826] : memref<2x1024x16xf32, #tpu.memory_space<vmem>> -> memref<1x128x16xf32, #tpu.memory_space<vmem>>
      %dma_wait3A_828 = tpu.memref_squeeze %dma_wait3A_827 : memref<1x128x16xf32, #tpu.memory_space<vmem>> -> memref<128x16xf32, #tpu.memory_space<vmem>>
      %dma_wait3A_829 = arith.constant 0 : i32
      %dma_wait3A_830 = tpu.memref_slice %arg7[%run_scoped3A_795, %run_scoped3A_796, %dma_wait3A_829] : memref<2x8x128xi32, #tpu.memory_space<vmem>> -> memref<1x1x128xi32, #tpu.memory_space<vmem>>
      %dma_wait3A_831 = tpu.memref_squeeze %dma_wait3A_830 : memref<1x1x128xi32, #tpu.memory_space<vmem>> -> memref<128xi32, #tpu.memory_space<vmem>>
      %dma_wait3A_832 = arith.constant 0 : i32
      %dma_wait3A_833 = arith.constant 0 : i32
      %dma_wait3A_834 = tpu.memref_slice %arg5[%dma_wait3A_832, %dma_wait3A_833] : memref<10240x16xf32, #tpu.memory_space<vmem_shared>> -> memref<10240x16xf32, #tpu.memory_space<vmem_shared>>
      tpu.wait_indirect_dma semaphore(%run_scoped3A_814 : memref<!tpu.dma_semaphore, #tpu.memory_space<semaphore_mem>>) src(%dma_wait3A_828 : memref<128x16xf32, #tpu.memory_space<vmem>>) dst(%dma_wait3A_834 : memref<10240x16xf32, #tpu.memory_space<vmem_shared>>)
      tpu.yield
    }) : () -> ()
    %run_scoped3A_797 = arith.constant 1 : i32
    %run_scoped3A_798 = arith.constant 1 : i32
    %run_scoped3A_799 = arith.constant 4 : i32
    "tpu.region"() ({
      %run_scoped3A_814 = tpu.sem_alloc : memref<!tpu.dma_semaphore, #tpu.memory_space<semaphore_mem>>
      %dma_start3A_815 = arith.constant 512 : i32
      %dma_start3A_816 = arith.constant 0 : i32
      %dma_start3A_817 = tpu.memref_slice %arg6[%run_scoped3A_797, %dma_start3A_815, %dma_start3A_816] : memref<2x1024x16xf32, #tpu.memory_space<vmem>> -> memref<1x128x16xf32, #tpu.memory_space<vmem>>
      %dma_start3A_818 = tpu.memref_squeeze %dma_start3A_817 : memref<1x128x16xf32, #tpu.memory_space<vmem>> -> memref<128x16xf32, #tpu.memory_space<vmem>>
      %dma_start3A_819 = arith.constant 0 : i32
      %dma_start3A_820 = tpu.memref_slice %arg7[%run_scoped3A_798, %run_scoped3A_799, %dma_start3A_819] : memref<2x8x128xi32, #tpu.memory_space<vmem>> -> memref<1x1x128xi32, #tpu.memory_space<vmem>>
      %dma_start3A_821 = tpu.memref_squeeze %dma_start3A_820 : memref<1x1x128xi32, #tpu.memory_space<vmem>> -> memref<128xi32, #tpu.memory_space<vmem>>
      %dma_start3A_822 = arith.constant 0 : i32
      %dma_start3A_823 = arith.constant 0 : i32
      %dma_start3A_824 = tpu.memref_slice %arg5[%dma_start3A_822, %dma_start3A_823] : memref<10240x16xf32, #tpu.memory_space<vmem_shared>> -> memref<10240x16xf32, #tpu.memory_space<vmem_shared>>
      tpu.enqueue_indirect_dma source(%dma_start3A_818 : memref<128x16xf32, #tpu.memory_space<vmem>>) target(%dma_start3A_824 : memref<10240x16xf32, #tpu.memory_space<vmem_shared>>) offsets(%dma_start3A_821 : memref<128xi32, #tpu.memory_space<vmem>>) semaphore(%run_scoped3A_814 : memref<!tpu.dma_semaphore, #tpu.memory_space<semaphore_mem>>) {add = true}
      %dma_wait3A_825 = arith.constant 512 : i32
      %dma_wait3A_826 = arith.constant 0 : i32
      %dma_wait3A_827 = tpu.memref_slice %arg6[%run_scoped3A_797, %dma_wait3A_825, %dma_wait3A_826] : memref<2x1024x16xf32, #tpu.memory_space<vmem>> -> memref<1x128x16xf32, #tpu.memory_space<vmem>>
      %dma_wait3A_828 = tpu.memref_squeeze %dma_wait3A_827 : memref<1x128x16xf32, #tpu.memory_space<vmem>> -> memref<128x16xf32, #tpu.memory_space<vmem>>
      %dma_wait3A_829 = arith.constant 0 : i32
      %dma_wait3A_830 = tpu.memref_slice %arg7[%run_scoped3A_798, %run_scoped3A_799, %dma_wait3A_829] : memref<2x8x128xi32, #tpu.memory_space<vmem>> -> memref<1x1x128xi32, #tpu.memory_space<vmem>>
      %dma_wait3A_831 = tpu.memref_squeeze %dma_wait3A_830 : memref<1x1x128xi32, #tpu.memory_space<vmem>> -> memref<128xi32, #tpu.memory_space<vmem>>
      %dma_wait3A_832 = arith.constant 0 : i32
      %dma_wait3A_833 = arith.constant 0 : i32
      %dma_wait3A_834 = tpu.memref_slice %arg5[%dma_wait3A_832, %dma_wait3A_833] : memref<10240x16xf32, #tpu.memory_space<vmem_shared>> -> memref<10240x16xf32, #tpu.memory_space<vmem_shared>>
      tpu.wait_indirect_dma semaphore(%run_scoped3A_814 : memref<!tpu.dma_semaphore, #tpu.memory_space<semaphore_mem>>) src(%dma_wait3A_828 : memref<128x16xf32, #tpu.memory_space<vmem>>) dst(%dma_wait3A_834 : memref<10240x16xf32, #tpu.memory_space<vmem_shared>>)
      tpu.yield
    }) : () -> ()
    %run_scoped3A_800 = arith.constant 1 : i32
    %run_scoped3A_801 = arith.constant 1 : i32
    %run_scoped3A_802 = arith.constant 5 : i32
    "tpu.region"() ({
      %run_scoped3A_814 = tpu.sem_alloc : memref<!tpu.dma_semaphore, #tpu.memory_space<semaphore_mem>>
      %dma_start3A_815 = arith.constant 640 : i32
      %dma_start3A_816 = arith.constant 0 : i32
      %dma_start3A_817 = tpu.memref_slice %arg6[%run_scoped3A_800, %dma_start3A_815, %dma_start3A_816] : memref<2x1024x16xf32, #tpu.memory_space<vmem>> -> memref<1x128x16xf32, #tpu.memory_space<vmem>>
      %dma_start3A_818 = tpu.memref_squeeze %dma_start3A_817 : memref<1x128x16xf32, #tpu.memory_space<vmem>> -> memref<128x16xf32, #tpu.memory_space<vmem>>
      %dma_start3A_819 = arith.constant 0 : i32
      %dma_start3A_820 = tpu.memref_slice %arg7[%run_scoped3A_801, %run_scoped3A_802, %dma_start3A_819] : memref<2x8x128xi32, #tpu.memory_space<vmem>> -> memref<1x1x128xi32, #tpu.memory_space<vmem>>
      %dma_start3A_821 = tpu.memref_squeeze %dma_start3A_820 : memref<1x1x128xi32, #tpu.memory_space<vmem>> -> memref<128xi32, #tpu.memory_space<vmem>>
      %dma_start3A_822 = arith.constant 0 : i32
      %dma_start3A_823 = arith.constant 0 : i32
      %dma_start3A_824 = tpu.memref_slice %arg5[%dma_start3A_822, %dma_start3A_823] : memref<10240x16xf32, #tpu.memory_space<vmem_shared>> -> memref<10240x16xf32, #tpu.memory_space<vmem_shared>>
      tpu.enqueue_indirect_dma source(%dma_start3A_818 : memref<128x16xf32, #tpu.memory_space<vmem>>) target(%dma_start3A_824 : memref<10240x16xf32, #tpu.memory_space<vmem_shared>>) offsets(%dma_start3A_821 : memref<128xi32, #tpu.memory_space<vmem>>) semaphore(%run_scoped3A_814 : memref<!tpu.dma_semaphore, #tpu.memory_space<semaphore_mem>>) {add = true}
      %dma_wait3A_825 = arith.constant 640 : i32
      %dma_wait3A_826 = arith.constant 0 : i32
      %dma_wait3A_827 = tpu.memref_slice %arg6[%run_scoped3A_800, %dma_wait3A_825, %dma_wait3A_826] : memref<2x1024x16xf32, #tpu.memory_space<vmem>> -> memref<1x128x16xf32, #tpu.memory_space<vmem>>
      %dma_wait3A_828 = tpu.memref_squeeze %dma_wait3A_827 : memref<1x128x16xf32, #tpu.memory_space<vmem>> -> memref<128x16xf32, #tpu.memory_space<vmem>>
      %dma_wait3A_829 = arith.constant 0 : i32
      %dma_wait3A_830 = tpu.memref_slice %arg7[%run_scoped3A_801, %run_scoped3A_802, %dma_wait3A_829] : memref<2x8x128xi32, #tpu.memory_space<vmem>> -> memref<1x1x128xi32, #tpu.memory_space<vmem>>
      %dma_wait3A_831 = tpu.memref_squeeze %dma_wait3A_830 : memref<1x1x128xi32, #tpu.memory_space<vmem>> -> memref<128xi32, #tpu.memory_space<vmem>>
      %dma_wait3A_832 = arith.constant 0 : i32
      %dma_wait3A_833 = arith.constant 0 : i32
      %dma_wait3A_834 = tpu.memref_slice %arg5[%dma_wait3A_832, %dma_wait3A_833] : memref<10240x16xf32, #tpu.memory_space<vmem_shared>> -> memref<10240x16xf32, #tpu.memory_space<vmem_shared>>
      tpu.wait_indirect_dma semaphore(%run_scoped3A_814 : memref<!tpu.dma_semaphore, #tpu.memory_space<semaphore_mem>>) src(%dma_wait3A_828 : memref<128x16xf32, #tpu.memory_space<vmem>>) dst(%dma_wait3A_834 : memref<10240x16xf32, #tpu.memory_space<vmem_shared>>)
      tpu.yield
    }) : () -> ()
    %run_scoped3A_803 = arith.constant 1 : i32
    %run_scoped3A_804 = arith.constant 1 : i32
    %run_scoped3A_805 = arith.constant 6 : i32
    "tpu.region"() ({
      %run_scoped3A_814 = tpu.sem_alloc : memref<!tpu.dma_semaphore, #tpu.memory_space<semaphore_mem>>
      %dma_start3A_815 = arith.constant 768 : i32
      %dma_start3A_816 = arith.constant 0 : i32
      %dma_start3A_817 = tpu.memref_slice %arg6[%run_scoped3A_803, %dma_start3A_815, %dma_start3A_816] : memref<2x1024x16xf32, #tpu.memory_space<vmem>> -> memref<1x128x16xf32, #tpu.memory_space<vmem>>
      %dma_start3A_818 = tpu.memref_squeeze %dma_start3A_817 : memref<1x128x16xf32, #tpu.memory_space<vmem>> -> memref<128x16xf32, #tpu.memory_space<vmem>>
      %dma_start3A_819 = arith.constant 0 : i32
      %dma_start3A_820 = tpu.memref_slice %arg7[%run_scoped3A_804, %run_scoped3A_805, %dma_start3A_819] : memref<2x8x128xi32, #tpu.memory_space<vmem>> -> memref<1x1x128xi32, #tpu.memory_space<vmem>>
      %dma_start3A_821 = tpu.memref_squeeze %dma_start3A_820 : memref<1x1x128xi32, #tpu.memory_space<vmem>> -> memref<128xi32, #tpu.memory_space<vmem>>
      %dma_start3A_822 = arith.constant 0 : i32
      %dma_start3A_823 = arith.constant 0 : i32
      %dma_start3A_824 = tpu.memref_slice %arg5[%dma_start3A_822, %dma_start3A_823] : memref<10240x16xf32, #tpu.memory_space<vmem_shared>> -> memref<10240x16xf32, #tpu.memory_space<vmem_shared>>
      tpu.enqueue_indirect_dma source(%dma_start3A_818 : memref<128x16xf32, #tpu.memory_space<vmem>>) target(%dma_start3A_824 : memref<10240x16xf32, #tpu.memory_space<vmem_shared>>) offsets(%dma_start3A_821 : memref<128xi32, #tpu.memory_space<vmem>>) semaphore(%run_scoped3A_814 : memref<!tpu.dma_semaphore, #tpu.memory_space<semaphore_mem>>) {add = true}
      %dma_wait3A_825 = arith.constant 768 : i32
      %dma_wait3A_826 = arith.constant 0 : i32
      %dma_wait3A_827 = tpu.memref_slice %arg6[%run_scoped3A_803, %dma_wait3A_825, %dma_wait3A_826] : memref<2x1024x16xf32, #tpu.memory_space<vmem>> -> memref<1x128x16xf32, #tpu.memory_space<vmem>>
      %dma_wait3A_828 = tpu.memref_squeeze %dma_wait3A_827 : memref<1x128x16xf32, #tpu.memory_space<vmem>> -> memref<128x16xf32, #tpu.memory_space<vmem>>
      %dma_wait3A_829 = arith.constant 0 : i32
      %dma_wait3A_830 = tpu.memref_slice %arg7[%run_scoped3A_804, %run_scoped3A_805, %dma_wait3A_829] : memref<2x8x128xi32, #tpu.memory_space<vmem>> -> memref<1x1x128xi32, #tpu.memory_space<vmem>>
      %dma_wait3A_831 = tpu.memref_squeeze %dma_wait3A_830 : memref<1x1x128xi32, #tpu.memory_space<vmem>> -> memref<128xi32, #tpu.memory_space<vmem>>
      %dma_wait3A_832 = arith.constant 0 : i32
      %dma_wait3A_833 = arith.constant 0 : i32
      %dma_wait3A_834 = tpu.memref_slice %arg5[%dma_wait3A_832, %dma_wait3A_833] : memref<10240x16xf32, #tpu.memory_space<vmem_shared>> -> memref<10240x16xf32, #tpu.memory_space<vmem_shared>>
      tpu.wait_indirect_dma semaphore(%run_scoped3A_814 : memref<!tpu.dma_semaphore, #tpu.memory_space<semaphore_mem>>) src(%dma_wait3A_828 : memref<128x16xf32, #tpu.memory_space<vmem>>) dst(%dma_wait3A_834 : memref<10240x16xf32, #tpu.memory_space<vmem_shared>>)
      tpu.yield
    }) : () -> ()
    %run_scoped3A_806 = arith.constant 1 : i32
    %run_scoped3A_807 = arith.constant 1 : i32
    %run_scoped3A_808 = arith.constant 7 : i32
    "tpu.region"() ({
      %run_scoped3A_814 = tpu.sem_alloc : memref<!tpu.dma_semaphore, #tpu.memory_space<semaphore_mem>>
      %dma_start3A_815 = arith.constant 896 : i32
      %dma_start3A_816 = arith.constant 0 : i32
      %dma_start3A_817 = tpu.memref_slice %arg6[%run_scoped3A_806, %dma_start3A_815, %dma_start3A_816] : memref<2x1024x16xf32, #tpu.memory_space<vmem>> -> memref<1x128x16xf32, #tpu.memory_space<vmem>>
      %dma_start3A_818 = tpu.memref_squeeze %dma_start3A_817 : memref<1x128x16xf32, #tpu.memory_space<vmem>> -> memref<128x16xf32, #tpu.memory_space<vmem>>
      %dma_start3A_819 = arith.constant 0 : i32
      %dma_start3A_820 = tpu.memref_slice %arg7[%run_scoped3A_807, %run_scoped3A_808, %dma_start3A_819] : memref<2x8x128xi32, #tpu.memory_space<vmem>> -> memref<1x1x128xi32, #tpu.memory_space<vmem>>
      %dma_start3A_821 = tpu.memref_squeeze %dma_start3A_820 : memref<1x1x128xi32, #tpu.memory_space<vmem>> -> memref<128xi32, #tpu.memory_space<vmem>>
      %dma_start3A_822 = arith.constant 0 : i32
      %dma_start3A_823 = arith.constant 0 : i32
      %dma_start3A_824 = tpu.memref_slice %arg5[%dma_start3A_822, %dma_start3A_823] : memref<10240x16xf32, #tpu.memory_space<vmem_shared>> -> memref<10240x16xf32, #tpu.memory_space<vmem_shared>>
      tpu.enqueue_indirect_dma source(%dma_start3A_818 : memref<128x16xf32, #tpu.memory_space<vmem>>) target(%dma_start3A_824 : memref<10240x16xf32, #tpu.memory_space<vmem_shared>>) offsets(%dma_start3A_821 : memref<128xi32, #tpu.memory_space<vmem>>) semaphore(%run_scoped3A_814 : memref<!tpu.dma_semaphore, #tpu.memory_space<semaphore_mem>>) {add = true}
      %dma_wait3A_825 = arith.constant 896 : i32
      %dma_wait3A_826 = arith.constant 0 : i32
      %dma_wait3A_827 = tpu.memref_slice %arg6[%run_scoped3A_806, %dma_wait3A_825, %dma_wait3A_826] : memref<2x1024x16xf32, #tpu.memory_space<vmem>> -> memref<1x128x16xf32, #tpu.memory_space<vmem>>
      %dma_wait3A_828 = tpu.memref_squeeze %dma_wait3A_827 : memref<1x128x16xf32, #tpu.memory_space<vmem>> -> memref<128x16xf32, #tpu.memory_space<vmem>>
      %dma_wait3A_829 = arith.constant 0 : i32
      %dma_wait3A_830 = tpu.memref_slice %arg7[%run_scoped3A_807, %run_scoped3A_808, %dma_wait3A_829] : memref<2x8x128xi32, #tpu.memory_space<vmem>> -> memref<1x1x128xi32, #tpu.memory_space<vmem>>
      %dma_wait3A_831 = tpu.memref_squeeze %dma_wait3A_830 : memref<1x1x128xi32, #tpu.memory_space<vmem>> -> memref<128xi32, #tpu.memory_space<vmem>>
      %dma_wait3A_832 = arith.constant 0 : i32
      %dma_wait3A_833 = arith.constant 0 : i32
      %dma_wait3A_834 = tpu.memref_slice %arg5[%dma_wait3A_832, %dma_wait3A_833] : memref<10240x16xf32, #tpu.memory_space<vmem_shared>> -> memref<10240x16xf32, #tpu.memory_space<vmem_shared>>
      tpu.wait_indirect_dma semaphore(%run_scoped3A_814 : memref<!tpu.dma_semaphore, #tpu.memory_space<semaphore_mem>>) src(%dma_wait3A_828 : memref<128x16xf32, #tpu.memory_space<vmem>>) dst(%dma_wait3A_834 : memref<10240x16xf32, #tpu.memory_space<vmem_shared>>)
      tpu.yield
    }) : () -> ()
    %barrier3A_809 = arith.constant 0 : index
    tpu.barrier barrier_id(%barrier3A_809)
    %mul3A_810 = arith.constant 640 : i32
    %mul3A_811 = arith.muli %arg1, %mul3A_810 : i32
    %mul3A_812 = arith.constant 640 : i32
    %mul3A_813 = arith.muli %arg1, %mul3A_812 : i32
    "tpu.region"() ({
      %run_scoped3A_814 = tpu.sem_alloc : memref<!tpu.dma_semaphore, #tpu.memory_space<semaphore_mem>>
      %dma_start3A_815 = arith.constant 0 : i32
      %dma_start3A_816 = tpu.memref_slice %arg4[%arg0, %mul3A_813, %dma_start3A_815] : memref<2x10240x16xf32, #tpu.memory_space<hbm>> -> memref<1x640x16xf32, #tpu.memory_space<hbm>>
      %dma_start3A_817 = tpu.memref_squeeze %dma_start3A_816 : memref<1x640x16xf32, #tpu.memory_space<hbm>> -> memref<640x16xf32, #tpu.memory_space<hbm>>
      %dma_start3A_818 = arith.constant 0 : i32
      %dma_start3A_819 = tpu.memref_slice %arg5[%mul3A_811, %dma_start3A_818] : memref<10240x16xf32, #tpu.memory_space<vmem_shared>> -> memref<640x16xf32, #tpu.memory_space<vmem_shared>>
      tpu.enqueue_dma source(%dma_start3A_819 : memref<640x16xf32, #tpu.memory_space<vmem_shared>>) target(%dma_start3A_817 : memref<640x16xf32, #tpu.memory_space<hbm>>) target_semaphore(%run_scoped3A_814 : memref<!tpu.dma_semaphore, #tpu.memory_space<semaphore_mem>>)
      %dma_wait3A_820 = arith.constant 0 : i32
      %dma_wait3A_821 = tpu.memref_slice %arg4[%arg0, %mul3A_813, %dma_wait3A_820] : memref<2x10240x16xf32, #tpu.memory_space<hbm>> -> memref<1x640x16xf32, #tpu.memory_space<hbm>>
      %dma_wait3A_822 = tpu.memref_squeeze %dma_wait3A_821 : memref<1x640x16xf32, #tpu.memory_space<hbm>> -> memref<640x16xf32, #tpu.memory_space<hbm>>
      %dma_wait3A_823 = arith.constant 0 : i32
      %dma_wait3A_824 = tpu.memref_slice %arg5[%mul3A_811, %dma_wait3A_823] : memref<10240x16xf32, #tpu.memory_space<vmem_shared>> -> memref<640x16xf32, #tpu.memory_space<vmem_shared>>
      tpu.wait_dma2 semaphore(%run_scoped3A_814 : memref<!tpu.dma_semaphore, #tpu.memory_space<semaphore_mem>>) src(%dma_wait3A_824 : memref<640x16xf32, #tpu.memory_space<vmem_shared>>) dst(%dma_wait3A_822 : memref<640x16xf32, #tpu.memory_space<hbm>>)
      tpu.yield
    }) : () -> ()
    return
  }
}

module attributes {stable_mosaic.version = 14 : i64} {
  func.func @_alpha_z_body(%arg0: i32, %arg1: memref<3200x128xf32, #tpu.memory_space<vmem>>, %arg2: memref<64x128xbf16, #tpu.memory_space<vmem>>, %arg3: memref<1x64xf32, #tpu.memory_space<vmem>>, %arg4: memref<64x128xbf16, #tpu.memory_space<vmem>>, %arg5: memref<1x64xf32, #tpu.memory_space<vmem>>, %arg6: memref<64x16xf32, #tpu.memory_space<vmem>>, %arg7: memref<1x128xf32, #tpu.memory_space<vmem>>, %arg8: memref<8x128x128xbf16, #tpu.memory_space<vmem>>, %arg9: memref<1x128xf32, #tpu.memory_space<vmem>>, %arg10: memref<400x128xf32, #tpu.memory_space<vmem>>) attributes {dimension_semantics = [#tpu.dimension_semantics<arbitrary>], iteration_bounds = array<i64: 100>, scalar_prefetch = 0 : i64, scratch_operands = 0 : i64, tpu.core_type = #tpu.core_type<tc>, window_params = [{transform_indices = @transform_0, window_bounds = array<i64: 3200, 128>}, {pipeline_mode = #tpu.pipeline_mode<synchronous>, transform_indices = @transform_1, window_bounds = array<i64: 64, 128>}, {pipeline_mode = #tpu.pipeline_mode<synchronous>, transform_indices = @transform_2, window_bounds = array<i64: 1, 64>}, {pipeline_mode = #tpu.pipeline_mode<synchronous>, transform_indices = @transform_3, window_bounds = array<i64: 64, 128>}, {pipeline_mode = #tpu.pipeline_mode<synchronous>, transform_indices = @transform_4, window_bounds = array<i64: 1, 64>}, {pipeline_mode = #tpu.pipeline_mode<synchronous>, transform_indices = @transform_5, window_bounds = array<i64: 64, 16>}, {pipeline_mode = #tpu.pipeline_mode<synchronous>, transform_indices = @transform_6, window_bounds = array<i64: 1, 128>}, {pipeline_mode = #tpu.pipeline_mode<synchronous>, transform_indices = @transform_7, window_bounds = array<i64: 8, 128, 128>}, {pipeline_mode = #tpu.pipeline_mode<synchronous>, transform_indices = @transform_8, window_bounds = array<i64: 1, 128>}, {transform_indices = @transform_9, window_bounds = array<i64: 400, 128>}]} {
    %get3A = arith.constant 0 : index
    %get3A_0 = arith.constant 0 : index
    %get3A_1 = vector.load %arg1[%get3A, %get3A_0] : memref<3200x128xf32, #tpu.memory_space<vmem>>, vector<3200x128xf32>
    %convert_element_type3A = arith.truncf %get3A_1 : vector<3200x128xf32> to vector<3200x128xbf16>
    %get3A_2 = arith.constant 0 : index
    %get3A_3 = arith.constant 0 : index
    %get3A_4 = vector.load %arg2[%get3A_2, %get3A_3] : memref<64x128xbf16, #tpu.memory_space<vmem>>, vector<64x128xbf16>
    %dot_general3A = arith.constant dense<0.000000e+00> : vector<3200x64xf32>
    %dot_general3A_5 = tpu.matmul %convert_element_type3A, %get3A_4, %dot_general3A {dimension_numbers = #tpu.dot_dimension_numbers<[1], [1], [0], [0], [0, 0, 1, 0], [], []>, transpose_lhs_hint = false} : vector<3200x128xbf16>, vector<64x128xbf16>, vector<3200x64xf32> -> vector<3200x64xf32>
    %get3A_6 = arith.constant 0 : index
    %get3A_7 = arith.constant 0 : index
    %get3A_8 = vector.load %arg3[%get3A_6, %get3A_7] : memref<1x64xf32, #tpu.memory_space<vmem>>, vector<1x64xf32>
    %add3A = vector.broadcast %get3A_8 : vector<1x64xf32> to vector<3200x64xf32>
    %add3A_9 = arith.addf %dot_general3A_5, %add3A : vector<3200x64xf32>
    %tanh3A = math.tanh %add3A_9 : vector<3200x64xf32>
    %get3A_10 = arith.constant 0 : index
    %get3A_11 = arith.constant 0 : index
    %get3A_12 = vector.load %arg4[%get3A_10, %get3A_11] : memref<64x128xbf16, #tpu.memory_space<vmem>>, vector<64x128xbf16>
    %dot_general3A_13 = arith.constant dense<0.000000e+00> : vector<3200x64xf32>
    %dot_general3A_14 = tpu.matmul %convert_element_type3A, %get3A_12, %dot_general3A_13 {dimension_numbers = #tpu.dot_dimension_numbers<[1], [1], [0], [0], [0, 0, 1, 0], [], []>, transpose_lhs_hint = false} : vector<3200x128xbf16>, vector<64x128xbf16>, vector<3200x64xf32> -> vector<3200x64xf32>
    %get3A_15 = arith.constant 0 : index
    %get3A_16 = arith.constant 0 : index
    %get3A_17 = vector.load %arg5[%get3A_15, %get3A_16] : memref<1x64xf32, #tpu.memory_space<vmem>>, vector<1x64xf32>
    %add3A_18 = vector.broadcast %get3A_17 : vector<1x64xf32> to vector<3200x64xf32>
    %add3A_19 = arith.addf %dot_general3A_14, %add3A_18 : vector<3200x64xf32>
    %neg3A = arith.constant 0.000000e+00 : f32
    %neg3A_20 = vector.broadcast %neg3A : f32 to vector<3200x64xf32>
    %neg3A_21 = arith.subf %neg3A_20, %add3A_19 : vector<3200x64xf32>
    %exp3A = math.exp %neg3A_21 : vector<3200x64xf32>
    %add3A_22 = arith.constant 1.000000e+00 : f32
    %add3A_23 = vector.broadcast %add3A_22 : f32 to vector<3200x64xf32>
    %add3A_24 = arith.addf %add3A_23, %exp3A : vector<3200x64xf32>
    %div3A = arith.constant 1.000000e+00 : f32
    %div3A_25 = vector.broadcast %div3A : f32 to vector<3200x64xf32>
    %div3A_26 = arith.divf %div3A_25, %add3A_24 : vector<3200x64xf32>
    %mul3A = arith.mulf %tanh3A, %div3A_26 : vector<3200x64xf32>
    %get3A_27 = arith.constant 0 : index
    %get3A_28 = arith.constant 0 : index
    %get3A_29 = vector.load %arg6[%get3A_27, %get3A_28] : memref<64x16xf32, #tpu.memory_space<vmem>>, vector<64x16xf32>
    %dot_general3A_30 = arith.constant dense<0.000000e+00> : vector<3200x16xf32>
    %dot_general3A_31 = tpu.matmul %mul3A, %get3A_29, %dot_general3A_30 {dimension_numbers = #tpu.dot_dimension_numbers<[1], [0], [0], [1], [0, 0, 1, 1], [], []>, transpose_lhs_hint = false} : vector<3200x64xf32>, vector<64x16xf32>, vector<3200x16xf32> -> vector<3200x16xf32>
    %slice3A = vector.extract_strided_slice %dot_general3A_31 {offsets = [0, 0], sizes = [400, 16], strides = [1, 1]} : vector<3200x16xf32> to vector<400x16xf32>
    %slice3A_32 = vector.extract_strided_slice %dot_general3A_31 {offsets = [400, 0], sizes = [400, 16], strides = [1, 1]} : vector<3200x16xf32> to vector<400x16xf32>
    %slice3A_33 = vector.extract_strided_slice %dot_general3A_31 {offsets = [800, 0], sizes = [400, 16], strides = [1, 1]} : vector<3200x16xf32> to vector<400x16xf32>
    %slice3A_34 = vector.extract_strided_slice %dot_general3A_31 {offsets = [1200, 0], sizes = [400, 16], strides = [1, 1]} : vector<3200x16xf32> to vector<400x16xf32>
    %slice3A_35 = vector.extract_strided_slice %dot_general3A_31 {offsets = [1600, 0], sizes = [400, 16], strides = [1, 1]} : vector<3200x16xf32> to vector<400x16xf32>
    %slice3A_36 = vector.extract_strided_slice %dot_general3A_31 {offsets = [2000, 0], sizes = [400, 16], strides = [1, 1]} : vector<3200x16xf32> to vector<400x16xf32>
    %slice3A_37 = vector.extract_strided_slice %dot_general3A_31 {offsets = [2400, 0], sizes = [400, 16], strides = [1, 1]} : vector<3200x16xf32> to vector<400x16xf32>
    %slice3A_38 = vector.extract_strided_slice %dot_general3A_31 {offsets = [2800, 0], sizes = [400, 16], strides = [1, 1]} : vector<3200x16xf32> to vector<400x16xf32>
    %concatenate3A = tpu.concatenate %slice3A, %slice3A_32, %slice3A_33, %slice3A_34, %slice3A_35, %slice3A_36, %slice3A_37, %slice3A_38 in 1 : vector<400x16xf32>, vector<400x16xf32>, vector<400x16xf32>, vector<400x16xf32>, vector<400x16xf32>, vector<400x16xf32>, vector<400x16xf32>, vector<400x16xf32> -> vector<400x128xf32>
    %get3A_39 = arith.constant 0 : index
    %get3A_40 = arith.constant 0 : index
    %get3A_41 = vector.load %arg7[%get3A_39, %get3A_40] : memref<1x128xf32, #tpu.memory_space<vmem>>, vector<1x128xf32>
    %add3A_42 = vector.broadcast %get3A_41 : vector<1x128xf32> to vector<400x128xf32>
    %add3A_43 = arith.addf %concatenate3A, %add3A_42 : vector<400x128xf32>
    %get3A_44 = arith.constant 0 : index
    %get3A_45 = arith.constant 0 : index
    %get3A_46 = vector.load %arg9[%get3A_44, %get3A_45] : memref<1x128xf32, #tpu.memory_space<vmem>>, vector<1x128xf32>
    %slice3A_47 = vector.extract_strided_slice %convert_element_type3A {offsets = [0, 0], sizes = [400, 128], strides = [1, 1]} : vector<3200x128xbf16> to vector<400x128xbf16>
    %get3A_48 = arith.constant 0 : index
    %get3A_49 = arith.constant 0 : index
    %get3A_50 = arith.constant 0 : index
    %get3A_51 = vector.load %arg8[%get3A_48, %get3A_49, %get3A_50] : memref<8x128x128xbf16, #tpu.memory_space<vmem>>, vector<1x128x128xbf16>
    %get3A_52 = vector.shape_cast %get3A_51 : vector<1x128x128xbf16> to vector<128x128xbf16>
    %dot_general3A_53 = arith.constant dense<0.000000e+00> : vector<400x128xf32>
    %dot_general3A_54 = tpu.matmul %slice3A_47, %get3A_52, %dot_general3A_53 {dimension_numbers = #tpu.dot_dimension_numbers<[1], [0], [0], [1], [0, 0, 1, 1], [], []>, transpose_lhs_hint = false} : vector<400x128xbf16>, vector<128x128xbf16>, vector<400x128xf32> -> vector<400x128xf32>
    %add3A_55 = vector.broadcast %get3A_46 : vector<1x128xf32> to vector<400x128xf32>
    %add3A_56 = arith.addf %add3A_55, %dot_general3A_54 : vector<400x128xf32>
    %slice3A_57 = vector.extract_strided_slice %convert_element_type3A {offsets = [400, 0], sizes = [400, 128], strides = [1, 1]} : vector<3200x128xbf16> to vector<400x128xbf16>
    %get3A_58 = arith.constant 1 : index
    %get3A_59 = arith.constant 0 : index
    %get3A_60 = arith.constant 0 : index
    %get3A_61 = vector.load %arg8[%get3A_58, %get3A_59, %get3A_60] : memref<8x128x128xbf16, #tpu.memory_space<vmem>>, vector<1x128x128xbf16>
    %get3A_62 = vector.shape_cast %get3A_61 : vector<1x128x128xbf16> to vector<128x128xbf16>
    %dot_general3A_63 = arith.constant dense<0.000000e+00> : vector<400x128xf32>
    %dot_general3A_64 = tpu.matmul %slice3A_57, %get3A_62, %dot_general3A_63 {dimension_numbers = #tpu.dot_dimension_numbers<[1], [0], [0], [1], [0, 0, 1, 1], [], []>, transpose_lhs_hint = false} : vector<400x128xbf16>, vector<128x128xbf16>, vector<400x128xf32> -> vector<400x128xf32>
    %add3A_65 = arith.addf %add3A_56, %dot_general3A_64 : vector<400x128xf32>
    %slice3A_66 = vector.extract_strided_slice %convert_element_type3A {offsets = [800, 0], sizes = [400, 128], strides = [1, 1]} : vector<3200x128xbf16> to vector<400x128xbf16>
    %get3A_67 = arith.constant 2 : index
    %get3A_68 = arith.constant 0 : index
    %get3A_69 = arith.constant 0 : index
    %get3A_70 = vector.load %arg8[%get3A_67, %get3A_68, %get3A_69] : memref<8x128x128xbf16, #tpu.memory_space<vmem>>, vector<1x128x128xbf16>
    %get3A_71 = vector.shape_cast %get3A_70 : vector<1x128x128xbf16> to vector<128x128xbf16>
    %dot_general3A_72 = arith.constant dense<0.000000e+00> : vector<400x128xf32>
    %dot_general3A_73 = tpu.matmul %slice3A_66, %get3A_71, %dot_general3A_72 {dimension_numbers = #tpu.dot_dimension_numbers<[1], [0], [0], [1], [0, 0, 1, 1], [], []>, transpose_lhs_hint = false} : vector<400x128xbf16>, vector<128x128xbf16>, vector<400x128xf32> -> vector<400x128xf32>
    %add3A_74 = arith.addf %add3A_65, %dot_general3A_73 : vector<400x128xf32>
    %slice3A_75 = vector.extract_strided_slice %convert_element_type3A {offsets = [1200, 0], sizes = [400, 128], strides = [1, 1]} : vector<3200x128xbf16> to vector<400x128xbf16>
    %get3A_76 = arith.constant 3 : index
    %get3A_77 = arith.constant 0 : index
    %get3A_78 = arith.constant 0 : index
    %get3A_79 = vector.load %arg8[%get3A_76, %get3A_77, %get3A_78] : memref<8x128x128xbf16, #tpu.memory_space<vmem>>, vector<1x128x128xbf16>
    %get3A_80 = vector.shape_cast %get3A_79 : vector<1x128x128xbf16> to vector<128x128xbf16>
    %dot_general3A_81 = arith.constant dense<0.000000e+00> : vector<400x128xf32>
    %dot_general3A_82 = tpu.matmul %slice3A_75, %get3A_80, %dot_general3A_81 {dimension_numbers = #tpu.dot_dimension_numbers<[1], [0], [0], [1], [0, 0, 1, 1], [], []>, transpose_lhs_hint = false} : vector<400x128xbf16>, vector<128x128xbf16>, vector<400x128xf32> -> vector<400x128xf32>
    %add3A_83 = arith.addf %add3A_74, %dot_general3A_82 : vector<400x128xf32>
    %slice3A_84 = vector.extract_strided_slice %convert_element_type3A {offsets = [1600, 0], sizes = [400, 128], strides = [1, 1]} : vector<3200x128xbf16> to vector<400x128xbf16>
    %get3A_85 = arith.constant 4 : index
    %get3A_86 = arith.constant 0 : index
    %get3A_87 = arith.constant 0 : index
    %get3A_88 = vector.load %arg8[%get3A_85, %get3A_86, %get3A_87] : memref<8x128x128xbf16, #tpu.memory_space<vmem>>, vector<1x128x128xbf16>
    %get3A_89 = vector.shape_cast %get3A_88 : vector<1x128x128xbf16> to vector<128x128xbf16>
    %dot_general3A_90 = arith.constant dense<0.000000e+00> : vector<400x128xf32>
    %dot_general3A_91 = tpu.matmul %slice3A_84, %get3A_89, %dot_general3A_90 {dimension_numbers = #tpu.dot_dimension_numbers<[1], [0], [0], [1], [0, 0, 1, 1], [], []>, transpose_lhs_hint = false} : vector<400x128xbf16>, vector<128x128xbf16>, vector<400x128xf32> -> vector<400x128xf32>
    %add3A_92 = arith.addf %add3A_83, %dot_general3A_91 : vector<400x128xf32>
    %slice3A_93 = vector.extract_strided_slice %convert_element_type3A {offsets = [2000, 0], sizes = [400, 128], strides = [1, 1]} : vector<3200x128xbf16> to vector<400x128xbf16>
    %get3A_94 = arith.constant 5 : index
    %get3A_95 = arith.constant 0 : index
    %get3A_96 = arith.constant 0 : index
    %get3A_97 = vector.load %arg8[%get3A_94, %get3A_95, %get3A_96] : memref<8x128x128xbf16, #tpu.memory_space<vmem>>, vector<1x128x128xbf16>
    %get3A_98 = vector.shape_cast %get3A_97 : vector<1x128x128xbf16> to vector<128x128xbf16>
    %dot_general3A_99 = arith.constant dense<0.000000e+00> : vector<400x128xf32>
    %dot_general3A_100 = tpu.matmul %slice3A_93, %get3A_98, %dot_general3A_99 {dimension_numbers = #tpu.dot_dimension_numbers<[1], [0], [0], [1], [0, 0, 1, 1], [], []>, transpose_lhs_hint = false} : vector<400x128xbf16>, vector<128x128xbf16>, vector<400x128xf32> -> vector<400x128xf32>
    %add3A_101 = arith.addf %add3A_92, %dot_general3A_100 : vector<400x128xf32>
    %slice3A_102 = vector.extract_strided_slice %convert_element_type3A {offsets = [2400, 0], sizes = [400, 128], strides = [1, 1]} : vector<3200x128xbf16> to vector<400x128xbf16>
    %get3A_103 = arith.constant 6 : index
    %get3A_104 = arith.constant 0 : index
    %get3A_105 = arith.constant 0 : index
    %get3A_106 = vector.load %arg8[%get3A_103, %get3A_104, %get3A_105] : memref<8x128x128xbf16, #tpu.memory_space<vmem>>, vector<1x128x128xbf16>
    %get3A_107 = vector.shape_cast %get3A_106 : vector<1x128x128xbf16> to vector<128x128xbf16>
    %dot_general3A_108 = arith.constant dense<0.000000e+00> : vector<400x128xf32>
    %dot_general3A_109 = tpu.matmul %slice3A_102, %get3A_107, %dot_general3A_108 {dimension_numbers = #tpu.dot_dimension_numbers<[1], [0], [0], [1], [0, 0, 1, 1], [], []>, transpose_lhs_hint = false} : vector<400x128xbf16>, vector<128x128xbf16>, vector<400x128xf32> -> vector<400x128xf32>
    %add3A_110 = arith.addf %add3A_101, %dot_general3A_109 : vector<400x128xf32>
    %slice3A_111 = vector.extract_strided_slice %convert_element_type3A {offsets = [2800, 0], sizes = [400, 128], strides = [1, 1]} : vector<3200x128xbf16> to vector<400x128xbf16>
    %get3A_112 = arith.constant 7 : index
    %get3A_113 = arith.constant 0 : index
    %get3A_114 = arith.constant 0 : index
    %get3A_115 = vector.load %arg8[%get3A_112, %get3A_113, %get3A_114] : memref<8x128x128xbf16, #tpu.memory_space<vmem>>, vector<1x128x128xbf16>
    %get3A_116 = vector.shape_cast %get3A_115 : vector<1x128x128xbf16> to vector<128x128xbf16>
    %dot_general3A_117 = arith.constant dense<0.000000e+00> : vector<400x128xf32>
    %dot_general3A_118 = tpu.matmul %slice3A_111, %get3A_116, %dot_general3A_117 {dimension_numbers = #tpu.dot_dimension_numbers<[1], [0], [0], [1], [0, 0, 1, 1], [], []>, transpose_lhs_hint = false} : vector<400x128xbf16>, vector<128x128xbf16>, vector<400x128xf32> -> vector<400x128xf32>
    %add3A_119 = arith.addf %add3A_110, %dot_general3A_118 : vector<400x128xf32>
    %exp3A_120 = math.exp %add3A_43 : vector<400x128xf32>
    %mul3A_121 = arith.mulf %exp3A_120, %add3A_119 : vector<400x128xf32>
    %swap3A = arith.constant 0 : index
    %swap3A_122 = arith.constant 0 : index
    %swap3A_123 = vector.load %arg10[%swap3A, %swap3A_122] : memref<400x128xf32, #tpu.memory_space<vmem>>, vector<400x128xf32>
    tpu.vector_store %arg10[%swap3A, %swap3A_122], %mul3A_121 {strides = array<i32>} : memref<400x128xf32, #tpu.memory_space<vmem>>, vector<400x128xf32>,
    return
  }
  func.func @transform_0(%arg0: i32) -> (i32, i32) {
    %c0_i32 = arith.constant 0 : i32
    %c0_i32_0 = arith.constant 0 : i32
    return %arg0, %c0_i32 : i32, i32
  }
  func.func @transform_1(%arg0: i32) -> (i32, i32) {
    %c0_i32 = arith.constant 0 : i32
    %c0_i32_0 = arith.constant 0 : i32
    %c0_i32_1 = arith.constant 0 : i32
    return %c0_i32, %c0_i32_0 : i32, i32
  }
  func.func @transform_2(%arg0: i32) -> (i32, i32) {
    %c0_i32 = arith.constant 0 : i32
    %c0_i32_0 = arith.constant 0 : i32
    %c0_i32_1 = arith.constant 0 : i32
    return %c0_i32, %c0_i32_0 : i32, i32
  }
  func.func @transform_3(%arg0: i32) -> (i32, i32) {
    %c0_i32 = arith.constant 0 : i32
    %c0_i32_0 = arith.constant 0 : i32
    %c0_i32_1 = arith.constant 0 : i32
    return %c0_i32, %c0_i32_0 : i32, i32
  }
  func.func @transform_4(%arg0: i32) -> (i32, i32) {
    %c0_i32 = arith.constant 0 : i32
    %c0_i32_0 = arith.constant 0 : i32
    %c0_i32_1 = arith.constant 0 : i32
    return %c0_i32, %c0_i32_0 : i32, i32
  }
  func.func @transform_5(%arg0: i32) -> (i32, i32) {
    %c0_i32 = arith.constant 0 : i32
    %c0_i32_0 = arith.constant 0 : i32
    %c0_i32_1 = arith.constant 0 : i32
    return %c0_i32, %c0_i32_0 : i32, i32
  }
  func.func @transform_6(%arg0: i32) -> (i32, i32) {
    %c0_i32 = arith.constant 0 : i32
    %c0_i32_0 = arith.constant 0 : i32
    %c0_i32_1 = arith.constant 0 : i32
    return %c0_i32, %c0_i32_0 : i32, i32
  }
  func.func @transform_7(%arg0: i32) -> (i32, i32, i32) {
    %c0_i32 = arith.constant 0 : i32
    %c0_i32_0 = arith.constant 0 : i32
    %c0_i32_1 = arith.constant 0 : i32
    %c0_i32_2 = arith.constant 0 : i32
    return %c0_i32, %c0_i32_0, %c0_i32_1 : i32, i32, i32
  }
  func.func @transform_8(%arg0: i32) -> (i32, i32) {
    %c0_i32 = arith.constant 0 : i32
    %c0_i32_0 = arith.constant 0 : i32
    %c0_i32_1 = arith.constant 0 : i32
    return %c0_i32, %c0_i32_0 : i32, i32
  }
  func.func @transform_9(%arg0: i32) -> (i32, i32) {
    %c0_i32 = arith.constant 0 : i32
    %c0_i32_0 = arith.constant 0 : i32
    return %arg0, %c0_i32 : i32, i32
  }
}

module attributes {stable_mosaic.version = 14 : i64} {
  func.func @_head_body(%arg0: memref<2x10240x16xf32, #tpu.memory_space<vmem>>, %arg1: memref<1x2xf32, #tpu.memory_space<vmem>>, %arg2: memref<10000x2xf32, #tpu.memory_space<vmem>>) attributes {dimension_semantics = [], scalar_prefetch = 0 : i64, scratch_operands = 0 : i64, tpu.core_type = #tpu.core_type<tc>} {
    %get3A = arith.constant 0 : index
    %get3A_0 = arith.constant 0 : index
    %get3A_1 = arith.constant 0 : index
    %get3A_2 = vector.load %arg0[%get3A, %get3A_0, %get3A_1] : memref<2x10240x16xf32, #tpu.memory_space<vmem>>, vector<1x10240x16xf32>
    %get3A_3 = vector.shape_cast %get3A_2 : vector<1x10240x16xf32> to vector<10240x16xf32>
    %get3A_4 = arith.constant 1 : index
    %get3A_5 = arith.constant 0 : index
    %get3A_6 = arith.constant 0 : index
    %get3A_7 = vector.load %arg0[%get3A_4, %get3A_5, %get3A_6] : memref<2x10240x16xf32, #tpu.memory_space<vmem>>, vector<1x10240x16xf32>
    %get3A_8 = vector.shape_cast %get3A_7 : vector<1x10240x16xf32> to vector<10240x16xf32>
    %add3A = arith.addf %get3A_3, %get3A_8 : vector<10240x16xf32>
    %slice3A = vector.extract_strided_slice %add3A {offsets = [0, 0], sizes = [10240, 1], strides = [1, 1]} : vector<10240x16xf32> to vector<10240x1xf32>
    %gt3A = arith.constant 0.000000e+00 : f32
    %gt3A_9 = vector.broadcast %gt3A : f32 to vector<10240x1xf32>
    %gt3A_10 = arith.cmpf ogt, %slice3A, %gt3A_9 : vector<10240x1xf32>
    %jit3A = arith.constant 1.000000e+00 : f32
    %broadcast_in_dim3A = vector.broadcast %jit3A : f32 to vector<10240x1xf32>
    %select_n3A = arith.select %gt3A_10, %slice3A, %broadcast_in_dim3A : vector<10240x1xi1>, vector<10240x1xf32>
    %gt3A_11 = arith.constant 0.000000e+00 : f32
    %gt3A_12 = vector.broadcast %gt3A_11 : f32 to vector<10240x1xf32>
    %gt3A_13 = arith.cmpf ogt, %slice3A, %gt3A_12 : vector<10240x1xf32>
    %div3A = arith.constant 1.000000e+00 : f32
    %div3A_14 = vector.broadcast %div3A : f32 to vector<10240x1xf32>
    %div3A_15 = arith.divf %div3A_14, %select_n3A : vector<10240x1xf32>
    %jit3A_16 = arith.constant 0.000000e+00 : f32
    %broadcast_in_dim3A_17 = vector.broadcast %jit3A_16 : f32 to vector<10240x1xf32>
    %select_n3A_18 = arith.select %gt3A_13, %div3A_15, %broadcast_in_dim3A_17 : vector<10240x1xi1>, vector<10240x1xf32>
    %slice3A_19 = vector.extract_strided_slice %add3A {offsets = [0, 1], sizes = [10240, 2], strides = [1, 1]} : vector<10240x16xf32> to vector<10240x2xf32>
    %mul3A = vector.broadcast %select_n3A_18 : vector<10240x1xf32> to vector<10240x2xf32>
    %mul3A_20 = arith.mulf %slice3A_19, %mul3A : vector<10240x2xf32>
    %get3A_21 = arith.constant 0 : index
    %get3A_22 = arith.constant 0 : index
    %get3A_23 = vector.load %arg1[%get3A_21, %get3A_22] : memref<1x2xf32, #tpu.memory_space<vmem>>, vector<1x2xf32>
    %add3A_24 = vector.broadcast %get3A_23 : vector<1x2xf32> to vector<10240x2xf32>
    %add3A_25 = arith.addf %mul3A_20, %add3A_24 : vector<10240x2xf32>
    %reduce_max3A = arith.constant dense<0xFF800000> : vector<10240xf32>
    %reduce_max3A_26 = vector.multi_reduction <maximumf>, %add3A_25, %reduce_max3A [1] : vector<10240x2xf32> to vector<10240xf32>
    %broadcast_in_dim3A_27 = vector.shape_cast %reduce_max3A_26 : vector<10240xf32> to vector<10240x1xf32>
    %sub3A = vector.broadcast %broadcast_in_dim3A_27 : vector<10240x1xf32> to vector<10240x2xf32>
    %sub3A_28 = arith.subf %add3A_25, %sub3A : vector<10240x2xf32>
    %exp3A = math.exp %sub3A_28 : vector<10240x2xf32>
    %reduce_sum3A = arith.constant dense<0.000000e+00> : vector<10240xf32>
    %reduce_sum3A_29 = vector.multi_reduction <add>, %exp3A, %reduce_sum3A [1] : vector<10240x2xf32> to vector<10240xf32>
    %broadcast_in_dim3A_30 = vector.shape_cast %reduce_sum3A_29 : vector<10240xf32> to vector<10240x1xf32>
    %div3A_31 = vector.broadcast %broadcast_in_dim3A_30 : vector<10240x1xf32> to vector<10240x2xf32>
    %div3A_32 = arith.divf %exp3A, %div3A_31 : vector<10240x2xf32>
    %slice3A_33 = vector.extract_strided_slice %div3A_32 {offsets = [0, 0], sizes = [10000, 2], strides = [1, 1]} : vector<10240x2xf32> to vector<10000x2xf32>
    %swap3A = arith.constant 0 : index
    %swap3A_34 = arith.constant 0 : index
    %swap3A_35 = vector.load %arg2[%swap3A, %swap3A_34] : memref<10000x2xf32, #tpu.memory_space<vmem>>, vector<10000x2xf32>
    tpu.vector_store %arg2[%swap3A, %swap3A_34], %slice3A_33 {strides = array<i32>} : memref<10000x2xf32, #tpu.memory_space<vmem>>, vector<10000x2xf32>,
    return
  }
}

</mosaic_0001>

<sc_bundles>
// kernel: kernel.5.cloned.1.call-start
scs
__scs_entry_jumppad:
0x0: {  	(pc) =	sbr.rel $0x88, $3  }
0x1: {  	(tag) =	ssettag $0x0;
	lr =	simm.s32 $0x1  }
0x2: {  	[smem:$0x3F97] =	sst lr;
	_ =	strace $0xD0000000  }
0x3: {  	_ = 	snop  }
0x4: {  	_ = 	snop  }
0x5: {  	_ = 	snop  }
0x6: {  	_ = 	snop  }
0x7: {  	_ = 	snop  }
__scs_overlays_trampoline_lowered:
0x8: {  	[smem:$0x3FA6] =	sst s0  }
0x9: {  	[smem:$0x3FA7] =	sst s1  }
0xa: {  	[smem:$0x3FA8] =	sst s2  }
0xb: {  	[smem:$0x3FA9] =	sst s3  }
0xc: {  	[smem:$0x3FAA] =	sst s4  }
0xd: {  	[smem:$0x3FAB] =	sst s5  }
0xe: {  	[smem:$0x3FAC] =	sst s6  }
0xf: {  	[smem:$0x3FAD] =	sst s7  }
0x10: {  	[smem:$0x3FAE] =	sst s8  }
0x11: {  	[smem:$0x3FAF] =	sst s9;
	s0 =	simm.s32 @!p0 $0x0  }
0x12: {  	s1 =	sld [smem:$0x3F95];
	s0 =	simm.s32 @p0 $0x1  }
0x13: {  	[smem:$0x3FB0] =	sst s0;
	s0 =	simm.s32 @!p1 $0x0  }
0x14: {  	s2 =	sld [smem:$0x3F94];
	s0 =	simm.s32 @p1 $0x1  }
0x15: {  	[smem:$0x3FB1] =	sst s0;
	s0 =	simm.s32 @!p2 $0x0  }
0x16: {  	s3 =	sld [smem:$0x3FDB];
	s0 =	simm.s32 @p2 $0x1  }
0x17: {  	s4 =	simm.s32 $0x1BF5;
	[smem:$0x3FB3] =	sst s0  }
0x18: {  	s0 =	sld [smem:$0x3F96];
	_ =	swait.ge [sflag:s4], $0x0  }
0x19: {  	s7 =	sld [smem:$0x3F97]  }
0x1a: {  	s8 =	sadd.s32 $0xFFFFE003, lr  }
0x1b: {  	s9 =	sadd.s32 $0xFFFFFEF7, lr;
	s5 =	simm.s32 $0xFFFFFFFF;
	p2 =	slt.u32 s8, $0xFFFFF086  }
0x1c: {  	p1 =	slt.u32 s9, $0xF7A;
	s5 =	simm.s32 @!p2 $0x0  }
0x1d: {  	s5 =	simm.s32 @p1 $0x1;
	p0 =	seq.s32 s7, s2  }
0x1e: {  	s7 =	smul.u32 @!p0 $0xF7A, s2;
	p2 =	seq.s32 @!p0 s5, $0x0  }
0x1f: {  	s9 =	smul.u32 $0xF7A, s1;
	s8 =	simm.s32 @!p0 $0x1BF5;
	p2 =	por !p2, p0  }
0x20: {  	[sflag:s8] =	ssyncset.s32 @!p0 $0xFFFFF086;
	s6 =	sadd.s32 @!p0 s3, s7;
	s7 =	simm.s32 @!p0 $0x108  }
0x21: {  	s3 =	sadd.s32 s3, s9;
	s6 =	sadd.s32 @!p0 $0x88, s6;
	s7 =	simm.s32 @p2 $0x1082  }
0x22: {  	[simem:s7], [sflag:s8] =	dma.local @!p0 [hbm:s6], $0xF7A  }
0x23: {  	s9 =	sor.u32 $0xD0000000, s2;
	s6 =	simm.s32 $0x108;
	_ =	swait.ge @!p0 [sflag:s8], $0x0  }
0x24: {  	s3 =	sadd.s32 $0x88, s3;
	s6 =	simm.s32 @!p1 $0x1082;
	[sflag:s4] =	ssyncset.s32 $0xFFFFF086  }
0x25: {  	[simem:s6], [sflag:s4] =	dma.local [hbm:s3], $0xF7A  }
0x26: {  	[smem:$0x3F97] =	sst s1;
	(tag) =	ssettag s2;
	_ =	strace s9  }
0x27: {  	s1 =	sld [smem:$0x3FA7]  }
0x28: {  	s2 =	sld [smem:$0x3FA8]  }
0x29: {  	s4 =	sld [smem:$0x3FAA]  }
0x2a: {  	p0 =	seq.s32 s5, $0x0;
	s5 =	sld [smem:$0x3FAB]  }
0x2b: {  	s6 =	sld [smem:$0x3FAC]  }
0x2c: {  	s7 =	sld [smem:$0x3FAD]  }
0x2d: {  	s3 =	simm.s32 $0x108;
	s8 =	sld [smem:$0x3FAE]  }
0x2e: {  	s3 =	simm.s32 @!p0 $0x1082;
	s9 =	sld [smem:$0x3FAF]  }
0x2f: {  	lr =	sadd.s32 s0, s3;
	s0 =	sld [smem:$0x3FA6]  }
0x30: {  	s3 =	sld [smem:$0x3FA9]  }
0x31: {  	[smem:$0x3FB2] =	sst s10  }
0x32: {  	s10 =	sld [smem:$0x3FB0];
	_ =	sdelay $0x3  }
0x33: {  	p0 =	seq.s32 s10, $0x1;
	s10 =	sld [smem:$0x3FB2];
	_ =	sdelay $0x3  }
0x34: {  	[smem:$0x3FB2] =	sst s10  }
0x35: {  	s10 =	sld [smem:$0x3FB1];
	_ =	sdelay $0x3  }
0x36: {  	p1 =	seq.s32 s10, $0x1;
	s10 =	sld [smem:$0x3FB2];
	_ =	sdelay $0x3  }
0x37: {  	[smem:$0x3FB2] =	sst s10  }
0x38: {  	s10 =	sld [smem:$0x3FB3]  }
0x39: {  	_ = 	snop;
	(pc) =	sbr.ind lr, $3  }
0x3a: {  	_ = 	snop  }
0x3b: {  	_ = 	snop  }
0x3c: {  	p2 =	seq.s32 s10, $0x1;
	s10 =	sld [smem:$0x3FB2]  }
0x3d: {  	_ =	shalt  }
0x3e: {  	_ =	shalt  }
0x3f: {  	_ =	shalt  }
0x40: {  	_ =	shalt  }
0x41: {  	_ =	shalt  }
0x42: {  	_ =	shalt  }
0x43: {  	_ =	shalt  }
0x44: {  	_ =	shalt  }
0x45: {  	_ =	shalt  }
0x46: {  	_ =	shalt  }
0x47: {  	_ =	shalt  }
0x48: {  	_ =	shalt  }
0x49: {  	_ =	shalt  }
0x4a: {  	_ =	shalt  }
0x4b: {  	_ =	shalt  }
0x4c: {  	_ =	shalt  }
0x4d: {  	_ =	shalt  }
0x4e: {  	_ =	shalt  }
0x4f: {  	_ =	shalt  }
0x50: {  	_ =	shalt  }
0x51: {  	_ =	shalt  }
0x52: {  	_ =	shalt  }
0x53: {  	_ =	shalt  }
0x54: {  	_ =	shalt  }
0x55: {  	_ =	shalt  }
0x56: {  	_ =	shalt  }
0x57: {  	_ =	shalt  }
0x58: {  	_ =	shalt  }
0x59: {  	_ =	shalt  }
0x5a: {  	_ =	shalt  }
0x5b: {  	_ =	shalt  }
0x5c: {  	_ =	shalt  }
0x5d: {  	_ =	shalt  }
0x5e: {  	_ =	shalt  }
0x5f: {  	_ =	shalt  }
0x60: {  	_ =	shalt  }
0x61: {  	_ =	shalt  }
0x62: {  	_ =	shalt  }
0x63: {  	_ =	shalt  }
0x64: {  	_ =	shalt  }
0x65: {  	_ =	shalt  }
0x66: {  	_ =	shalt  }
0x67: {  	_ =	shalt  }
0x68: {  	_ =	shalt  }
0x69: {  	_ =	shalt  }
0x6a: {  	_ =	shalt  }
0x6b: {  	_ =	shalt  }
0x6c: {  	_ =	shalt  }
0x6d: {  	_ =	shalt  }
0x6e: {  	_ =	shalt  }
0x6f: {  	_ =	shalt  }
0x70: {  	_ =	shalt  }
0x71: {  	_ =	shalt  }
0x72: {  	_ =	shalt  }
0x73: {  	_ =	shalt  }
0x74: {  	_ =	shalt  }
0x75: {  	_ =	shalt  }
0x76: {  	_ =	shalt  }
0x77: {  	_ =	shalt  }
0x78: {  	_ =	shalt  }
0x79: {  	_ =	shalt  }
0x7a: {  	_ =	shalt  }
0x7b: {  	_ =	shalt  }
0x7c: {  	_ =	shalt  }
0x7d: {  	_ =	shalt  }
0x7e: {  	_ =	shalt  }
0x7f: {  	_ =	shalt  }
0x80: {  	_ =	shalt  }
0x81: {  	_ =	shalt  }
0x82: {  	_ =	shalt  }
0x83: {  	_ =	shalt  }
0x84: {  	_ =	shalt  }
0x85: {  	_ =	shalt  }
0x86: {  	_ =	shalt  }
0x87: {  	_ =	shalt  }
.Lfunc_end0:
.L_simem_size_0:
called_computation_lowered:
.L_overlay_start_0:
0x88: {  	s2 =	sld [smem:$0x3FD9]  }
0x89: {  	s3 =	sld [smem:$0x3FFE];
	_ =	sdelay $0x1  }
0x8a: {  	s1 =	srdreg.scid  }
0x8b: {  	s0 =	sand.u32 $0x1, s1  }
0x8c: {  	s16 =	sshll.u32 s0, $0xA;
	s2 =	sadd.s32 s3, s2  }
0x8d: {  	s2 =	sadd.s32 s2, s16  }
0x8e: {  	[smem:$0x3FBE] =	sst s2  }
0x8f: {  	_ = 	snop  }
0x90: {  	(tm) =	ssettm $0x1  }
0x91: {  	s17 =	sld [smem:$0x3FFB];
	_ =	sdelay $0x3  }
0x92: {  	_ =	strace s17  }
0x93: {  	s2 =	sld [smem:$0x3FFC];
	_ =	sdelay $0x3  }
0x94: {  	_ =	strace s2  }
0x95: {  	s2 =	sld [smem:$0x3FFD];
	_ =	sdelay $0x3  }
0x96: {  	_ =	strace s2  }
0x97: {  	_ =	strace $0x8FFFFFFF  }
0x98: {  	s18 =	sld [smem:$0x3FDB];
	_ =	sdelay $0x1  }
0x99: {  	s19 =	simm.s32 $_scs_section_size  }
0x9a: {  	s4 =	simm.s32 $_size__tile_overlayer_lowered;
	s5 =	simm.s32 $_tile_overlayer_lowered  }
0x9b: {  	s22 =	simm.s32 $0x1BFF;
	s21 =	sshll.u32 s5, $0x1;
	s2 =	sadd.s32 s19, s18  }
0x9c: {  	s6 =	simm.s32 $0x0;
	s20 =	sshll.u32 s4, $0x1;
	s4 =	sadd.s32 s21, s2  }
0x9d: {  	[timem:s6], [sflag:s22] =	dma.local [hbm:s4], s20  }
0x9e: {  	_ =	swait.ge [sflag:s22], s20  }
0x9f: {  	s3 =	ssub.s32 $0x0, s20;
	[sflag:s22] =	ssyncset.done $0x0  }
0xa0: {  	[sflag:s22] =	ssyncadd.s32 s3;
	_ =	sdelay $0x1  }
0xa1: {  	s23 =	simm.s32 $0x1B8B  }
0xa2: {  	_ =	swait.ge [sflag:s23], $0x1  }
0xa3: {  	[sflag:s23] =	ssyncset.done $0x0  }
0xa4: {  	s25 =	simm.s32 $0x1B8E;
	s24 =	sld [smem:$0x3FFE];
	[sflag:s23] =	ssyncadd.s32 $0xFFFFFFFF  }
0xa5: {  	s26 =	simm.s32 $execute0_lowered;
	[smem:$0x3FD2] =	sst s25  }
0xa6: {  	s4 =	sshll.u32 s26, $0x1;
	_ =	strace $0x80000046;
	[dreg:$0x1] =	wrdreg $0xFFFFFFFF  }
0xa7: {  	s28 =	simm.s32 $_size_execute0_lowered;
	s2 =	sadd.s32 s2, s4;
	[dreg:$0x0] =	wrdreg $0x0  }
0xa8: {  	s4 =	sshll.u32 s28, $0x1;
	[dreg:$0x2] =	wrdreg s2  }
0xa9: {  	[dreg:$0x3] =	wrdreg s4  }
0xaa: {  	[dreg:$0x4] =	wrdreg $0xC0  }
0xab: {  	_ =	task [dreg:s6], $0x5FFFF  }
0xac: {  	[dreg:$0x1] =	wrdreg $0xFFFFFFFF  }
0xad: {  	[dreg:$0x0] =	wrdreg $0x60  }
0xae: {  	[dreg:$0x2] =	wrdreg s24  }
0xaf: {  	[dreg:$0x3] =	wrdreg $0x0  }
0xb0: {  	[dreg:$0x4] =	wrdreg $0x9  }
0xb1: {  	_ =	task.clear_ibuf [dreg:s6], $0x5FFFF;
	_ =	strace $0x90000046  }
0xb2: {  	s29 =	simm.s32 $0x9;
	_ =	strace $0x80000048  }
0xb3: {  	_ =	swait.ge [sflag:s29], $0x1  }
0xb4: {  	[sflag:s29] =	ssyncadd.s32 $0xFFFFFFFF  }
0xb5: {  	_ =	strace $0x90000048  }
0xb6: {  	_ =	sfence  }
0xb7: {  	s30 =	sld [smem:$0x0];
	_ =	sdelay $0x2  }
0xb8: {  	s31 =	sshll.u32 s1, $0xD;
	s1 =	sshrl.u32 s1, $0x2  }
0xb9: {  	s3 =	sand.u32 $0x4000, s31;
	s1 =	sadd.s32 s1, s30  }
0xba: {  	s0 =	sor.u32 s3, s0;
	s1 =	sshll.u32 s1, $0x11  }
0xbb: {  	s0 =	sor.u32 s1, s0  }
0xbc: {  	s0 =	sadd.s32 $0x8F2B, s0  }
0xbd: {  	[sflag:s0] =	ssyncadd.remote.s32 $0x1  }
0xbe: {  	_ =	sfence.sel $0xFFFF  }
0xbf: {  	[dreg:$0x0] =	wrdreg $0xFFFFFFFF;
	(pc) =	sbr.abs _section_cstart, $3  }
0xc0: {  	[dreg:$0x1] =	wrdreg $0xFFFFFFFF  }
0xc1: {  	_ =	task.clear_ibuf [dreg:s6], $0x2FFFF;
	_ =	strace $0x9FFFFFFF  }
0xc2: {  	(tm) =	ssettm $0x7FFFFFFF  }
0xc3: {  	_ =	shalt  }
tec
execute0_lowered:
.L_overlay_start_1:
0x0: {  	(tag) =	ssettag $0x1  }
0x1: {  	s0 =	srdreg.scid  }
0x2: {  	s5 =	stileid.u32;
	s2 =	rddreg [dreg:$0x0]  }
0x3: {  	s3 =	sand.u32 $0x1, s0;
	s0 =	smul.u32 $0x2800, s5;
	s5 =	sshll.u32 s5, $0x1  }
0x4: {  	s1 =	simm.s32 $0x0;
	s4 =	smul.u32 $0x28000, s3;
	s5 =	sor.u32 s3, s5  }
0x5: {  	[smem:$0x7FF] =	sst s1;
	s3 =	ssub.s32 $0x2, s3;
	s6 =	smul.u32 $0x500, s5  }
0x6: {  	s7 =	sshrl.u32 s3, $0x1;
	s8 =	smul.u32 $0x2800, s5;
	s4 =	sadd.s32 s0, s4  }
0x7: {  	s5 =	smul.u32 $0x5000, s5;
	s3 =	ssub.s32 s3, s7;
	s4 =	sshrl.u32 s4, $0x3  }
0x8: {  	s6 =	sadd.s32 s2, s6;
	s7 =	sor.u32 $0x400, s8;
	s17 =	sadd.s32 $0x800, s8  }
0x9: {  	s11 =	sadd.s32 $0xC00, s8;
	s20 =	sadd.s32 $0x1000, s8;
	s21 =	sadd.s32 $0x1400, s8  }
0xa: {  	s14 =	sadd.s32 $0x1800, s8;
	s24 =	sadd.s32 $0x1C00, s8;
	s25 =	sadd.s32 $0x2000, s8  }
0xb: {  	s8 =	sadd.s32 $0x2400, s8;
	s4 =	sadd.s32 s4, s2;
	s9 =	sshrl.u32 s7, $0x3  }
0xc: {  	[dreg:$0x3] =	wrdreg s6;
	s10 =	sshrl.u32 s17, $0x3;
	s9 =	sadd.s32 s2, s9  }
0xd: {  	s12 =	sshrl.u32 s20, $0x3;
	s18 =	sadd.s32 s2, s10;
	[dreg:$0x4] =	wrdreg s9  }
0xe: {  	s13 =	sshrl.u32 s21, $0x3;
	s12 =	sadd.s32 s2, s12;
	[dreg:$0x5] =	wrdreg s18  }
0xf: {  	s15 =	sshrl.u32 s24, $0x3;
	s22 =	sadd.s32 s2, s13;
	[dreg:$0x7] =	wrdreg s12  }
0x10: {  	s16 =	sshrl.u32 s25, $0x3;
	s15 =	sadd.s32 s2, s15;
	[dreg:$0x8] =	wrdreg s22  }
0x11: {  	s19 =	sshrl.u32 s11, $0x3;
	s26 =	sadd.s32 s2, s16;
	[dreg:$0xa] =	wrdreg s15  }
0x12: {  	s23 =	sshrl.u32 s14, $0x3;
	s9 =	sadd.s32 s2, s19;
	[dreg:$0xb] =	wrdreg s26  }
0x13: {  	s30 =	sshrl.u32 s8, $0x3;
	s12 =	sadd.s32 s2, s23;
	[dreg:$0x6] =	wrdreg s9  }
0x14: {  	s15 =	sadd.s32 s2, s30;
	s2 =	sadd.s32 $0xA000, s2;
	[dreg:$0x9] =	wrdreg s12  }
0x15: {  	s6 =	sshll.u32 s7, $0x1;
	[dreg:$0xc] =	wrdreg s15;
	s5 =	sadd.s32 s2, s5  }
0x16: {  	s18 =	sshll.u32 s20, $0x1;
	s15 =	sadd.s32 s2, s6;
	[dreg:$0xd] =	wrdreg s5  }
0x17: {  	s22 =	sshll.u32 s24, $0x1;
	s19 =	sadd.s32 s2, s18;
	[dreg:$0xe] =	wrdreg s15  }
0x18: {  	s16 =	sshll.u32 s17, $0x1;
	s23 =	sadd.s32 s2, s22;
	[dreg:$0x11] =	wrdreg s19  }
0x19: {  	s17 =	sshll.u32 s11, $0x1;
	s5 =	sadd.s32 s2, s16;
	[dreg:$0x14] =	wrdreg s23  }
0x1a: {  	s20 =	sshll.u32 s21, $0x1;
	[dreg:$0xf] =	wrdreg s5;
	s5 =	sadd.s32 s2, s17  }
0x1b: {  	[dreg:$0x10] =	wrdreg s5;
	s5 =	sadd.s32 s2, s20  }
0x1c: {  	s29 =	simm.s32 $0x2;
	s21 =	sshll.u32 s14, $0x1;
	[dreg:$0x12] =	wrdreg s5  }
0x1d: {  	s24 =	sshll.u32 s25, $0x1;
	s5 =	sadd.s32 s2, s21;
	s21 =	rddreg [dreg:$0x1]  }
0x1e: {  	s25 =	sshll.u32 s8, $0x1;
	[dreg:$0x13] =	wrdreg s5;
	s5 =	sadd.s32 s2, s24  }
0x1f: {  	s31 =	simm.s32 $0x1;
	s2 =	sadd.s32 s2, s25;
	[dreg:$0x15] =	wrdreg s5  }
0x20: {  	s28 =	simm.s32 $0x6800;
	s0 =	sadd.s32 s0, s21;
	[dreg:$0x16] =	wrdreg s2  }
0x21: {  	s26 =	sadd.s32 $0xAA000, s4;
	_ =	strace $0x80000047;
	[dreg:$0x17] =	wrdreg s0  }
0x22: {  	s30 =	smax.u32 s3, $0x1;
	s9 =	simm.s32 $0x0;
	[dreg:$0x18] =	wrdreg s26  }
0x23: {  	v0 =	vimm.f32 $0.0e+00;
	s18 =	simm.s32 $0xA800;
	s2 =	simm.s32 $0x80;
	[dreg:$0x19] =	wrdreg s30  }
.LBB2_1:
0x24: {  	s10 =	simm.s32 $0x40;
	s11 =	simm.s32 $0x0  }
.LBB2_2:
0x25: {  	p0 =	sne.s32 s10, $0x9FC0;
	[tilespmem:s11+$0x2800] =	vst v0;
	s11 =	smov.u32 s10;
	s10 =	sadd.s32 $0x40, s10  }
.Ltmp0:
0x26: {  	(pc) =	sbr.rel @p0 .LBB2_2-.Ltmp0, $2  }
0x27: {  	_ =	sdelay $0x2  }
0x28: {  	s11 =	sshra.s32 s11, $0x2  }
0x29: {  	[tilespmem:s11+$0x2800] =	vst v0;
	s3 =	rddreg [dreg:$0x17];
	s0 =	simm.s32 $0x2800  }
0x2a: {  	[spmem:s3] =	stream.linear.scatter [tilespmem:s0], [sflag:$0x2], $0x2800, $0x38;
	[tilespmem:$0xB000] =	vst v63  }
0x2b: {  	_ =	swait.ge [sflag:s29], $0x2800  }
0x2c: {  	[sflag:s29] =	ssyncset.done $0x0  }
0x2d: {  	[sflag:s29] =	ssyncadd.s32 $0xFFFFD800  }
0x2e: {  	[bflag:$0x0] =	sbarrier.arrive $0xFFFF  }
0x2f: {  	s10 =	rddreg [dreg:$0x3]  }
0x30: {  	[tilespmem:s18], [sflag:$0x1] =	stream.linear.gather [hbm4b:s10+s1], $0x400, $0x38;
	[tilespmem:$0xB000] =	vst v63  }
0x31: {  	s3 =	rddreg [dreg:$0xd]  }
0x32: {  	[tilespmem:s0], [sflag:$0x1] =	stream.linear.gather [hbm4b:s3+s1], $0x4000, $0x38;
	[tilespmem:$0xB000] =	vst v63  }
0x33: {  	_ =	swait.ge [sflag:s31], $0x400  }
0x34: {  	[sflag:s31] =	ssyncset.done $0x0  }
0x35: {  	[sflag:s31] =	ssyncadd.s32 $0xFFFFFC00  }
0x36: {  	_ =	swait.ge [sflag:s31], $0x4000  }
0x37: {  	[sflag:s31] =	ssyncset.done $0x0  }
0x38: {  	s11 =	simm.s32 $0xAC00;
	s4 =	rddreg [dreg:$0x4];
	[sflag:s31] =	ssyncadd.s32 $0xFFFFC000  }
0x39: {  	[tilespmem:s11], [sflag:$0x1] =	stream.linear.gather [hbm4b:s4+s1], $0x400, $0x38;
	[tilespmem:$0xB000] =	vst v63  }
0x3a: {  	s5 =	rddreg [dreg:$0xe]  }
0x3b: {  	[tilespmem:s28], [sflag:$0x1] =	stream.linear.gather [hbm4b:s5+s1], $0x4000, $0x38;
	[tilespmem:$0xB000] =	vst v63  }
0x3c: {  	_ = 	snop  }
0x3d: {  	[spmem:s21] =	stream.indirect.scatter.add.f32 [tilespmem:s0], [sflag:$0x2], $0x10, s18, s2, $0xb8;
	[tilespmem:$0xB000] =	vst v63  }
0x3e: {  	_ =	swait.ge [sflag:s29], $0x800  }
0x3f: {  	[sflag:s29] =	ssyncset.done $0x0  }
0x40: {  	s6 =	simm.s32 $0xA880;
	s4 =	simm.s32 $0x3000;
	[sflag:s29] =	ssyncadd.s32 $0xFFFFF800  }
0x41: {  	[spmem:s21] =	stream.indirect.scatter.add.f32 [tilespmem:s4], [sflag:$0x2], $0x10, s6, s2, $0xb8;
	[tilespmem:$0xB000] =	vst v63  }
0x42: {  	_ =	swait.ge [sflag:s29], $0x800  }
0x43: {  	[sflag:s29] =	ssyncset.done $0x0  }
0x44: {  	s7 =	simm.s32 $0xA900;
	s8 =	simm.s32 $0x3800;
	[sflag:s29] =	ssyncadd.s32 $0xFFFFF800  }
0x45: {  	[spmem:s21] =	stream.indirect.scatter.add.f32 [tilespmem:s8], [sflag:$0x2], $0x10, s7, s2, $0xb8;
	[tilespmem:$0xB000] =	vst v63  }
0x46: {  	_ =	swait.ge [sflag:s29], $0x800  }
0x47: {  	[sflag:s29] =	ssyncset.done $0x0  }
0x48: {  	s12 =	simm.s32 $0x4000;
	s10 =	simm.s32 $0xA980;
	[sflag:s29] =	ssyncadd.s32 $0xFFFFF800  }
0x49: {  	[spmem:s21] =	stream.indirect.scatter.add.f32 [tilespmem:s12], [sflag:$0x2], $0x10, s10, s2, $0xb8;
	[tilespmem:$0xB000] =	vst v63  }
0x4a: {  	_ =	swait.ge [sflag:s29], $0x800  }
0x4b: {  	[sflag:s29] =	ssyncset.done $0x0  }
0x4c: {  	s13 =	simm.s32 $0xAA00;
	s14 =	simm.s32 $0x4800;
	[sflag:s29] =	ssyncadd.s32 $0xFFFFF800  }
0x4d: {  	[spmem:s21] =	stream.indirect.scatter.add.f32 [tilespmem:s14], [sflag:$0x2], $0x10, s13, s2, $0xb8;
	[tilespmem:$0xB000] =	vst v63  }
0x4e: {  	_ =	swait.ge [sflag:s29], $0x800  }
0x4f: {  	[sflag:s29] =	ssyncset.done $0x0  }
0x50: {  	s15 =	simm.s32 $0xAA80;
	s16 =	simm.s32 $0x5000;
	[sflag:s29] =	ssyncadd.s32 $0xFFFFF800  }
0x51: {  	[spmem:s21] =	stream.indirect.scatter.add.f32 [tilespmem:s16], [sflag:$0x2], $0x10, s15, s2, $0xb8;
	[tilespmem:$0xB000] =	vst v63  }
0x52: {  	_ =	swait.ge [sflag:s29], $0x800  }
0x53: {  	[sflag:s29] =	ssyncset.done $0x0  }
0x54: {  	s17 =	simm.s32 $0xAB00;
	s19 =	simm.s32 $0x5800;
	[sflag:s29] =	ssyncadd.s32 $0xFFFFF800  }
0x55: {  	[spmem:s21] =	stream.indirect.scatter.add.f32 [tilespmem:s19], [sflag:$0x2], $0x10, s17, s2, $0xb8;
	[tilespmem:$0xB000] =	vst v63  }
0x56: {  	_ =	swait.ge [sflag:s29], $0x800  }
0x57: {  	[sflag:s29] =	ssyncset.done $0x0  }
0x58: {  	s20 =	simm.s32 $0xAB80;
	s22 =	simm.s32 $0x6000;
	[sflag:s29] =	ssyncadd.s32 $0xFFFFF800  }
0x59: {  	[spmem:s21] =	stream.indirect.scatter.add.f32 [tilespmem:s22], [sflag:$0x2], $0x10, s20, s2, $0xb8;
	[tilespmem:$0xB000] =	vst v63  }
0x5a: {  	_ =	swait.ge [sflag:s29], $0x800  }
0x5b: {  	[sflag:s29] =	ssyncset.done $0x0  }
0x5c: {  	[sflag:s29] =	ssyncadd.s32 $0xFFFFF800  }
0x5d: {  	_ =	swait.ge [sflag:s31], $0x400  }
0x5e: {  	[sflag:s31] =	ssyncset.done $0x0  }
0x5f: {  	[sflag:s31] =	ssyncadd.s32 $0xFFFFFC00  }
0x60: {  	_ =	swait.ge [sflag:s31], $0x4000  }
0x61: {  	[sflag:s31] =	ssyncset.done $0x0  }
0x62: {  	s24 =	rddreg [dreg:$0x5];
	[sflag:s31] =	ssyncadd.s32 $0xFFFFC000  }
0x63: {  	[tilespmem:s18], [sflag:$0x1] =	stream.linear.gather [hbm4b:s24+s1], $0x400, $0x38;
	[tilespmem:$0xB000] =	vst v63  }
0x64: {  	s25 =	rddreg [dreg:$0xf]  }
0x65: {  	[tilespmem:s0], [sflag:$0x1] =	stream.linear.gather [hbm4b:s25+s1], $0x4000, $0x38;
	[tilespmem:$0xB000] =	vst v63  }
0x66: {  	_ = 	snop  }
0x67: {  	[spmem:s21] =	stream.indirect.scatter.add.f32 [tilespmem:s28], [sflag:$0x2], $0x10, s11, s2, $0xb8;
	[tilespmem:$0xB000] =	vst v63  }
0x68: {  	_ =	swait.ge [sflag:s29], $0x800  }
0x69: {  	[sflag:s29] =	ssyncset.done $0x0  }
0x6a: {  	s5 =	simm.s32 $0xAC80;
	s6 =	simm.s32 $0x7000;
	[sflag:s29] =	ssyncadd.s32 $0xFFFFF800  }
0x6b: {  	[spmem:s21] =	stream.indirect.scatter.add.f32 [tilespmem:s6], [sflag:$0x2], $0x10, s5, s2, $0xb8;
	[tilespmem:$0xB000] =	vst v63  }
0x6c: {  	_ =	swait.ge [sflag:s29], $0x800  }
0x6d: {  	[sflag:s29] =	ssyncset.done $0x0  }
0x6e: {  	s7 =	simm.s32 $0x7800;
	s5 =	simm.s32 $0xAD00;
	[sflag:s29] =	ssyncadd.s32 $0xFFFFF800  }
0x6f: {  	[spmem:s21] =	stream.indirect.scatter.add.f32 [tilespmem:s7], [sflag:$0x2], $0x10, s5, s2, $0xb8;
	[tilespmem:$0xB000] =	vst v63  }
0x70: {  	_ =	swait.ge [sflag:s29], $0x800  }
0x71: {  	[sflag:s29] =	ssyncset.done $0x0  }
0x72: {  	s8 =	simm.s32 $0xAD80;
	s10 =	simm.s32 $0x8000;
	[sflag:s29] =	ssyncadd.s32 $0xFFFFF800  }
0x73: {  	[spmem:s21] =	stream.indirect.scatter.add.f32 [tilespmem:s10], [sflag:$0x2], $0x10, s8, s2, $0xb8;
	[tilespmem:$0xB000] =	vst v63  }
0x74: {  	_ =	swait.ge [sflag:s29], $0x800  }
0x75: {  	[sflag:s29] =	ssyncset.done $0x0  }
0x76: {  	s12 =	simm.s32 $0xAE00;
	s13 =	simm.s32 $0x8800;
	[sflag:s29] =	ssyncadd.s32 $0xFFFFF800  }
0x77: {  	[spmem:s21] =	stream.indirect.scatter.add.f32 [tilespmem:s13], [sflag:$0x2], $0x10, s12, s2, $0xb8;
	[tilespmem:$0xB000] =	vst v63  }
0x78: {  	_ =	swait.ge [sflag:s29], $0x800  }
0x79: {  	[sflag:s29] =	ssyncset.done $0x0  }
0x7a: {  	s14 =	simm.s32 $0x9000;
	s8 =	simm.s32 $0xAE80;
	[sflag:s29] =	ssyncadd.s32 $0xFFFFF800  }
0x7b: {  	[spmem:s21] =	stream.indirect.scatter.add.f32 [tilespmem:s14], [sflag:$0x2], $0x10, s8, s2, $0xb8;
	[tilespmem:$0xB000] =	vst v63  }
0x7c: {  	_ =	swait.ge [sflag:s29], $0x800  }
0x7d: {  	[sflag:s29] =	ssyncset.done $0x0  }
0x7e: {  	s15 =	simm.s32 $0xAF00;
	s20 =	simm.s32 $0x9800;
	[sflag:s29] =	ssyncadd.s32 $0xFFFFF800  }
0x7f: {  	[spmem:s21] =	stream.indirect.scatter.add.f32 [tilespmem:s20], [sflag:$0x2], $0x10, s15, s2, $0xb8;
	[tilespmem:$0xB000] =	vst v63  }
0x80: {  	_ =	swait.ge [sflag:s29], $0x800  }
0x81: {  	[sflag:s29] =	ssyncset.done $0x0  }
0x82: {  	s22 =	simm.s32 $0xAF80;
	s7 =	simm.s32 $0xA000;
	[sflag:s29] =	ssyncadd.s32 $0xFFFFF800  }
0x83: {  	[spmem:s21] =	stream.indirect.scatter.add.f32 [tilespmem:s7], [sflag:$0x2], $0x10, s22, s2, $0xb8;
	[tilespmem:$0xB000] =	vst v63  }
0x84: {  	_ =	swait.ge [sflag:s29], $0x800  }
0x85: {  	[sflag:s29] =	ssyncset.done $0x0  }
0x86: {  	[sflag:s29] =	ssyncadd.s32 $0xFFFFF800  }
0x87: {  	_ =	swait.ge [sflag:s31], $0x400  }
0x88: {  	[sflag:s31] =	ssyncset.done $0x0  }
0x89: {  	[sflag:s31] =	ssyncadd.s32 $0xFFFFFC00  }
0x8a: {  	_ =	swait.ge [sflag:s31], $0x4000  }
0x8b: {  	[sflag:s31] =	ssyncset.done $0x0  }
0x8c: {  	s24 =	rddreg [dreg:$0x6];
	[sflag:s31] =	ssyncadd.s32 $0xFFFFC000  }
0x8d: {  	[tilespmem:s11], [sflag:$0x1] =	stream.linear.gather [hbm4b:s24+s1], $0x400, $0x38;
	[tilespmem:$0xB000] =	vst v63  }
0x8e: {  	s25 =	rddreg [dreg:$0x10]  }
0x8f: {  	[tilespmem:s28], [sflag:$0x1] =	stream.linear.gather [hbm4b:s25+s1], $0x4000, $0x38;
	[tilespmem:$0xB000] =	vst v63  }
0x90: {  	_ = 	snop  }
0x91: {  	[spmem:s21] =	stream.indirect.scatter.add.f32 [tilespmem:s0], [sflag:$0x2], $0x10, s18, s2, $0xb8;
	[tilespmem:$0xB000] =	vst v63  }
0x92: {  	_ =	swait.ge [sflag:s29], $0x800  }
0x93: {  	[sflag:s29] =	ssyncset.done $0x0  }
0x94: {  	s23 =	simm.s32 $0x3000;
	s22 =	simm.s32 $0xA880;
	[sflag:s29] =	ssyncadd.s32 $0xFFFFF800  }
0x95: {  	[spmem:s21] =	stream.indirect.scatter.add.f32 [tilespmem:s23], [sflag:$0x2], $0x10, s22, s2, $0xb8;
	[tilespmem:$0xB000] =	vst v63  }
0x96: {  	_ =	swait.ge [sflag:s29], $0x800  }
0x97: {  	[sflag:s29] =	ssyncset.done $0x0  }
0x98: {  	s30 =	simm.s32 $0x3800;
	s24 =	simm.s32 $0xA900;
	[sflag:s29] =	ssyncadd.s32 $0xFFFFF800  }
0x99: {  	[spmem:s21] =	stream.indirect.scatter.add.f32 [tilespmem:s30], [sflag:$0x2], $0x10, s24, s2, $0xb8;
	[tilespmem:$0xB000] =	vst v63  }
0x9a: {  	_ =	swait.ge [sflag:s29], $0x800  }
0x9b: {  	[sflag:s29] =	ssyncset.done $0x0  }
0x9c: {  	s26 =	simm.s32 $0xA980;
	s25 =	simm.s32 $0x4000;
	[sflag:s29] =	ssyncadd.s32 $0xFFFFF800  }
0x9d: {  	[spmem:s21] =	stream.indirect.scatter.add.f32 [tilespmem:s25], [sflag:$0x2], $0x10, s26, s2, $0xb8;
	[tilespmem:$0xB000] =	vst v63  }
0x9e: {  	_ =	swait.ge [sflag:s29], $0x800  }
0x9f: {  	[sflag:s29] =	ssyncset.done $0x0  }
0xa0: {  	s13 =	simm.s32 $0xAA00;
	s30 =	simm.s32 $0x4800;
	[sflag:s29] =	ssyncadd.s32 $0xFFFFF800  }
0xa1: {  	[spmem:s21] =	stream.indirect.scatter.add.f32 [tilespmem:s30], [sflag:$0x2], $0x10, s13, s2, $0xb8;
	[tilespmem:$0xB000] =	vst v63  }
0xa2: {  	_ =	swait.ge [sflag:s29], $0x800  }
0xa3: {  	[sflag:s29] =	ssyncset.done $0x0  }
0xa4: {  	s14 =	simm.s32 $0xAA80;
	s23 =	simm.s32 $0x5000;
	[sflag:s29] =	ssyncadd.s32 $0xFFFFF800  }
0xa5: {  	[spmem:s21] =	stream.indirect.scatter.add.f32 [tilespmem:s23], [sflag:$0x2], $0x10, s14, s2, $0xb8;
	[tilespmem:$0xB000] =	vst v63  }
0xa6: {  	_ =	swait.ge [sflag:s29], $0x800  }
0xa7: {  	[sflag:s29] =	ssyncset.done $0x0  }
0xa8: {  	s15 =	simm.s32 $0xAB00;
	s26 =	simm.s32 $0x5800;
	[sflag:s29] =	ssyncadd.s32 $0xFFFFF800  }
0xa9: {  	[spmem:s21] =	stream.indirect.scatter.add.f32 [tilespmem:s26], [sflag:$0x2], $0x10, s15, s2, $0xb8;
	[tilespmem:$0xB000] =	vst v63  }
0xaa: {  	_ =	swait.ge [sflag:s29], $0x800  }
0xab: {  	[sflag:s29] =	ssyncset.done $0x0  }
0xac: {  	s3 =	simm.s32 $0xAB80;
	s4 =	simm.s32 $0x6000;
	[sflag:s29] =	ssyncadd.s32 $0xFFFFF800  }
0xad: {  	[spmem:s21] =	stream.indirect.scatter.add.f32 [tilespmem:s4], [sflag:$0x2], $0x10, s3, s2, $0xb8;
	[tilespmem:$0xB000] =	vst v63  }
0xae: {  	_ =	swait.ge [sflag:s29], $0x800  }
0xaf: {  	[sflag:s29] =	ssyncset.done $0x0  }
0xb0: {  	[sflag:s29] =	ssyncadd.s32 $0xFFFFF800  }
0xb1: {  	_ =	swait.ge [sflag:s31], $0x400  }
0xb2: {  	[sflag:s31] =	ssyncset.done $0x0  }
0xb3: {  	[sflag:s31] =	ssyncadd.s32 $0xFFFFFC00  }
0xb4: {  	_ =	swait.ge [sflag:s31], $0x4000  }
0xb5: {  	[sflag:s31] =	ssyncset.done $0x0  }
0xb6: {  	s3 =	rddreg [dreg:$0x7];
	[sflag:s31] =	ssyncadd.s32 $0xFFFFC000  }
0xb7: {  	[tilespmem:s18], [sflag:$0x1] =	stream.linear.gather [hbm4b:s3+s1], $0x400, $0x38;
	[tilespmem:$0xB000] =	vst v63  }
0xb8: {  	s4 =	rddreg [dreg:$0x11]  }
0xb9: {  	[tilespmem:s0], [sflag:$0x1] =	stream.linear.gather [hbm4b:s4+s1], $0x4000, $0x38;
	[tilespmem:$0xB000] =	vst v63  }
0xba: {  	_ = 	snop  }
0xbb: {  	[spmem:s21] =	stream.indirect.scatter.add.f32 [tilespmem:s28], [sflag:$0x2], $0x10, s11, s2, $0xb8;
	[tilespmem:$0xB000] =	vst v63  }
0xbc: {  	_ =	swait.ge [sflag:s29], $0x800  }
0xbd: {  	[sflag:s29] =	ssyncset.done $0x0  }
0xbe: {  	s16 =	simm.s32 $0x7000;
	s19 =	simm.s32 $0xAC80;
	[sflag:s29] =	ssyncadd.s32 $0xFFFFF800  }
0xbf: {  	[spmem:s21] =	stream.indirect.scatter.add.f32 [tilespmem:s16], [sflag:$0x2], $0x10, s19, s2, $0xb8;
	[tilespmem:$0xB000] =	vst v63  }
0xc0: {  	_ =	swait.ge [sflag:s29], $0x800  }
0xc1: {  	[sflag:s29] =	ssyncset.done $0x0  }
0xc2: {  	s4 =	simm.s32 $0xAD00;
	s16 =	simm.s32 $0x7800;
	[sflag:s29] =	ssyncadd.s32 $0xFFFFF800  }
0xc3: {  	[spmem:s21] =	stream.indirect.scatter.add.f32 [tilespmem:s16], [sflag:$0x2], $0x10, s4, s2, $0xb8;
	[tilespmem:$0xB000] =	vst v63  }
0xc4: {  	_ =	swait.ge [sflag:s29], $0x800  }
0xc5: {  	[sflag:s29] =	ssyncset.done $0x0  }
0xc6: {  	s17 =	simm.s32 $0x8000;
	s3 =	simm.s32 $0xAD80;
	[sflag:s29] =	ssyncadd.s32 $0xFFFFF800  }
0xc7: {  	[spmem:s21] =	stream.indirect.scatter.add.f32 [tilespmem:s17], [sflag:$0x2], $0x10, s3, s2, $0xb8;
	[tilespmem:$0xB000] =	vst v63  }
0xc8: {  	_ =	swait.ge [sflag:s29], $0x800  }
0xc9: {  	[sflag:s29] =	ssyncset.done $0x0  }
0xca: {  	s19 =	simm.s32 $0xAE00;
	s17 =	simm.s32 $0x8800;
	[sflag:s29] =	ssyncadd.s32 $0xFFFFF800  }
0xcb: {  	[spmem:s21] =	stream.indirect.scatter.add.f32 [tilespmem:s17], [sflag:$0x2], $0x10, s19, s2, $0xb8;
	[tilespmem:$0xB000] =	vst v63  }
0xcc: {  	_ =	swait.ge [sflag:s29], $0x800  }
0xcd: {  	[sflag:s29] =	ssyncset.done $0x0  }
0xce: {  	s5 =	simm.s32 $0xAE80;
	s10 =	simm.s32 $0x9000;
	[sflag:s29] =	ssyncadd.s32 $0xFFFFF800  }
0xcf: {  	[spmem:s21] =	stream.indirect.scatter.add.f32 [tilespmem:s10], [sflag:$0x2], $0x10, s5, s2, $0xb8;
	[tilespmem:$0xB000] =	vst v63  }
0xd0: {  	_ =	swait.ge [sflag:s29], $0x800  }
0xd1: {  	[sflag:s29] =	ssyncset.done $0x0  }
0xd2: {  	s6 =	simm.s32 $0xAF00;
	s10 =	simm.s32 $0x9800;
	[sflag:s29] =	ssyncadd.s32 $0xFFFFF800  }
0xd3: {  	[spmem:s21] =	stream.indirect.scatter.add.f32 [tilespmem:s10], [sflag:$0x2], $0x10, s6, s2, $0xb8;
	[tilespmem:$0xB000] =	vst v63  }
0xd4: {  	_ =	swait.ge [sflag:s29], $0x800  }
0xd5: {  	[sflag:s29] =	ssyncset.done $0x0  }
0xd6: {  	s7 =	simm.s32 $0xAF80;
	s10 =	simm.s32 $0xA000;
	[sflag:s29] =	ssyncadd.s32 $0xFFFFF800  }
0xd7: {  	[spmem:s21] =	stream.indirect.scatter.add.f32 [tilespmem:s10], [sflag:$0x2], $0x10, s7, s2, $0xb8;
	[tilespmem:$0xB000] =	vst v63  }
0xd8: {  	_ =	swait.ge [sflag:s29], $0x800  }
0xd9: {  	[sflag:s29] =	ssyncset.done $0x0  }
0xda: {  	[sflag:s29] =	ssyncadd.s32 $0xFFFFF800  }
0xdb: {  	_ =	swait.ge [sflag:s31], $0x400  }
0xdc: {  	[sflag:s31] =	ssyncset.done $0x0  }
0xdd: {  	[sflag:s31] =	ssyncadd.s32 $0xFFFFFC00  }
0xde: {  	_ =	swait.ge [sflag:s31], $0x4000  }
0xdf: {  	[sflag:s31] =	ssyncset.done $0x0  }
0xe0: {  	s10 =	rddreg [dreg:$0x8];
	[sflag:s31] =	ssyncadd.s32 $0xFFFFC000  }
0xe1: {  	[tilespmem:s11], [sflag:$0x1] =	stream.linear.gather [hbm4b:s10+s1], $0x400, $0x38;
	[tilespmem:$0xB000] =	vst v63  }
0xe2: {  	s10 =	rddreg [dreg:$0x12]  }
0xe3: {  	[tilespmem:s28], [sflag:$0x1] =	stream.linear.gather [hbm4b:s10+s1], $0x4000, $0x38;
	[tilespmem:$0xB000] =	vst v63  }
0xe4: {  	_ = 	snop  }
0xe5: {  	[spmem:s21] =	stream.indirect.scatter.add.f32 [tilespmem:s0], [sflag:$0x2], $0x10, s18, s2, $0xb8;
	[tilespmem:$0xB000] =	vst v63  }
0xe6: {  	_ =	swait.ge [sflag:s29], $0x800  }
0xe7: {  	[sflag:s29] =	ssyncset.done $0x0  }
0xe8: {  	s12 =	simm.s32 $0x3000;
	[sflag:s29] =	ssyncadd.s32 $0xFFFFF800  }
0xe9: {  	[spmem:s21] =	stream.indirect.scatter.add.f32 [tilespmem:s12], [sflag:$0x2], $0x10, s22, s2, $0xb8;
	[tilespmem:$0xB000] =	vst v63  }
0xea: {  	_ =	swait.ge [sflag:s29], $0x800  }
0xeb: {  	[sflag:s29] =	ssyncset.done $0x0  }
0xec: {  	s20 =	simm.s32 $0x3800;
	[sflag:s29] =	ssyncadd.s32 $0xFFFFF800  }
0xed: {  	[spmem:s21] =	stream.indirect.scatter.add.f32 [tilespmem:s20], [sflag:$0x2], $0x10, s24, s2, $0xb8;
	[tilespmem:$0xB000] =	vst v63  }
0xee: {  	_ =	swait.ge [sflag:s29], $0x800  }
0xef: {  	[sflag:s29] =	ssyncset.done $0x0  }
0xf0: {  	s24 =	simm.s32 $0xA980;
	[sflag:s29] =	ssyncadd.s32 $0xFFFFF800  }
0xf1: {  	[spmem:s21] =	stream.indirect.scatter.add.f32 [tilespmem:s25], [sflag:$0x2], $0x10, s24, s2, $0xb8;
	[tilespmem:$0xB000] =	vst v63  }
0xf2: {  	_ =	swait.ge [sflag:s29], $0x800  }
0xf3: {  	[sflag:s29] =	ssyncset.done $0x0  }
0xf4: {  	[sflag:s29] =	ssyncadd.s32 $0xFFFFF800  }
0xf5: {  	[spmem:s21] =	stream.indirect.scatter.add.f32 [tilespmem:s30], [sflag:$0x2], $0x10, s13, s2, $0xb8;
	[tilespmem:$0xB000] =	vst v63  }
0xf6: {  	_ =	swait.ge [sflag:s29], $0x800  }
0xf7: {  	[sflag:s29] =	ssyncset.done $0x0  }
0xf8: {  	[sflag:s29] =	ssyncadd.s32 $0xFFFFF800  }
0xf9: {  	[spmem:s21] =	stream.indirect.scatter.add.f32 [tilespmem:s23], [sflag:$0x2], $0x10, s14, s2, $0xb8;
	[tilespmem:$0xB000] =	vst v63  }
0xfa: {  	_ =	swait.ge [sflag:s29], $0x800  }
0xfb: {  	[sflag:s29] =	ssyncset.done $0x0  }
0xfc: {  	[sflag:s29] =	ssyncadd.s32 $0xFFFFF800  }
0xfd: {  	[spmem:s21] =	stream.indirect.scatter.add.f32 [tilespmem:s26], [sflag:$0x2], $0x10, s15, s2, $0xb8;
	[tilespmem:$0xB000] =	vst v63  }
0xfe: {  	_ =	swait.ge [sflag:s29], $0x800  }
0xff: {  	[sflag:s29] =	ssyncset.done $0x0  }
0x100: {  	s8 =	simm.s32 $0x6000;
	s30 =	simm.s32 $0xAB80;
	[sflag:s29] =	ssyncadd.s32 $0xFFFFF800  }
0x101: {  	[spmem:s21] =	stream.indirect.scatter.add.f32 [tilespmem:s8], [sflag:$0x2], $0x10, s30, s2, $0xb8;
	[tilespmem:$0xB000] =	vst v63  }
0x102: {  	_ =	swait.ge [sflag:s29], $0x800  }
0x103: {  	[sflag:s29] =	ssyncset.done $0x0  }
0x104: {  	[sflag:s29] =	ssyncadd.s32 $0xFFFFF800  }
0x105: {  	_ =	swait.ge [sflag:s31], $0x400  }
0x106: {  	[sflag:s31] =	ssyncset.done $0x0  }
0x107: {  	[sflag:s31] =	ssyncadd.s32 $0xFFFFFC00  }
0x108: {  	_ =	swait.ge [sflag:s31], $0x4000  }
0x109: {  	[sflag:s31] =	ssyncset.done $0x0  }
0x10a: {  	s15 =	rddreg [dreg:$0x9];
	[sflag:s31] =	ssyncadd.s32 $0xFFFFC000  }
0x10b: {  	[tilespmem:s18], [sflag:$0x1] =	stream.linear.gather [hbm4b:s15+s1], $0x400, $0x38;
	[tilespmem:$0xB000] =	vst v63  }
0x10c: {  	s23 =	rddreg [dreg:$0x13]  }
0x10d: {  	[tilespmem:s0], [sflag:$0x1] =	stream.linear.gather [hbm4b:s23+s1], $0x4000, $0x38;
	[tilespmem:$0xB000] =	vst v63  }
0x10e: {  	_ = 	snop  }
0x10f: {  	[spmem:s21] =	stream.indirect.scatter.add.f32 [tilespmem:s28], [sflag:$0x2], $0x10, s11, s2, $0xb8;
	[tilespmem:$0xB000] =	vst v63  }
0x110: {  	_ =	swait.ge [sflag:s29], $0x800  }
0x111: {  	[sflag:s29] =	ssyncset.done $0x0  }
0x112: {  	s26 =	simm.s32 $0xAC80;
	s30 =	simm.s32 $0x7000;
	[sflag:s29] =	ssyncadd.s32 $0xFFFFF800  }
0x113: {  	[spmem:s21] =	stream.indirect.scatter.add.f32 [tilespmem:s30], [sflag:$0x2], $0x10, s26, s2, $0xb8;
	[tilespmem:$0xB000] =	vst v63  }
0x114: {  	_ =	swait.ge [sflag:s29], $0x800  }
0x115: {  	[sflag:s29] =	ssyncset.done $0x0  }
0x116: {  	[sflag:s29] =	ssyncadd.s32 $0xFFFFF800  }
0x117: {  	[spmem:s21] =	stream.indirect.scatter.add.f32 [tilespmem:s16], [sflag:$0x2], $0x10, s4, s2, $0xb8;
	[tilespmem:$0xB000] =	vst v63  }
0x118: {  	_ =	swait.ge [sflag:s29], $0x800  }
0x119: {  	[sflag:s29] =	ssyncset.done $0x0  }
0x11a: {  	s15 =	simm.s32 $0x8000;
	[sflag:s29] =	ssyncadd.s32 $0xFFFFF800  }
0x11b: {  	[spmem:s21] =	stream.indirect.scatter.add.f32 [tilespmem:s15], [sflag:$0x2], $0x10, s3, s2, $0xb8;
	[tilespmem:$0xB000] =	vst v63  }
0x11c: {  	_ =	swait.ge [sflag:s29], $0x800  }
0x11d: {  	[sflag:s29] =	ssyncset.done $0x0  }
0x11e: {  	[sflag:s29] =	ssyncadd.s32 $0xFFFFF800  }
0x11f: {  	[spmem:s21] =	stream.indirect.scatter.add.f32 [tilespmem:s17], [sflag:$0x2], $0x10, s19, s2, $0xb8;
	[tilespmem:$0xB000] =	vst v63  }
0x120: {  	_ =	swait.ge [sflag:s29], $0x800  }
0x121: {  	[sflag:s29] =	ssyncset.done $0x0  }
0x122: {  	s5 =	simm.s32 $0xAE80;
	s23 =	simm.s32 $0x9000;
	[sflag:s29] =	ssyncadd.s32 $0xFFFFF800  }
0x123: {  	[spmem:s21] =	stream.indirect.scatter.add.f32 [tilespmem:s23], [sflag:$0x2], $0x10, s5, s2, $0xb8;
	[tilespmem:$0xB000] =	vst v63  }
0x124: {  	_ =	swait.ge [sflag:s29], $0x800  }
0x125: {  	[sflag:s29] =	ssyncset.done $0x0  }
0x126: {  	s6 =	simm.s32 $0xAF00;
	s30 =	simm.s32 $0x9800;
	[sflag:s29] =	ssyncadd.s32 $0xFFFFF800  }
0x127: {  	[spmem:s21] =	stream.indirect.scatter.add.f32 [tilespmem:s30], [sflag:$0x2], $0x10, s6, s2, $0xb8;
	[tilespmem:$0xB000] =	vst v63  }
0x128: {  	_ =	swait.ge [sflag:s29], $0x800  }
0x129: {  	[sflag:s29] =	ssyncset.done $0x0  }
0x12a: {  	s7 =	simm.s32 $0xAF80;
	s4 =	simm.s32 $0xA000;
	[sflag:s29] =	ssyncadd.s32 $0xFFFFF800  }
0x12b: {  	[spmem:s21] =	stream.indirect.scatter.add.f32 [tilespmem:s4], [sflag:$0x2], $0x10, s7, s2, $0xb8;
	[tilespmem:$0xB000] =	vst v63  }
0x12c: {  	_ =	swait.ge [sflag:s29], $0x800  }
0x12d: {  	[sflag:s29] =	ssyncset.done $0x0  }
0x12e: {  	[sflag:s29] =	ssyncadd.s32 $0xFFFFF800  }
0x12f: {  	_ =	swait.ge [sflag:s31], $0x400  }
0x130: {  	[sflag:s31] =	ssyncset.done $0x0  }
0x131: {  	[sflag:s31] =	ssyncadd.s32 $0xFFFFFC00  }
0x132: {  	_ =	swait.ge [sflag:s31], $0x4000  }
0x133: {  	[sflag:s31] =	ssyncset.done $0x0  }
0x134: {  	s5 =	rddreg [dreg:$0xa];
	[sflag:s31] =	ssyncadd.s32 $0xFFFFC000  }
0x135: {  	[tilespmem:s11], [sflag:$0x1] =	stream.linear.gather [hbm4b:s5+s1], $0x400, $0x38;
	[tilespmem:$0xB000] =	vst v63  }
0x136: {  	s6 =	rddreg [dreg:$0x14]  }
0x137: {  	[tilespmem:s28], [sflag:$0x1] =	stream.linear.gather [hbm4b:s6+s1], $0x4000, $0x38;
	[tilespmem:$0xB000] =	vst v63  }
0x138: {  	_ = 	snop  }
0x139: {  	[spmem:s21] =	stream.indirect.scatter.add.f32 [tilespmem:s0], [sflag:$0x2], $0x10, s18, s2, $0xb8;
	[tilespmem:$0xB000] =	vst v63  }
0x13a: {  	_ =	swait.ge [sflag:s29], $0x800  }
0x13b: {  	[sflag:s29] =	ssyncset.done $0x0  }
0x13c: {  	s12 =	simm.s32 $0xA880;
	s7 =	simm.s32 $0x3000;
	[sflag:s29] =	ssyncadd.s32 $0xFFFFF800  }
0x13d: {  	[spmem:s21] =	stream.indirect.scatter.add.f32 [tilespmem:s7], [sflag:$0x2], $0x10, s12, s2, $0xb8;
	[tilespmem:$0xB000] =	vst v63  }
0x13e: {  	_ =	swait.ge [sflag:s29], $0x800  }
0x13f: {  	[sflag:s29] =	ssyncset.done $0x0  }
0x140: {  	s10 =	simm.s32 $0x3800;
	s22 =	simm.s32 $0xA900;
	[sflag:s29] =	ssyncadd.s32 $0xFFFFF800  }
0x141: {  	[spmem:s21] =	stream.indirect.scatter.add.f32 [tilespmem:s10], [sflag:$0x2], $0x10, s22, s2, $0xb8;
	[tilespmem:$0xB000] =	vst v63  }
0x142: {  	_ =	swait.ge [sflag:s29], $0x800  }
0x143: {  	[sflag:s29] =	ssyncset.done $0x0  }
0x144: {  	s24 =	simm.s32 $0x4000;
	s12 =	simm.s32 $0xA980;
	[sflag:s29] =	ssyncadd.s32 $0xFFFFF800  }
0x145: {  	[spmem:s21] =	stream.indirect.scatter.add.f32 [tilespmem:s24], [sflag:$0x2], $0x10, s12, s2, $0xb8;
	[tilespmem:$0xB000] =	vst v63  }
0x146: {  	_ =	swait.ge [sflag:s29], $0x800  }
0x147: {  	[sflag:s29] =	ssyncset.done $0x0  }
0x148: {  	s20 =	simm.s32 $0x4800;
	s25 =	simm.s32 $0xAA00;
	[sflag:s29] =	ssyncadd.s32 $0xFFFFF800  }
0x149: {  	[spmem:s21] =	stream.indirect.scatter.add.f32 [tilespmem:s20], [sflag:$0x2], $0x10, s25, s2, $0xb8;
	[tilespmem:$0xB000] =	vst v63  }
0x14a: {  	_ =	swait.ge [sflag:s29], $0x800  }
0x14b: {  	[sflag:s29] =	ssyncset.done $0x0  }
0x14c: {  	s13 =	simm.s32 $0x5000;
	s20 =	simm.s32 $0xAA80;
	[sflag:s29] =	ssyncadd.s32 $0xFFFFF800  }
0x14d: {  	[spmem:s21] =	stream.indirect.scatter.add.f32 [tilespmem:s13], [sflag:$0x2], $0x10, s20, s2, $0xb8;
	[tilespmem:$0xB000] =	vst v63  }
0x14e: {  	_ =	swait.ge [sflag:s29], $0x800  }
0x14f: {  	[sflag:s29] =	ssyncset.done $0x0  }
0x150: {  	s14 =	simm.s32 $0x5800;
	s25 =	simm.s32 $0xAB00;
	[sflag:s29] =	ssyncadd.s32 $0xFFFFF800  }
0x151: {  	[spmem:s21] =	stream.indirect.scatter.add.f32 [tilespmem:s14], [sflag:$0x2], $0x10, s25, s2, $0xb8;
	[tilespmem:$0xB000] =	vst v63  }
0x152: {  	_ =	swait.ge [sflag:s29], $0x800  }
0x153: {  	[sflag:s29] =	ssyncset.done $0x0  }
0x154: {  	s8 =	simm.s32 $0xAB80;
	s4 =	simm.s32 $0x6000;
	[sflag:s29] =	ssyncadd.s32 $0xFFFFF800  }
0x155: {  	[spmem:s21] =	stream.indirect.scatter.add.f32 [tilespmem:s4], [sflag:$0x2], $0x10, s8, s2, $0xb8;
	[tilespmem:$0xB000] =	vst v63  }
0x156: {  	_ =	swait.ge [sflag:s29], $0x800  }
0x157: {  	[sflag:s29] =	ssyncset.done $0x0  }
0x158: {  	[sflag:s29] =	ssyncadd.s32 $0xFFFFF800  }
0x159: {  	_ =	swait.ge [sflag:s31], $0x400  }
0x15a: {  	[sflag:s31] =	ssyncset.done $0x0  }
0x15b: {  	[sflag:s31] =	ssyncadd.s32 $0xFFFFFC00  }
0x15c: {  	_ =	swait.ge [sflag:s31], $0x4000  }
0x15d: {  	[sflag:s31] =	ssyncset.done $0x0  }
0x15e: {  	s5 =	rddreg [dreg:$0xb];
	[sflag:s31] =	ssyncadd.s32 $0xFFFFC000  }
0x15f: {  	[tilespmem:s18], [sflag:$0x1] =	stream.linear.gather [hbm4b:s5+s1], $0x400, $0x38;
	[tilespmem:$0xB000] =	vst v63  }
0x160: {  	s6 =	rddreg [dreg:$0x15]  }
0x161: {  	[tilespmem:s0], [sflag:$0x1] =	stream.linear.gather [hbm4b:s6+s1], $0x4000, $0x38;
	[tilespmem:$0xB000] =	vst v63  }
0x162: {  	_ = 	snop  }
0x163: {  	[spmem:s21] =	stream.indirect.scatter.add.f32 [tilespmem:s28], [sflag:$0x2], $0x10, s11, s2, $0xb8;
	[tilespmem:$0xB000] =	vst v63  }
0x164: {  	_ =	swait.ge [sflag:s29], $0x800  }
0x165: {  	[sflag:s29] =	ssyncset.done $0x0  }
0x166: {  	s26 =	simm.s32 $0xAC80;
	s25 =	simm.s32 $0x7000;
	[sflag:s29] =	ssyncadd.s32 $0xFFFFF800  }
0x167: {  	[spmem:s21] =	stream.indirect.scatter.add.f32 [tilespmem:s25], [sflag:$0x2], $0x10, s26, s2, $0xb8;
	[tilespmem:$0xB000] =	vst v63  }
0x168: {  	_ =	swait.ge [sflag:s29], $0x800  }
0x169: {  	[sflag:s29] =	ssyncset.done $0x0  }
0x16a: {  	s16 =	simm.s32 $0x7800;
	s4 =	simm.s32 $0xAD00;
	[sflag:s29] =	ssyncadd.s32 $0xFFFFF800  }
0x16b: {  	[spmem:s21] =	stream.indirect.scatter.add.f32 [tilespmem:s16], [sflag:$0x2], $0x10, s4, s2, $0xb8;
	[tilespmem:$0xB000] =	vst v63  }
0x16c: {  	_ =	swait.ge [sflag:s29], $0x800  }
0x16d: {  	[sflag:s29] =	ssyncset.done $0x0  }
0x16e: {  	s3 =	simm.s32 $0xAD80;
	s20 =	simm.s32 $0x8000;
	[sflag:s29] =	ssyncadd.s32 $0xFFFFF800  }
0x16f: {  	[spmem:s21] =	stream.indirect.scatter.add.f32 [tilespmem:s20], [sflag:$0x2], $0x10, s3, s2, $0xb8;
	[tilespmem:$0xB000] =	vst v63  }
0x170: {  	_ =	swait.ge [sflag:s29], $0x800  }
0x171: {  	[sflag:s29] =	ssyncset.done $0x0  }
0x172: {  	s15 =	simm.s32 $0x8800;
	s17 =	simm.s32 $0xAE00;
	[sflag:s29] =	ssyncadd.s32 $0xFFFFF800  }
0x173: {  	[spmem:s21] =	stream.indirect.scatter.add.f32 [tilespmem:s15], [sflag:$0x2], $0x10, s17, s2, $0xb8;
	[tilespmem:$0xB000] =	vst v63  }
0x174: {  	_ =	swait.ge [sflag:s29], $0x800  }
0x175: {  	[sflag:s29] =	ssyncset.done $0x0  }
0x176: {  	s19 =	simm.s32 $0x9000;
	s7 =	simm.s32 $0xAE80;
	[sflag:s29] =	ssyncadd.s32 $0xFFFFF800  }
0x177: {  	[spmem:s21] =	stream.indirect.scatter.add.f32 [tilespmem:s19], [sflag:$0x2], $0x10, s7, s2, $0xb8;
	[tilespmem:$0xB000] =	vst v63  }
0x178: {  	_ =	swait.ge [sflag:s29], $0x800  }
0x179: {  	[sflag:s29] =	ssyncset.done $0x0  }
0x17a: {  	s23 =	simm.s32 $0x9800;
	s30 =	simm.s32 $0xAF00;
	[sflag:s29] =	ssyncadd.s32 $0xFFFFF800  }
0x17b: {  	[spmem:s21] =	stream.indirect.scatter.add.f32 [tilespmem:s23], [sflag:$0x2], $0x10, s30, s2, $0xb8;
	[tilespmem:$0xB000] =	vst v63  }
0x17c: {  	_ =	swait.ge [sflag:s29], $0x800  }
0x17d: {  	[sflag:s29] =	ssyncset.done $0x0  }
0x17e: {  	s10 =	simm.s32 $0xA000;
	s26 =	simm.s32 $0xAF80;
	[sflag:s29] =	ssyncadd.s32 $0xFFFFF800  }
0x17f: {  	[spmem:s21] =	stream.indirect.scatter.add.f32 [tilespmem:s10], [sflag:$0x2], $0x10, s26, s2, $0xb8;
	[tilespmem:$0xB000] =	vst v63  }
0x180: {  	_ =	swait.ge [sflag:s29], $0x800  }
0x181: {  	[sflag:s29] =	ssyncset.done $0x0  }
0x182: {  	[sflag:s29] =	ssyncadd.s32 $0xFFFFF800  }
0x183: {  	_ =	swait.ge [sflag:s31], $0x400  }
0x184: {  	[sflag:s31] =	ssyncset.done $0x0  }
0x185: {  	[sflag:s31] =	ssyncadd.s32 $0xFFFFFC00  }
0x186: {  	_ =	swait.ge [sflag:s31], $0x4000  }
0x187: {  	[sflag:s31] =	ssyncset.done $0x0  }
0x188: {  	s10 =	rddreg [dreg:$0xc];
	[sflag:s31] =	ssyncadd.s32 $0xFFFFC000  }
0x189: {  	[tilespmem:s11], [sflag:$0x1] =	stream.linear.gather [hbm4b:s10+s1], $0x400, $0x38;
	[tilespmem:$0xB000] =	vst v63  }
0x18a: {  	s10 =	rddreg [dreg:$0x16]  }
0x18b: {  	[tilespmem:s28], [sflag:$0x1] =	stream.linear.gather [hbm4b:s10+s1], $0x4000, $0x38;
	[tilespmem:$0xB000] =	vst v63  }
0x18c: {  	_ = 	snop  }
0x18d: {  	[spmem:s21] =	stream.indirect.scatter.add.f32 [tilespmem:s0], [sflag:$0x2], $0x10, s18, s2, $0xb8;
	[tilespmem:$0xB000] =	vst v63  }
0x18e: {  	_ =	swait.ge [sflag:s29], $0x800  }
0x18f: {  	[sflag:s29] =	ssyncset.done $0x0  }
0x190: {  	s10 =	simm.s32 $0x3000;
	s0 =	simm.s32 $0xA880;
	[sflag:s29] =	ssyncadd.s32 $0xFFFFF800  }
0x191: {  	[spmem:s21] =	stream.indirect.scatter.add.f32 [tilespmem:s10], [sflag:$0x2], $0x10, s0, s2, $0xb8;
	[tilespmem:$0xB000] =	vst v63  }
0x192: {  	_ =	swait.ge [sflag:s29], $0x800  }
0x193: {  	[sflag:s29] =	ssyncset.done $0x0  }
0x194: {  	s22 =	simm.s32 $0x3800;
	s10 =	simm.s32 $0xA900;
	[sflag:s29] =	ssyncadd.s32 $0xFFFFF800  }
0x195: {  	[spmem:s21] =	stream.indirect.scatter.add.f32 [tilespmem:s22], [sflag:$0x2], $0x10, s10, s2, $0xb8;
	[tilespmem:$0xB000] =	vst v63  }
0x196: {  	_ =	swait.ge [sflag:s29], $0x800  }
0x197: {  	[sflag:s29] =	ssyncset.done $0x0  }
0x198: {  	s24 =	simm.s32 $0xA980;
	s10 =	simm.s32 $0x4000;
	[sflag:s29] =	ssyncadd.s32 $0xFFFFF800  }
0x199: {  	[spmem:s21] =	stream.indirect.scatter.add.f32 [tilespmem:s10], [sflag:$0x2], $0x10, s24, s2, $0xb8;
	[tilespmem:$0xB000] =	vst v63  }
0x19a: {  	_ =	swait.ge [sflag:s29], $0x800  }
0x19b: {  	[sflag:s29] =	ssyncset.done $0x0  }
0x19c: {  	s22 =	simm.s32 $0x4800;
	s24 =	simm.s32 $0xAA00;
	[sflag:s29] =	ssyncadd.s32 $0xFFFFF800  }
0x19d: {  	[spmem:s21] =	stream.indirect.scatter.add.f32 [tilespmem:s22], [sflag:$0x2], $0x10, s24, s2, $0xb8;
	[tilespmem:$0xB000] =	vst v63  }
0x19e: {  	_ =	swait.ge [sflag:s29], $0x800  }
0x19f: {  	[sflag:s29] =	ssyncset.done $0x0  }
0x1a0: {  	s12 =	simm.s32 $0xAA80;
	s10 =	simm.s32 $0x5000;
	[sflag:s29] =	ssyncadd.s32 $0xFFFFF800  }
0x1a1: {  	[spmem:s21] =	stream.indirect.scatter.add.f32 [tilespmem:s10], [sflag:$0x2], $0x10, s12, s2, $0xb8;
	[tilespmem:$0xB000] =	vst v63  }
0x1a2: {  	_ =	swait.ge [sflag:s29], $0x800  }
0x1a3: {  	[sflag:s29] =	ssyncset.done $0x0  }
0x1a4: {  	s13 =	simm.s32 $0xAB00;
	s22 =	simm.s32 $0x5800;
	[sflag:s29] =	ssyncadd.s32 $0xFFFFF800  }
0x1a5: {  	[spmem:s21] =	stream.indirect.scatter.add.f32 [tilespmem:s22], [sflag:$0x2], $0x10, s13, s2, $0xb8;
	[tilespmem:$0xB000] =	vst v63  }
0x1a6: {  	_ =	swait.ge [sflag:s29], $0x800  }
0x1a7: {  	[sflag:s29] =	ssyncset.done $0x0  }
0x1a8: {  	s14 =	simm.s32 $0xAB80;
	s8 =	simm.s32 $0x6000;
	[sflag:s29] =	ssyncadd.s32 $0xFFFFF800  }
0x1a9: {  	[spmem:s21] =	stream.indirect.scatter.add.f32 [tilespmem:s8], [sflag:$0x2], $0x10, s14, s2, $0xb8;
	[tilespmem:$0xB000] =	vst v63  }
0x1aa: {  	_ =	swait.ge [sflag:s29], $0x800  }
0x1ab: {  	[sflag:s29] =	ssyncset.done $0x0  }
0x1ac: {  	[sflag:s29] =	ssyncadd.s32 $0xFFFFF800  }
0x1ad: {  	_ =	swait.ge [sflag:s31], $0x400  }
0x1ae: {  	[sflag:s31] =	ssyncset.done $0x0  }
0x1af: {  	[sflag:s31] =	ssyncadd.s32 $0xFFFFFC00  }
0x1b0: {  	_ =	swait.ge [sflag:s31], $0x4000  }
0x1b1: {  	[sflag:s31] =	ssyncset.done $0x0  }
0x1b2: {  	[sflag:s31] =	ssyncadd.s32 $0xFFFFC000  }
0x1b3: {  	[spmem:s21] =	stream.indirect.scatter.add.f32 [tilespmem:s28], [sflag:$0x2], $0x10, s11, s2, $0xb8;
	[tilespmem:$0xB000] =	vst v63  }
0x1b4: {  	_ =	swait.ge [sflag:s29], $0x800  }
0x1b5: {  	[sflag:s29] =	ssyncset.done $0x0  }
0x1b6: {  	s6 =	simm.s32 $0xAC80;
	[sflag:s29] =	ssyncadd.s32 $0xFFFFF800  }
0x1b7: {  	[spmem:s21] =	stream.indirect.scatter.add.f32 [tilespmem:s25], [sflag:$0x2], $0x10, s6, s2, $0xb8;
	[tilespmem:$0xB000] =	vst v63  }
0x1b8: {  	_ =	swait.ge [sflag:s29], $0x800  }
0x1b9: {  	[sflag:s29] =	ssyncset.done $0x0  }
0x1ba: {  	s16 =	simm.s32 $0x7800;
	[sflag:s29] =	ssyncadd.s32 $0xFFFFF800  }
0x1bb: {  	[spmem:s21] =	stream.indirect.scatter.add.f32 [tilespmem:s16], [sflag:$0x2], $0x10, s4, s2, $0xb8;
	[tilespmem:$0xB000] =	vst v63  }
0x1bc: {  	_ =	swait.ge [sflag:s29], $0x800  }
0x1bd: {  	[sflag:s29] =	ssyncset.done $0x0  }
0x1be: {  	[sflag:s29] =	ssyncadd.s32 $0xFFFFF800  }
0x1bf: {  	[spmem:s21] =	stream.indirect.scatter.add.f32 [tilespmem:s20], [sflag:$0x2], $0x10, s3, s2, $0xb8;
	[tilespmem:$0xB000] =	vst v63  }
0x1c0: {  	_ =	swait.ge [sflag:s29], $0x800  }
0x1c1: {  	[sflag:s29] =	ssyncset.done $0x0  }
0x1c2: {  	s15 =	simm.s32 $0x8800;
	s17 =	simm.s32 $0xAE00;
	[sflag:s29] =	ssyncadd.s32 $0xFFFFF800  }
0x1c3: {  	[spmem:s21] =	stream.indirect.scatter.add.f32 [tilespmem:s15], [sflag:$0x2], $0x10, s17, s2, $0xb8;
	[tilespmem:$0xB000] =	vst v63  }
0x1c4: {  	_ =	swait.ge [sflag:s29], $0x800  }
0x1c5: {  	[sflag:s29] =	ssyncset.done $0x0  }
0x1c6: {  	s7 =	simm.s32 $0x9000;
	s19 =	simm.s32 $0xAE80;
	[sflag:s29] =	ssyncadd.s32 $0xFFFFF800  }
0x1c7: {  	[spmem:s21] =	stream.indirect.scatter.add.f32 [tilespmem:s7], [sflag:$0x2], $0x10, s19, s2, $0xb8;
	[tilespmem:$0xB000] =	vst v63  }
0x1c8: {  	_ =	swait.ge [sflag:s29], $0x800  }
0x1c9: {  	[sflag:s29] =	ssyncset.done $0x0  }
0x1ca: {  	s23 =	simm.s32 $0x9800;
	s30 =	simm.s32 $0xAF00;
	[sflag:s29] =	ssyncadd.s32 $0xFFFFF800  }
0x1cb: {  	[spmem:s21] =	stream.indirect.scatter.add.f32 [tilespmem:s23], [sflag:$0x2], $0x10, s30, s2, $0xb8;
	[tilespmem:$0xB000] =	vst v63  }
0x1cc: {  	_ =	swait.ge [sflag:s29], $0x800  }
0x1cd: {  	[sflag:s29] =	ssyncset.done $0x0  }
0x1ce: {  	s5 =	simm.s32 $0xA000;
	[sflag:s29] =	ssyncadd.s32 $0xFFFFF800  }
0x1cf: {  	[spmem:s21] =	stream.indirect.scatter.add.f32 [tilespmem:s5], [sflag:$0x2], $0x10, s26, s2, $0xb8;
	[tilespmem:$0xB000] =	vst v63  }
0x1d0: {  	_ =	swait.ge [sflag:s29], $0x800  }
0x1d1: {  	[sflag:s29] =	ssyncset.done $0x0  }
0x1d2: {  	[sflag:s29] =	ssyncadd.s32 $0xFFFFF800  }
0x1d3: {  	s23 =	stileid.u32;
	[bflag:$0x0] =	sbarrier.arrive $0xFFFF  }
0x1d4: {  	s10 =	sshll.u32 s23, $0x6;
	s24 =	rddreg [dreg:$0x17]  }
0x1d5: {  	s10 =	sor.u32 $0x1C02, s10;
	s26 =	rddreg [dreg:$0x18];
	s25 =	sshrl.u32 s24, $0x3  }
0x1d6: {  	[hbm:s26], [sflag:s10] =	dma.local [spmem:s25], $0x500  }
0x1d7: {  	_ =	swait.ge [sflag:s29], $0x500  }
0x1d8: {  	s9 =	sadd.s32 $0x1, s9;
	s30 =	rddreg [dreg:$0x19]  }
0x1d9: {  	p0 =	sne.s32 s9, s30  }
.Ltmp1:
0x1da: {  	_ = 	snop;
	(pc) =	sbr.rel @p0 .LBB2_1-.Ltmp1, $3  }
0x1db: {  	_ =	sdelay $0x1  }
0x1dc: {  	[sflag:s29] =	ssyncset.done $0x0  }
0x1dd: {  	[sflag:s29] =	ssyncadd.s32 $0xFFFFFB00  }
0x1de: {  	_ =	sfence.sel $0x180000  }
0x1df: {  	[bflag:$0x0] =	sbarrier.arrive $0xFFFF  }
0x1e0: {  	_ =	strace $0x90000047  }
0x1e1: {  	s0 =	stileid.u32;
	[bflag:$0x2] =	sbarrier.arrive $0xFFFF  }
0x1e2: {  	p0 =	sne.s32 s0, $0x0;
	s0 =	rddreg [dreg:$0x2]  }
0x1e3: {  	s0 =	sadd.s32 @!p0 $0x100000, s0  }
0x1e4: {  	[sflag:s0] =	ssyncadd.tile.s32 @!p0 $0x1;
	_ =	shalt  }
.Lfunc_end2:
_tile_overlayer_lowered:
.L_overlay_start_2:
0x1e5: {  	(tag) =	ssettag $0x2  }
0x1e6: {  	s0 =	rddreg [dreg:$0x0];
	s2 =	stileid.u32  }
0x1e7: {  	s1 =	rddreg [dreg:$0x1];
	p0 =	sne.s32 s2, $0x0  }
0x1e8: {  	s3 =	rddreg [dreg:$0x2];
	[bflag:$0x3] =	sbarrier.arrive $0xFFFF;
	s2 =	simm.s32 @!p0 $0x1C02  }
0x1e9: {  	[timem:s3], [sflag:s2] =	dma.local @!p0 [hbm:s0], s1  }
0x1ea: {  	s0 =	simm.s32 @!p0 $0x2  }
0x1eb: {  	_ =	swait.ge @!p0 [sflag:s0], s1  }
0x1ec: {  	s1 =	ssub.s32 @!p0 $0x0, s1;
	[sflag:s0] =	ssyncset.done @!p0 $0x0  }
0x1ed: {  	[sflag:s0] =	ssyncadd.s32 @!p0 s1  }
0x1ee: {  	[bflag:$0x3] =	sbarrier.arrive $0xFFFF  }
0x1ef: {  	_ =	shalt  }

</sc_bundles>
